<compile_context>
chip_gen: v7x
topology: tpu7x:2x2x1
jax: 0.10.2.dev20260603
libtpu: 0.0.44.dev20260713+nightly
codegen_flags: <defaults>
</compile_context>

<pallas_src>
import functools
import jax
import jax.numpy as jnp
from jax import lax
from jax.experimental import pallas as pl
from jax.experimental.pallas import tpu as pltpu
from jax.experimental.pallas import tpu_sc as plsc

D = 64
SCALE = 8.0
L = 16
NBUF = 4
LEAD = 2
BLK = 128


def _make_emb_kernel(n_rows: int, row_len: int, num_cores: int):
    n_tc = n_rows // BLK
    mesh = plsc.VectorSubcoreMesh(core_axis_name="c", subcore_axis_name="s")

    @functools.partial(
        pl.kernel,
        out_type=jax.ShapeDtypeStruct((row_len, D // 8, n_tc, 8, BLK),
                                      jnp.float32),
        mesh=mesh,
        scratch_types=[
            pltpu.VMEM((BLK, row_len), jnp.int32),
            pltpu.VMEM((NBUF, BLK), jnp.int32),
            pltpu.VMEM((NBUF, BLK, D), jnp.float32),
            pltpu.VMEM((NBUF, D // 8, 8, BLK), jnp.float32),
            pltpu.SemaphoreType.DMA((NBUF,)),
            pltpu.SemaphoreType.DMA((NBUF,)),
        ],
        compiler_params=pltpu.CompilerParams(use_tc_tiling_on_sc=False,
                                             needs_layout_passes=False),
    )
    def _emb(x_hbm, t_hbm, out_hbm, xv, qv, rows, obuf, gsem, osem):
        wid = lax.axis_index("s") * num_cores + lax.axis_index("c")
        pltpu.sync_copy(x_hbm.at[pl.ds(wid * BLK, BLK)], xv)
        iota = lax.iota(jnp.int32, L)
        rowvs = tuple(iota + (g * L) for g in range(BLK // L))

        def prep(j, b):
            jv = jnp.full((L,), j, jnp.int32)
            for g in range(BLK // L):
                qv[b, pl.ds(g * L, L)] = plsc.load_gather(xv, [rowvs[g], jv])

        def g_desc(b):
            return (t_hbm.at[qv.at[b]], rows.at[b], gsem.at[b])

        def o_desc(j, b):
            return (obuf.at[b], out_hbm.at[j, :, wid], osem.at[b])

        def transpose(b):
            src = rows.at[b]
            dst = obuf.at[b]

            def d_body(d, carry):
                perm = (iota + d) & (L - 1)
                for q in range(D // L):
                    kv = perm + (L * q)
                    trv = lax.shift_right_logical(kv, 3)
                    k8v = kv & 7
                    for g in range(BLK // L):
                        v = plsc.load_gather(src, [rowvs[g], kv])
                        plsc.store_scatter(dst, [trv, k8v, rowvs[g]], v * SCALE)
                return carry

            lax.fori_loop(0, L, d_body, 0, unroll=4)

        for j in range(LEAD):
            prep(j, j)
            pltpu.async_copy(*g_desc(j))

        def chunk_body(j, carry):
            b = j & (NBUF - 1)
            pltpu.make_async_copy(*g_desc(b)).wait()

            @pl.when(j >= NBUF)
            def _():
                pltpu.make_async_copy(*o_desc(j - NBUF, b)).wait()

            transpose(b)
            pltpu.async_copy(*o_desc(j, b))

            @pl.when(j + LEAD < row_len)
            def _():
                nb = (j + LEAD) & (NBUF - 1)
                prep(j + LEAD, nb)
                pltpu.async_copy(*g_desc(nb))

            return carry

        lax.fori_loop(0, row_len, chunk_body, 0)

        for b in range(NBUF):
            pltpu.make_async_copy(*o_desc(row_len - NBUF + b, b)).wait()

    return _emb


@jax.jit
def _kernel_impl(x, table):
    info = plsc.get_sparse_core_info()
    n_rows, row_len = x.shape
    emb = _make_emb_kernel(n_rows, row_len, info.num_cores)
    p5 = emb(x.astype(jnp.int32), table)
    t = jnp.transpose(p5, (2, 4, 0, 1, 3))
    return jnp.reshape(t, (n_rows, row_len, D))


def kernel(x, table):
    return _kernel_impl(x, table)

# --- scband reference (transcript-rebuilt; emitter-appended) ---
"""Pipeline reference for scband-token-embedding-56014963475053 (READ-ONLY COPY).

The authoritative reference and input builder live on the scoring server;
editing this copy changes nothing except your own understanding.
"""

import math
import jax, jax.numpy as jnp
import numpy as np

VOCAB = 1000000
D_MODEL = 64
PAD_IDX = 0

def setup_inputs(seed: int = 0) -> dict:
    key = jax.random.key(seed)
    k1, k2 = jax.random.split(key)
    x = jax.random.randint(k1, (4096, 200), 0, VOCAB, dtype=jnp.int64 if jax.config.jax_enable_x64 else jnp.int32)
    table = jax.random.normal(k2, (VOCAB, D_MODEL), dtype=jnp.float32)
    # nn.Embedding with padding_idx=0 keeps row 0 at zero
    table = table.at[PAD_IDX].set(0.0)
    return {"x": x, "table": table}

def reference(x, table):
    # enforce padding row zero (faithful to padding_idx semantics)
    table_eff = table.at[PAD_IDX].set(0.0)
    emb = jnp.take(table_eff, x, axis=0)
    return emb * math.sqrt(D_MODEL)

if __name__ == "__main__":
    import jax
    _d = setup_inputs()
    print(jax.jit(kernel)(*tuple(_d.values())))

</pallas_src>

<mosaic_0001>
#map = affine_map<(d0, d1) -> (0, 0)>
#map1 = affine_map<(d0, d1) -> (0, 0, 0, 0, 0)>
module attributes {stable_mosaic.version = 14 : i64} {
  func.func @_emb(%arg0: i32, %arg1: i32, %arg2: memref<4096x200xi32, #tpu.memory_space<hbm>>, %arg3: memref<1000000x64xf32, #tpu.memory_space<hbm>>, %arg4: memref<200x8x32x8x128xf32, #tpu.memory_space<hbm>>, %arg5: memref<128x200xi32, #tpu.memory_space<vmem>>, %arg6: memref<4x128xi32, #tpu.memory_space<vmem>>, %arg7: memref<4x128x64xf32, #tpu.memory_space<vmem>>, %arg8: memref<4x8x8x128xf32, #tpu.memory_space<vmem>>, %arg9: memref<4x!tpu.dma_semaphore, #tpu.memory_space<semaphore_mem>>, %arg10: memref<4x!tpu.dma_semaphore, #tpu.memory_space<semaphore_mem>>) attributes {dimension_semantics = [#tpu.dimension_semantics<core_parallel>, #tpu.dimension_semantics<subcore_parallel>], iteration_bounds = array<i64: 2, 16>, scalar_prefetch = 0 : i64, scratch_operands = 6 : i64, tpu.core_type = #tpu.core_type<sc_vector_subcore>, window_params = [{transform_indices = #map}, {transform_indices = #map}, {transform_indices = #map1}]} {
    %mul3A = arith.constant 2 : i32
    %mul3A_0 = arith.muli %arg1, %mul3A : i32
    %add3A = arith.addi %mul3A_0, %arg0 : i32
    %mul3A_1 = arith.constant 128 : i32
    %mul3A_2 = arith.muli %add3A, %mul3A_1 : i32
    "tpu.region"() ({
      %run_scoped3A = tpu.sem_alloc : memref<!tpu.dma_semaphore, #tpu.memory_space<semaphore_mem>>
      %dma_start3A_241 = arith.constant 0 : i32
      %dma_start3A_242 = tpu.memref_slice %arg2[%mul3A_2, %dma_start3A_241] : memref<4096x200xi32, #tpu.memory_space<hbm>> -> memref<128x200xi32, #tpu.memory_space<hbm>>
      %dma_start3A_243 = arith.constant 0 : i32
      %dma_start3A_244 = tpu.memref_slice %arg2[%mul3A_2, %dma_start3A_243] : memref<4096x200xi32, #tpu.memory_space<hbm>> -> memref<128x200xi32, #tpu.memory_space<hbm>>
      tpu.enqueue_dma source(%dma_start3A_244 : memref<128x200xi32, #tpu.memory_space<hbm>>) target(%arg5 : memref<128x200xi32, #tpu.memory_space<vmem>>) target_semaphore(%run_scoped3A : memref<!tpu.dma_semaphore, #tpu.memory_space<semaphore_mem>>)
      %dma_wait3A_245 = arith.constant 0 : i32
      %dma_wait3A_246 = tpu.memref_slice %arg2[%mul3A_2, %dma_wait3A_245] : memref<4096x200xi32, #tpu.memory_space<hbm>> -> memref<128x200xi32, #tpu.memory_space<hbm>>
      %dma_wait3A_247 = arith.constant 0 : i32
      %dma_wait3A_248 = tpu.memref_slice %arg2[%mul3A_2, %dma_wait3A_247] : memref<4096x200xi32, #tpu.memory_space<hbm>> -> memref<128x200xi32, #tpu.memory_space<hbm>>
      tpu.wait_dma2 semaphore(%run_scoped3A : memref<!tpu.dma_semaphore, #tpu.memory_space<semaphore_mem>>) src(%dma_wait3A_248 : memref<128x200xi32, #tpu.memory_space<hbm>>) dst(%arg5 : memref<128x200xi32, #tpu.memory_space<vmem>>)
      tpu.yield
    }) : () -> ()
    %iota3A = tpu.iota {dimensions = array<i32: 0>} : vector<16xi32>
    %add3A_3 = arith.constant 0 : i32
    %add3A_4 = vector.broadcast %add3A_3 : i32 to vector<16xi32>
    %add3A_5 = arith.addi %iota3A, %add3A_4 : vector<16xi32>
    %add3A_6 = arith.constant 16 : i32
    %add3A_7 = vector.broadcast %add3A_6 : i32 to vector<16xi32>
    %add3A_8 = arith.addi %iota3A, %add3A_7 : vector<16xi32>
    %add3A_9 = arith.constant 32 : i32
    %add3A_10 = vector.broadcast %add3A_9 : i32 to vector<16xi32>
    %add3A_11 = arith.addi %iota3A, %add3A_10 : vector<16xi32>
    %add3A_12 = arith.constant 48 : i32
    %add3A_13 = vector.broadcast %add3A_12 : i32 to vector<16xi32>
    %add3A_14 = arith.addi %iota3A, %add3A_13 : vector<16xi32>
    %add3A_15 = arith.constant 64 : i32
    %add3A_16 = vector.broadcast %add3A_15 : i32 to vector<16xi32>
    %add3A_17 = arith.addi %iota3A, %add3A_16 : vector<16xi32>
    %add3A_18 = arith.constant 80 : i32
    %add3A_19 = vector.broadcast %add3A_18 : i32 to vector<16xi32>
    %add3A_20 = arith.addi %iota3A, %add3A_19 : vector<16xi32>
    %add3A_21 = arith.constant 96 : i32
    %add3A_22 = vector.broadcast %add3A_21 : i32 to vector<16xi32>
    %add3A_23 = arith.addi %iota3A, %add3A_22 : vector<16xi32>
    %add3A_24 = arith.constant 112 : i32
    %add3A_25 = vector.broadcast %add3A_24 : i32 to vector<16xi32>
    %add3A_26 = arith.addi %iota3A, %add3A_25 : vector<16xi32>
    %broadcast_in_dim3A = arith.constant 0 : i32
    %broadcast_in_dim3A_27 = vector.broadcast %broadcast_in_dim3A : i32 to vector<16xi32>
    %gather3A = tpu.vector_load_idx %arg5[%add3A_5, %broadcast_in_dim3A_27] : memref<128x200xi32, #tpu.memory_space<vmem>>[vector<16xi32>, vector<16xi32>], vector<16xi32>,
    %swap3A = arith.constant 0 : i32
    %swap3A_28 = arith.index_cast %swap3A : i32 to index
    %swap3A_29 = arith.constant 0 : index
    %swap3A_30 = tpu.vector_load %arg6[%swap3A_28, %swap3A_29] {strides = array<i32>} : memref<4x128xi32, #tpu.memory_space<vmem>>, vector<16xi32>,
    tpu.vector_store %arg6[%swap3A_28, %swap3A_29], %gather3A {strides = array<i32>} : memref<4x128xi32, #tpu.memory_space<vmem>>, vector<16xi32>,
    %gather3A_31 = tpu.vector_load_idx %arg5[%add3A_8, %broadcast_in_dim3A_27] : memref<128x200xi32, #tpu.memory_space<vmem>>[vector<16xi32>, vector<16xi32>], vector<16xi32>,
    %swap3A_32 = arith.constant 0 : i32
    %swap3A_33 = arith.index_cast %swap3A_32 : i32 to index
    %swap3A_34 = arith.constant 16 : index
    %swap3A_35 = tpu.vector_load %arg6[%swap3A_33, %swap3A_34] {strides = array<i32>} : memref<4x128xi32, #tpu.memory_space<vmem>>, vector<16xi32>,
    tpu.vector_store %arg6[%swap3A_33, %swap3A_34], %gather3A_31 {strides = array<i32>} : memref<4x128xi32, #tpu.memory_space<vmem>>, vector<16xi32>,
    %gather3A_36 = tpu.vector_load_idx %arg5[%add3A_11, %broadcast_in_dim3A_27] : memref<128x200xi32, #tpu.memory_space<vmem>>[vector<16xi32>, vector<16xi32>], vector<16xi32>,
    %swap3A_37 = arith.constant 0 : i32
    %swap3A_38 = arith.index_cast %swap3A_37 : i32 to index
    %swap3A_39 = arith.constant 32 : index
    %swap3A_40 = tpu.vector_load %arg6[%swap3A_38, %swap3A_39] {strides = array<i32>} : memref<4x128xi32, #tpu.memory_space<vmem>>, vector<16xi32>,
    tpu.vector_store %arg6[%swap3A_38, %swap3A_39], %gather3A_36 {strides = array<i32>} : memref<4x128xi32, #tpu.memory_space<vmem>>, vector<16xi32>,
    %gather3A_41 = tpu.vector_load_idx %arg5[%add3A_14, %broadcast_in_dim3A_27] : memref<128x200xi32, #tpu.memory_space<vmem>>[vector<16xi32>, vector<16xi32>], vector<16xi32>,
    %swap3A_42 = arith.constant 0 : i32
    %swap3A_43 = arith.index_cast %swap3A_42 : i32 to index
    %swap3A_44 = arith.constant 48 : index
    %swap3A_45 = tpu.vector_load %arg6[%swap3A_43, %swap3A_44] {strides = array<i32>} : memref<4x128xi32, #tpu.memory_space<vmem>>, vector<16xi32>,
    tpu.vector_store %arg6[%swap3A_43, %swap3A_44], %gather3A_41 {strides = array<i32>} : memref<4x128xi32, #tpu.memory_space<vmem>>, vector<16xi32>,
    %gather3A_46 = tpu.vector_load_idx %arg5[%add3A_17, %broadcast_in_dim3A_27] : memref<128x200xi32, #tpu.memory_space<vmem>>[vector<16xi32>, vector<16xi32>], vector<16xi32>,
    %swap3A_47 = arith.constant 0 : i32
    %swap3A_48 = arith.index_cast %swap3A_47 : i32 to index
    %swap3A_49 = arith.constant 64 : index
    %swap3A_50 = tpu.vector_load %arg6[%swap3A_48, %swap3A_49] {strides = array<i32>} : memref<4x128xi32, #tpu.memory_space<vmem>>, vector<16xi32>,
    tpu.vector_store %arg6[%swap3A_48, %swap3A_49], %gather3A_46 {strides = array<i32>} : memref<4x128xi32, #tpu.memory_space<vmem>>, vector<16xi32>,
    %gather3A_51 = tpu.vector_load_idx %arg5[%add3A_20, %broadcast_in_dim3A_27] : memref<128x200xi32, #tpu.memory_space<vmem>>[vector<16xi32>, vector<16xi32>], vector<16xi32>,
    %swap3A_52 = arith.constant 0 : i32
    %swap3A_53 = arith.index_cast %swap3A_52 : i32 to index
    %swap3A_54 = arith.constant 80 : index
    %swap3A_55 = tpu.vector_load %arg6[%swap3A_53, %swap3A_54] {strides = array<i32>} : memref<4x128xi32, #tpu.memory_space<vmem>>, vector<16xi32>,
    tpu.vector_store %arg6[%swap3A_53, %swap3A_54], %gather3A_51 {strides = array<i32>} : memref<4x128xi32, #tpu.memory_space<vmem>>, vector<16xi32>,
    %gather3A_56 = tpu.vector_load_idx %arg5[%add3A_23, %broadcast_in_dim3A_27] : memref<128x200xi32, #tpu.memory_space<vmem>>[vector<16xi32>, vector<16xi32>], vector<16xi32>,
    %swap3A_57 = arith.constant 0 : i32
    %swap3A_58 = arith.index_cast %swap3A_57 : i32 to index
    %swap3A_59 = arith.constant 96 : index
    %swap3A_60 = tpu.vector_load %arg6[%swap3A_58, %swap3A_59] {strides = array<i32>} : memref<4x128xi32, #tpu.memory_space<vmem>>, vector<16xi32>,
    tpu.vector_store %arg6[%swap3A_58, %swap3A_59], %gather3A_56 {strides = array<i32>} : memref<4x128xi32, #tpu.memory_space<vmem>>, vector<16xi32>,
    %gather3A_61 = tpu.vector_load_idx %arg5[%add3A_26, %broadcast_in_dim3A_27] : memref<128x200xi32, #tpu.memory_space<vmem>>[vector<16xi32>, vector<16xi32>], vector<16xi32>,
    %swap3A_62 = arith.constant 0 : i32
    %swap3A_63 = arith.index_cast %swap3A_62 : i32 to index
    %swap3A_64 = arith.constant 112 : index
    %swap3A_65 = tpu.vector_load %arg6[%swap3A_63, %swap3A_64] {strides = array<i32>} : memref<4x128xi32, #tpu.memory_space<vmem>>, vector<16xi32>,
    tpu.vector_store %arg6[%swap3A_63, %swap3A_64], %gather3A_61 {strides = array<i32>} : memref<4x128xi32, #tpu.memory_space<vmem>>, vector<16xi32>,
    %dma_start3A = arith.constant 0 : i32
    %dma_start3A_66 = arith.constant 0 : i32
    %dma_start3A_67 = arith.constant 0 : i32
    %dma_start3A_68 = arith.constant 0 : i32
    %dma_start3A_69 = arith.constant 0 : i32
    %dma_start3A_70 = tpu.memref_slice %arg7[%dma_start3A_66, %dma_start3A_68, %dma_start3A_69] : memref<4x128x64xf32, #tpu.memory_space<vmem>> -> memref<1x128x64xf32, #tpu.memory_space<vmem>>
    %dma_start3A_71 = tpu.memref_squeeze %dma_start3A_70 : memref<1x128x64xf32, #tpu.memory_space<vmem>> -> memref<128x64xf32, #tpu.memory_space<vmem>>
    %dma_start3A_72 = arith.constant 0 : i32
    %dma_start3A_73 = tpu.memref_slice %arg6[%dma_start3A, %dma_start3A_72] : memref<4x128xi32, #tpu.memory_space<vmem>> -> memref<1x128xi32, #tpu.memory_space<vmem>>
    %dma_start3A_74 = tpu.memref_squeeze %dma_start3A_73 : memref<1x128xi32, #tpu.memory_space<vmem>> -> memref<128xi32, #tpu.memory_space<vmem>>
    %dma_start3A_75 = arith.constant 0 : i32
    %dma_start3A_76 = arith.constant 0 : i32
    %dma_start3A_77 = tpu.memref_slice %arg3[%dma_start3A_75, %dma_start3A_76] : memref<1000000x64xf32, #tpu.memory_space<hbm>> -> memref<1000000x64xf32, #tpu.memory_space<hbm>>
    %dma_start3A_78 = tpu.memref_slice %arg9[%dma_start3A_67] : memref<4x!tpu.dma_semaphore, #tpu.memory_space<semaphore_mem>> -> memref<1x!tpu.dma_semaphore, #tpu.memory_space<semaphore_mem>>
    %dma_start3A_79 = tpu.memref_squeeze %dma_start3A_78 : memref<1x!tpu.dma_semaphore, #tpu.memory_space<semaphore_mem>> -> memref<!tpu.dma_semaphore, #tpu.memory_space<semaphore_mem>>
    tpu.enqueue_indirect_dma source(%dma_start3A_77 : memref<1000000x64xf32, #tpu.memory_space<hbm>>) target(%dma_start3A_71 : memref<128x64xf32, #tpu.memory_space<vmem>>) offsets(%dma_start3A_74 : memref<128xi32, #tpu.memory_space<vmem>>) semaphore(%dma_start3A_79 : memref<!tpu.dma_semaphore, #tpu.memory_space<semaphore_mem>>)
    %broadcast_in_dim3A_80 = arith.constant 1 : i32
    %broadcast_in_dim3A_81 = vector.broadcast %broadcast_in_dim3A_80 : i32 to vector<16xi32>
    %gather3A_82 = tpu.vector_load_idx %arg5[%add3A_5, %broadcast_in_dim3A_81] : memref<128x200xi32, #tpu.memory_space<vmem>>[vector<16xi32>, vector<16xi32>], vector<16xi32>,
    %swap3A_83 = arith.constant 1 : i32
    %swap3A_84 = arith.index_cast %swap3A_83 : i32 to index
    %swap3A_85 = arith.constant 0 : index
    %swap3A_86 = tpu.vector_load %arg6[%swap3A_84, %swap3A_85] {strides = array<i32>} : memref<4x128xi32, #tpu.memory_space<vmem>>, vector<16xi32>,
    tpu.vector_store %arg6[%swap3A_84, %swap3A_85], %gather3A_82 {strides = array<i32>} : memref<4x128xi32, #tpu.memory_space<vmem>>, vector<16xi32>,
    %gather3A_87 = tpu.vector_load_idx %arg5[%add3A_8, %broadcast_in_dim3A_81] : memref<128x200xi32, #tpu.memory_space<vmem>>[vector<16xi32>, vector<16xi32>], vector<16xi32>,
    %swap3A_88 = arith.constant 1 : i32
    %swap3A_89 = arith.index_cast %swap3A_88 : i32 to index
    %swap3A_90 = arith.constant 16 : index
    %swap3A_91 = tpu.vector_load %arg6[%swap3A_89, %swap3A_90] {strides = array<i32>} : memref<4x128xi32, #tpu.memory_space<vmem>>, vector<16xi32>,
    tpu.vector_store %arg6[%swap3A_89, %swap3A_90], %gather3A_87 {strides = array<i32>} : memref<4x128xi32, #tpu.memory_space<vmem>>, vector<16xi32>,
    %gather3A_92 = tpu.vector_load_idx %arg5[%add3A_11, %broadcast_in_dim3A_81] : memref<128x200xi32, #tpu.memory_space<vmem>>[vector<16xi32>, vector<16xi32>], vector<16xi32>,
    %swap3A_93 = arith.constant 1 : i32
    %swap3A_94 = arith.index_cast %swap3A_93 : i32 to index
    %swap3A_95 = arith.constant 32 : index
    %swap3A_96 = tpu.vector_load %arg6[%swap3A_94, %swap3A_95] {strides = array<i32>} : memref<4x128xi32, #tpu.memory_space<vmem>>, vector<16xi32>,
    tpu.vector_store %arg6[%swap3A_94, %swap3A_95], %gather3A_92 {strides = array<i32>} : memref<4x128xi32, #tpu.memory_space<vmem>>, vector<16xi32>,
    %gather3A_97 = tpu.vector_load_idx %arg5[%add3A_14, %broadcast_in_dim3A_81] : memref<128x200xi32, #tpu.memory_space<vmem>>[vector<16xi32>, vector<16xi32>], vector<16xi32>,
    %swap3A_98 = arith.constant 1 : i32
    %swap3A_99 = arith.index_cast %swap3A_98 : i32 to index
    %swap3A_100 = arith.constant 48 : index
    %swap3A_101 = tpu.vector_load %arg6[%swap3A_99, %swap3A_100] {strides = array<i32>} : memref<4x128xi32, #tpu.memory_space<vmem>>, vector<16xi32>,
    tpu.vector_store %arg6[%swap3A_99, %swap3A_100], %gather3A_97 {strides = array<i32>} : memref<4x128xi32, #tpu.memory_space<vmem>>, vector<16xi32>,
    %gather3A_102 = tpu.vector_load_idx %arg5[%add3A_17, %broadcast_in_dim3A_81] : memref<128x200xi32, #tpu.memory_space<vmem>>[vector<16xi32>, vector<16xi32>], vector<16xi32>,
    %swap3A_103 = arith.constant 1 : i32
    %swap3A_104 = arith.index_cast %swap3A_103 : i32 to index
    %swap3A_105 = arith.constant 64 : index
    %swap3A_106 = tpu.vector_load %arg6[%swap3A_104, %swap3A_105] {strides = array<i32>} : memref<4x128xi32, #tpu.memory_space<vmem>>, vector<16xi32>,
    tpu.vector_store %arg6[%swap3A_104, %swap3A_105], %gather3A_102 {strides = array<i32>} : memref<4x128xi32, #tpu.memory_space<vmem>>, vector<16xi32>,
    %gather3A_107 = tpu.vector_load_idx %arg5[%add3A_20, %broadcast_in_dim3A_81] : memref<128x200xi32, #tpu.memory_space<vmem>>[vector<16xi32>, vector<16xi32>], vector<16xi32>,
    %swap3A_108 = arith.constant 1 : i32
    %swap3A_109 = arith.index_cast %swap3A_108 : i32 to index
    %swap3A_110 = arith.constant 80 : index
    %swap3A_111 = tpu.vector_load %arg6[%swap3A_109, %swap3A_110] {strides = array<i32>} : memref<4x128xi32, #tpu.memory_space<vmem>>, vector<16xi32>,
    tpu.vector_store %arg6[%swap3A_109, %swap3A_110], %gather3A_107 {strides = array<i32>} : memref<4x128xi32, #tpu.memory_space<vmem>>, vector<16xi32>,
    %gather3A_112 = tpu.vector_load_idx %arg5[%add3A_23, %broadcast_in_dim3A_81] : memref<128x200xi32, #tpu.memory_space<vmem>>[vector<16xi32>, vector<16xi32>], vector<16xi32>,
    %swap3A_113 = arith.constant 1 : i32
    %swap3A_114 = arith.index_cast %swap3A_113 : i32 to index
    %swap3A_115 = arith.constant 96 : index
    %swap3A_116 = tpu.vector_load %arg6[%swap3A_114, %swap3A_115] {strides = array<i32>} : memref<4x128xi32, #tpu.memory_space<vmem>>, vector<16xi32>,
    tpu.vector_store %arg6[%swap3A_114, %swap3A_115], %gather3A_112 {strides = array<i32>} : memref<4x128xi32, #tpu.memory_space<vmem>>, vector<16xi32>,
    %gather3A_117 = tpu.vector_load_idx %arg5[%add3A_26, %broadcast_in_dim3A_81] : memref<128x200xi32, #tpu.memory_space<vmem>>[vector<16xi32>, vector<16xi32>], vector<16xi32>,
    %swap3A_118 = arith.constant 1 : i32
    %swap3A_119 = arith.index_cast %swap3A_118 : i32 to index
    %swap3A_120 = arith.constant 112 : index
    %swap3A_121 = tpu.vector_load %arg6[%swap3A_119, %swap3A_120] {strides = array<i32>} : memref<4x128xi32, #tpu.memory_space<vmem>>, vector<16xi32>,
    tpu.vector_store %arg6[%swap3A_119, %swap3A_120], %gather3A_117 {strides = array<i32>} : memref<4x128xi32, #tpu.memory_space<vmem>>, vector<16xi32>,
    %dma_start3A_122 = arith.constant 1 : i32
    %dma_start3A_123 = arith.constant 1 : i32
    %dma_start3A_124 = arith.constant 1 : i32
    %dma_start3A_125 = arith.constant 0 : i32
    %dma_start3A_126 = arith.constant 0 : i32
    %dma_start3A_127 = tpu.memref_slice %arg7[%dma_start3A_123, %dma_start3A_125, %dma_start3A_126] : memref<4x128x64xf32, #tpu.memory_space<vmem>> -> memref<1x128x64xf32, #tpu.memory_space<vmem>>
    %dma_start3A_128 = tpu.memref_squeeze %dma_start3A_127 : memref<1x128x64xf32, #tpu.memory_space<vmem>> -> memref<128x64xf32, #tpu.memory_space<vmem>>
    %dma_start3A_129 = arith.constant 0 : i32
    %dma_start3A_130 = tpu.memref_slice %arg6[%dma_start3A_122, %dma_start3A_129] : memref<4x128xi32, #tpu.memory_space<vmem>> -> memref<1x128xi32, #tpu.memory_space<vmem>>
    %dma_start3A_131 = tpu.memref_squeeze %dma_start3A_130 : memref<1x128xi32, #tpu.memory_space<vmem>> -> memref<128xi32, #tpu.memory_space<vmem>>
    %dma_start3A_132 = arith.constant 0 : i32
    %dma_start3A_133 = arith.constant 0 : i32
    %dma_start3A_134 = tpu.memref_slice %arg3[%dma_start3A_132, %dma_start3A_133] : memref<1000000x64xf32, #tpu.memory_space<hbm>> -> memref<1000000x64xf32, #tpu.memory_space<hbm>>
    %dma_start3A_135 = tpu.memref_slice %arg9[%dma_start3A_124] : memref<4x!tpu.dma_semaphore, #tpu.memory_space<semaphore_mem>> -> memref<1x!tpu.dma_semaphore, #tpu.memory_space<semaphore_mem>>
    %dma_start3A_136 = tpu.memref_squeeze %dma_start3A_135 : memref<1x!tpu.dma_semaphore, #tpu.memory_space<semaphore_mem>> -> memref<!tpu.dma_semaphore, #tpu.memory_space<semaphore_mem>>
    tpu.enqueue_indirect_dma source(%dma_start3A_134 : memref<1000000x64xf32, #tpu.memory_space<hbm>>) target(%dma_start3A_128 : memref<128x64xf32, #tpu.memory_space<vmem>>) offsets(%dma_start3A_131 : memref<128xi32, #tpu.memory_space<vmem>>) semaphore(%dma_start3A_136 : memref<!tpu.dma_semaphore, #tpu.memory_space<semaphore_mem>>)
    %scan3A = arith.constant 0 : i32
    %scan3A_137 = arith.constant 0 : i32
    %scan3A_138 = arith.constant 200 : i32
    %scan3A_139 = arith.addi %scan3A_137, %scan3A_138 : i32
    %scan3A_140 = arith.constant 1 : i32
    scf.for %scan3A_241 = %scan3A_137 to %scan3A_139 step %scan3A_140  : i32 {
      %and3A = arith.constant 3 : i32
      %and3A_242 = arith.andi %scan3A_241, %and3A : i32
      %dma_wait3A_243 = arith.constant 0 : i32
      %dma_wait3A_244 = arith.constant 0 : i32
      %dma_wait3A_245 = tpu.memref_slice %arg7[%and3A_242, %dma_wait3A_243, %dma_wait3A_244] : memref<4x128x64xf32, #tpu.memory_space<vmem>> -> memref<1x128x64xf32, #tpu.memory_space<vmem>>
      %dma_wait3A_246 = tpu.memref_squeeze %dma_wait3A_245 : memref<1x128x64xf32, #tpu.memory_space<vmem>> -> memref<128x64xf32, #tpu.memory_space<vmem>>
      %dma_wait3A_247 = arith.constant 0 : i32
      %dma_wait3A_248 = tpu.memref_slice %arg6[%and3A_242, %dma_wait3A_247] : memref<4x128xi32, #tpu.memory_space<vmem>> -> memref<1x128xi32, #tpu.memory_space<vmem>>
      %dma_wait3A_249 = tpu.memref_squeeze %dma_wait3A_248 : memref<1x128xi32, #tpu.memory_space<vmem>> -> memref<128xi32, #tpu.memory_space<vmem>>
      %dma_wait3A_250 = arith.constant 0 : i32
      %dma_wait3A_251 = arith.constant 0 : i32
      %dma_wait3A_252 = tpu.memref_slice %arg3[%dma_wait3A_250, %dma_wait3A_251] : memref<1000000x64xf32, #tpu.memory_space<hbm>> -> memref<1000000x64xf32, #tpu.memory_space<hbm>>
      %dma_wait3A_253 = tpu.memref_slice %arg9[%and3A_242] : memref<4x!tpu.dma_semaphore, #tpu.memory_space<semaphore_mem>> -> memref<1x!tpu.dma_semaphore, #tpu.memory_space<semaphore_mem>>
      %dma_wait3A_254 = tpu.memref_squeeze %dma_wait3A_253 : memref<1x!tpu.dma_semaphore, #tpu.memory_space<semaphore_mem>> -> memref<!tpu.dma_semaphore, #tpu.memory_space<semaphore_mem>>
      tpu.wait_indirect_dma semaphore(%dma_wait3A_254 : memref<!tpu.dma_semaphore, #tpu.memory_space<semaphore_mem>>) src(%dma_wait3A_252 : memref<1000000x64xf32, #tpu.memory_space<hbm>>) dst(%dma_wait3A_246 : memref<128x64xf32, #tpu.memory_space<vmem>>)
      %ge3A = arith.constant 4 : i32
      %ge3A_255 = arith.cmpi sge, %scan3A_241, %ge3A : i32
      %convert_element_type3A = arith.extui %ge3A_255 : i1 to i32
      %cond3A = arith.constant 0 : i32
      %cond3A_256 = arith.cmpi ne, %convert_element_type3A, %cond3A : i32
      scf.if %cond3A_256 {
        %sub3A = arith.constant 4 : i32
        %sub3A_291 = arith.subi %scan3A_241, %sub3A : i32
        %dma_wait3A_292 = arith.constant 0 : i32
        %dma_wait3A_293 = arith.constant 0 : i32
        %dma_wait3A_294 = arith.constant 0 : i32
        %dma_wait3A_295 = tpu.memref_slice %arg8[%and3A_242, %dma_wait3A_292, %dma_wait3A_293, %dma_wait3A_294] : memref<4x8x8x128xf32, #tpu.memory_space<vmem>> -> memref<1x8x8x128xf32, #tpu.memory_space<vmem>>
        %dma_wait3A_296 = tpu.memref_squeeze %dma_wait3A_295 : memref<1x8x8x128xf32, #tpu.memory_space<vmem>> -> memref<8x8x128xf32, #tpu.memory_space<vmem>>
        %dma_wait3A_297 = arith.constant 0 : i32
        %dma_wait3A_298 = arith.constant 0 : i32
        %dma_wait3A_299 = arith.constant 0 : i32
        %dma_wait3A_300 = tpu.memref_slice %arg4[%sub3A_291, %dma_wait3A_297, %add3A, %dma_wait3A_298, %dma_wait3A_299] : memref<200x8x32x8x128xf32, #tpu.memory_space<hbm>> -> memref<1x8x1x8x128xf32, #tpu.memory_space<hbm>>
        %dma_wait3A_301 = tpu.memref_squeeze %dma_wait3A_300 : memref<1x8x1x8x128xf32, #tpu.memory_space<hbm>> -> memref<8x8x128xf32, #tpu.memory_space<hbm>>
        %dma_wait3A_302 = tpu.memref_slice %arg10[%and3A_242] : memref<4x!tpu.dma_semaphore, #tpu.memory_space<semaphore_mem>> -> memref<1x!tpu.dma_semaphore, #tpu.memory_space<semaphore_mem>>
        %dma_wait3A_303 = tpu.memref_squeeze %dma_wait3A_302 : memref<1x!tpu.dma_semaphore, #tpu.memory_space<semaphore_mem>> -> memref<!tpu.dma_semaphore, #tpu.memory_space<semaphore_mem>>
        %dma_wait3A_304 = arith.constant 0 : i32
        %dma_wait3A_305 = arith.constant 0 : i32
        %dma_wait3A_306 = arith.constant 0 : i32
        %dma_wait3A_307 = tpu.memref_slice %arg4[%sub3A_291, %dma_wait3A_304, %add3A, %dma_wait3A_305, %dma_wait3A_306] : memref<200x8x32x8x128xf32, #tpu.memory_space<hbm>> -> memref<1x8x1x8x128xf32, #tpu.memory_space<hbm>>
        %dma_wait3A_308 = tpu.memref_squeeze %dma_wait3A_307 : memref<1x8x1x8x128xf32, #tpu.memory_space<hbm>> -> memref<8x8x128xf32, #tpu.memory_space<hbm>>
        %dma_wait3A_309 = arith.constant 0 : i32
        %dma_wait3A_310 = arith.constant 0 : i32
        %dma_wait3A_311 = arith.constant 0 : i32
        %dma_wait3A_312 = tpu.memref_slice %arg8[%and3A_242, %dma_wait3A_309, %dma_wait3A_310, %dma_wait3A_311] : memref<4x8x8x128xf32, #tpu.memory_space<vmem>> -> memref<1x8x8x128xf32, #tpu.memory_space<vmem>>
        %dma_wait3A_313 = tpu.memref_squeeze %dma_wait3A_312 : memref<1x8x8x128xf32, #tpu.memory_space<vmem>> -> memref<8x8x128xf32, #tpu.memory_space<vmem>>
        tpu.wait_dma2 semaphore(%dma_wait3A_303 : memref<!tpu.dma_semaphore, #tpu.memory_space<semaphore_mem>>) src(%dma_wait3A_313 : memref<8x8x128xf32, #tpu.memory_space<vmem>>) dst(%dma_wait3A_308 : memref<8x8x128xf32, #tpu.memory_space<hbm>>)
      } else {
      }
      %scan3A_257 = arith.constant 0 : i32
      %scan3A_258 = arith.constant 0 : i32
      %scan3A_259 = arith.constant 16 : i32
      %scan3A_260 = arith.addi %scan3A_258, %scan3A_259 : i32
      %scan3A_261 = arith.constant 4 : i32
      scf.for %scan3A_291 = %scan3A_258 to %scan3A_260 step %scan3A_261  : i32 {
        %add3A_292 = vector.broadcast %scan3A_291 : i32 to vector<16xi32>
        %add3A_293 = arith.addi %iota3A, %add3A_292 : vector<16xi32>
        %and3A_294 = arith.constant 15 : i32
        %and3A_295 = vector.broadcast %and3A_294 : i32 to vector<16xi32>
        %and3A_296 = arith.andi %add3A_293, %and3A_295 : vector<16xi32>
        %add3A_297 = arith.constant 0 : i32
        %add3A_298 = vector.broadcast %add3A_297 : i32 to vector<16xi32>
        %add3A_299 = arith.addi %and3A_296, %add3A_298 : vector<16xi32>
        %shift_right_logical3A = arith.constant 3 : i32
        %shift_right_logical3A_300 = vector.broadcast %shift_right_logical3A : i32 to vector<16xi32>
        %shift_right_logical3A_301 = arith.shrui %add3A_299, %shift_right_logical3A_300 : vector<16xi32>
        %and3A_302 = arith.constant 7 : i32
        %and3A_303 = vector.broadcast %and3A_302 : i32 to vector<16xi32>
        %and3A_304 = arith.andi %add3A_299, %and3A_303 : vector<16xi32>
        %gather3A_305 = arith.constant 0 : i32
        %gather3A_306 = arith.constant 0 : i32
        %gather3A_307 = tpu.memref_slice %arg7[%and3A_242, %gather3A_305, %gather3A_306] : memref<4x128x64xf32, #tpu.memory_space<vmem>> -> memref<1x128x64xf32, #tpu.memory_space<vmem>>
        %gather3A_308 = tpu.memref_squeeze %gather3A_307 : memref<1x128x64xf32, #tpu.memory_space<vmem>> -> memref<128x64xf32, #tpu.memory_space<vmem>>
        %gather3A_309 = tpu.vector_load_idx %gather3A_308[%add3A_5, %add3A_299] : memref<128x64xf32, #tpu.memory_space<vmem>>[vector<16xi32>, vector<16xi32>], vector<16xf32>,
        %mul3A_310 = arith.constant 8.000000e+00 : f32
        %mul3A_311 = vector.broadcast %mul3A_310 : f32 to vector<16xf32>
        %mul3A_312 = arith.mulf %gather3A_309, %mul3A_311 : vector<16xf32>
        %scatter3A = arith.constant 0 : i32
        %scatter3A_313 = arith.constant 0 : i32
        %scatter3A_314 = arith.constant 0 : i32
        %scatter3A_315 = tpu.memref_slice %arg8[%and3A_242, %scatter3A, %scatter3A_313, %scatter3A_314] : memref<4x8x8x128xf32, #tpu.memory_space<vmem>> -> memref<1x8x8x128xf32, #tpu.memory_space<vmem>>
        %scatter3A_316 = tpu.memref_squeeze %scatter3A_315 : memref<1x8x8x128xf32, #tpu.memory_space<vmem>> -> memref<8x8x128xf32, #tpu.memory_space<vmem>>
        tpu.vector_store_idx %scatter3A_316[%shift_right_logical3A_301, %and3A_304, %add3A_5], %mul3A_312 : memref<8x8x128xf32, #tpu.memory_space<vmem>>[vector<16xi32>, vector<16xi32>, vector<16xi32>], vector<16xf32>,
        %gather3A_317 = arith.constant 0 : i32
        %gather3A_318 = arith.constant 0 : i32
        %gather3A_319 = tpu.memref_slice %arg7[%and3A_242, %gather3A_317, %gather3A_318] : memref<4x128x64xf32, #tpu.memory_space<vmem>> -> memref<1x128x64xf32, #tpu.memory_space<vmem>>
        %gather3A_320 = tpu.memref_squeeze %gather3A_319 : memref<1x128x64xf32, #tpu.memory_space<vmem>> -> memref<128x64xf32, #tpu.memory_space<vmem>>
        %gather3A_321 = tpu.vector_load_idx %gather3A_320[%add3A_8, %add3A_299] : memref<128x64xf32, #tpu.memory_space<vmem>>[vector<16xi32>, vector<16xi32>], vector<16xf32>,
        %mul3A_322 = arith.constant 8.000000e+00 : f32
        %mul3A_323 = vector.broadcast %mul3A_322 : f32 to vector<16xf32>
        %mul3A_324 = arith.mulf %gather3A_321, %mul3A_323 : vector<16xf32>
        %scatter3A_325 = arith.constant 0 : i32
        %scatter3A_326 = arith.constant 0 : i32
        %scatter3A_327 = arith.constant 0 : i32
        %scatter3A_328 = tpu.memref_slice %arg8[%and3A_242, %scatter3A_325, %scatter3A_326, %scatter3A_327] : memref<4x8x8x128xf32, #tpu.memory_space<vmem>> -> memref<1x8x8x128xf32, #tpu.memory_space<vmem>>
        %scatter3A_329 = tpu.memref_squeeze %scatter3A_328 : memref<1x8x8x128xf32, #tpu.memory_space<vmem>> -> memref<8x8x128xf32, #tpu.memory_space<vmem>>
        tpu.vector_store_idx %scatter3A_329[%shift_right_logical3A_301, %and3A_304, %add3A_8], %mul3A_324 : memref<8x8x128xf32, #tpu.memory_space<vmem>>[vector<16xi32>, vector<16xi32>, vector<16xi32>], vector<16xf32>,
        %gather3A_330 = arith.constant 0 : i32
        %gather3A_331 = arith.constant 0 : i32
        %gather3A_332 = tpu.memref_slice %arg7[%and3A_242, %gather3A_330, %gather3A_331] : memref<4x128x64xf32, #tpu.memory_space<vmem>> -> memref<1x128x64xf32, #tpu.memory_space<vmem>>
        %gather3A_333 = tpu.memref_squeeze %gather3A_332 : memref<1x128x64xf32, #tpu.memory_space<vmem>> -> memref<128x64xf32, #tpu.memory_space<vmem>>
        %gather3A_334 = tpu.vector_load_idx %gather3A_333[%add3A_11, %add3A_299] : memref<128x64xf32, #tpu.memory_space<vmem>>[vector<16xi32>, vector<16xi32>], vector<16xf32>,
        %mul3A_335 = arith.constant 8.000000e+00 : f32
        %mul3A_336 = vector.broadcast %mul3A_335 : f32 to vector<16xf32>
        %mul3A_337 = arith.mulf %gather3A_334, %mul3A_336 : vector<16xf32>
        %scatter3A_338 = arith.constant 0 : i32
        %scatter3A_339 = arith.constant 0 : i32
        %scatter3A_340 = arith.constant 0 : i32
        %scatter3A_341 = tpu.memref_slice %arg8[%and3A_242, %scatter3A_338, %scatter3A_339, %scatter3A_340] : memref<4x8x8x128xf32, #tpu.memory_space<vmem>> -> memref<1x8x8x128xf32, #tpu.memory_space<vmem>>
        %scatter3A_342 = tpu.memref_squeeze %scatter3A_341 : memref<1x8x8x128xf32, #tpu.memory_space<vmem>> -> memref<8x8x128xf32, #tpu.memory_space<vmem>>
        tpu.vector_store_idx %scatter3A_342[%shift_right_logical3A_301, %and3A_304, %add3A_11], %mul3A_337 : memref<8x8x128xf32, #tpu.memory_space<vmem>>[vector<16xi32>, vector<16xi32>, vector<16xi32>], vector<16xf32>,
        %gather3A_343 = arith.constant 0 : i32
        %gather3A_344 = arith.constant 0 : i32
        %gather3A_345 = tpu.memref_slice %arg7[%and3A_242, %gather3A_343, %gather3A_344] : memref<4x128x64xf32, #tpu.memory_space<vmem>> -> memref<1x128x64xf32, #tpu.memory_space<vmem>>
        %gather3A_346 = tpu.memref_squeeze %gather3A_345 : memref<1x128x64xf32, #tpu.memory_space<vmem>> -> memref<128x64xf32, #tpu.memory_space<vmem>>
        %gather3A_347 = tpu.vector_load_idx %gather3A_346[%add3A_14, %add3A_299] : memref<128x64xf32, #tpu.memory_space<vmem>>[vector<16xi32>, vector<16xi32>], vector<16xf32>,
        %mul3A_348 = arith.constant 8.000000e+00 : f32
        %mul3A_349 = vector.broadcast %mul3A_348 : f32 to vector<16xf32>
        %mul3A_350 = arith.mulf %gather3A_347, %mul3A_349 : vector<16xf32>
        %scatter3A_351 = arith.constant 0 : i32
        %scatter3A_352 = arith.constant 0 : i32
        %scatter3A_353 = arith.constant 0 : i32
        %scatter3A_354 = tpu.memref_slice %arg8[%and3A_242, %scatter3A_351, %scatter3A_352, %scatter3A_353] : memref<4x8x8x128xf32, #tpu.memory_space<vmem>> -> memref<1x8x8x128xf32, #tpu.memory_space<vmem>>
        %scatter3A_355 = tpu.memref_squeeze %scatter3A_354 : memref<1x8x8x128xf32, #tpu.memory_space<vmem>> -> memref<8x8x128xf32, #tpu.memory_space<vmem>>
        tpu.vector_store_idx %scatter3A_355[%shift_right_logical3A_301, %and3A_304, %add3A_14], %mul3A_350 : memref<8x8x128xf32, #tpu.memory_space<vmem>>[vector<16xi32>, vector<16xi32>, vector<16xi32>], vector<16xf32>,
        %gather3A_356 = arith.constant 0 : i32
        %gather3A_357 = arith.constant 0 : i32
        %gather3A_358 = tpu.memref_slice %arg7[%and3A_242, %gather3A_356, %gather3A_357] : memref<4x128x64xf32, #tpu.memory_space<vmem>> -> memref<1x128x64xf32, #tpu.memory_space<vmem>>
        %gather3A_359 = tpu.memref_squeeze %gather3A_358 : memref<1x128x64xf32, #tpu.memory_space<vmem>> -> memref<128x64xf32, #tpu.memory_space<vmem>>
        %gather3A_360 = tpu.vector_load_idx %gather3A_359[%add3A_17, %add3A_299] : memref<128x64xf32, #tpu.memory_space<vmem>>[vector<16xi32>, vector<16xi32>], vector<16xf32>,
        %mul3A_361 = arith.constant 8.000000e+00 : f32
        %mul3A_362 = vector.broadcast %mul3A_361 : f32 to vector<16xf32>
        %mul3A_363 = arith.mulf %gather3A_360, %mul3A_362 : vector<16xf32>
        %scatter3A_364 = arith.constant 0 : i32
        %scatter3A_365 = arith.constant 0 : i32
        %scatter3A_366 = arith.constant 0 : i32
        %scatter3A_367 = tpu.memref_slice %arg8[%and3A_242, %scatter3A_364, %scatter3A_365, %scatter3A_366] : memref<4x8x8x128xf32, #tpu.memory_space<vmem>> -> memref<1x8x8x128xf32, #tpu.memory_space<vmem>>
        %scatter3A_368 = tpu.memref_squeeze %scatter3A_367 : memref<1x8x8x128xf32, #tpu.memory_space<vmem>> -> memref<8x8x128xf32, #tpu.memory_space<vmem>>
        tpu.vector_store_idx %scatter3A_368[%shift_right_logical3A_301, %and3A_304, %add3A_17], %mul3A_363 : memref<8x8x128xf32, #tpu.memory_space<vmem>>[vector<16xi32>, vector<16xi32>, vector<16xi32>], vector<16xf32>,
        %gather3A_369 = arith.constant 0 : i32
        %gather3A_370 = arith.constant 0 : i32
        %gather3A_371 = tpu.memref_slice %arg7[%and3A_242, %gather3A_369, %gather3A_370] : memref<4x128x64xf32, #tpu.memory_space<vmem>> -> memref<1x128x64xf32, #tpu.memory_space<vmem>>
        %gather3A_372 = tpu.memref_squeeze %gather3A_371 : memref<1x128x64xf32, #tpu.memory_space<vmem>> -> memref<128x64xf32, #tpu.memory_space<vmem>>
        %gather3A_373 = tpu.vector_load_idx %gather3A_372[%add3A_20, %add3A_299] : memref<128x64xf32, #tpu.memory_space<vmem>>[vector<16xi32>, vector<16xi32>], vector<16xf32>,
        %mul3A_374 = arith.constant 8.000000e+00 : f32
        %mul3A_375 = vector.broadcast %mul3A_374 : f32 to vector<16xf32>
        %mul3A_376 = arith.mulf %gather3A_373, %mul3A_375 : vector<16xf32>
        %scatter3A_377 = arith.constant 0 : i32
        %scatter3A_378 = arith.constant 0 : i32
        %scatter3A_379 = arith.constant 0 : i32
        %scatter3A_380 = tpu.memref_slice %arg8[%and3A_242, %scatter3A_377, %scatter3A_378, %scatter3A_379] : memref<4x8x8x128xf32, #tpu.memory_space<vmem>> -> memref<1x8x8x128xf32, #tpu.memory_space<vmem>>
        %scatter3A_381 = tpu.memref_squeeze %scatter3A_380 : memref<1x8x8x128xf32, #tpu.memory_space<vmem>> -> memref<8x8x128xf32, #tpu.memory_space<vmem>>
        tpu.vector_store_idx %scatter3A_381[%shift_right_logical3A_301, %and3A_304, %add3A_20], %mul3A_376 : memref<8x8x128xf32, #tpu.memory_space<vmem>>[vector<16xi32>, vector<16xi32>, vector<16xi32>], vector<16xf32>,
        %gather3A_382 = arith.constant 0 : i32
        %gather3A_383 = arith.constant 0 : i32
        %gather3A_384 = tpu.memref_slice %arg7[%and3A_242, %gather3A_382, %gather3A_383] : memref<4x128x64xf32, #tpu.memory_space<vmem>> -> memref<1x128x64xf32, #tpu.memory_space<vmem>>
        %gather3A_385 = tpu.memref_squeeze %gather3A_384 : memref<1x128x64xf32, #tpu.memory_space<vmem>> -> memref<128x64xf32, #tpu.memory_space<vmem>>
        %gather3A_386 = tpu.vector_load_idx %gather3A_385[%add3A_23, %add3A_299] : memref<128x64xf32, #tpu.memory_space<vmem>>[vector<16xi32>, vector<16xi32>], vector<16xf32>,
        %mul3A_387 = arith.constant 8.000000e+00 : f32
        %mul3A_388 = vector.broadcast %mul3A_387 : f32 to vector<16xf32>
        %mul3A_389 = arith.mulf %gather3A_386, %mul3A_388 : vector<16xf32>
        %scatter3A_390 = arith.constant 0 : i32
        %scatter3A_391 = arith.constant 0 : i32
        %scatter3A_392 = arith.constant 0 : i32
        %scatter3A_393 = tpu.memref_slice %arg8[%and3A_242, %scatter3A_390, %scatter3A_391, %scatter3A_392] : memref<4x8x8x128xf32, #tpu.memory_space<vmem>> -> memref<1x8x8x128xf32, #tpu.memory_space<vmem>>
        %scatter3A_394 = tpu.memref_squeeze %scatter3A_393 : memref<1x8x8x128xf32, #tpu.memory_space<vmem>> -> memref<8x8x128xf32, #tpu.memory_space<vmem>>
        tpu.vector_store_idx %scatter3A_394[%shift_right_logical3A_301, %and3A_304, %add3A_23], %mul3A_389 : memref<8x8x128xf32, #tpu.memory_space<vmem>>[vector<16xi32>, vector<16xi32>, vector<16xi32>], vector<16xf32>,
        %gather3A_395 = arith.constant 0 : i32
        %gather3A_396 = arith.constant 0 : i32
        %gather3A_397 = tpu.memref_slice %arg7[%and3A_242, %gather3A_395, %gather3A_396] : memref<4x128x64xf32, #tpu.memory_space<vmem>> -> memref<1x128x64xf32, #tpu.memory_space<vmem>>
        %gather3A_398 = tpu.memref_squeeze %gather3A_397 : memref<1x128x64xf32, #tpu.memory_space<vmem>> -> memref<128x64xf32, #tpu.memory_space<vmem>>
        %gather3A_399 = tpu.vector_load_idx %gather3A_398[%add3A_26, %add3A_299] : memref<128x64xf32, #tpu.memory_space<vmem>>[vector<16xi32>, vector<16xi32>], vector<16xf32>,
        %mul3A_400 = arith.constant 8.000000e+00 : f32
        %mul3A_401 = vector.broadcast %mul3A_400 : f32 to vector<16xf32>
        %mul3A_402 = arith.mulf %gather3A_399, %mul3A_401 : vector<16xf32>
        %scatter3A_403 = arith.constant 0 : i32
        %scatter3A_404 = arith.constant 0 : i32
        %scatter3A_405 = arith.constant 0 : i32
        %scatter3A_406 = tpu.memref_slice %arg8[%and3A_242, %scatter3A_403, %scatter3A_404, %scatter3A_405] : memref<4x8x8x128xf32, #tpu.memory_space<vmem>> -> memref<1x8x8x128xf32, #tpu.memory_space<vmem>>
        %scatter3A_407 = tpu.memref_squeeze %scatter3A_406 : memref<1x8x8x128xf32, #tpu.memory_space<vmem>> -> memref<8x8x128xf32, #tpu.memory_space<vmem>>
        tpu.vector_store_idx %scatter3A_407[%shift_right_logical3A_301, %and3A_304, %add3A_26], %mul3A_402 : memref<8x8x128xf32, #tpu.memory_space<vmem>>[vector<16xi32>, vector<16xi32>, vector<16xi32>], vector<16xf32>,
        %add3A_408 = arith.constant 16 : i32
        %add3A_409 = vector.broadcast %add3A_408 : i32 to vector<16xi32>
        %add3A_410 = arith.addi %and3A_296, %add3A_409 : vector<16xi32>
        %shift_right_logical3A_411 = arith.constant 3 : i32
        %shift_right_logical3A_412 = vector.broadcast %shift_right_logical3A_411 : i32 to vector<16xi32>
        %shift_right_logical3A_413 = arith.shrui %add3A_410, %shift_right_logical3A_412 : vector<16xi32>
        %and3A_414 = arith.constant 7 : i32
        %and3A_415 = vector.broadcast %and3A_414 : i32 to vector<16xi32>
        %and3A_416 = arith.andi %add3A_410, %and3A_415 : vector<16xi32>
        %gather3A_417 = arith.constant 0 : i32
        %gather3A_418 = arith.constant 0 : i32
        %gather3A_419 = tpu.memref_slice %arg7[%and3A_242, %gather3A_417, %gather3A_418] : memref<4x128x64xf32, #tpu.memory_space<vmem>> -> memref<1x128x64xf32, #tpu.memory_space<vmem>>
        %gather3A_420 = tpu.memref_squeeze %gather3A_419 : memref<1x128x64xf32, #tpu.memory_space<vmem>> -> memref<128x64xf32, #tpu.memory_space<vmem>>
        %gather3A_421 = tpu.vector_load_idx %gather3A_420[%add3A_5, %add3A_410] : memref<128x64xf32, #tpu.memory_space<vmem>>[vector<16xi32>, vector<16xi32>], vector<16xf32>,
        %mul3A_422 = arith.constant 8.000000e+00 : f32
        %mul3A_423 = vector.broadcast %mul3A_422 : f32 to vector<16xf32>
        %mul3A_424 = arith.mulf %gather3A_421, %mul3A_423 : vector<16xf32>
        %scatter3A_425 = arith.constant 0 : i32
        %scatter3A_426 = arith.constant 0 : i32
        %scatter3A_427 = arith.constant 0 : i32
        %scatter3A_428 = tpu.memref_slice %arg8[%and3A_242, %scatter3A_425, %scatter3A_426, %scatter3A_427] : memref<4x8x8x128xf32, #tpu.memory_space<vmem>> -> memref<1x8x8x128xf32, #tpu.memory_space<vmem>>
        %scatter3A_429 = tpu.memref_squeeze %scatter3A_428 : memref<1x8x8x128xf32, #tpu.memory_space<vmem>> -> memref<8x8x128xf32, #tpu.memory_space<vmem>>
        tpu.vector_store_idx %scatter3A_429[%shift_right_logical3A_413, %and3A_416, %add3A_5], %mul3A_424 : memref<8x8x128xf32, #tpu.memory_space<vmem>>[vector<16xi32>, vector<16xi32>, vector<16xi32>], vector<16xf32>,
        %gather3A_430 = arith.constant 0 : i32
        %gather3A_431 = arith.constant 0 : i32
        %gather3A_432 = tpu.memref_slice %arg7[%and3A_242, %gather3A_430, %gather3A_431] : memref<4x128x64xf32, #tpu.memory_space<vmem>> -> memref<1x128x64xf32, #tpu.memory_space<vmem>>
        %gather3A_433 = tpu.memref_squeeze %gather3A_432 : memref<1x128x64xf32, #tpu.memory_space<vmem>> -> memref<128x64xf32, #tpu.memory_space<vmem>>
        %gather3A_434 = tpu.vector_load_idx %gather3A_433[%add3A_8, %add3A_410] : memref<128x64xf32, #tpu.memory_space<vmem>>[vector<16xi32>, vector<16xi32>], vector<16xf32>,
        %mul3A_435 = arith.constant 8.000000e+00 : f32
        %mul3A_436 = vector.broadcast %mul3A_435 : f32 to vector<16xf32>
        %mul3A_437 = arith.mulf %gather3A_434, %mul3A_436 : vector<16xf32>
        %scatter3A_438 = arith.constant 0 : i32
        %scatter3A_439 = arith.constant 0 : i32
        %scatter3A_440 = arith.constant 0 : i32
        %scatter3A_441 = tpu.memref_slice %arg8[%and3A_242, %scatter3A_438, %scatter3A_439, %scatter3A_440] : memref<4x8x8x128xf32, #tpu.memory_space<vmem>> -> memref<1x8x8x128xf32, #tpu.memory_space<vmem>>
        %scatter3A_442 = tpu.memref_squeeze %scatter3A_441 : memref<1x8x8x128xf32, #tpu.memory_space<vmem>> -> memref<8x8x128xf32, #tpu.memory_space<vmem>>
        tpu.vector_store_idx %scatter3A_442[%shift_right_logical3A_413, %and3A_416, %add3A_8], %mul3A_437 : memref<8x8x128xf32, #tpu.memory_space<vmem>>[vector<16xi32>, vector<16xi32>, vector<16xi32>], vector<16xf32>,
        %gather3A_443 = arith.constant 0 : i32
        %gather3A_444 = arith.constant 0 : i32
        %gather3A_445 = tpu.memref_slice %arg7[%and3A_242, %gather3A_443, %gather3A_444] : memref<4x128x64xf32, #tpu.memory_space<vmem>> -> memref<1x128x64xf32, #tpu.memory_space<vmem>>
        %gather3A_446 = tpu.memref_squeeze %gather3A_445 : memref<1x128x64xf32, #tpu.memory_space<vmem>> -> memref<128x64xf32, #tpu.memory_space<vmem>>
        %gather3A_447 = tpu.vector_load_idx %gather3A_446[%add3A_11, %add3A_410] : memref<128x64xf32, #tpu.memory_space<vmem>>[vector<16xi32>, vector<16xi32>], vector<16xf32>,
        %mul3A_448 = arith.constant 8.000000e+00 : f32
        %mul3A_449 = vector.broadcast %mul3A_448 : f32 to vector<16xf32>
        %mul3A_450 = arith.mulf %gather3A_447, %mul3A_449 : vector<16xf32>
        %scatter3A_451 = arith.constant 0 : i32
        %scatter3A_452 = arith.constant 0 : i32
        %scatter3A_453 = arith.constant 0 : i32
        %scatter3A_454 = tpu.memref_slice %arg8[%and3A_242, %scatter3A_451, %scatter3A_452, %scatter3A_453] : memref<4x8x8x128xf32, #tpu.memory_space<vmem>> -> memref<1x8x8x128xf32, #tpu.memory_space<vmem>>
        %scatter3A_455 = tpu.memref_squeeze %scatter3A_454 : memref<1x8x8x128xf32, #tpu.memory_space<vmem>> -> memref<8x8x128xf32, #tpu.memory_space<vmem>>
        tpu.vector_store_idx %scatter3A_455[%shift_right_logical3A_413, %and3A_416, %add3A_11], %mul3A_450 : memref<8x8x128xf32, #tpu.memory_space<vmem>>[vector<16xi32>, vector<16xi32>, vector<16xi32>], vector<16xf32>,
        %gather3A_456 = arith.constant 0 : i32
        %gather3A_457 = arith.constant 0 : i32
        %gather3A_458 = tpu.memref_slice %arg7[%and3A_242, %gather3A_456, %gather3A_457] : memref<4x128x64xf32, #tpu.memory_space<vmem>> -> memref<1x128x64xf32, #tpu.memory_space<vmem>>
        %gather3A_459 = tpu.memref_squeeze %gather3A_458 : memref<1x128x64xf32, #tpu.memory_space<vmem>> -> memref<128x64xf32, #tpu.memory_space<vmem>>
        %gather3A_460 = tpu.vector_load_idx %gather3A_459[%add3A_14, %add3A_410] : memref<128x64xf32, #tpu.memory_space<vmem>>[vector<16xi32>, vector<16xi32>], vector<16xf32>,
        %mul3A_461 = arith.constant 8.000000e+00 : f32
        %mul3A_462 = vector.broadcast %mul3A_461 : f32 to vector<16xf32>
        %mul3A_463 = arith.mulf %gather3A_460, %mul3A_462 : vector<16xf32>
        %scatter3A_464 = arith.constant 0 : i32
        %scatter3A_465 = arith.constant 0 : i32
        %scatter3A_466 = arith.constant 0 : i32
        %scatter3A_467 = tpu.memref_slice %arg8[%and3A_242, %scatter3A_464, %scatter3A_465, %scatter3A_466] : memref<4x8x8x128xf32, #tpu.memory_space<vmem>> -> memref<1x8x8x128xf32, #tpu.memory_space<vmem>>
        %scatter3A_468 = tpu.memref_squeeze %scatter3A_467 : memref<1x8x8x128xf32, #tpu.memory_space<vmem>> -> memref<8x8x128xf32, #tpu.memory_space<vmem>>
        tpu.vector_store_idx %scatter3A_468[%shift_right_logical3A_413, %and3A_416, %add3A_14], %mul3A_463 : memref<8x8x128xf32, #tpu.memory_space<vmem>>[vector<16xi32>, vector<16xi32>, vector<16xi32>], vector<16xf32>,
        %gather3A_469 = arith.constant 0 : i32
        %gather3A_470 = arith.constant 0 : i32
        %gather3A_471 = tpu.memref_slice %arg7[%and3A_242, %gather3A_469, %gather3A_470] : memref<4x128x64xf32, #tpu.memory_space<vmem>> -> memref<1x128x64xf32, #tpu.memory_space<vmem>>
        %gather3A_472 = tpu.memref_squeeze %gather3A_471 : memref<1x128x64xf32, #tpu.memory_space<vmem>> -> memref<128x64xf32, #tpu.memory_space<vmem>>
        %gather3A_473 = tpu.vector_load_idx %gather3A_472[%add3A_17, %add3A_410] : memref<128x64xf32, #tpu.memory_space<vmem>>[vector<16xi32>, vector<16xi32>], vector<16xf32>,
        %mul3A_474 = arith.constant 8.000000e+00 : f32
        %mul3A_475 = vector.broadcast %mul3A_474 : f32 to vector<16xf32>
        %mul3A_476 = arith.mulf %gather3A_473, %mul3A_475 : vector<16xf32>
        %scatter3A_477 = arith.constant 0 : i32
        %scatter3A_478 = arith.constant 0 : i32
        %scatter3A_479 = arith.constant 0 : i32
        %scatter3A_480 = tpu.memref_slice %arg8[%and3A_242, %scatter3A_477, %scatter3A_478, %scatter3A_479] : memref<4x8x8x128xf32, #tpu.memory_space<vmem>> -> memref<1x8x8x128xf32, #tpu.memory_space<vmem>>
        %scatter3A_481 = tpu.memref_squeeze %scatter3A_480 : memref<1x8x8x128xf32, #tpu.memory_space<vmem>> -> memref<8x8x128xf32, #tpu.memory_space<vmem>>
        tpu.vector_store_idx %scatter3A_481[%shift_right_logical3A_413, %and3A_416, %add3A_17], %mul3A_476 : memref<8x8x128xf32, #tpu.memory_space<vmem>>[vector<16xi32>, vector<16xi32>, vector<16xi32>], vector<16xf32>,
        %gather3A_482 = arith.constant 0 : i32
        %gather3A_483 = arith.constant 0 : i32
        %gather3A_484 = tpu.memref_slice %arg7[%and3A_242, %gather3A_482, %gather3A_483] : memref<4x128x64xf32, #tpu.memory_space<vmem>> -> memref<1x128x64xf32, #tpu.memory_space<vmem>>
        %gather3A_485 = tpu.memref_squeeze %gather3A_484 : memref<1x128x64xf32, #tpu.memory_space<vmem>> -> memref<128x64xf32, #tpu.memory_space<vmem>>
        %gather3A_486 = tpu.vector_load_idx %gather3A_485[%add3A_20, %add3A_410] : memref<128x64xf32, #tpu.memory_space<vmem>>[vector<16xi32>, vector<16xi32>], vector<16xf32>,
        %mul3A_487 = arith.constant 8.000000e+00 : f32
        %mul3A_488 = vector.broadcast %mul3A_487 : f32 to vector<16xf32>
        %mul3A_489 = arith.mulf %gather3A_486, %mul3A_488 : vector<16xf32>
        %scatter3A_490 = arith.constant 0 : i32
        %scatter3A_491 = arith.constant 0 : i32
        %scatter3A_492 = arith.constant 0 : i32
        %scatter3A_493 = tpu.memref_slice %arg8[%and3A_242, %scatter3A_490, %scatter3A_491, %scatter3A_492] : memref<4x8x8x128xf32, #tpu.memory_space<vmem>> -> memref<1x8x8x128xf32, #tpu.memory_space<vmem>>
        %scatter3A_494 = tpu.memref_squeeze %scatter3A_493 : memref<1x8x8x128xf32, #tpu.memory_space<vmem>> -> memref<8x8x128xf32, #tpu.memory_space<vmem>>
        tpu.vector_store_idx %scatter3A_494[%shift_right_logical3A_413, %and3A_416, %add3A_20], %mul3A_489 : memref<8x8x128xf32, #tpu.memory_space<vmem>>[vector<16xi32>, vector<16xi32>, vector<16xi32>], vector<16xf32>,
        %gather3A_495 = arith.constant 0 : i32
        %gather3A_496 = arith.constant 0 : i32
        %gather3A_497 = tpu.memref_slice %arg7[%and3A_242, %gather3A_495, %gather3A_496] : memref<4x128x64xf32, #tpu.memory_space<vmem>> -> memref<1x128x64xf32, #tpu.memory_space<vmem>>
        %gather3A_498 = tpu.memref_squeeze %gather3A_497 : memref<1x128x64xf32, #tpu.memory_space<vmem>> -> memref<128x64xf32, #tpu.memory_space<vmem>>
        %gather3A_499 = tpu.vector_load_idx %gather3A_498[%add3A_23, %add3A_410] : memref<128x64xf32, #tpu.memory_space<vmem>>[vector<16xi32>, vector<16xi32>], vector<16xf32>,
        %mul3A_500 = arith.constant 8.000000e+00 : f32
        %mul3A_501 = vector.broadcast %mul3A_500 : f32 to vector<16xf32>
        %mul3A_502 = arith.mulf %gather3A_499, %mul3A_501 : vector<16xf32>
        %scatter3A_503 = arith.constant 0 : i32
        %scatter3A_504 = arith.constant 0 : i32
        %scatter3A_505 = arith.constant 0 : i32
        %scatter3A_506 = tpu.memref_slice %arg8[%and3A_242, %scatter3A_503, %scatter3A_504, %scatter3A_505] : memref<4x8x8x128xf32, #tpu.memory_space<vmem>> -> memref<1x8x8x128xf32, #tpu.memory_space<vmem>>
        %scatter3A_507 = tpu.memref_squeeze %scatter3A_506 : memref<1x8x8x128xf32, #tpu.memory_space<vmem>> -> memref<8x8x128xf32, #tpu.memory_space<vmem>>
        tpu.vector_store_idx %scatter3A_507[%shift_right_logical3A_413, %and3A_416, %add3A_23], %mul3A_502 : memref<8x8x128xf32, #tpu.memory_space<vmem>>[vector<16xi32>, vector<16xi32>, vector<16xi32>], vector<16xf32>,
        %gather3A_508 = arith.constant 0 : i32
        %gather3A_509 = arith.constant 0 : i32
        %gather3A_510 = tpu.memref_slice %arg7[%and3A_242, %gather3A_508, %gather3A_509] : memref<4x128x64xf32, #tpu.memory_space<vmem>> -> memref<1x128x64xf32, #tpu.memory_space<vmem>>
        %gather3A_511 = tpu.memref_squeeze %gather3A_510 : memref<1x128x64xf32, #tpu.memory_space<vmem>> -> memref<128x64xf32, #tpu.memory_space<vmem>>
        %gather3A_512 = tpu.vector_load_idx %gather3A_511[%add3A_26, %add3A_410] : memref<128x64xf32, #tpu.memory_space<vmem>>[vector<16xi32>, vector<16xi32>], vector<16xf32>,
        %mul3A_513 = arith.constant 8.000000e+00 : f32
        %mul3A_514 = vector.broadcast %mul3A_513 : f32 to vector<16xf32>
        %mul3A_515 = arith.mulf %gather3A_512, %mul3A_514 : vector<16xf32>
        %scatter3A_516 = arith.constant 0 : i32
        %scatter3A_517 = arith.constant 0 : i32
        %scatter3A_518 = arith.constant 0 : i32
        %scatter3A_519 = tpu.memref_slice %arg8[%and3A_242, %scatter3A_516, %scatter3A_517, %scatter3A_518] : memref<4x8x8x128xf32, #tpu.memory_space<vmem>> -> memref<1x8x8x128xf32, #tpu.memory_space<vmem>>
        %scatter3A_520 = tpu.memref_squeeze %scatter3A_519 : memref<1x8x8x128xf32, #tpu.memory_space<vmem>> -> memref<8x8x128xf32, #tpu.memory_space<vmem>>
        tpu.vector_store_idx %scatter3A_520[%shift_right_logical3A_413, %and3A_416, %add3A_26], %mul3A_515 : memref<8x8x128xf32, #tpu.memory_space<vmem>>[vector<16xi32>, vector<16xi32>, vector<16xi32>], vector<16xf32>,
        %add3A_521 = arith.constant 32 : i32
        %add3A_522 = vector.broadcast %add3A_521 : i32 to vector<16xi32>
        %add3A_523 = arith.addi %and3A_296, %add3A_522 : vector<16xi32>
        %shift_right_logical3A_524 = arith.constant 3 : i32
        %shift_right_logical3A_525 = vector.broadcast %shift_right_logical3A_524 : i32 to vector<16xi32>
        %shift_right_logical3A_526 = arith.shrui %add3A_523, %shift_right_logical3A_525 : vector<16xi32>
        %and3A_527 = arith.constant 7 : i32
        %and3A_528 = vector.broadcast %and3A_527 : i32 to vector<16xi32>
        %and3A_529 = arith.andi %add3A_523, %and3A_528 : vector<16xi32>
        %gather3A_530 = arith.constant 0 : i32
        %gather3A_531 = arith.constant 0 : i32
        %gather3A_532 = tpu.memref_slice %arg7[%and3A_242, %gather3A_530, %gather3A_531] : memref<4x128x64xf32, #tpu.memory_space<vmem>> -> memref<1x128x64xf32, #tpu.memory_space<vmem>>
        %gather3A_533 = tpu.memref_squeeze %gather3A_532 : memref<1x128x64xf32, #tpu.memory_space<vmem>> -> memref<128x64xf32, #tpu.memory_space<vmem>>
        %gather3A_534 = tpu.vector_load_idx %gather3A_533[%add3A_5, %add3A_523] : memref<128x64xf32, #tpu.memory_space<vmem>>[vector<16xi32>, vector<16xi32>], vector<16xf32>,
        %mul3A_535 = arith.constant 8.000000e+00 : f32
        %mul3A_536 = vector.broadcast %mul3A_535 : f32 to vector<16xf32>
        %mul3A_537 = arith.mulf %gather3A_534, %mul3A_536 : vector<16xf32>
        %scatter3A_538 = arith.constant 0 : i32
        %scatter3A_539 = arith.constant 0 : i32
        %scatter3A_540 = arith.constant 0 : i32
        %scatter3A_541 = tpu.memref_slice %arg8[%and3A_242, %scatter3A_538, %scatter3A_539, %scatter3A_540] : memref<4x8x8x128xf32, #tpu.memory_space<vmem>> -> memref<1x8x8x128xf32, #tpu.memory_space<vmem>>
        %scatter3A_542 = tpu.memref_squeeze %scatter3A_541 : memref<1x8x8x128xf32, #tpu.memory_space<vmem>> -> memref<8x8x128xf32, #tpu.memory_space<vmem>>
        tpu.vector_store_idx %scatter3A_542[%shift_right_logical3A_526, %and3A_529, %add3A_5], %mul3A_537 : memref<8x8x128xf32, #tpu.memory_space<vmem>>[vector<16xi32>, vector<16xi32>, vector<16xi32>], vector<16xf32>,
        %gather3A_543 = arith.constant 0 : i32
        %gather3A_544 = arith.constant 0 : i32
        %gather3A_545 = tpu.memref_slice %arg7[%and3A_242, %gather3A_543, %gather3A_544] : memref<4x128x64xf32, #tpu.memory_space<vmem>> -> memref<1x128x64xf32, #tpu.memory_space<vmem>>
        %gather3A_546 = tpu.memref_squeeze %gather3A_545 : memref<1x128x64xf32, #tpu.memory_space<vmem>> -> memref<128x64xf32, #tpu.memory_space<vmem>>
        %gather3A_547 = tpu.vector_load_idx %gather3A_546[%add3A_8, %add3A_523] : memref<128x64xf32, #tpu.memory_space<vmem>>[vector<16xi32>, vector<16xi32>], vector<16xf32>,
        %mul3A_548 = arith.constant 8.000000e+00 : f32
        %mul3A_549 = vector.broadcast %mul3A_548 : f32 to vector<16xf32>
        %mul3A_550 = arith.mulf %gather3A_547, %mul3A_549 : vector<16xf32>
        %scatter3A_551 = arith.constant 0 : i32
        %scatter3A_552 = arith.constant 0 : i32
        %scatter3A_553 = arith.constant 0 : i32
        %scatter3A_554 = tpu.memref_slice %arg8[%and3A_242, %scatter3A_551, %scatter3A_552, %scatter3A_553] : memref<4x8x8x128xf32, #tpu.memory_space<vmem>> -> memref<1x8x8x128xf32, #tpu.memory_space<vmem>>
        %scatter3A_555 = tpu.memref_squeeze %scatter3A_554 : memref<1x8x8x128xf32, #tpu.memory_space<vmem>> -> memref<8x8x128xf32, #tpu.memory_space<vmem>>
        tpu.vector_store_idx %scatter3A_555[%shift_right_logical3A_526, %and3A_529, %add3A_8], %mul3A_550 : memref<8x8x128xf32, #tpu.memory_space<vmem>>[vector<16xi32>, vector<16xi32>, vector<16xi32>], vector<16xf32>,
        %gather3A_556 = arith.constant 0 : i32
        %gather3A_557 = arith.constant 0 : i32
        %gather3A_558 = tpu.memref_slice %arg7[%and3A_242, %gather3A_556, %gather3A_557] : memref<4x128x64xf32, #tpu.memory_space<vmem>> -> memref<1x128x64xf32, #tpu.memory_space<vmem>>
        %gather3A_559 = tpu.memref_squeeze %gather3A_558 : memref<1x128x64xf32, #tpu.memory_space<vmem>> -> memref<128x64xf32, #tpu.memory_space<vmem>>
        %gather3A_560 = tpu.vector_load_idx %gather3A_559[%add3A_11, %add3A_523] : memref<128x64xf32, #tpu.memory_space<vmem>>[vector<16xi32>, vector<16xi32>], vector<16xf32>,
        %mul3A_561 = arith.constant 8.000000e+00 : f32
        %mul3A_562 = vector.broadcast %mul3A_561 : f32 to vector<16xf32>
        %mul3A_563 = arith.mulf %gather3A_560, %mul3A_562 : vector<16xf32>
        %scatter3A_564 = arith.constant 0 : i32
        %scatter3A_565 = arith.constant 0 : i32
        %scatter3A_566 = arith.constant 0 : i32
        %scatter3A_567 = tpu.memref_slice %arg8[%and3A_242, %scatter3A_564, %scatter3A_565, %scatter3A_566] : memref<4x8x8x128xf32, #tpu.memory_space<vmem>> -> memref<1x8x8x128xf32, #tpu.memory_space<vmem>>
        %scatter3A_568 = tpu.memref_squeeze %scatter3A_567 : memref<1x8x8x128xf32, #tpu.memory_space<vmem>> -> memref<8x8x128xf32, #tpu.memory_space<vmem>>
        tpu.vector_store_idx %scatter3A_568[%shift_right_logical3A_526, %and3A_529, %add3A_11], %mul3A_563 : memref<8x8x128xf32, #tpu.memory_space<vmem>>[vector<16xi32>, vector<16xi32>, vector<16xi32>], vector<16xf32>,
        %gather3A_569 = arith.constant 0 : i32
        %gather3A_570 = arith.constant 0 : i32
        %gather3A_571 = tpu.memref_slice %arg7[%and3A_242, %gather3A_569, %gather3A_570] : memref<4x128x64xf32, #tpu.memory_space<vmem>> -> memref<1x128x64xf32, #tpu.memory_space<vmem>>
        %gather3A_572 = tpu.memref_squeeze %gather3A_571 : memref<1x128x64xf32, #tpu.memory_space<vmem>> -> memref<128x64xf32, #tpu.memory_space<vmem>>
        %gather3A_573 = tpu.vector_load_idx %gather3A_572[%add3A_14, %add3A_523] : memref<128x64xf32, #tpu.memory_space<vmem>>[vector<16xi32>, vector<16xi32>], vector<16xf32>,
        %mul3A_574 = arith.constant 8.000000e+00 : f32
        %mul3A_575 = vector.broadcast %mul3A_574 : f32 to vector<16xf32>
        %mul3A_576 = arith.mulf %gather3A_573, %mul3A_575 : vector<16xf32>
        %scatter3A_577 = arith.constant 0 : i32
        %scatter3A_578 = arith.constant 0 : i32
        %scatter3A_579 = arith.constant 0 : i32
        %scatter3A_580 = tpu.memref_slice %arg8[%and3A_242, %scatter3A_577, %scatter3A_578, %scatter3A_579] : memref<4x8x8x128xf32, #tpu.memory_space<vmem>> -> memref<1x8x8x128xf32, #tpu.memory_space<vmem>>
        %scatter3A_581 = tpu.memref_squeeze %scatter3A_580 : memref<1x8x8x128xf32, #tpu.memory_space<vmem>> -> memref<8x8x128xf32, #tpu.memory_space<vmem>>
        tpu.vector_store_idx %scatter3A_581[%shift_right_logical3A_526, %and3A_529, %add3A_14], %mul3A_576 : memref<8x8x128xf32, #tpu.memory_space<vmem>>[vector<16xi32>, vector<16xi32>, vector<16xi32>], vector<16xf32>,
        %gather3A_582 = arith.constant 0 : i32
        %gather3A_583 = arith.constant 0 : i32
        %gather3A_584 = tpu.memref_slice %arg7[%and3A_242, %gather3A_582, %gather3A_583] : memref<4x128x64xf32, #tpu.memory_space<vmem>> -> memref<1x128x64xf32, #tpu.memory_space<vmem>>
        %gather3A_585 = tpu.memref_squeeze %gather3A_584 : memref<1x128x64xf32, #tpu.memory_space<vmem>> -> memref<128x64xf32, #tpu.memory_space<vmem>>
        %gather3A_586 = tpu.vector_load_idx %gather3A_585[%add3A_17, %add3A_523] : memref<128x64xf32, #tpu.memory_space<vmem>>[vector<16xi32>, vector<16xi32>], vector<16xf32>,
        %mul3A_587 = arith.constant 8.000000e+00 : f32
        %mul3A_588 = vector.broadcast %mul3A_587 : f32 to vector<16xf32>
        %mul3A_589 = arith.mulf %gather3A_586, %mul3A_588 : vector<16xf32>
        %scatter3A_590 = arith.constant 0 : i32
        %scatter3A_591 = arith.constant 0 : i32
        %scatter3A_592 = arith.constant 0 : i32
        %scatter3A_593 = tpu.memref_slice %arg8[%and3A_242, %scatter3A_590, %scatter3A_591, %scatter3A_592] : memref<4x8x8x128xf32, #tpu.memory_space<vmem>> -> memref<1x8x8x128xf32, #tpu.memory_space<vmem>>
        %scatter3A_594 = tpu.memref_squeeze %scatter3A_593 : memref<1x8x8x128xf32, #tpu.memory_space<vmem>> -> memref<8x8x128xf32, #tpu.memory_space<vmem>>
        tpu.vector_store_idx %scatter3A_594[%shift_right_logical3A_526, %and3A_529, %add3A_17], %mul3A_589 : memref<8x8x128xf32, #tpu.memory_space<vmem>>[vector<16xi32>, vector<16xi32>, vector<16xi32>], vector<16xf32>,
        %gather3A_595 = arith.constant 0 : i32
        %gather3A_596 = arith.constant 0 : i32
        %gather3A_597 = tpu.memref_slice %arg7[%and3A_242, %gather3A_595, %gather3A_596] : memref<4x128x64xf32, #tpu.memory_space<vmem>> -> memref<1x128x64xf32, #tpu.memory_space<vmem>>
        %gather3A_598 = tpu.memref_squeeze %gather3A_597 : memref<1x128x64xf32, #tpu.memory_space<vmem>> -> memref<128x64xf32, #tpu.memory_space<vmem>>
        %gather3A_599 = tpu.vector_load_idx %gather3A_598[%add3A_20, %add3A_523] : memref<128x64xf32, #tpu.memory_space<vmem>>[vector<16xi32>, vector<16xi32>], vector<16xf32>,
        %mul3A_600 = arith.constant 8.000000e+00 : f32
        %mul3A_601 = vector.broadcast %mul3A_600 : f32 to vector<16xf32>
        %mul3A_602 = arith.mulf %gather3A_599, %mul3A_601 : vector<16xf32>
        %scatter3A_603 = arith.constant 0 : i32
        %scatter3A_604 = arith.constant 0 : i32
        %scatter3A_605 = arith.constant 0 : i32
        %scatter3A_606 = tpu.memref_slice %arg8[%and3A_242, %scatter3A_603, %scatter3A_604, %scatter3A_605] : memref<4x8x8x128xf32, #tpu.memory_space<vmem>> -> memref<1x8x8x128xf32, #tpu.memory_space<vmem>>
        %scatter3A_607 = tpu.memref_squeeze %scatter3A_606 : memref<1x8x8x128xf32, #tpu.memory_space<vmem>> -> memref<8x8x128xf32, #tpu.memory_space<vmem>>
        tpu.vector_store_idx %scatter3A_607[%shift_right_logical3A_526, %and3A_529, %add3A_20], %mul3A_602 : memref<8x8x128xf32, #tpu.memory_space<vmem>>[vector<16xi32>, vector<16xi32>, vector<16xi32>], vector<16xf32>,
        %gather3A_608 = arith.constant 0 : i32
        %gather3A_609 = arith.constant 0 : i32
        %gather3A_610 = tpu.memref_slice %arg7[%and3A_242, %gather3A_608, %gather3A_609] : memref<4x128x64xf32, #tpu.memory_space<vmem>> -> memref<1x128x64xf32, #tpu.memory_space<vmem>>
        %gather3A_611 = tpu.memref_squeeze %gather3A_610 : memref<1x128x64xf32, #tpu.memory_space<vmem>> -> memref<128x64xf32, #tpu.memory_space<vmem>>
        %gather3A_612 = tpu.vector_load_idx %gather3A_611[%add3A_23, %add3A_523] : memref<128x64xf32, #tpu.memory_space<vmem>>[vector<16xi32>, vector<16xi32>], vector<16xf32>,
        %mul3A_613 = arith.constant 8.000000e+00 : f32
        %mul3A_614 = vector.broadcast %mul3A_613 : f32 to vector<16xf32>
        %mul3A_615 = arith.mulf %gather3A_612, %mul3A_614 : vector<16xf32>
        %scatter3A_616 = arith.constant 0 : i32
        %scatter3A_617 = arith.constant 0 : i32
        %scatter3A_618 = arith.constant 0 : i32
        %scatter3A_619 = tpu.memref_slice %arg8[%and3A_242, %scatter3A_616, %scatter3A_617, %scatter3A_618] : memref<4x8x8x128xf32, #tpu.memory_space<vmem>> -> memref<1x8x8x128xf32, #tpu.memory_space<vmem>>
        %scatter3A_620 = tpu.memref_squeeze %scatter3A_619 : memref<1x8x8x128xf32, #tpu.memory_space<vmem>> -> memref<8x8x128xf32, #tpu.memory_space<vmem>>
        tpu.vector_store_idx %scatter3A_620[%shift_right_logical3A_526, %and3A_529, %add3A_23], %mul3A_615 : memref<8x8x128xf32, #tpu.memory_space<vmem>>[vector<16xi32>, vector<16xi32>, vector<16xi32>], vector<16xf32>,
        %gather3A_621 = arith.constant 0 : i32
        %gather3A_622 = arith.constant 0 : i32
        %gather3A_623 = tpu.memref_slice %arg7[%and3A_242, %gather3A_621, %gather3A_622] : memref<4x128x64xf32, #tpu.memory_space<vmem>> -> memref<1x128x64xf32, #tpu.memory_space<vmem>>
        %gather3A_624 = tpu.memref_squeeze %gather3A_623 : memref<1x128x64xf32, #tpu.memory_space<vmem>> -> memref<128x64xf32, #tpu.memory_space<vmem>>
        %gather3A_625 = tpu.vector_load_idx %gather3A_624[%add3A_26, %add3A_523] : memref<128x64xf32, #tpu.memory_space<vmem>>[vector<16xi32>, vector<16xi32>], vector<16xf32>,
        %mul3A_626 = arith.constant 8.000000e+00 : f32
        %mul3A_627 = vector.broadcast %mul3A_626 : f32 to vector<16xf32>
        %mul3A_628 = arith.mulf %gather3A_625, %mul3A_627 : vector<16xf32>
        %scatter3A_629 = arith.constant 0 : i32
        %scatter3A_630 = arith.constant 0 : i32
        %scatter3A_631 = arith.constant 0 : i32
        %scatter3A_632 = tpu.memref_slice %arg8[%and3A_242, %scatter3A_629, %scatter3A_630, %scatter3A_631] : memref<4x8x8x128xf32, #tpu.memory_space<vmem>> -> memref<1x8x8x128xf32, #tpu.memory_space<vmem>>
        %scatter3A_633 = tpu.memref_squeeze %scatter3A_632 : memref<1x8x8x128xf32, #tpu.memory_space<vmem>> -> memref<8x8x128xf32, #tpu.memory_space<vmem>>
        tpu.vector_store_idx %scatter3A_633[%shift_right_logical3A_526, %and3A_529, %add3A_26], %mul3A_628 : memref<8x8x128xf32, #tpu.memory_space<vmem>>[vector<16xi32>, vector<16xi32>, vector<16xi32>], vector<16xf32>,
        %add3A_634 = arith.constant 48 : i32
        %add3A_635 = vector.broadcast %add3A_634 : i32 to vector<16xi32>
        %add3A_636 = arith.addi %and3A_296, %add3A_635 : vector<16xi32>
        %shift_right_logical3A_637 = arith.constant 3 : i32
        %shift_right_logical3A_638 = vector.broadcast %shift_right_logical3A_637 : i32 to vector<16xi32>
        %shift_right_logical3A_639 = arith.shrui %add3A_636, %shift_right_logical3A_638 : vector<16xi32>
        %and3A_640 = arith.constant 7 : i32
        %and3A_641 = vector.broadcast %and3A_640 : i32 to vector<16xi32>
        %and3A_642 = arith.andi %add3A_636, %and3A_641 : vector<16xi32>
        %gather3A_643 = arith.constant 0 : i32
        %gather3A_644 = arith.constant 0 : i32
        %gather3A_645 = tpu.memref_slice %arg7[%and3A_242, %gather3A_643, %gather3A_644] : memref<4x128x64xf32, #tpu.memory_space<vmem>> -> memref<1x128x64xf32, #tpu.memory_space<vmem>>
        %gather3A_646 = tpu.memref_squeeze %gather3A_645 : memref<1x128x64xf32, #tpu.memory_space<vmem>> -> memref<128x64xf32, #tpu.memory_space<vmem>>
        %gather3A_647 = tpu.vector_load_idx %gather3A_646[%add3A_5, %add3A_636] : memref<128x64xf32, #tpu.memory_space<vmem>>[vector<16xi32>, vector<16xi32>], vector<16xf32>,
        %mul3A_648 = arith.constant 8.000000e+00 : f32
        %mul3A_649 = vector.broadcast %mul3A_648 : f32 to vector<16xf32>
        %mul3A_650 = arith.mulf %gather3A_647, %mul3A_649 : vector<16xf32>
        %scatter3A_651 = arith.constant 0 : i32
        %scatter3A_652 = arith.constant 0 : i32
        %scatter3A_653 = arith.constant 0 : i32
        %scatter3A_654 = tpu.memref_slice %arg8[%and3A_242, %scatter3A_651, %scatter3A_652, %scatter3A_653] : memref<4x8x8x128xf32, #tpu.memory_space<vmem>> -> memref<1x8x8x128xf32, #tpu.memory_space<vmem>>
        %scatter3A_655 = tpu.memref_squeeze %scatter3A_654 : memref<1x8x8x128xf32, #tpu.memory_space<vmem>> -> memref<8x8x128xf32, #tpu.memory_space<vmem>>
        tpu.vector_store_idx %scatter3A_655[%shift_right_logical3A_639, %and3A_642, %add3A_5], %mul3A_650 : memref<8x8x128xf32, #tpu.memory_space<vmem>>[vector<16xi32>, vector<16xi32>, vector<16xi32>], vector<16xf32>,
        %gather3A_656 = arith.constant 0 : i32
        %gather3A_657 = arith.constant 0 : i32
        %gather3A_658 = tpu.memref_slice %arg7[%and3A_242, %gather3A_656, %gather3A_657] : memref<4x128x64xf32, #tpu.memory_space<vmem>> -> memref<1x128x64xf32, #tpu.memory_space<vmem>>
        %gather3A_659 = tpu.memref_squeeze %gather3A_658 : memref<1x128x64xf32, #tpu.memory_space<vmem>> -> memref<128x64xf32, #tpu.memory_space<vmem>>
        %gather3A_660 = tpu.vector_load_idx %gather3A_659[%add3A_8, %add3A_636] : memref<128x64xf32, #tpu.memory_space<vmem>>[vector<16xi32>, vector<16xi32>], vector<16xf32>,
        %mul3A_661 = arith.constant 8.000000e+00 : f32
        %mul3A_662 = vector.broadcast %mul3A_661 : f32 to vector<16xf32>
        %mul3A_663 = arith.mulf %gather3A_660, %mul3A_662 : vector<16xf32>
        %scatter3A_664 = arith.constant 0 : i32
        %scatter3A_665 = arith.constant 0 : i32
        %scatter3A_666 = arith.constant 0 : i32
        %scatter3A_667 = tpu.memref_slice %arg8[%and3A_242, %scatter3A_664, %scatter3A_665, %scatter3A_666] : memref<4x8x8x128xf32, #tpu.memory_space<vmem>> -> memref<1x8x8x128xf32, #tpu.memory_space<vmem>>
        %scatter3A_668 = tpu.memref_squeeze %scatter3A_667 : memref<1x8x8x128xf32, #tpu.memory_space<vmem>> -> memref<8x8x128xf32, #tpu.memory_space<vmem>>
        tpu.vector_store_idx %scatter3A_668[%shift_right_logical3A_639, %and3A_642, %add3A_8], %mul3A_663 : memref<8x8x128xf32, #tpu.memory_space<vmem>>[vector<16xi32>, vector<16xi32>, vector<16xi32>], vector<16xf32>,
        %gather3A_669 = arith.constant 0 : i32
        %gather3A_670 = arith.constant 0 : i32
        %gather3A_671 = tpu.memref_slice %arg7[%and3A_242, %gather3A_669, %gather3A_670] : memref<4x128x64xf32, #tpu.memory_space<vmem>> -> memref<1x128x64xf32, #tpu.memory_space<vmem>>
        %gather3A_672 = tpu.memref_squeeze %gather3A_671 : memref<1x128x64xf32, #tpu.memory_space<vmem>> -> memref<128x64xf32, #tpu.memory_space<vmem>>
        %gather3A_673 = tpu.vector_load_idx %gather3A_672[%add3A_11, %add3A_636] : memref<128x64xf32, #tpu.memory_space<vmem>>[vector<16xi32>, vector<16xi32>], vector<16xf32>,
        %mul3A_674 = arith.constant 8.000000e+00 : f32
        %mul3A_675 = vector.broadcast %mul3A_674 : f32 to vector<16xf32>
        %mul3A_676 = arith.mulf %gather3A_673, %mul3A_675 : vector<16xf32>
        %scatter3A_677 = arith.constant 0 : i32
        %scatter3A_678 = arith.constant 0 : i32
        %scatter3A_679 = arith.constant 0 : i32
        %scatter3A_680 = tpu.memref_slice %arg8[%and3A_242, %scatter3A_677, %scatter3A_678, %scatter3A_679] : memref<4x8x8x128xf32, #tpu.memory_space<vmem>> -> memref<1x8x8x128xf32, #tpu.memory_space<vmem>>
        %scatter3A_681 = tpu.memref_squeeze %scatter3A_680 : memref<1x8x8x128xf32, #tpu.memory_space<vmem>> -> memref<8x8x128xf32, #tpu.memory_space<vmem>>
        tpu.vector_store_idx %scatter3A_681[%shift_right_logical3A_639, %and3A_642, %add3A_11], %mul3A_676 : memref<8x8x128xf32, #tpu.memory_space<vmem>>[vector<16xi32>, vector<16xi32>, vector<16xi32>], vector<16xf32>,
        %gather3A_682 = arith.constant 0 : i32
        %gather3A_683 = arith.constant 0 : i32
        %gather3A_684 = tpu.memref_slice %arg7[%and3A_242, %gather3A_682, %gather3A_683] : memref<4x128x64xf32, #tpu.memory_space<vmem>> -> memref<1x128x64xf32, #tpu.memory_space<vmem>>
        %gather3A_685 = tpu.memref_squeeze %gather3A_684 : memref<1x128x64xf32, #tpu.memory_space<vmem>> -> memref<128x64xf32, #tpu.memory_space<vmem>>
        %gather3A_686 = tpu.vector_load_idx %gather3A_685[%add3A_14, %add3A_636] : memref<128x64xf32, #tpu.memory_space<vmem>>[vector<16xi32>, vector<16xi32>], vector<16xf32>,
        %mul3A_687 = arith.constant 8.000000e+00 : f32
        %mul3A_688 = vector.broadcast %mul3A_687 : f32 to vector<16xf32>
        %mul3A_689 = arith.mulf %gather3A_686, %mul3A_688 : vector<16xf32>
        %scatter3A_690 = arith.constant 0 : i32
        %scatter3A_691 = arith.constant 0 : i32
        %scatter3A_692 = arith.constant 0 : i32
        %scatter3A_693 = tpu.memref_slice %arg8[%and3A_242, %scatter3A_690, %scatter3A_691, %scatter3A_692] : memref<4x8x8x128xf32, #tpu.memory_space<vmem>> -> memref<1x8x8x128xf32, #tpu.memory_space<vmem>>
        %scatter3A_694 = tpu.memref_squeeze %scatter3A_693 : memref<1x8x8x128xf32, #tpu.memory_space<vmem>> -> memref<8x8x128xf32, #tpu.memory_space<vmem>>
        tpu.vector_store_idx %scatter3A_694[%shift_right_logical3A_639, %and3A_642, %add3A_14], %mul3A_689 : memref<8x8x128xf32, #tpu.memory_space<vmem>>[vector<16xi32>, vector<16xi32>, vector<16xi32>], vector<16xf32>,
        %gather3A_695 = arith.constant 0 : i32
        %gather3A_696 = arith.constant 0 : i32
        %gather3A_697 = tpu.memref_slice %arg7[%and3A_242, %gather3A_695, %gather3A_696] : memref<4x128x64xf32, #tpu.memory_space<vmem>> -> memref<1x128x64xf32, #tpu.memory_space<vmem>>
        %gather3A_698 = tpu.memref_squeeze %gather3A_697 : memref<1x128x64xf32, #tpu.memory_space<vmem>> -> memref<128x64xf32, #tpu.memory_space<vmem>>
        %gather3A_699 = tpu.vector_load_idx %gather3A_698[%add3A_17, %add3A_636] : memref<128x64xf32, #tpu.memory_space<vmem>>[vector<16xi32>, vector<16xi32>], vector<16xf32>,
        %mul3A_700 = arith.constant 8.000000e+00 : f32
        %mul3A_701 = vector.broadcast %mul3A_700 : f32 to vector<16xf32>
        %mul3A_702 = arith.mulf %gather3A_699, %mul3A_701 : vector<16xf32>
        %scatter3A_703 = arith.constant 0 : i32
        %scatter3A_704 = arith.constant 0 : i32
        %scatter3A_705 = arith.constant 0 : i32
        %scatter3A_706 = tpu.memref_slice %arg8[%and3A_242, %scatter3A_703, %scatter3A_704, %scatter3A_705] : memref<4x8x8x128xf32, #tpu.memory_space<vmem>> -> memref<1x8x8x128xf32, #tpu.memory_space<vmem>>
        %scatter3A_707 = tpu.memref_squeeze %scatter3A_706 : memref<1x8x8x128xf32, #tpu.memory_space<vmem>> -> memref<8x8x128xf32, #tpu.memory_space<vmem>>
        tpu.vector_store_idx %scatter3A_707[%shift_right_logical3A_639, %and3A_642, %add3A_17], %mul3A_702 : memref<8x8x128xf32, #tpu.memory_space<vmem>>[vector<16xi32>, vector<16xi32>, vector<16xi32>], vector<16xf32>,
        %gather3A_708 = arith.constant 0 : i32
        %gather3A_709 = arith.constant 0 : i32
        %gather3A_710 = tpu.memref_slice %arg7[%and3A_242, %gather3A_708, %gather3A_709] : memref<4x128x64xf32, #tpu.memory_space<vmem>> -> memref<1x128x64xf32, #tpu.memory_space<vmem>>
        %gather3A_711 = tpu.memref_squeeze %gather3A_710 : memref<1x128x64xf32, #tpu.memory_space<vmem>> -> memref<128x64xf32, #tpu.memory_space<vmem>>
        %gather3A_712 = tpu.vector_load_idx %gather3A_711[%add3A_20, %add3A_636] : memref<128x64xf32, #tpu.memory_space<vmem>>[vector<16xi32>, vector<16xi32>], vector<16xf32>,
        %mul3A_713 = arith.constant 8.000000e+00 : f32
        %mul3A_714 = vector.broadcast %mul3A_713 : f32 to vector<16xf32>
        %mul3A_715 = arith.mulf %gather3A_712, %mul3A_714 : vector<16xf32>
        %scatter3A_716 = arith.constant 0 : i32
        %scatter3A_717 = arith.constant 0 : i32
        %scatter3A_718 = arith.constant 0 : i32
        %scatter3A_719 = tpu.memref_slice %arg8[%and3A_242, %scatter3A_716, %scatter3A_717, %scatter3A_718] : memref<4x8x8x128xf32, #tpu.memory_space<vmem>> -> memref<1x8x8x128xf32, #tpu.memory_space<vmem>>
        %scatter3A_720 = tpu.memref_squeeze %scatter3A_719 : memref<1x8x8x128xf32, #tpu.memory_space<vmem>> -> memref<8x8x128xf32, #tpu.memory_space<vmem>>
        tpu.vector_store_idx %scatter3A_720[%shift_right_logical3A_639, %and3A_642, %add3A_20], %mul3A_715 : memref<8x8x128xf32, #tpu.memory_space<vmem>>[vector<16xi32>, vector<16xi32>, vector<16xi32>], vector<16xf32>,
        %gather3A_721 = arith.constant 0 : i32
        %gather3A_722 = arith.constant 0 : i32
        %gather3A_723 = tpu.memref_slice %arg7[%and3A_242, %gather3A_721, %gather3A_722] : memref<4x128x64xf32, #tpu.memory_space<vmem>> -> memref<1x128x64xf32, #tpu.memory_space<vmem>>
        %gather3A_724 = tpu.memref_squeeze %gather3A_723 : memref<1x128x64xf32, #tpu.memory_space<vmem>> -> memref<128x64xf32, #tpu.memory_space<vmem>>
        %gather3A_725 = tpu.vector_load_idx %gather3A_724[%add3A_23, %add3A_636] : memref<128x64xf32, #tpu.memory_space<vmem>>[vector<16xi32>, vector<16xi32>], vector<16xf32>,
        %mul3A_726 = arith.constant 8.000000e+00 : f32
        %mul3A_727 = vector.broadcast %mul3A_726 : f32 to vector<16xf32>
        %mul3A_728 = arith.mulf %gather3A_725, %mul3A_727 : vector<16xf32>
        %scatter3A_729 = arith.constant 0 : i32
        %scatter3A_730 = arith.constant 0 : i32
        %scatter3A_731 = arith.constant 0 : i32
        %scatter3A_732 = tpu.memref_slice %arg8[%and3A_242, %scatter3A_729, %scatter3A_730, %scatter3A_731] : memref<4x8x8x128xf32, #tpu.memory_space<vmem>> -> memref<1x8x8x128xf32, #tpu.memory_space<vmem>>
        %scatter3A_733 = tpu.memref_squeeze %scatter3A_732 : memref<1x8x8x128xf32, #tpu.memory_space<vmem>> -> memref<8x8x128xf32, #tpu.memory_space<vmem>>
        tpu.vector_store_idx %scatter3A_733[%shift_right_logical3A_639, %and3A_642, %add3A_23], %mul3A_728 : memref<8x8x128xf32, #tpu.memory_space<vmem>>[vector<16xi32>, vector<16xi32>, vector<16xi32>], vector<16xf32>,
        %gather3A_734 = arith.constant 0 : i32
        %gather3A_735 = arith.constant 0 : i32
        %gather3A_736 = tpu.memref_slice %arg7[%and3A_242, %gather3A_734, %gather3A_735] : memref<4x128x64xf32, #tpu.memory_space<vmem>> -> memref<1x128x64xf32, #tpu.memory_space<vmem>>
        %gather3A_737 = tpu.memref_squeeze %gather3A_736 : memref<1x128x64xf32, #tpu.memory_space<vmem>> -> memref<128x64xf32, #tpu.memory_space<vmem>>
        %gather3A_738 = tpu.vector_load_idx %gather3A_737[%add3A_26, %add3A_636] : memref<128x64xf32, #tpu.memory_space<vmem>>[vector<16xi32>, vector<16xi32>], vector<16xf32>,
        %mul3A_739 = arith.constant 8.000000e+00 : f32
        %mul3A_740 = vector.broadcast %mul3A_739 : f32 to vector<16xf32>
        %mul3A_741 = arith.mulf %gather3A_738, %mul3A_740 : vector<16xf32>
        %scatter3A_742 = arith.constant 0 : i32
        %scatter3A_743 = arith.constant 0 : i32
        %scatter3A_744 = arith.constant 0 : i32
        %scatter3A_745 = tpu.memref_slice %arg8[%and3A_242, %scatter3A_742, %scatter3A_743, %scatter3A_744] : memref<4x8x8x128xf32, #tpu.memory_space<vmem>> -> memref<1x8x8x128xf32, #tpu.memory_space<vmem>>
        %scatter3A_746 = tpu.memref_squeeze %scatter3A_745 : memref<1x8x8x128xf32, #tpu.memory_space<vmem>> -> memref<8x8x128xf32, #tpu.memory_space<vmem>>
        tpu.vector_store_idx %scatter3A_746[%shift_right_logical3A_639, %and3A_642, %add3A_26], %mul3A_741 : memref<8x8x128xf32, #tpu.memory_space<vmem>>[vector<16xi32>, vector<16xi32>, vector<16xi32>], vector<16xf32>,
        %scan3A_747 = arith.constant 1 : i32
        %scan3A_748 = arith.addi %scan3A_291, %scan3A_747 : i32
        %add3A_749 = vector.broadcast %scan3A_748 : i32 to vector<16xi32>
        %add3A_750 = arith.addi %iota3A, %add3A_749 : vector<16xi32>
        %and3A_751 = arith.constant 15 : i32
        %and3A_752 = vector.broadcast %and3A_751 : i32 to vector<16xi32>
        %and3A_753 = arith.andi %add3A_750, %and3A_752 : vector<16xi32>
        %add3A_754 = arith.constant 0 : i32
        %add3A_755 = vector.broadcast %add3A_754 : i32 to vector<16xi32>
        %add3A_756 = arith.addi %and3A_753, %add3A_755 : vector<16xi32>
        %shift_right_logical3A_757 = arith.constant 3 : i32
        %shift_right_logical3A_758 = vector.broadcast %shift_right_logical3A_757 : i32 to vector<16xi32>
        %shift_right_logical3A_759 = arith.shrui %add3A_756, %shift_right_logical3A_758 : vector<16xi32>
        %and3A_760 = arith.constant 7 : i32
        %and3A_761 = vector.broadcast %and3A_760 : i32 to vector<16xi32>
        %and3A_762 = arith.andi %add3A_756, %and3A_761 : vector<16xi32>
        %gather3A_763 = arith.constant 0 : i32
        %gather3A_764 = arith.constant 0 : i32
        %gather3A_765 = tpu.memref_slice %arg7[%and3A_242, %gather3A_763, %gather3A_764] : memref<4x128x64xf32, #tpu.memory_space<vmem>> -> memref<1x128x64xf32, #tpu.memory_space<vmem>>
        %gather3A_766 = tpu.memref_squeeze %gather3A_765 : memref<1x128x64xf32, #tpu.memory_space<vmem>> -> memref<128x64xf32, #tpu.memory_space<vmem>>
        %gather3A_767 = tpu.vector_load_idx %gather3A_766[%add3A_5, %add3A_756] : memref<128x64xf32, #tpu.memory_space<vmem>>[vector<16xi32>, vector<16xi32>], vector<16xf32>,
        %mul3A_768 = arith.constant 8.000000e+00 : f32
        %mul3A_769 = vector.broadcast %mul3A_768 : f32 to vector<16xf32>
        %mul3A_770 = arith.mulf %gather3A_767, %mul3A_769 : vector<16xf32>
        %scatter3A_771 = arith.constant 0 : i32
        %scatter3A_772 = arith.constant 0 : i32
        %scatter3A_773 = arith.constant 0 : i32
        %scatter3A_774 = tpu.memref_slice %arg8[%and3A_242, %scatter3A_771, %scatter3A_772, %scatter3A_773] : memref<4x8x8x128xf32, #tpu.memory_space<vmem>> -> memref<1x8x8x128xf32, #tpu.memory_space<vmem>>
        %scatter3A_775 = tpu.memref_squeeze %scatter3A_774 : memref<1x8x8x128xf32, #tpu.memory_space<vmem>> -> memref<8x8x128xf32, #tpu.memory_space<vmem>>
        tpu.vector_store_idx %scatter3A_775[%shift_right_logical3A_759, %and3A_762, %add3A_5], %mul3A_770 : memref<8x8x128xf32, #tpu.memory_space<vmem>>[vector<16xi32>, vector<16xi32>, vector<16xi32>], vector<16xf32>,
        %gather3A_776 = arith.constant 0 : i32
        %gather3A_777 = arith.constant 0 : i32
        %gather3A_778 = tpu.memref_slice %arg7[%and3A_242, %gather3A_776, %gather3A_777] : memref<4x128x64xf32, #tpu.memory_space<vmem>> -> memref<1x128x64xf32, #tpu.memory_space<vmem>>
        %gather3A_779 = tpu.memref_squeeze %gather3A_778 : memref<1x128x64xf32, #tpu.memory_space<vmem>> -> memref<128x64xf32, #tpu.memory_space<vmem>>
        %gather3A_780 = tpu.vector_load_idx %gather3A_779[%add3A_8, %add3A_756] : memref<128x64xf32, #tpu.memory_space<vmem>>[vector<16xi32>, vector<16xi32>], vector<16xf32>,
        %mul3A_781 = arith.constant 8.000000e+00 : f32
        %mul3A_782 = vector.broadcast %mul3A_781 : f32 to vector<16xf32>
        %mul3A_783 = arith.mulf %gather3A_780, %mul3A_782 : vector<16xf32>
        %scatter3A_784 = arith.constant 0 : i32
        %scatter3A_785 = arith.constant 0 : i32
        %scatter3A_786 = arith.constant 0 : i32
        %scatter3A_787 = tpu.memref_slice %arg8[%and3A_242, %scatter3A_784, %scatter3A_785, %scatter3A_786] : memref<4x8x8x128xf32, #tpu.memory_space<vmem>> -> memref<1x8x8x128xf32, #tpu.memory_space<vmem>>
        %scatter3A_788 = tpu.memref_squeeze %scatter3A_787 : memref<1x8x8x128xf32, #tpu.memory_space<vmem>> -> memref<8x8x128xf32, #tpu.memory_space<vmem>>
        tpu.vector_store_idx %scatter3A_788[%shift_right_logical3A_759, %and3A_762, %add3A_8], %mul3A_783 : memref<8x8x128xf32, #tpu.memory_space<vmem>>[vector<16xi32>, vector<16xi32>, vector<16xi32>], vector<16xf32>,
        %gather3A_789 = arith.constant 0 : i32
        %gather3A_790 = arith.constant 0 : i32
        %gather3A_791 = tpu.memref_slice %arg7[%and3A_242, %gather3A_789, %gather3A_790] : memref<4x128x64xf32, #tpu.memory_space<vmem>> -> memref<1x128x64xf32, #tpu.memory_space<vmem>>
        %gather3A_792 = tpu.memref_squeeze %gather3A_791 : memref<1x128x64xf32, #tpu.memory_space<vmem>> -> memref<128x64xf32, #tpu.memory_space<vmem>>
        %gather3A_793 = tpu.vector_load_idx %gather3A_792[%add3A_11, %add3A_756] : memref<128x64xf32, #tpu.memory_space<vmem>>[vector<16xi32>, vector<16xi32>], vector<16xf32>,
        %mul3A_794 = arith.constant 8.000000e+00 : f32
        %mul3A_795 = vector.broadcast %mul3A_794 : f32 to vector<16xf32>
        %mul3A_796 = arith.mulf %gather3A_793, %mul3A_795 : vector<16xf32>
        %scatter3A_797 = arith.constant 0 : i32
        %scatter3A_798 = arith.constant 0 : i32
        %scatter3A_799 = arith.constant 0 : i32
        %scatter3A_800 = tpu.memref_slice %arg8[%and3A_242, %scatter3A_797, %scatter3A_798, %scatter3A_799] : memref<4x8x8x128xf32, #tpu.memory_space<vmem>> -> memref<1x8x8x128xf32, #tpu.memory_space<vmem>>
        %scatter3A_801 = tpu.memref_squeeze %scatter3A_800 : memref<1x8x8x128xf32, #tpu.memory_space<vmem>> -> memref<8x8x128xf32, #tpu.memory_space<vmem>>
        tpu.vector_store_idx %scatter3A_801[%shift_right_logical3A_759, %and3A_762, %add3A_11], %mul3A_796 : memref<8x8x128xf32, #tpu.memory_space<vmem>>[vector<16xi32>, vector<16xi32>, vector<16xi32>], vector<16xf32>,
        %gather3A_802 = arith.constant 0 : i32
        %gather3A_803 = arith.constant 0 : i32
        %gather3A_804 = tpu.memref_slice %arg7[%and3A_242, %gather3A_802, %gather3A_803] : memref<4x128x64xf32, #tpu.memory_space<vmem>> -> memref<1x128x64xf32, #tpu.memory_space<vmem>>
        %gather3A_805 = tpu.memref_squeeze %gather3A_804 : memref<1x128x64xf32, #tpu.memory_space<vmem>> -> memref<128x64xf32, #tpu.memory_space<vmem>>
        %gather3A_806 = tpu.vector_load_idx %gather3A_805[%add3A_14, %add3A_756] : memref<128x64xf32, #tpu.memory_space<vmem>>[vector<16xi32>, vector<16xi32>], vector<16xf32>,
        %mul3A_807 = arith.constant 8.000000e+00 : f32
        %mul3A_808 = vector.broadcast %mul3A_807 : f32 to vector<16xf32>
        %mul3A_809 = arith.mulf %gather3A_806, %mul3A_808 : vector<16xf32>
        %scatter3A_810 = arith.constant 0 : i32
        %scatter3A_811 = arith.constant 0 : i32
        %scatter3A_812 = arith.constant 0 : i32
        %scatter3A_813 = tpu.memref_slice %arg8[%and3A_242, %scatter3A_810, %scatter3A_811, %scatter3A_812] : memref<4x8x8x128xf32, #tpu.memory_space<vmem>> -> memref<1x8x8x128xf32, #tpu.memory_space<vmem>>
        %scatter3A_814 = tpu.memref_squeeze %scatter3A_813 : memref<1x8x8x128xf32, #tpu.memory_space<vmem>> -> memref<8x8x128xf32, #tpu.memory_space<vmem>>
        tpu.vector_store_idx %scatter3A_814[%shift_right_logical3A_759, %and3A_762, %add3A_14], %mul3A_809 : memref<8x8x128xf32, #tpu.memory_space<vmem>>[vector<16xi32>, vector<16xi32>, vector<16xi32>], vector<16xf32>,
        %gather3A_815 = arith.constant 0 : i32
        %gather3A_816 = arith.constant 0 : i32
        %gather3A_817 = tpu.memref_slice %arg7[%and3A_242, %gather3A_815, %gather3A_816] : memref<4x128x64xf32, #tpu.memory_space<vmem>> -> memref<1x128x64xf32, #tpu.memory_space<vmem>>
        %gather3A_818 = tpu.memref_squeeze %gather3A_817 : memref<1x128x64xf32, #tpu.memory_space<vmem>> -> memref<128x64xf32, #tpu.memory_space<vmem>>
        %gather3A_819 = tpu.vector_load_idx %gather3A_818[%add3A_17, %add3A_756] : memref<128x64xf32, #tpu.memory_space<vmem>>[vector<16xi32>, vector<16xi32>], vector<16xf32>,
        %mul3A_820 = arith.constant 8.000000e+00 : f32
        %mul3A_821 = vector.broadcast %mul3A_820 : f32 to vector<16xf32>
        %mul3A_822 = arith.mulf %gather3A_819, %mul3A_821 : vector<16xf32>
        %scatter3A_823 = arith.constant 0 : i32
        %scatter3A_824 = arith.constant 0 : i32
        %scatter3A_825 = arith.constant 0 : i32
        %scatter3A_826 = tpu.memref_slice %arg8[%and3A_242, %scatter3A_823, %scatter3A_824, %scatter3A_825] : memref<4x8x8x128xf32, #tpu.memory_space<vmem>> -> memref<1x8x8x128xf32, #tpu.memory_space<vmem>>
        %scatter3A_827 = tpu.memref_squeeze %scatter3A_826 : memref<1x8x8x128xf32, #tpu.memory_space<vmem>> -> memref<8x8x128xf32, #tpu.memory_space<vmem>>
        tpu.vector_store_idx %scatter3A_827[%shift_right_logical3A_759, %and3A_762, %add3A_17], %mul3A_822 : memref<8x8x128xf32, #tpu.memory_space<vmem>>[vector<16xi32>, vector<16xi32>, vector<16xi32>], vector<16xf32>,
        %gather3A_828 = arith.constant 0 : i32
        %gather3A_829 = arith.constant 0 : i32
        %gather3A_830 = tpu.memref_slice %arg7[%and3A_242, %gather3A_828, %gather3A_829] : memref<4x128x64xf32, #tpu.memory_space<vmem>> -> memref<1x128x64xf32, #tpu.memory_space<vmem>>
        %gather3A_831 = tpu.memref_squeeze %gather3A_830 : memref<1x128x64xf32, #tpu.memory_space<vmem>> -> memref<128x64xf32, #tpu.memory_space<vmem>>
        %gather3A_832 = tpu.vector_load_idx %gather3A_831[%add3A_20, %add3A_756] : memref<128x64xf32, #tpu.memory_space<vmem>>[vector<16xi32>, vector<16xi32>], vector<16xf32>,
        %mul3A_833 = arith.constant 8.000000e+00 : f32
        %mul3A_834 = vector.broadcast %mul3A_833 : f32 to vector<16xf32>
        %mul3A_835 = arith.mulf %gather3A_832, %mul3A_834 : vector<16xf32>
        %scatter3A_836 = arith.constant 0 : i32
        %scatter3A_837 = arith.constant 0 : i32
        %scatter3A_838 = arith.constant 0 : i32
        %scatter3A_839 = tpu.memref_slice %arg8[%and3A_242, %scatter3A_836, %scatter3A_837, %scatter3A_838] : memref<4x8x8x128xf32, #tpu.memory_space<vmem>> -> memref<1x8x8x128xf32, #tpu.memory_space<vmem>>
        %scatter3A_840 = tpu.memref_squeeze %scatter3A_839 : memref<1x8x8x128xf32, #tpu.memory_space<vmem>> -> memref<8x8x128xf32, #tpu.memory_space<vmem>>
        tpu.vector_store_idx %scatter3A_840[%shift_right_logical3A_759, %and3A_762, %add3A_20], %mul3A_835 : memref<8x8x128xf32, #tpu.memory_space<vmem>>[vector<16xi32>, vector<16xi32>, vector<16xi32>], vector<16xf32>,
        %gather3A_841 = arith.constant 0 : i32
        %gather3A_842 = arith.constant 0 : i32
        %gather3A_843 = tpu.memref_slice %arg7[%and3A_242, %gather3A_841, %gather3A_842] : memref<4x128x64xf32, #tpu.memory_space<vmem>> -> memref<1x128x64xf32, #tpu.memory_space<vmem>>
        %gather3A_844 = tpu.memref_squeeze %gather3A_843 : memref<1x128x64xf32, #tpu.memory_space<vmem>> -> memref<128x64xf32, #tpu.memory_space<vmem>>
        %gather3A_845 = tpu.vector_load_idx %gather3A_844[%add3A_23, %add3A_756] : memref<128x64xf32, #tpu.memory_space<vmem>>[vector<16xi32>, vector<16xi32>], vector<16xf32>,
        %mul3A_846 = arith.constant 8.000000e+00 : f32
        %mul3A_847 = vector.broadcast %mul3A_846 : f32 to vector<16xf32>
        %mul3A_848 = arith.mulf %gather3A_845, %mul3A_847 : vector<16xf32>
        %scatter3A_849 = arith.constant 0 : i32
        %scatter3A_850 = arith.constant 0 : i32
        %scatter3A_851 = arith.constant 0 : i32
        %scatter3A_852 = tpu.memref_slice %arg8[%and3A_242, %scatter3A_849, %scatter3A_850, %scatter3A_851] : memref<4x8x8x128xf32, #tpu.memory_space<vmem>> -> memref<1x8x8x128xf32, #tpu.memory_space<vmem>>
        %scatter3A_853 = tpu.memref_squeeze %scatter3A_852 : memref<1x8x8x128xf32, #tpu.memory_space<vmem>> -> memref<8x8x128xf32, #tpu.memory_space<vmem>>
        tpu.vector_store_idx %scatter3A_853[%shift_right_logical3A_759, %and3A_762, %add3A_23], %mul3A_848 : memref<8x8x128xf32, #tpu.memory_space<vmem>>[vector<16xi32>, vector<16xi32>, vector<16xi32>], vector<16xf32>,
        %gather3A_854 = arith.constant 0 : i32
        %gather3A_855 = arith.constant 0 : i32
        %gather3A_856 = tpu.memref_slice %arg7[%and3A_242, %gather3A_854, %gather3A_855] : memref<4x128x64xf32, #tpu.memory_space<vmem>> -> memref<1x128x64xf32, #tpu.memory_space<vmem>>
        %gather3A_857 = tpu.memref_squeeze %gather3A_856 : memref<1x128x64xf32, #tpu.memory_space<vmem>> -> memref<128x64xf32, #tpu.memory_space<vmem>>
        %gather3A_858 = tpu.vector_load_idx %gather3A_857[%add3A_26, %add3A_756] : memref<128x64xf32, #tpu.memory_space<vmem>>[vector<16xi32>, vector<16xi32>], vector<16xf32>,
        %mul3A_859 = arith.constant 8.000000e+00 : f32
        %mul3A_860 = vector.broadcast %mul3A_859 : f32 to vector<16xf32>
        %mul3A_861 = arith.mulf %gather3A_858, %mul3A_860 : vector<16xf32>
        %scatter3A_862 = arith.constant 0 : i32
        %scatter3A_863 = arith.constant 0 : i32
        %scatter3A_864 = arith.constant 0 : i32
        %scatter3A_865 = tpu.memref_slice %arg8[%and3A_242, %scatter3A_862, %scatter3A_863, %scatter3A_864] : memref<4x8x8x128xf32, #tpu.memory_space<vmem>> -> memref<1x8x8x128xf32, #tpu.memory_space<vmem>>
        %scatter3A_866 = tpu.memref_squeeze %scatter3A_865 : memref<1x8x8x128xf32, #tpu.memory_space<vmem>> -> memref<8x8x128xf32, #tpu.memory_space<vmem>>
        tpu.vector_store_idx %scatter3A_866[%shift_right_logical3A_759, %and3A_762, %add3A_26], %mul3A_861 : memref<8x8x128xf32, #tpu.memory_space<vmem>>[vector<16xi32>, vector<16xi32>, vector<16xi32>], vector<16xf32>,
        %add3A_867 = arith.constant 16 : i32
        %add3A_868 = vector.broadcast %add3A_867 : i32 to vector<16xi32>
        %add3A_869 = arith.addi %and3A_753, %add3A_868 : vector<16xi32>
        %shift_right_logical3A_870 = arith.constant 3 : i32
        %shift_right_logical3A_871 = vector.broadcast %shift_right_logical3A_870 : i32 to vector<16xi32>
        %shift_right_logical3A_872 = arith.shrui %add3A_869, %shift_right_logical3A_871 : vector<16xi32>
        %and3A_873 = arith.constant 7 : i32
        %and3A_874 = vector.broadcast %and3A_873 : i32 to vector<16xi32>
        %and3A_875 = arith.andi %add3A_869, %and3A_874 : vector<16xi32>
        %gather3A_876 = arith.constant 0 : i32
        %gather3A_877 = arith.constant 0 : i32
        %gather3A_878 = tpu.memref_slice %arg7[%and3A_242, %gather3A_876, %gather3A_877] : memref<4x128x64xf32, #tpu.memory_space<vmem>> -> memref<1x128x64xf32, #tpu.memory_space<vmem>>
        %gather3A_879 = tpu.memref_squeeze %gather3A_878 : memref<1x128x64xf32, #tpu.memory_space<vmem>> -> memref<128x64xf32, #tpu.memory_space<vmem>>
        %gather3A_880 = tpu.vector_load_idx %gather3A_879[%add3A_5, %add3A_869] : memref<128x64xf32, #tpu.memory_space<vmem>>[vector<16xi32>, vector<16xi32>], vector<16xf32>,
        %mul3A_881 = arith.constant 8.000000e+00 : f32
        %mul3A_882 = vector.broadcast %mul3A_881 : f32 to vector<16xf32>
        %mul3A_883 = arith.mulf %gather3A_880, %mul3A_882 : vector<16xf32>
        %scatter3A_884 = arith.constant 0 : i32
        %scatter3A_885 = arith.constant 0 : i32
        %scatter3A_886 = arith.constant 0 : i32
        %scatter3A_887 = tpu.memref_slice %arg8[%and3A_242, %scatter3A_884, %scatter3A_885, %scatter3A_886] : memref<4x8x8x128xf32, #tpu.memory_space<vmem>> -> memref<1x8x8x128xf32, #tpu.memory_space<vmem>>
        %scatter3A_888 = tpu.memref_squeeze %scatter3A_887 : memref<1x8x8x128xf32, #tpu.memory_space<vmem>> -> memref<8x8x128xf32, #tpu.memory_space<vmem>>
        tpu.vector_store_idx %scatter3A_888[%shift_right_logical3A_872, %and3A_875, %add3A_5], %mul3A_883 : memref<8x8x128xf32, #tpu.memory_space<vmem>>[vector<16xi32>, vector<16xi32>, vector<16xi32>], vector<16xf32>,
        %gather3A_889 = arith.constant 0 : i32
        %gather3A_890 = arith.constant 0 : i32
        %gather3A_891 = tpu.memref_slice %arg7[%and3A_242, %gather3A_889, %gather3A_890] : memref<4x128x64xf32, #tpu.memory_space<vmem>> -> memref<1x128x64xf32, #tpu.memory_space<vmem>>
        %gather3A_892 = tpu.memref_squeeze %gather3A_891 : memref<1x128x64xf32, #tpu.memory_space<vmem>> -> memref<128x64xf32, #tpu.memory_space<vmem>>
        %gather3A_893 = tpu.vector_load_idx %gather3A_892[%add3A_8, %add3A_869] : memref<128x64xf32, #tpu.memory_space<vmem>>[vector<16xi32>, vector<16xi32>], vector<16xf32>,
        %mul3A_894 = arith.constant 8.000000e+00 : f32
        %mul3A_895 = vector.broadcast %mul3A_894 : f32 to vector<16xf32>
        %mul3A_896 = arith.mulf %gather3A_893, %mul3A_895 : vector<16xf32>
        %scatter3A_897 = arith.constant 0 : i32
        %scatter3A_898 = arith.constant 0 : i32
        %scatter3A_899 = arith.constant 0 : i32
        %scatter3A_900 = tpu.memref_slice %arg8[%and3A_242, %scatter3A_897, %scatter3A_898, %scatter3A_899] : memref<4x8x8x128xf32, #tpu.memory_space<vmem>> -> memref<1x8x8x128xf32, #tpu.memory_space<vmem>>
        %scatter3A_901 = tpu.memref_squeeze %scatter3A_900 : memref<1x8x8x128xf32, #tpu.memory_space<vmem>> -> memref<8x8x128xf32, #tpu.memory_space<vmem>>
        tpu.vector_store_idx %scatter3A_901[%shift_right_logical3A_872, %and3A_875, %add3A_8], %mul3A_896 : memref<8x8x128xf32, #tpu.memory_space<vmem>>[vector<16xi32>, vector<16xi32>, vector<16xi32>], vector<16xf32>,
        %gather3A_902 = arith.constant 0 : i32
        %gather3A_903 = arith.constant 0 : i32
        %gather3A_904 = tpu.memref_slice %arg7[%and3A_242, %gather3A_902, %gather3A_903] : memref<4x128x64xf32, #tpu.memory_space<vmem>> -> memref<1x128x64xf32, #tpu.memory_space<vmem>>
        %gather3A_905 = tpu.memref_squeeze %gather3A_904 : memref<1x128x64xf32, #tpu.memory_space<vmem>> -> memref<128x64xf32, #tpu.memory_space<vmem>>
        %gather3A_906 = tpu.vector_load_idx %gather3A_905[%add3A_11, %add3A_869] : memref<128x64xf32, #tpu.memory_space<vmem>>[vector<16xi32>, vector<16xi32>], vector<16xf32>,
        %mul3A_907 = arith.constant 8.000000e+00 : f32
        %mul3A_908 = vector.broadcast %mul3A_907 : f32 to vector<16xf32>
        %mul3A_909 = arith.mulf %gather3A_906, %mul3A_908 : vector<16xf32>
        %scatter3A_910 = arith.constant 0 : i32
        %scatter3A_911 = arith.constant 0 : i32
        %scatter3A_912 = arith.constant 0 : i32
        %scatter3A_913 = tpu.memref_slice %arg8[%and3A_242, %scatter3A_910, %scatter3A_911, %scatter3A_912] : memref<4x8x8x128xf32, #tpu.memory_space<vmem>> -> memref<1x8x8x128xf32, #tpu.memory_space<vmem>>
        %scatter3A_914 = tpu.memref_squeeze %scatter3A_913 : memref<1x8x8x128xf32, #tpu.memory_space<vmem>> -> memref<8x8x128xf32, #tpu.memory_space<vmem>>
        tpu.vector_store_idx %scatter3A_914[%shift_right_logical3A_872, %and3A_875, %add3A_11], %mul3A_909 : memref<8x8x128xf32, #tpu.memory_space<vmem>>[vector<16xi32>, vector<16xi32>, vector<16xi32>], vector<16xf32>,
        %gather3A_915 = arith.constant 0 : i32
        %gather3A_916 = arith.constant 0 : i32
        %gather3A_917 = tpu.memref_slice %arg7[%and3A_242, %gather3A_915, %gather3A_916] : memref<4x128x64xf32, #tpu.memory_space<vmem>> -> memref<1x128x64xf32, #tpu.memory_space<vmem>>
        %gather3A_918 = tpu.memref_squeeze %gather3A_917 : memref<1x128x64xf32, #tpu.memory_space<vmem>> -> memref<128x64xf32, #tpu.memory_space<vmem>>
        %gather3A_919 = tpu.vector_load_idx %gather3A_918[%add3A_14, %add3A_869] : memref<128x64xf32, #tpu.memory_space<vmem>>[vector<16xi32>, vector<16xi32>], vector<16xf32>,
        %mul3A_920 = arith.constant 8.000000e+00 : f32
        %mul3A_921 = vector.broadcast %mul3A_920 : f32 to vector<16xf32>
        %mul3A_922 = arith.mulf %gather3A_919, %mul3A_921 : vector<16xf32>
        %scatter3A_923 = arith.constant 0 : i32
        %scatter3A_924 = arith.constant 0 : i32
        %scatter3A_925 = arith.constant 0 : i32
        %scatter3A_926 = tpu.memref_slice %arg8[%and3A_242, %scatter3A_923, %scatter3A_924, %scatter3A_925] : memref<4x8x8x128xf32, #tpu.memory_space<vmem>> -> memref<1x8x8x128xf32, #tpu.memory_space<vmem>>
        %scatter3A_927 = tpu.memref_squeeze %scatter3A_926 : memref<1x8x8x128xf32, #tpu.memory_space<vmem>> -> memref<8x8x128xf32, #tpu.memory_space<vmem>>
        tpu.vector_store_idx %scatter3A_927[%shift_right_logical3A_872, %and3A_875, %add3A_14], %mul3A_922 : memref<8x8x128xf32, #tpu.memory_space<vmem>>[vector<16xi32>, vector<16xi32>, vector<16xi32>], vector<16xf32>,
        %gather3A_928 = arith.constant 0 : i32
        %gather3A_929 = arith.constant 0 : i32
        %gather3A_930 = tpu.memref_slice %arg7[%and3A_242, %gather3A_928, %gather3A_929] : memref<4x128x64xf32, #tpu.memory_space<vmem>> -> memref<1x128x64xf32, #tpu.memory_space<vmem>>
        %gather3A_931 = tpu.memref_squeeze %gather3A_930 : memref<1x128x64xf32, #tpu.memory_space<vmem>> -> memref<128x64xf32, #tpu.memory_space<vmem>>
        %gather3A_932 = tpu.vector_load_idx %gather3A_931[%add3A_17, %add3A_869] : memref<128x64xf32, #tpu.memory_space<vmem>>[vector<16xi32>, vector<16xi32>], vector<16xf32>,
        %mul3A_933 = arith.constant 8.000000e+00 : f32
        %mul3A_934 = vector.broadcast %mul3A_933 : f32 to vector<16xf32>
        %mul3A_935 = arith.mulf %gather3A_932, %mul3A_934 : vector<16xf32>
        %scatter3A_936 = arith.constant 0 : i32
        %scatter3A_937 = arith.constant 0 : i32
        %scatter3A_938 = arith.constant 0 : i32
        %scatter3A_939 = tpu.memref_slice %arg8[%and3A_242, %scatter3A_936, %scatter3A_937, %scatter3A_938] : memref<4x8x8x128xf32, #tpu.memory_space<vmem>> -> memref<1x8x8x128xf32, #tpu.memory_space<vmem>>
        %scatter3A_940 = tpu.memref_squeeze %scatter3A_939 : memref<1x8x8x128xf32, #tpu.memory_space<vmem>> -> memref<8x8x128xf32, #tpu.memory_space<vmem>>
        tpu.vector_store_idx %scatter3A_940[%shift_right_logical3A_872, %and3A_875, %add3A_17], %mul3A_935 : memref<8x8x128xf32, #tpu.memory_space<vmem>>[vector<16xi32>, vector<16xi32>, vector<16xi32>], vector<16xf32>,
        %gather3A_941 = arith.constant 0 : i32
        %gather3A_942 = arith.constant 0 : i32
        %gather3A_943 = tpu.memref_slice %arg7[%and3A_242, %gather3A_941, %gather3A_942] : memref<4x128x64xf32, #tpu.memory_space<vmem>> -> memref<1x128x64xf32, #tpu.memory_space<vmem>>
        %gather3A_944 = tpu.memref_squeeze %gather3A_943 : memref<1x128x64xf32, #tpu.memory_space<vmem>> -> memref<128x64xf32, #tpu.memory_space<vmem>>
        %gather3A_945 = tpu.vector_load_idx %gather3A_944[%add3A_20, %add3A_869] : memref<128x64xf32, #tpu.memory_space<vmem>>[vector<16xi32>, vector<16xi32>], vector<16xf32>,
        %mul3A_946 = arith.constant 8.000000e+00 : f32
        %mul3A_947 = vector.broadcast %mul3A_946 : f32 to vector<16xf32>
        %mul3A_948 = arith.mulf %gather3A_945, %mul3A_947 : vector<16xf32>
        %scatter3A_949 = arith.constant 0 : i32
        %scatter3A_950 = arith.constant 0 : i32
        %scatter3A_951 = arith.constant 0 : i32
        %scatter3A_952 = tpu.memref_slice %arg8[%and3A_242, %scatter3A_949, %scatter3A_950, %scatter3A_951] : memref<4x8x8x128xf32, #tpu.memory_space<vmem>> -> memref<1x8x8x128xf32, #tpu.memory_space<vmem>>
        %scatter3A_953 = tpu.memref_squeeze %scatter3A_952 : memref<1x8x8x128xf32, #tpu.memory_space<vmem>> -> memref<8x8x128xf32, #tpu.memory_space<vmem>>
        tpu.vector_store_idx %scatter3A_953[%shift_right_logical3A_872, %and3A_875, %add3A_20], %mul3A_948 : memref<8x8x128xf32, #tpu.memory_space<vmem>>[vector<16xi32>, vector<16xi32>, vector<16xi32>], vector<16xf32>,
        %gather3A_954 = arith.constant 0 : i32
        %gather3A_955 = arith.constant 0 : i32
        %gather3A_956 = tpu.memref_slice %arg7[%and3A_242, %gather3A_954, %gather3A_955] : memref<4x128x64xf32, #tpu.memory_space<vmem>> -> memref<1x128x64xf32, #tpu.memory_space<vmem>>
        %gather3A_957 = tpu.memref_squeeze %gather3A_956 : memref<1x128x64xf32, #tpu.memory_space<vmem>> -> memref<128x64xf32, #tpu.memory_space<vmem>>
        %gather3A_958 = tpu.vector_load_idx %gather3A_957[%add3A_23, %add3A_869] : memref<128x64xf32, #tpu.memory_space<vmem>>[vector<16xi32>, vector<16xi32>], vector<16xf32>,
        %mul3A_959 = arith.constant 8.000000e+00 : f32
        %mul3A_960 = vector.broadcast %mul3A_959 : f32 to vector<16xf32>
        %mul3A_961 = arith.mulf %gather3A_958, %mul3A_960 : vector<16xf32>
        %scatter3A_962 = arith.constant 0 : i32
        %scatter3A_963 = arith.constant 0 : i32
        %scatter3A_964 = arith.constant 0 : i32
        %scatter3A_965 = tpu.memref_slice %arg8[%and3A_242, %scatter3A_962, %scatter3A_963, %scatter3A_964] : memref<4x8x8x128xf32, #tpu.memory_space<vmem>> -> memref<1x8x8x128xf32, #tpu.memory_space<vmem>>
        %scatter3A_966 = tpu.memref_squeeze %scatter3A_965 : memref<1x8x8x128xf32, #tpu.memory_space<vmem>> -> memref<8x8x128xf32, #tpu.memory_space<vmem>>
        tpu.vector_store_idx %scatter3A_966[%shift_right_logical3A_872, %and3A_875, %add3A_23], %mul3A_961 : memref<8x8x128xf32, #tpu.memory_space<vmem>>[vector<16xi32>, vector<16xi32>, vector<16xi32>], vector<16xf32>,
        %gather3A_967 = arith.constant 0 : i32
        %gather3A_968 = arith.constant 0 : i32
        %gather3A_969 = tpu.memref_slice %arg7[%and3A_242, %gather3A_967, %gather3A_968] : memref<4x128x64xf32, #tpu.memory_space<vmem>> -> memref<1x128x64xf32, #tpu.memory_space<vmem>>
        %gather3A_970 = tpu.memref_squeeze %gather3A_969 : memref<1x128x64xf32, #tpu.memory_space<vmem>> -> memref<128x64xf32, #tpu.memory_space<vmem>>
        %gather3A_971 = tpu.vector_load_idx %gather3A_970[%add3A_26, %add3A_869] : memref<128x64xf32, #tpu.memory_space<vmem>>[vector<16xi32>, vector<16xi32>], vector<16xf32>,
        %mul3A_972 = arith.constant 8.000000e+00 : f32
        %mul3A_973 = vector.broadcast %mul3A_972 : f32 to vector<16xf32>
        %mul3A_974 = arith.mulf %gather3A_971, %mul3A_973 : vector<16xf32>
        %scatter3A_975 = arith.constant 0 : i32
        %scatter3A_976 = arith.constant 0 : i32
        %scatter3A_977 = arith.constant 0 : i32
        %scatter3A_978 = tpu.memref_slice %arg8[%and3A_242, %scatter3A_975, %scatter3A_976, %scatter3A_977] : memref<4x8x8x128xf32, #tpu.memory_space<vmem>> -> memref<1x8x8x128xf32, #tpu.memory_space<vmem>>
        %scatter3A_979 = tpu.memref_squeeze %scatter3A_978 : memref<1x8x8x128xf32, #tpu.memory_space<vmem>> -> memref<8x8x128xf32, #tpu.memory_space<vmem>>
        tpu.vector_store_idx %scatter3A_979[%shift_right_logical3A_872, %and3A_875, %add3A_26], %mul3A_974 : memref<8x8x128xf32, #tpu.memory_space<vmem>>[vector<16xi32>, vector<16xi32>, vector<16xi32>], vector<16xf32>,
        %add3A_980 = arith.constant 32 : i32
        %add3A_981 = vector.broadcast %add3A_980 : i32 to vector<16xi32>
        %add3A_982 = arith.addi %and3A_753, %add3A_981 : vector<16xi32>
        %shift_right_logical3A_983 = arith.constant 3 : i32
        %shift_right_logical3A_984 = vector.broadcast %shift_right_logical3A_983 : i32 to vector<16xi32>
        %shift_right_logical3A_985 = arith.shrui %add3A_982, %shift_right_logical3A_984 : vector<16xi32>
        %and3A_986 = arith.constant 7 : i32
        %and3A_987 = vector.broadcast %and3A_986 : i32 to vector<16xi32>
        %and3A_988 = arith.andi %add3A_982, %and3A_987 : vector<16xi32>
        %gather3A_989 = arith.constant 0 : i32
        %gather3A_990 = arith.constant 0 : i32
        %gather3A_991 = tpu.memref_slice %arg7[%and3A_242, %gather3A_989, %gather3A_990] : memref<4x128x64xf32, #tpu.memory_space<vmem>> -> memref<1x128x64xf32, #tpu.memory_space<vmem>>
        %gather3A_992 = tpu.memref_squeeze %gather3A_991 : memref<1x128x64xf32, #tpu.memory_space<vmem>> -> memref<128x64xf32, #tpu.memory_space<vmem>>
        %gather3A_993 = tpu.vector_load_idx %gather3A_992[%add3A_5, %add3A_982] : memref<128x64xf32, #tpu.memory_space<vmem>>[vector<16xi32>, vector<16xi32>], vector<16xf32>,
        %mul3A_994 = arith.constant 8.000000e+00 : f32
        %mul3A_995 = vector.broadcast %mul3A_994 : f32 to vector<16xf32>
        %mul3A_996 = arith.mulf %gather3A_993, %mul3A_995 : vector<16xf32>
        %scatter3A_997 = arith.constant 0 : i32
        %scatter3A_998 = arith.constant 0 : i32
        %scatter3A_999 = arith.constant 0 : i32
        %scatter3A_1000 = tpu.memref_slice %arg8[%and3A_242, %scatter3A_997, %scatter3A_998, %scatter3A_999] : memref<4x8x8x128xf32, #tpu.memory_space<vmem>> -> memref<1x8x8x128xf32, #tpu.memory_space<vmem>>
        %scatter3A_1001 = tpu.memref_squeeze %scatter3A_1000 : memref<1x8x8x128xf32, #tpu.memory_space<vmem>> -> memref<8x8x128xf32, #tpu.memory_space<vmem>>
        tpu.vector_store_idx %scatter3A_1001[%shift_right_logical3A_985, %and3A_988, %add3A_5], %mul3A_996 : memref<8x8x128xf32, #tpu.memory_space<vmem>>[vector<16xi32>, vector<16xi32>, vector<16xi32>], vector<16xf32>,
        %gather3A_1002 = arith.constant 0 : i32
        %gather3A_1003 = arith.constant 0 : i32
        %gather3A_1004 = tpu.memref_slice %arg7[%and3A_242, %gather3A_1002, %gather3A_1003] : memref<4x128x64xf32, #tpu.memory_space<vmem>> -> memref<1x128x64xf32, #tpu.memory_space<vmem>>
        %gather3A_1005 = tpu.memref_squeeze %gather3A_1004 : memref<1x128x64xf32, #tpu.memory_space<vmem>> -> memref<128x64xf32, #tpu.memory_space<vmem>>
        %gather3A_1006 = tpu.vector_load_idx %gather3A_1005[%add3A_8, %add3A_982] : memref<128x64xf32, #tpu.memory_space<vmem>>[vector<16xi32>, vector<16xi32>], vector<16xf32>,
        %mul3A_1007 = arith.constant 8.000000e+00 : f32
        %mul3A_1008 = vector.broadcast %mul3A_1007 : f32 to vector<16xf32>
        %mul3A_1009 = arith.mulf %gather3A_1006, %mul3A_1008 : vector<16xf32>
        %scatter3A_1010 = arith.constant 0 : i32
        %scatter3A_1011 = arith.constant 0 : i32
        %scatter3A_1012 = arith.constant 0 : i32
        %scatter3A_1013 = tpu.memref_slice %arg8[%and3A_242, %scatter3A_1010, %scatter3A_1011, %scatter3A_1012] : memref<4x8x8x128xf32, #tpu.memory_space<vmem>> -> memref<1x8x8x128xf32, #tpu.memory_space<vmem>>
        %scatter3A_1014 = tpu.memref_squeeze %scatter3A_1013 : memref<1x8x8x128xf32, #tpu.memory_space<vmem>> -> memref<8x8x128xf32, #tpu.memory_space<vmem>>
        tpu.vector_store_idx %scatter3A_1014[%shift_right_logical3A_985, %and3A_988, %add3A_8], %mul3A_1009 : memref<8x8x128xf32, #tpu.memory_space<vmem>>[vector<16xi32>, vector<16xi32>, vector<16xi32>], vector<16xf32>,
        %gather3A_1015 = arith.constant 0 : i32
        %gather3A_1016 = arith.constant 0 : i32
        %gather3A_1017 = tpu.memref_slice %arg7[%and3A_242, %gather3A_1015, %gather3A_1016] : memref<4x128x64xf32, #tpu.memory_space<vmem>> -> memref<1x128x64xf32, #tpu.memory_space<vmem>>
        %gather3A_1018 = tpu.memref_squeeze %gather3A_1017 : memref<1x128x64xf32, #tpu.memory_space<vmem>> -> memref<128x64xf32, #tpu.memory_space<vmem>>
        %gather3A_1019 = tpu.vector_load_idx %gather3A_1018[%add3A_11, %add3A_982] : memref<128x64xf32, #tpu.memory_space<vmem>>[vector<16xi32>, vector<16xi32>], vector<16xf32>,
        %mul3A_1020 = arith.constant 8.000000e+00 : f32
        %mul3A_1021 = vector.broadcast %mul3A_1020 : f32 to vector<16xf32>
        %mul3A_1022 = arith.mulf %gather3A_1019, %mul3A_1021 : vector<16xf32>
        %scatter3A_1023 = arith.constant 0 : i32
        %scatter3A_1024 = arith.constant 0 : i32
        %scatter3A_1025 = arith.constant 0 : i32
        %scatter3A_1026 = tpu.memref_slice %arg8[%and3A_242, %scatter3A_1023, %scatter3A_1024, %scatter3A_1025] : memref<4x8x8x128xf32, #tpu.memory_space<vmem>> -> memref<1x8x8x128xf32, #tpu.memory_space<vmem>>
        %scatter3A_1027 = tpu.memref_squeeze %scatter3A_1026 : memref<1x8x8x128xf32, #tpu.memory_space<vmem>> -> memref<8x8x128xf32, #tpu.memory_space<vmem>>
        tpu.vector_store_idx %scatter3A_1027[%shift_right_logical3A_985, %and3A_988, %add3A_11], %mul3A_1022 : memref<8x8x128xf32, #tpu.memory_space<vmem>>[vector<16xi32>, vector<16xi32>, vector<16xi32>], vector<16xf32>,
        %gather3A_1028 = arith.constant 0 : i32
        %gather3A_1029 = arith.constant 0 : i32
        %gather3A_1030 = tpu.memref_slice %arg7[%and3A_242, %gather3A_1028, %gather3A_1029] : memref<4x128x64xf32, #tpu.memory_space<vmem>> -> memref<1x128x64xf32, #tpu.memory_space<vmem>>
        %gather3A_1031 = tpu.memref_squeeze %gather3A_1030 : memref<1x128x64xf32, #tpu.memory_space<vmem>> -> memref<128x64xf32, #tpu.memory_space<vmem>>
        %gather3A_1032 = tpu.vector_load_idx %gather3A_1031[%add3A_14, %add3A_982] : memref<128x64xf32, #tpu.memory_space<vmem>>[vector<16xi32>, vector<16xi32>], vector<16xf32>,
        %mul3A_1033 = arith.constant 8.000000e+00 : f32
        %mul3A_1034 = vector.broadcast %mul3A_1033 : f32 to vector<16xf32>
        %mul3A_1035 = arith.mulf %gather3A_1032, %mul3A_1034 : vector<16xf32>
        %scatter3A_1036 = arith.constant 0 : i32
        %scatter3A_1037 = arith.constant 0 : i32
        %scatter3A_1038 = arith.constant 0 : i32
        %scatter3A_1039 = tpu.memref_slice %arg8[%and3A_242, %scatter3A_1036, %scatter3A_1037, %scatter3A_1038] : memref<4x8x8x128xf32, #tpu.memory_space<vmem>> -> memref<1x8x8x128xf32, #tpu.memory_space<vmem>>
        %scatter3A_1040 = tpu.memref_squeeze %scatter3A_1039 : memref<1x8x8x128xf32, #tpu.memory_space<vmem>> -> memref<8x8x128xf32, #tpu.memory_space<vmem>>
        tpu.vector_store_idx %scatter3A_1040[%shift_right_logical3A_985, %and3A_988, %add3A_14], %mul3A_1035 : memref<8x8x128xf32, #tpu.memory_space<vmem>>[vector<16xi32>, vector<16xi32>, vector<16xi32>], vector<16xf32>,
        %gather3A_1041 = arith.constant 0 : i32
        %gather3A_1042 = arith.constant 0 : i32
        %gather3A_1043 = tpu.memref_slice %arg7[%and3A_242, %gather3A_1041, %gather3A_1042] : memref<4x128x64xf32, #tpu.memory_space<vmem>> -> memref<1x128x64xf32, #tpu.memory_space<vmem>>
        %gather3A_1044 = tpu.memref_squeeze %gather3A_1043 : memref<1x128x64xf32, #tpu.memory_space<vmem>> -> memref<128x64xf32, #tpu.memory_space<vmem>>
        %gather3A_1045 = tpu.vector_load_idx %gather3A_1044[%add3A_17, %add3A_982] : memref<128x64xf32, #tpu.memory_space<vmem>>[vector<16xi32>, vector<16xi32>], vector<16xf32>,
        %mul3A_1046 = arith.constant 8.000000e+00 : f32
        %mul3A_1047 = vector.broadcast %mul3A_1046 : f32 to vector<16xf32>
        %mul3A_1048 = arith.mulf %gather3A_1045, %mul3A_1047 : vector<16xf32>
        %scatter3A_1049 = arith.constant 0 : i32
        %scatter3A_1050 = arith.constant 0 : i32
        %scatter3A_1051 = arith.constant 0 : i32
        %scatter3A_1052 = tpu.memref_slice %arg8[%and3A_242, %scatter3A_1049, %scatter3A_1050, %scatter3A_1051] : memref<4x8x8x128xf32, #tpu.memory_space<vmem>> -> memref<1x8x8x128xf32, #tpu.memory_space<vmem>>
        %scatter3A_1053 = tpu.memref_squeeze %scatter3A_1052 : memref<1x8x8x128xf32, #tpu.memory_space<vmem>> -> memref<8x8x128xf32, #tpu.memory_space<vmem>>
        tpu.vector_store_idx %scatter3A_1053[%shift_right_logical3A_985, %and3A_988, %add3A_17], %mul3A_1048 : memref<8x8x128xf32, #tpu.memory_space<vmem>>[vector<16xi32>, vector<16xi32>, vector<16xi32>], vector<16xf32>,
        %gather3A_1054 = arith.constant 0 : i32
        %gather3A_1055 = arith.constant 0 : i32
        %gather3A_1056 = tpu.memref_slice %arg7[%and3A_242, %gather3A_1054, %gather3A_1055] : memref<4x128x64xf32, #tpu.memory_space<vmem>> -> memref<1x128x64xf32, #tpu.memory_space<vmem>>
        %gather3A_1057 = tpu.memref_squeeze %gather3A_1056 : memref<1x128x64xf32, #tpu.memory_space<vmem>> -> memref<128x64xf32, #tpu.memory_space<vmem>>
        %gather3A_1058 = tpu.vector_load_idx %gather3A_1057[%add3A_20, %add3A_982] : memref<128x64xf32, #tpu.memory_space<vmem>>[vector<16xi32>, vector<16xi32>], vector<16xf32>,
        %mul3A_1059 = arith.constant 8.000000e+00 : f32
        %mul3A_1060 = vector.broadcast %mul3A_1059 : f32 to vector<16xf32>
        %mul3A_1061 = arith.mulf %gather3A_1058, %mul3A_1060 : vector<16xf32>
        %scatter3A_1062 = arith.constant 0 : i32
        %scatter3A_1063 = arith.constant 0 : i32
        %scatter3A_1064 = arith.constant 0 : i32
        %scatter3A_1065 = tpu.memref_slice %arg8[%and3A_242, %scatter3A_1062, %scatter3A_1063, %scatter3A_1064] : memref<4x8x8x128xf32, #tpu.memory_space<vmem>> -> memref<1x8x8x128xf32, #tpu.memory_space<vmem>>
        %scatter3A_1066 = tpu.memref_squeeze %scatter3A_1065 : memref<1x8x8x128xf32, #tpu.memory_space<vmem>> -> memref<8x8x128xf32, #tpu.memory_space<vmem>>
        tpu.vector_store_idx %scatter3A_1066[%shift_right_logical3A_985, %and3A_988, %add3A_20], %mul3A_1061 : memref<8x8x128xf32, #tpu.memory_space<vmem>>[vector<16xi32>, vector<16xi32>, vector<16xi32>], vector<16xf32>,
        %gather3A_1067 = arith.constant 0 : i32
        %gather3A_1068 = arith.constant 0 : i32
        %gather3A_1069 = tpu.memref_slice %arg7[%and3A_242, %gather3A_1067, %gather3A_1068] : memref<4x128x64xf32, #tpu.memory_space<vmem>> -> memref<1x128x64xf32, #tpu.memory_space<vmem>>
        %gather3A_1070 = tpu.memref_squeeze %gather3A_1069 : memref<1x128x64xf32, #tpu.memory_space<vmem>> -> memref<128x64xf32, #tpu.memory_space<vmem>>
        %gather3A_1071 = tpu.vector_load_idx %gather3A_1070[%add3A_23, %add3A_982] : memref<128x64xf32, #tpu.memory_space<vmem>>[vector<16xi32>, vector<16xi32>], vector<16xf32>,
        %mul3A_1072 = arith.constant 8.000000e+00 : f32
        %mul3A_1073 = vector.broadcast %mul3A_1072 : f32 to vector<16xf32>
        %mul3A_1074 = arith.mulf %gather3A_1071, %mul3A_1073 : vector<16xf32>
        %scatter3A_1075 = arith.constant 0 : i32
        %scatter3A_1076 = arith.constant 0 : i32
        %scatter3A_1077 = arith.constant 0 : i32
        %scatter3A_1078 = tpu.memref_slice %arg8[%and3A_242, %scatter3A_1075, %scatter3A_1076, %scatter3A_1077] : memref<4x8x8x128xf32, #tpu.memory_space<vmem>> -> memref<1x8x8x128xf32, #tpu.memory_space<vmem>>
        %scatter3A_1079 = tpu.memref_squeeze %scatter3A_1078 : memref<1x8x8x128xf32, #tpu.memory_space<vmem>> -> memref<8x8x128xf32, #tpu.memory_space<vmem>>
        tpu.vector_store_idx %scatter3A_1079[%shift_right_logical3A_985, %and3A_988, %add3A_23], %mul3A_1074 : memref<8x8x128xf32, #tpu.memory_space<vmem>>[vector<16xi32>, vector<16xi32>, vector<16xi32>], vector<16xf32>,
        %gather3A_1080 = arith.constant 0 : i32
        %gather3A_1081 = arith.constant 0 : i32
        %gather3A_1082 = tpu.memref_slice %arg7[%and3A_242, %gather3A_1080, %gather3A_1081] : memref<4x128x64xf32, #tpu.memory_space<vmem>> -> memref<1x128x64xf32, #tpu.memory_space<vmem>>
        %gather3A_1083 = tpu.memref_squeeze %gather3A_1082 : memref<1x128x64xf32, #tpu.memory_space<vmem>> -> memref<128x64xf32, #tpu.memory_space<vmem>>
        %gather3A_1084 = tpu.vector_load_idx %gather3A_1083[%add3A_26, %add3A_982] : memref<128x64xf32, #tpu.memory_space<vmem>>[vector<16xi32>, vector<16xi32>], vector<16xf32>,
        %mul3A_1085 = arith.constant 8.000000e+00 : f32
        %mul3A_1086 = vector.broadcast %mul3A_1085 : f32 to vector<16xf32>
        %mul3A_1087 = arith.mulf %gather3A_1084, %mul3A_1086 : vector<16xf32>
        %scatter3A_1088 = arith.constant 0 : i32
        %scatter3A_1089 = arith.constant 0 : i32
        %scatter3A_1090 = arith.constant 0 : i32
        %scatter3A_1091 = tpu.memref_slice %arg8[%and3A_242, %scatter3A_1088, %scatter3A_1089, %scatter3A_1090] : memref<4x8x8x128xf32, #tpu.memory_space<vmem>> -> memref<1x8x8x128xf32, #tpu.memory_space<vmem>>
        %scatter3A_1092 = tpu.memref_squeeze %scatter3A_1091 : memref<1x8x8x128xf32, #tpu.memory_space<vmem>> -> memref<8x8x128xf32, #tpu.memory_space<vmem>>
        tpu.vector_store_idx %scatter3A_1092[%shift_right_logical3A_985, %and3A_988, %add3A_26], %mul3A_1087 : memref<8x8x128xf32, #tpu.memory_space<vmem>>[vector<16xi32>, vector<16xi32>, vector<16xi32>], vector<16xf32>,
        %add3A_1093 = arith.constant 48 : i32
        %add3A_1094 = vector.broadcast %add3A_1093 : i32 to vector<16xi32>
        %add3A_1095 = arith.addi %and3A_753, %add3A_1094 : vector<16xi32>
        %shift_right_logical3A_1096 = arith.constant 3 : i32
        %shift_right_logical3A_1097 = vector.broadcast %shift_right_logical3A_1096 : i32 to vector<16xi32>
        %shift_right_logical3A_1098 = arith.shrui %add3A_1095, %shift_right_logical3A_1097 : vector<16xi32>
        %and3A_1099 = arith.constant 7 : i32
        %and3A_1100 = vector.broadcast %and3A_1099 : i32 to vector<16xi32>
        %and3A_1101 = arith.andi %add3A_1095, %and3A_1100 : vector<16xi32>
        %gather3A_1102 = arith.constant 0 : i32
        %gather3A_1103 = arith.constant 0 : i32
        %gather3A_1104 = tpu.memref_slice %arg7[%and3A_242, %gather3A_1102, %gather3A_1103] : memref<4x128x64xf32, #tpu.memory_space<vmem>> -> memref<1x128x64xf32, #tpu.memory_space<vmem>>
        %gather3A_1105 = tpu.memref_squeeze %gather3A_1104 : memref<1x128x64xf32, #tpu.memory_space<vmem>> -> memref<128x64xf32, #tpu.memory_space<vmem>>
        %gather3A_1106 = tpu.vector_load_idx %gather3A_1105[%add3A_5, %add3A_1095] : memref<128x64xf32, #tpu.memory_space<vmem>>[vector<16xi32>, vector<16xi32>], vector<16xf32>,
        %mul3A_1107 = arith.constant 8.000000e+00 : f32
        %mul3A_1108 = vector.broadcast %mul3A_1107 : f32 to vector<16xf32>
        %mul3A_1109 = arith.mulf %gather3A_1106, %mul3A_1108 : vector<16xf32>
        %scatter3A_1110 = arith.constant 0 : i32
        %scatter3A_1111 = arith.constant 0 : i32
        %scatter3A_1112 = arith.constant 0 : i32
        %scatter3A_1113 = tpu.memref_slice %arg8[%and3A_242, %scatter3A_1110, %scatter3A_1111, %scatter3A_1112] : memref<4x8x8x128xf32, #tpu.memory_space<vmem>> -> memref<1x8x8x128xf32, #tpu.memory_space<vmem>>
        %scatter3A_1114 = tpu.memref_squeeze %scatter3A_1113 : memref<1x8x8x128xf32, #tpu.memory_space<vmem>> -> memref<8x8x128xf32, #tpu.memory_space<vmem>>
        tpu.vector_store_idx %scatter3A_1114[%shift_right_logical3A_1098, %and3A_1101, %add3A_5], %mul3A_1109 : memref<8x8x128xf32, #tpu.memory_space<vmem>>[vector<16xi32>, vector<16xi32>, vector<16xi32>], vector<16xf32>,
        %gather3A_1115 = arith.constant 0 : i32
        %gather3A_1116 = arith.constant 0 : i32
        %gather3A_1117 = tpu.memref_slice %arg7[%and3A_242, %gather3A_1115, %gather3A_1116] : memref<4x128x64xf32, #tpu.memory_space<vmem>> -> memref<1x128x64xf32, #tpu.memory_space<vmem>>
        %gather3A_1118 = tpu.memref_squeeze %gather3A_1117 : memref<1x128x64xf32, #tpu.memory_space<vmem>> -> memref<128x64xf32, #tpu.memory_space<vmem>>
        %gather3A_1119 = tpu.vector_load_idx %gather3A_1118[%add3A_8, %add3A_1095] : memref<128x64xf32, #tpu.memory_space<vmem>>[vector<16xi32>, vector<16xi32>], vector<16xf32>,
        %mul3A_1120 = arith.constant 8.000000e+00 : f32
        %mul3A_1121 = vector.broadcast %mul3A_1120 : f32 to vector<16xf32>
        %mul3A_1122 = arith.mulf %gather3A_1119, %mul3A_1121 : vector<16xf32>
        %scatter3A_1123 = arith.constant 0 : i32
        %scatter3A_1124 = arith.constant 0 : i32
        %scatter3A_1125 = arith.constant 0 : i32
        %scatter3A_1126 = tpu.memref_slice %arg8[%and3A_242, %scatter3A_1123, %scatter3A_1124, %scatter3A_1125] : memref<4x8x8x128xf32, #tpu.memory_space<vmem>> -> memref<1x8x8x128xf32, #tpu.memory_space<vmem>>
        %scatter3A_1127 = tpu.memref_squeeze %scatter3A_1126 : memref<1x8x8x128xf32, #tpu.memory_space<vmem>> -> memref<8x8x128xf32, #tpu.memory_space<vmem>>
        tpu.vector_store_idx %scatter3A_1127[%shift_right_logical3A_1098, %and3A_1101, %add3A_8], %mul3A_1122 : memref<8x8x128xf32, #tpu.memory_space<vmem>>[vector<16xi32>, vector<16xi32>, vector<16xi32>], vector<16xf32>,
        %gather3A_1128 = arith.constant 0 : i32
        %gather3A_1129 = arith.constant 0 : i32
        %gather3A_1130 = tpu.memref_slice %arg7[%and3A_242, %gather3A_1128, %gather3A_1129] : memref<4x128x64xf32, #tpu.memory_space<vmem>> -> memref<1x128x64xf32, #tpu.memory_space<vmem>>
        %gather3A_1131 = tpu.memref_squeeze %gather3A_1130 : memref<1x128x64xf32, #tpu.memory_space<vmem>> -> memref<128x64xf32, #tpu.memory_space<vmem>>
        %gather3A_1132 = tpu.vector_load_idx %gather3A_1131[%add3A_11, %add3A_1095] : memref<128x64xf32, #tpu.memory_space<vmem>>[vector<16xi32>, vector<16xi32>], vector<16xf32>,
        %mul3A_1133 = arith.constant 8.000000e+00 : f32
        %mul3A_1134 = vector.broadcast %mul3A_1133 : f32 to vector<16xf32>
        %mul3A_1135 = arith.mulf %gather3A_1132, %mul3A_1134 : vector<16xf32>
        %scatter3A_1136 = arith.constant 0 : i32
        %scatter3A_1137 = arith.constant 0 : i32
        %scatter3A_1138 = arith.constant 0 : i32
        %scatter3A_1139 = tpu.memref_slice %arg8[%and3A_242, %scatter3A_1136, %scatter3A_1137, %scatter3A_1138] : memref<4x8x8x128xf32, #tpu.memory_space<vmem>> -> memref<1x8x8x128xf32, #tpu.memory_space<vmem>>
        %scatter3A_1140 = tpu.memref_squeeze %scatter3A_1139 : memref<1x8x8x128xf32, #tpu.memory_space<vmem>> -> memref<8x8x128xf32, #tpu.memory_space<vmem>>
        tpu.vector_store_idx %scatter3A_1140[%shift_right_logical3A_1098, %and3A_1101, %add3A_11], %mul3A_1135 : memref<8x8x128xf32, #tpu.memory_space<vmem>>[vector<16xi32>, vector<16xi32>, vector<16xi32>], vector<16xf32>,
        %gather3A_1141 = arith.constant 0 : i32
        %gather3A_1142 = arith.constant 0 : i32
        %gather3A_1143 = tpu.memref_slice %arg7[%and3A_242, %gather3A_1141, %gather3A_1142] : memref<4x128x64xf32, #tpu.memory_space<vmem>> -> memref<1x128x64xf32, #tpu.memory_space<vmem>>
        %gather3A_1144 = tpu.memref_squeeze %gather3A_1143 : memref<1x128x64xf32, #tpu.memory_space<vmem>> -> memref<128x64xf32, #tpu.memory_space<vmem>>
        %gather3A_1145 = tpu.vector_load_idx %gather3A_1144[%add3A_14, %add3A_1095] : memref<128x64xf32, #tpu.memory_space<vmem>>[vector<16xi32>, vector<16xi32>], vector<16xf32>,
        %mul3A_1146 = arith.constant 8.000000e+00 : f32
        %mul3A_1147 = vector.broadcast %mul3A_1146 : f32 to vector<16xf32>
        %mul3A_1148 = arith.mulf %gather3A_1145, %mul3A_1147 : vector<16xf32>
        %scatter3A_1149 = arith.constant 0 : i32
        %scatter3A_1150 = arith.constant 0 : i32
        %scatter3A_1151 = arith.constant 0 : i32
        %scatter3A_1152 = tpu.memref_slice %arg8[%and3A_242, %scatter3A_1149, %scatter3A_1150, %scatter3A_1151] : memref<4x8x8x128xf32, #tpu.memory_space<vmem>> -> memref<1x8x8x128xf32, #tpu.memory_space<vmem>>
        %scatter3A_1153 = tpu.memref_squeeze %scatter3A_1152 : memref<1x8x8x128xf32, #tpu.memory_space<vmem>> -> memref<8x8x128xf32, #tpu.memory_space<vmem>>
        tpu.vector_store_idx %scatter3A_1153[%shift_right_logical3A_1098, %and3A_1101, %add3A_14], %mul3A_1148 : memref<8x8x128xf32, #tpu.memory_space<vmem>>[vector<16xi32>, vector<16xi32>, vector<16xi32>], vector<16xf32>,
        %gather3A_1154 = arith.constant 0 : i32
        %gather3A_1155 = arith.constant 0 : i32
        %gather3A_1156 = tpu.memref_slice %arg7[%and3A_242, %gather3A_1154, %gather3A_1155] : memref<4x128x64xf32, #tpu.memory_space<vmem>> -> memref<1x128x64xf32, #tpu.memory_space<vmem>>
        %gather3A_1157 = tpu.memref_squeeze %gather3A_1156 : memref<1x128x64xf32, #tpu.memory_space<vmem>> -> memref<128x64xf32, #tpu.memory_space<vmem>>
        %gather3A_1158 = tpu.vector_load_idx %gather3A_1157[%add3A_17, %add3A_1095] : memref<128x64xf32, #tpu.memory_space<vmem>>[vector<16xi32>, vector<16xi32>], vector<16xf32>,
        %mul3A_1159 = arith.constant 8.000000e+00 : f32
        %mul3A_1160 = vector.broadcast %mul3A_1159 : f32 to vector<16xf32>
        %mul3A_1161 = arith.mulf %gather3A_1158, %mul3A_1160 : vector<16xf32>
        %scatter3A_1162 = arith.constant 0 : i32
        %scatter3A_1163 = arith.constant 0 : i32
        %scatter3A_1164 = arith.constant 0 : i32
        %scatter3A_1165 = tpu.memref_slice %arg8[%and3A_242, %scatter3A_1162, %scatter3A_1163, %scatter3A_1164] : memref<4x8x8x128xf32, #tpu.memory_space<vmem>> -> memref<1x8x8x128xf32, #tpu.memory_space<vmem>>
        %scatter3A_1166 = tpu.memref_squeeze %scatter3A_1165 : memref<1x8x8x128xf32, #tpu.memory_space<vmem>> -> memref<8x8x128xf32, #tpu.memory_space<vmem>>
        tpu.vector_store_idx %scatter3A_1166[%shift_right_logical3A_1098, %and3A_1101, %add3A_17], %mul3A_1161 : memref<8x8x128xf32, #tpu.memory_space<vmem>>[vector<16xi32>, vector<16xi32>, vector<16xi32>], vector<16xf32>,
        %gather3A_1167 = arith.constant 0 : i32
        %gather3A_1168 = arith.constant 0 : i32
        %gather3A_1169 = tpu.memref_slice %arg7[%and3A_242, %gather3A_1167, %gather3A_1168] : memref<4x128x64xf32, #tpu.memory_space<vmem>> -> memref<1x128x64xf32, #tpu.memory_space<vmem>>
        %gather3A_1170 = tpu.memref_squeeze %gather3A_1169 : memref<1x128x64xf32, #tpu.memory_space<vmem>> -> memref<128x64xf32, #tpu.memory_space<vmem>>
        %gather3A_1171 = tpu.vector_load_idx %gather3A_1170[%add3A_20, %add3A_1095] : memref<128x64xf32, #tpu.memory_space<vmem>>[vector<16xi32>, vector<16xi32>], vector<16xf32>,
        %mul3A_1172 = arith.constant 8.000000e+00 : f32
        %mul3A_1173 = vector.broadcast %mul3A_1172 : f32 to vector<16xf32>
        %mul3A_1174 = arith.mulf %gather3A_1171, %mul3A_1173 : vector<16xf32>
        %scatter3A_1175 = arith.constant 0 : i32
        %scatter3A_1176 = arith.constant 0 : i32
        %scatter3A_1177 = arith.constant 0 : i32
        %scatter3A_1178 = tpu.memref_slice %arg8[%and3A_242, %scatter3A_1175, %scatter3A_1176, %scatter3A_1177] : memref<4x8x8x128xf32, #tpu.memory_space<vmem>> -> memref<1x8x8x128xf32, #tpu.memory_space<vmem>>
        %scatter3A_1179 = tpu.memref_squeeze %scatter3A_1178 : memref<1x8x8x128xf32, #tpu.memory_space<vmem>> -> memref<8x8x128xf32, #tpu.memory_space<vmem>>
        tpu.vector_store_idx %scatter3A_1179[%shift_right_logical3A_1098, %and3A_1101, %add3A_20], %mul3A_1174 : memref<8x8x128xf32, #tpu.memory_space<vmem>>[vector<16xi32>, vector<16xi32>, vector<16xi32>], vector<16xf32>,
        %gather3A_1180 = arith.constant 0 : i32
        %gather3A_1181 = arith.constant 0 : i32
        %gather3A_1182 = tpu.memref_slice %arg7[%and3A_242, %gather3A_1180, %gather3A_1181] : memref<4x128x64xf32, #tpu.memory_space<vmem>> -> memref<1x128x64xf32, #tpu.memory_space<vmem>>
        %gather3A_1183 = tpu.memref_squeeze %gather3A_1182 : memref<1x128x64xf32, #tpu.memory_space<vmem>> -> memref<128x64xf32, #tpu.memory_space<vmem>>
        %gather3A_1184 = tpu.vector_load_idx %gather3A_1183[%add3A_23, %add3A_1095] : memref<128x64xf32, #tpu.memory_space<vmem>>[vector<16xi32>, vector<16xi32>], vector<16xf32>,
        %mul3A_1185 = arith.constant 8.000000e+00 : f32
        %mul3A_1186 = vector.broadcast %mul3A_1185 : f32 to vector<16xf32>
        %mul3A_1187 = arith.mulf %gather3A_1184, %mul3A_1186 : vector<16xf32>
        %scatter3A_1188 = arith.constant 0 : i32
        %scatter3A_1189 = arith.constant 0 : i32
        %scatter3A_1190 = arith.constant 0 : i32
        %scatter3A_1191 = tpu.memref_slice %arg8[%and3A_242, %scatter3A_1188, %scatter3A_1189, %scatter3A_1190] : memref<4x8x8x128xf32, #tpu.memory_space<vmem>> -> memref<1x8x8x128xf32, #tpu.memory_space<vmem>>
        %scatter3A_1192 = tpu.memref_squeeze %scatter3A_1191 : memref<1x8x8x128xf32, #tpu.memory_space<vmem>> -> memref<8x8x128xf32, #tpu.memory_space<vmem>>
        tpu.vector_store_idx %scatter3A_1192[%shift_right_logical3A_1098, %and3A_1101, %add3A_23], %mul3A_1187 : memref<8x8x128xf32, #tpu.memory_space<vmem>>[vector<16xi32>, vector<16xi32>, vector<16xi32>], vector<16xf32>,
        %gather3A_1193 = arith.constant 0 : i32
        %gather3A_1194 = arith.constant 0 : i32
        %gather3A_1195 = tpu.memref_slice %arg7[%and3A_242, %gather3A_1193, %gather3A_1194] : memref<4x128x64xf32, #tpu.memory_space<vmem>> -> memref<1x128x64xf32, #tpu.memory_space<vmem>>
        %gather3A_1196 = tpu.memref_squeeze %gather3A_1195 : memref<1x128x64xf32, #tpu.memory_space<vmem>> -> memref<128x64xf32, #tpu.memory_space<vmem>>
        %gather3A_1197 = tpu.vector_load_idx %gather3A_1196[%add3A_26, %add3A_1095] : memref<128x64xf32, #tpu.memory_space<vmem>>[vector<16xi32>, vector<16xi32>], vector<16xf32>,
        %mul3A_1198 = arith.constant 8.000000e+00 : f32
        %mul3A_1199 = vector.broadcast %mul3A_1198 : f32 to vector<16xf32>
        %mul3A_1200 = arith.mulf %gather3A_1197, %mul3A_1199 : vector<16xf32>
        %scatter3A_1201 = arith.constant 0 : i32
        %scatter3A_1202 = arith.constant 0 : i32
        %scatter3A_1203 = arith.constant 0 : i32
        %scatter3A_1204 = tpu.memref_slice %arg8[%and3A_242, %scatter3A_1201, %scatter3A_1202, %scatter3A_1203] : memref<4x8x8x128xf32, #tpu.memory_space<vmem>> -> memref<1x8x8x128xf32, #tpu.memory_space<vmem>>
        %scatter3A_1205 = tpu.memref_squeeze %scatter3A_1204 : memref<1x8x8x128xf32, #tpu.memory_space<vmem>> -> memref<8x8x128xf32, #tpu.memory_space<vmem>>
        tpu.vector_store_idx %scatter3A_1205[%shift_right_logical3A_1098, %and3A_1101, %add3A_26], %mul3A_1200 : memref<8x8x128xf32, #tpu.memory_space<vmem>>[vector<16xi32>, vector<16xi32>, vector<16xi32>], vector<16xf32>,
        %scan3A_1206 = arith.constant 2 : i32
        %scan3A_1207 = arith.addi %scan3A_291, %scan3A_1206 : i32
        %add3A_1208 = vector.broadcast %scan3A_1207 : i32 to vector<16xi32>
        %add3A_1209 = arith.addi %iota3A, %add3A_1208 : vector<16xi32>
        %and3A_1210 = arith.constant 15 : i32
        %and3A_1211 = vector.broadcast %and3A_1210 : i32 to vector<16xi32>
        %and3A_1212 = arith.andi %add3A_1209, %and3A_1211 : vector<16xi32>
        %add3A_1213 = arith.constant 0 : i32
        %add3A_1214 = vector.broadcast %add3A_1213 : i32 to vector<16xi32>
        %add3A_1215 = arith.addi %and3A_1212, %add3A_1214 : vector<16xi32>
        %shift_right_logical3A_1216 = arith.constant 3 : i32
        %shift_right_logical3A_1217 = vector.broadcast %shift_right_logical3A_1216 : i32 to vector<16xi32>
        %shift_right_logical3A_1218 = arith.shrui %add3A_1215, %shift_right_logical3A_1217 : vector<16xi32>
        %and3A_1219 = arith.constant 7 : i32
        %and3A_1220 = vector.broadcast %and3A_1219 : i32 to vector<16xi32>
        %and3A_1221 = arith.andi %add3A_1215, %and3A_1220 : vector<16xi32>
        %gather3A_1222 = arith.constant 0 : i32
        %gather3A_1223 = arith.constant 0 : i32
        %gather3A_1224 = tpu.memref_slice %arg7[%and3A_242, %gather3A_1222, %gather3A_1223] : memref<4x128x64xf32, #tpu.memory_space<vmem>> -> memref<1x128x64xf32, #tpu.memory_space<vmem>>
        %gather3A_1225 = tpu.memref_squeeze %gather3A_1224 : memref<1x128x64xf32, #tpu.memory_space<vmem>> -> memref<128x64xf32, #tpu.memory_space<vmem>>
        %gather3A_1226 = tpu.vector_load_idx %gather3A_1225[%add3A_5, %add3A_1215] : memref<128x64xf32, #tpu.memory_space<vmem>>[vector<16xi32>, vector<16xi32>], vector<16xf32>,
        %mul3A_1227 = arith.constant 8.000000e+00 : f32
        %mul3A_1228 = vector.broadcast %mul3A_1227 : f32 to vector<16xf32>
        %mul3A_1229 = arith.mulf %gather3A_1226, %mul3A_1228 : vector<16xf32>
        %scatter3A_1230 = arith.constant 0 : i32
        %scatter3A_1231 = arith.constant 0 : i32
        %scatter3A_1232 = arith.constant 0 : i32
        %scatter3A_1233 = tpu.memref_slice %arg8[%and3A_242, %scatter3A_1230, %scatter3A_1231, %scatter3A_1232] : memref<4x8x8x128xf32, #tpu.memory_space<vmem>> -> memref<1x8x8x128xf32, #tpu.memory_space<vmem>>
        %scatter3A_1234 = tpu.memref_squeeze %scatter3A_1233 : memref<1x8x8x128xf32, #tpu.memory_space<vmem>> -> memref<8x8x128xf32, #tpu.memory_space<vmem>>
        tpu.vector_store_idx %scatter3A_1234[%shift_right_logical3A_1218, %and3A_1221, %add3A_5], %mul3A_1229 : memref<8x8x128xf32, #tpu.memory_space<vmem>>[vector<16xi32>, vector<16xi32>, vector<16xi32>], vector<16xf32>,
        %gather3A_1235 = arith.constant 0 : i32
        %gather3A_1236 = arith.constant 0 : i32
        %gather3A_1237 = tpu.memref_slice %arg7[%and3A_242, %gather3A_1235, %gather3A_1236] : memref<4x128x64xf32, #tpu.memory_space<vmem>> -> memref<1x128x64xf32, #tpu.memory_space<vmem>>
        %gather3A_1238 = tpu.memref_squeeze %gather3A_1237 : memref<1x128x64xf32, #tpu.memory_space<vmem>> -> memref<128x64xf32, #tpu.memory_space<vmem>>
        %gather3A_1239 = tpu.vector_load_idx %gather3A_1238[%add3A_8, %add3A_1215] : memref<128x64xf32, #tpu.memory_space<vmem>>[vector<16xi32>, vector<16xi32>], vector<16xf32>,
        %mul3A_1240 = arith.constant 8.000000e+00 : f32
        %mul3A_1241 = vector.broadcast %mul3A_1240 : f32 to vector<16xf32>
        %mul3A_1242 = arith.mulf %gather3A_1239, %mul3A_1241 : vector<16xf32>
        %scatter3A_1243 = arith.constant 0 : i32
        %scatter3A_1244 = arith.constant 0 : i32
        %scatter3A_1245 = arith.constant 0 : i32
        %scatter3A_1246 = tpu.memref_slice %arg8[%and3A_242, %scatter3A_1243, %scatter3A_1244, %scatter3A_1245] : memref<4x8x8x128xf32, #tpu.memory_space<vmem>> -> memref<1x8x8x128xf32, #tpu.memory_space<vmem>>
        %scatter3A_1247 = tpu.memref_squeeze %scatter3A_1246 : memref<1x8x8x128xf32, #tpu.memory_space<vmem>> -> memref<8x8x128xf32, #tpu.memory_space<vmem>>
        tpu.vector_store_idx %scatter3A_1247[%shift_right_logical3A_1218, %and3A_1221, %add3A_8], %mul3A_1242 : memref<8x8x128xf32, #tpu.memory_space<vmem>>[vector<16xi32>, vector<16xi32>, vector<16xi32>], vector<16xf32>,
        %gather3A_1248 = arith.constant 0 : i32
        %gather3A_1249 = arith.constant 0 : i32
        %gather3A_1250 = tpu.memref_slice %arg7[%and3A_242, %gather3A_1248, %gather3A_1249] : memref<4x128x64xf32, #tpu.memory_space<vmem>> -> memref<1x128x64xf32, #tpu.memory_space<vmem>>
        %gather3A_1251 = tpu.memref_squeeze %gather3A_1250 : memref<1x128x64xf32, #tpu.memory_space<vmem>> -> memref<128x64xf32, #tpu.memory_space<vmem>>
        %gather3A_1252 = tpu.vector_load_idx %gather3A_1251[%add3A_11, %add3A_1215] : memref<128x64xf32, #tpu.memory_space<vmem>>[vector<16xi32>, vector<16xi32>], vector<16xf32>,
        %mul3A_1253 = arith.constant 8.000000e+00 : f32
        %mul3A_1254 = vector.broadcast %mul3A_1253 : f32 to vector<16xf32>
        %mul3A_1255 = arith.mulf %gather3A_1252, %mul3A_1254 : vector<16xf32>
        %scatter3A_1256 = arith.constant 0 : i32
        %scatter3A_1257 = arith.constant 0 : i32
        %scatter3A_1258 = arith.constant 0 : i32
        %scatter3A_1259 = tpu.memref_slice %arg8[%and3A_242, %scatter3A_1256, %scatter3A_1257, %scatter3A_1258] : memref<4x8x8x128xf32, #tpu.memory_space<vmem>> -> memref<1x8x8x128xf32, #tpu.memory_space<vmem>>
        %scatter3A_1260 = tpu.memref_squeeze %scatter3A_1259 : memref<1x8x8x128xf32, #tpu.memory_space<vmem>> -> memref<8x8x128xf32, #tpu.memory_space<vmem>>
        tpu.vector_store_idx %scatter3A_1260[%shift_right_logical3A_1218, %and3A_1221, %add3A_11], %mul3A_1255 : memref<8x8x128xf32, #tpu.memory_space<vmem>>[vector<16xi32>, vector<16xi32>, vector<16xi32>], vector<16xf32>,
        %gather3A_1261 = arith.constant 0 : i32
        %gather3A_1262 = arith.constant 0 : i32
        %gather3A_1263 = tpu.memref_slice %arg7[%and3A_242, %gather3A_1261, %gather3A_1262] : memref<4x128x64xf32, #tpu.memory_space<vmem>> -> memref<1x128x64xf32, #tpu.memory_space<vmem>>
        %gather3A_1264 = tpu.memref_squeeze %gather3A_1263 : memref<1x128x64xf32, #tpu.memory_space<vmem>> -> memref<128x64xf32, #tpu.memory_space<vmem>>
        %gather3A_1265 = tpu.vector_load_idx %gather3A_1264[%add3A_14, %add3A_1215] : memref<128x64xf32, #tpu.memory_space<vmem>>[vector<16xi32>, vector<16xi32>], vector<16xf32>,
        %mul3A_1266 = arith.constant 8.000000e+00 : f32
        %mul3A_1267 = vector.broadcast %mul3A_1266 : f32 to vector<16xf32>
        %mul3A_1268 = arith.mulf %gather3A_1265, %mul3A_1267 : vector<16xf32>
        %scatter3A_1269 = arith.constant 0 : i32
        %scatter3A_1270 = arith.constant 0 : i32
        %scatter3A_1271 = arith.constant 0 : i32
        %scatter3A_1272 = tpu.memref_slice %arg8[%and3A_242, %scatter3A_1269, %scatter3A_1270, %scatter3A_1271] : memref<4x8x8x128xf32, #tpu.memory_space<vmem>> -> memref<1x8x8x128xf32, #tpu.memory_space<vmem>>
        %scatter3A_1273 = tpu.memref_squeeze %scatter3A_1272 : memref<1x8x8x128xf32, #tpu.memory_space<vmem>> -> memref<8x8x128xf32, #tpu.memory_space<vmem>>
        tpu.vector_store_idx %scatter3A_1273[%shift_right_logical3A_1218, %and3A_1221, %add3A_14], %mul3A_1268 : memref<8x8x128xf32, #tpu.memory_space<vmem>>[vector<16xi32>, vector<16xi32>, vector<16xi32>], vector<16xf32>,
        %gather3A_1274 = arith.constant 0 : i32
        %gather3A_1275 = arith.constant 0 : i32
        %gather3A_1276 = tpu.memref_slice %arg7[%and3A_242, %gather3A_1274, %gather3A_1275] : memref<4x128x64xf32, #tpu.memory_space<vmem>> -> memref<1x128x64xf32, #tpu.memory_space<vmem>>
        %gather3A_1277 = tpu.memref_squeeze %gather3A_1276 : memref<1x128x64xf32, #tpu.memory_space<vmem>> -> memref<128x64xf32, #tpu.memory_space<vmem>>
        %gather3A_1278 = tpu.vector_load_idx %gather3A_1277[%add3A_17, %add3A_1215] : memref<128x64xf32, #tpu.memory_space<vmem>>[vector<16xi32>, vector<16xi32>], vector<16xf32>,
        %mul3A_1279 = arith.constant 8.000000e+00 : f32
        %mul3A_1280 = vector.broadcast %mul3A_1279 : f32 to vector<16xf32>
        %mul3A_1281 = arith.mulf %gather3A_1278, %mul3A_1280 : vector<16xf32>
        %scatter3A_1282 = arith.constant 0 : i32
        %scatter3A_1283 = arith.constant 0 : i32
        %scatter3A_1284 = arith.constant 0 : i32
        %scatter3A_1285 = tpu.memref_slice %arg8[%and3A_242, %scatter3A_1282, %scatter3A_1283, %scatter3A_1284] : memref<4x8x8x128xf32, #tpu.memory_space<vmem>> -> memref<1x8x8x128xf32, #tpu.memory_space<vmem>>
        %scatter3A_1286 = tpu.memref_squeeze %scatter3A_1285 : memref<1x8x8x128xf32, #tpu.memory_space<vmem>> -> memref<8x8x128xf32, #tpu.memory_space<vmem>>
        tpu.vector_store_idx %scatter3A_1286[%shift_right_logical3A_1218, %and3A_1221, %add3A_17], %mul3A_1281 : memref<8x8x128xf32, #tpu.memory_space<vmem>>[vector<16xi32>, vector<16xi32>, vector<16xi32>], vector<16xf32>,
        %gather3A_1287 = arith.constant 0 : i32
        %gather3A_1288 = arith.constant 0 : i32
        %gather3A_1289 = tpu.memref_slice %arg7[%and3A_242, %gather3A_1287, %gather3A_1288] : memref<4x128x64xf32, #tpu.memory_space<vmem>> -> memref<1x128x64xf32, #tpu.memory_space<vmem>>
        %gather3A_1290 = tpu.memref_squeeze %gather3A_1289 : memref<1x128x64xf32, #tpu.memory_space<vmem>> -> memref<128x64xf32, #tpu.memory_space<vmem>>
        %gather3A_1291 = tpu.vector_load_idx %gather3A_1290[%add3A_20, %add3A_1215] : memref<128x64xf32, #tpu.memory_space<vmem>>[vector<16xi32>, vector<16xi32>], vector<16xf32>,
        %mul3A_1292 = arith.constant 8.000000e+00 : f32
        %mul3A_1293 = vector.broadcast %mul3A_1292 : f32 to vector<16xf32>
        %mul3A_1294 = arith.mulf %gather3A_1291, %mul3A_1293 : vector<16xf32>
        %scatter3A_1295 = arith.constant 0 : i32
        %scatter3A_1296 = arith.constant 0 : i32
        %scatter3A_1297 = arith.constant 0 : i32
        %scatter3A_1298 = tpu.memref_slice %arg8[%and3A_242, %scatter3A_1295, %scatter3A_1296, %scatter3A_1297] : memref<4x8x8x128xf32, #tpu.memory_space<vmem>> -> memref<1x8x8x128xf32, #tpu.memory_space<vmem>>
        %scatter3A_1299 = tpu.memref_squeeze %scatter3A_1298 : memref<1x8x8x128xf32, #tpu.memory_space<vmem>> -> memref<8x8x128xf32, #tpu.memory_space<vmem>>
        tpu.vector_store_idx %scatter3A_1299[%shift_right_logical3A_1218, %and3A_1221, %add3A_20], %mul3A_1294 : memref<8x8x128xf32, #tpu.memory_space<vmem>>[vector<16xi32>, vector<16xi32>, vector<16xi32>], vector<16xf32>,
        %gather3A_1300 = arith.constant 0 : i32
        %gather3A_1301 = arith.constant 0 : i32
        %gather3A_1302 = tpu.memref_slice %arg7[%and3A_242, %gather3A_1300, %gather3A_1301] : memref<4x128x64xf32, #tpu.memory_space<vmem>> -> memref<1x128x64xf32, #tpu.memory_space<vmem>>
        %gather3A_1303 = tpu.memref_squeeze %gather3A_1302 : memref<1x128x64xf32, #tpu.memory_space<vmem>> -> memref<128x64xf32, #tpu.memory_space<vmem>>
        %gather3A_1304 = tpu.vector_load_idx %gather3A_1303[%add3A_23, %add3A_1215] : memref<128x64xf32, #tpu.memory_space<vmem>>[vector<16xi32>, vector<16xi32>], vector<16xf32>,
        %mul3A_1305 = arith.constant 8.000000e+00 : f32
        %mul3A_1306 = vector.broadcast %mul3A_1305 : f32 to vector<16xf32>
        %mul3A_1307 = arith.mulf %gather3A_1304, %mul3A_1306 : vector<16xf32>
        %scatter3A_1308 = arith.constant 0 : i32
        %scatter3A_1309 = arith.constant 0 : i32
        %scatter3A_1310 = arith.constant 0 : i32
        %scatter3A_1311 = tpu.memref_slice %arg8[%and3A_242, %scatter3A_1308, %scatter3A_1309, %scatter3A_1310] : memref<4x8x8x128xf32, #tpu.memory_space<vmem>> -> memref<1x8x8x128xf32, #tpu.memory_space<vmem>>
        %scatter3A_1312 = tpu.memref_squeeze %scatter3A_1311 : memref<1x8x8x128xf32, #tpu.memory_space<vmem>> -> memref<8x8x128xf32, #tpu.memory_space<vmem>>
        tpu.vector_store_idx %scatter3A_1312[%shift_right_logical3A_1218, %and3A_1221, %add3A_23], %mul3A_1307 : memref<8x8x128xf32, #tpu.memory_space<vmem>>[vector<16xi32>, vector<16xi32>, vector<16xi32>], vector<16xf32>,
        %gather3A_1313 = arith.constant 0 : i32
        %gather3A_1314 = arith.constant 0 : i32
        %gather3A_1315 = tpu.memref_slice %arg7[%and3A_242, %gather3A_1313, %gather3A_1314] : memref<4x128x64xf32, #tpu.memory_space<vmem>> -> memref<1x128x64xf32, #tpu.memory_space<vmem>>
        %gather3A_1316 = tpu.memref_squeeze %gather3A_1315 : memref<1x128x64xf32, #tpu.memory_space<vmem>> -> memref<128x64xf32, #tpu.memory_space<vmem>>
        %gather3A_1317 = tpu.vector_load_idx %gather3A_1316[%add3A_26, %add3A_1215] : memref<128x64xf32, #tpu.memory_space<vmem>>[vector<16xi32>, vector<16xi32>], vector<16xf32>,
        %mul3A_1318 = arith.constant 8.000000e+00 : f32
        %mul3A_1319 = vector.broadcast %mul3A_1318 : f32 to vector<16xf32>
        %mul3A_1320 = arith.mulf %gather3A_1317, %mul3A_1319 : vector<16xf32>
        %scatter3A_1321 = arith.constant 0 : i32
        %scatter3A_1322 = arith.constant 0 : i32
        %scatter3A_1323 = arith.constant 0 : i32
        %scatter3A_1324 = tpu.memref_slice %arg8[%and3A_242, %scatter3A_1321, %scatter3A_1322, %scatter3A_1323] : memref<4x8x8x128xf32, #tpu.memory_space<vmem>> -> memref<1x8x8x128xf32, #tpu.memory_space<vmem>>
        %scatter3A_1325 = tpu.memref_squeeze %scatter3A_1324 : memref<1x8x8x128xf32, #tpu.memory_space<vmem>> -> memref<8x8x128xf32, #tpu.memory_space<vmem>>
        tpu.vector_store_idx %scatter3A_1325[%shift_right_logical3A_1218, %and3A_1221, %add3A_26], %mul3A_1320 : memref<8x8x128xf32, #tpu.memory_space<vmem>>[vector<16xi32>, vector<16xi32>, vector<16xi32>], vector<16xf32>,
        %add3A_1326 = arith.constant 16 : i32
        %add3A_1327 = vector.broadcast %add3A_1326 : i32 to vector<16xi32>
        %add3A_1328 = arith.addi %and3A_1212, %add3A_1327 : vector<16xi32>
        %shift_right_logical3A_1329 = arith.constant 3 : i32
        %shift_right_logical3A_1330 = vector.broadcast %shift_right_logical3A_1329 : i32 to vector<16xi32>
        %shift_right_logical3A_1331 = arith.shrui %add3A_1328, %shift_right_logical3A_1330 : vector<16xi32>
        %and3A_1332 = arith.constant 7 : i32
        %and3A_1333 = vector.broadcast %and3A_1332 : i32 to vector<16xi32>
        %and3A_1334 = arith.andi %add3A_1328, %and3A_1333 : vector<16xi32>
        %gather3A_1335 = arith.constant 0 : i32
        %gather3A_1336 = arith.constant 0 : i32
        %gather3A_1337 = tpu.memref_slice %arg7[%and3A_242, %gather3A_1335, %gather3A_1336] : memref<4x128x64xf32, #tpu.memory_space<vmem>> -> memref<1x128x64xf32, #tpu.memory_space<vmem>>
        %gather3A_1338 = tpu.memref_squeeze %gather3A_1337 : memref<1x128x64xf32, #tpu.memory_space<vmem>> -> memref<128x64xf32, #tpu.memory_space<vmem>>
        %gather3A_1339 = tpu.vector_load_idx %gather3A_1338[%add3A_5, %add3A_1328] : memref<128x64xf32, #tpu.memory_space<vmem>>[vector<16xi32>, vector<16xi32>], vector<16xf32>,
        %mul3A_1340 = arith.constant 8.000000e+00 : f32
        %mul3A_1341 = vector.broadcast %mul3A_1340 : f32 to vector<16xf32>
        %mul3A_1342 = arith.mulf %gather3A_1339, %mul3A_1341 : vector<16xf32>
        %scatter3A_1343 = arith.constant 0 : i32
        %scatter3A_1344 = arith.constant 0 : i32
        %scatter3A_1345 = arith.constant 0 : i32
        %scatter3A_1346 = tpu.memref_slice %arg8[%and3A_242, %scatter3A_1343, %scatter3A_1344, %scatter3A_1345] : memref<4x8x8x128xf32, #tpu.memory_space<vmem>> -> memref<1x8x8x128xf32, #tpu.memory_space<vmem>>
        %scatter3A_1347 = tpu.memref_squeeze %scatter3A_1346 : memref<1x8x8x128xf32, #tpu.memory_space<vmem>> -> memref<8x8x128xf32, #tpu.memory_space<vmem>>
        tpu.vector_store_idx %scatter3A_1347[%shift_right_logical3A_1331, %and3A_1334, %add3A_5], %mul3A_1342 : memref<8x8x128xf32, #tpu.memory_space<vmem>>[vector<16xi32>, vector<16xi32>, vector<16xi32>], vector<16xf32>,
        %gather3A_1348 = arith.constant 0 : i32
        %gather3A_1349 = arith.constant 0 : i32
        %gather3A_1350 = tpu.memref_slice %arg7[%and3A_242, %gather3A_1348, %gather3A_1349] : memref<4x128x64xf32, #tpu.memory_space<vmem>> -> memref<1x128x64xf32, #tpu.memory_space<vmem>>
        %gather3A_1351 = tpu.memref_squeeze %gather3A_1350 : memref<1x128x64xf32, #tpu.memory_space<vmem>> -> memref<128x64xf32, #tpu.memory_space<vmem>>
        %gather3A_1352 = tpu.vector_load_idx %gather3A_1351[%add3A_8, %add3A_1328] : memref<128x64xf32, #tpu.memory_space<vmem>>[vector<16xi32>, vector<16xi32>], vector<16xf32>,
        %mul3A_1353 = arith.constant 8.000000e+00 : f32
        %mul3A_1354 = vector.broadcast %mul3A_1353 : f32 to vector<16xf32>
        %mul3A_1355 = arith.mulf %gather3A_1352, %mul3A_1354 : vector<16xf32>
        %scatter3A_1356 = arith.constant 0 : i32
        %scatter3A_1357 = arith.constant 0 : i32
        %scatter3A_1358 = arith.constant 0 : i32
        %scatter3A_1359 = tpu.memref_slice %arg8[%and3A_242, %scatter3A_1356, %scatter3A_1357, %scatter3A_1358] : memref<4x8x8x128xf32, #tpu.memory_space<vmem>> -> memref<1x8x8x128xf32, #tpu.memory_space<vmem>>
        %scatter3A_1360 = tpu.memref_squeeze %scatter3A_1359 : memref<1x8x8x128xf32, #tpu.memory_space<vmem>> -> memref<8x8x128xf32, #tpu.memory_space<vmem>>
        tpu.vector_store_idx %scatter3A_1360[%shift_right_logical3A_1331, %and3A_1334, %add3A_8], %mul3A_1355 : memref<8x8x128xf32, #tpu.memory_space<vmem>>[vector<16xi32>, vector<16xi32>, vector<16xi32>], vector<16xf32>,
        %gather3A_1361 = arith.constant 0 : i32
        %gather3A_1362 = arith.constant 0 : i32
        %gather3A_1363 = tpu.memref_slice %arg7[%and3A_242, %gather3A_1361, %gather3A_1362] : memref<4x128x64xf32, #tpu.memory_space<vmem>> -> memref<1x128x64xf32, #tpu.memory_space<vmem>>
        %gather3A_1364 = tpu.memref_squeeze %gather3A_1363 : memref<1x128x64xf32, #tpu.memory_space<vmem>> -> memref<128x64xf32, #tpu.memory_space<vmem>>
        %gather3A_1365 = tpu.vector_load_idx %gather3A_1364[%add3A_11, %add3A_1328] : memref<128x64xf32, #tpu.memory_space<vmem>>[vector<16xi32>, vector<16xi32>], vector<16xf32>,
        %mul3A_1366 = arith.constant 8.000000e+00 : f32
        %mul3A_1367 = vector.broadcast %mul3A_1366 : f32 to vector<16xf32>
        %mul3A_1368 = arith.mulf %gather3A_1365, %mul3A_1367 : vector<16xf32>
        %scatter3A_1369 = arith.constant 0 : i32
        %scatter3A_1370 = arith.constant 0 : i32
        %scatter3A_1371 = arith.constant 0 : i32
        %scatter3A_1372 = tpu.memref_slice %arg8[%and3A_242, %scatter3A_1369, %scatter3A_1370, %scatter3A_1371] : memref<4x8x8x128xf32, #tpu.memory_space<vmem>> -> memref<1x8x8x128xf32, #tpu.memory_space<vmem>>
        %scatter3A_1373 = tpu.memref_squeeze %scatter3A_1372 : memref<1x8x8x128xf32, #tpu.memory_space<vmem>> -> memref<8x8x128xf32, #tpu.memory_space<vmem>>
        tpu.vector_store_idx %scatter3A_1373[%shift_right_logical3A_1331, %and3A_1334, %add3A_11], %mul3A_1368 : memref<8x8x128xf32, #tpu.memory_space<vmem>>[vector<16xi32>, vector<16xi32>, vector<16xi32>], vector<16xf32>,
        %gather3A_1374 = arith.constant 0 : i32
        %gather3A_1375 = arith.constant 0 : i32
        %gather3A_1376 = tpu.memref_slice %arg7[%and3A_242, %gather3A_1374, %gather3A_1375] : memref<4x128x64xf32, #tpu.memory_space<vmem>> -> memref<1x128x64xf32, #tpu.memory_space<vmem>>
        %gather3A_1377 = tpu.memref_squeeze %gather3A_1376 : memref<1x128x64xf32, #tpu.memory_space<vmem>> -> memref<128x64xf32, #tpu.memory_space<vmem>>
        %gather3A_1378 = tpu.vector_load_idx %gather3A_1377[%add3A_14, %add3A_1328] : memref<128x64xf32, #tpu.memory_space<vmem>>[vector<16xi32>, vector<16xi32>], vector<16xf32>,
        %mul3A_1379 = arith.constant 8.000000e+00 : f32
        %mul3A_1380 = vector.broadcast %mul3A_1379 : f32 to vector<16xf32>
        %mul3A_1381 = arith.mulf %gather3A_1378, %mul3A_1380 : vector<16xf32>
        %scatter3A_1382 = arith.constant 0 : i32
        %scatter3A_1383 = arith.constant 0 : i32
        %scatter3A_1384 = arith.constant 0 : i32
        %scatter3A_1385 = tpu.memref_slice %arg8[%and3A_242, %scatter3A_1382, %scatter3A_1383, %scatter3A_1384] : memref<4x8x8x128xf32, #tpu.memory_space<vmem>> -> memref<1x8x8x128xf32, #tpu.memory_space<vmem>>
        %scatter3A_1386 = tpu.memref_squeeze %scatter3A_1385 : memref<1x8x8x128xf32, #tpu.memory_space<vmem>> -> memref<8x8x128xf32, #tpu.memory_space<vmem>>
        tpu.vector_store_idx %scatter3A_1386[%shift_right_logical3A_1331, %and3A_1334, %add3A_14], %mul3A_1381 : memref<8x8x128xf32, #tpu.memory_space<vmem>>[vector<16xi32>, vector<16xi32>, vector<16xi32>], vector<16xf32>,
        %gather3A_1387 = arith.constant 0 : i32
        %gather3A_1388 = arith.constant 0 : i32
        %gather3A_1389 = tpu.memref_slice %arg7[%and3A_242, %gather3A_1387, %gather3A_1388] : memref<4x128x64xf32, #tpu.memory_space<vmem>> -> memref<1x128x64xf32, #tpu.memory_space<vmem>>
        %gather3A_1390 = tpu.memref_squeeze %gather3A_1389 : memref<1x128x64xf32, #tpu.memory_space<vmem>> -> memref<128x64xf32, #tpu.memory_space<vmem>>
        %gather3A_1391 = tpu.vector_load_idx %gather3A_1390[%add3A_17, %add3A_1328] : memref<128x64xf32, #tpu.memory_space<vmem>>[vector<16xi32>, vector<16xi32>], vector<16xf32>,
        %mul3A_1392 = arith.constant 8.000000e+00 : f32
        %mul3A_1393 = vector.broadcast %mul3A_1392 : f32 to vector<16xf32>
        %mul3A_1394 = arith.mulf %gather3A_1391, %mul3A_1393 : vector<16xf32>
        %scatter3A_1395 = arith.constant 0 : i32
        %scatter3A_1396 = arith.constant 0 : i32
        %scatter3A_1397 = arith.constant 0 : i32
        %scatter3A_1398 = tpu.memref_slice %arg8[%and3A_242, %scatter3A_1395, %scatter3A_1396, %scatter3A_1397] : memref<4x8x8x128xf32, #tpu.memory_space<vmem>> -> memref<1x8x8x128xf32, #tpu.memory_space<vmem>>
        %scatter3A_1399 = tpu.memref_squeeze %scatter3A_1398 : memref<1x8x8x128xf32, #tpu.memory_space<vmem>> -> memref<8x8x128xf32, #tpu.memory_space<vmem>>
        tpu.vector_store_idx %scatter3A_1399[%shift_right_logical3A_1331, %and3A_1334, %add3A_17], %mul3A_1394 : memref<8x8x128xf32, #tpu.memory_space<vmem>>[vector<16xi32>, vector<16xi32>, vector<16xi32>], vector<16xf32>,
        %gather3A_1400 = arith.constant 0 : i32
        %gather3A_1401 = arith.constant 0 : i32
        %gather3A_1402 = tpu.memref_slice %arg7[%and3A_242, %gather3A_1400, %gather3A_1401] : memref<4x128x64xf32, #tpu.memory_space<vmem>> -> memref<1x128x64xf32, #tpu.memory_space<vmem>>
        %gather3A_1403 = tpu.memref_squeeze %gather3A_1402 : memref<1x128x64xf32, #tpu.memory_space<vmem>> -> memref<128x64xf32, #tpu.memory_space<vmem>>
        %gather3A_1404 = tpu.vector_load_idx %gather3A_1403[%add3A_20, %add3A_1328] : memref<128x64xf32, #tpu.memory_space<vmem>>[vector<16xi32>, vector<16xi32>], vector<16xf32>,
        %mul3A_1405 = arith.constant 8.000000e+00 : f32
        %mul3A_1406 = vector.broadcast %mul3A_1405 : f32 to vector<16xf32>
        %mul3A_1407 = arith.mulf %gather3A_1404, %mul3A_1406 : vector<16xf32>
        %scatter3A_1408 = arith.constant 0 : i32
        %scatter3A_1409 = arith.constant 0 : i32
        %scatter3A_1410 = arith.constant 0 : i32
        %scatter3A_1411 = tpu.memref_slice %arg8[%and3A_242, %scatter3A_1408, %scatter3A_1409, %scatter3A_1410] : memref<4x8x8x128xf32, #tpu.memory_space<vmem>> -> memref<1x8x8x128xf32, #tpu.memory_space<vmem>>
        %scatter3A_1412 = tpu.memref_squeeze %scatter3A_1411 : memref<1x8x8x128xf32, #tpu.memory_space<vmem>> -> memref<8x8x128xf32, #tpu.memory_space<vmem>>
        tpu.vector_store_idx %scatter3A_1412[%shift_right_logical3A_1331, %and3A_1334, %add3A_20], %mul3A_1407 : memref<8x8x128xf32, #tpu.memory_space<vmem>>[vector<16xi32>, vector<16xi32>, vector<16xi32>], vector<16xf32>,
        %gather3A_1413 = arith.constant 0 : i32
        %gather3A_1414 = arith.constant 0 : i32
        %gather3A_1415 = tpu.memref_slice %arg7[%and3A_242, %gather3A_1413, %gather3A_1414] : memref<4x128x64xf32, #tpu.memory_space<vmem>> -> memref<1x128x64xf32, #tpu.memory_space<vmem>>
        %gather3A_1416 = tpu.memref_squeeze %gather3A_1415 : memref<1x128x64xf32, #tpu.memory_space<vmem>> -> memref<128x64xf32, #tpu.memory_space<vmem>>
        %gather3A_1417 = tpu.vector_load_idx %gather3A_1416[%add3A_23, %add3A_1328] : memref<128x64xf32, #tpu.memory_space<vmem>>[vector<16xi32>, vector<16xi32>], vector<16xf32>,
        %mul3A_1418 = arith.constant 8.000000e+00 : f32
        %mul3A_1419 = vector.broadcast %mul3A_1418 : f32 to vector<16xf32>
        %mul3A_1420 = arith.mulf %gather3A_1417, %mul3A_1419 : vector<16xf32>
        %scatter3A_1421 = arith.constant 0 : i32
        %scatter3A_1422 = arith.constant 0 : i32
        %scatter3A_1423 = arith.constant 0 : i32
        %scatter3A_1424 = tpu.memref_slice %arg8[%and3A_242, %scatter3A_1421, %scatter3A_1422, %scatter3A_1423] : memref<4x8x8x128xf32, #tpu.memory_space<vmem>> -> memref<1x8x8x128xf32, #tpu.memory_space<vmem>>
        %scatter3A_1425 = tpu.memref_squeeze %scatter3A_1424 : memref<1x8x8x128xf32, #tpu.memory_space<vmem>> -> memref<8x8x128xf32, #tpu.memory_space<vmem>>
        tpu.vector_store_idx %scatter3A_1425[%shift_right_logical3A_1331, %and3A_1334, %add3A_23], %mul3A_1420 : memref<8x8x128xf32, #tpu.memory_space<vmem>>[vector<16xi32>, vector<16xi32>, vector<16xi32>], vector<16xf32>,
        %gather3A_1426 = arith.constant 0 : i32
        %gather3A_1427 = arith.constant 0 : i32
        %gather3A_1428 = tpu.memref_slice %arg7[%and3A_242, %gather3A_1426, %gather3A_1427] : memref<4x128x64xf32, #tpu.memory_space<vmem>> -> memref<1x128x64xf32, #tpu.memory_space<vmem>>
        %gather3A_1429 = tpu.memref_squeeze %gather3A_1428 : memref<1x128x64xf32, #tpu.memory_space<vmem>> -> memref<128x64xf32, #tpu.memory_space<vmem>>
        %gather3A_1430 = tpu.vector_load_idx %gather3A_1429[%add3A_26, %add3A_1328] : memref<128x64xf32, #tpu.memory_space<vmem>>[vector<16xi32>, vector<16xi32>], vector<16xf32>,
        %mul3A_1431 = arith.constant 8.000000e+00 : f32
        %mul3A_1432 = vector.broadcast %mul3A_1431 : f32 to vector<16xf32>
        %mul3A_1433 = arith.mulf %gather3A_1430, %mul3A_1432 : vector<16xf32>
        %scatter3A_1434 = arith.constant 0 : i32
        %scatter3A_1435 = arith.constant 0 : i32
        %scatter3A_1436 = arith.constant 0 : i32
        %scatter3A_1437 = tpu.memref_slice %arg8[%and3A_242, %scatter3A_1434, %scatter3A_1435, %scatter3A_1436] : memref<4x8x8x128xf32, #tpu.memory_space<vmem>> -> memref<1x8x8x128xf32, #tpu.memory_space<vmem>>
        %scatter3A_1438 = tpu.memref_squeeze %scatter3A_1437 : memref<1x8x8x128xf32, #tpu.memory_space<vmem>> -> memref<8x8x128xf32, #tpu.memory_space<vmem>>
        tpu.vector_store_idx %scatter3A_1438[%shift_right_logical3A_1331, %and3A_1334, %add3A_26], %mul3A_1433 : memref<8x8x128xf32, #tpu.memory_space<vmem>>[vector<16xi32>, vector<16xi32>, vector<16xi32>], vector<16xf32>,
        %add3A_1439 = arith.constant 32 : i32
        %add3A_1440 = vector.broadcast %add3A_1439 : i32 to vector<16xi32>
        %add3A_1441 = arith.addi %and3A_1212, %add3A_1440 : vector<16xi32>
        %shift_right_logical3A_1442 = arith.constant 3 : i32
        %shift_right_logical3A_1443 = vector.broadcast %shift_right_logical3A_1442 : i32 to vector<16xi32>
        %shift_right_logical3A_1444 = arith.shrui %add3A_1441, %shift_right_logical3A_1443 : vector<16xi32>
        %and3A_1445 = arith.constant 7 : i32
        %and3A_1446 = vector.broadcast %and3A_1445 : i32 to vector<16xi32>
        %and3A_1447 = arith.andi %add3A_1441, %and3A_1446 : vector<16xi32>
        %gather3A_1448 = arith.constant 0 : i32
        %gather3A_1449 = arith.constant 0 : i32
        %gather3A_1450 = tpu.memref_slice %arg7[%and3A_242, %gather3A_1448, %gather3A_1449] : memref<4x128x64xf32, #tpu.memory_space<vmem>> -> memref<1x128x64xf32, #tpu.memory_space<vmem>>
        %gather3A_1451 = tpu.memref_squeeze %gather3A_1450 : memref<1x128x64xf32, #tpu.memory_space<vmem>> -> memref<128x64xf32, #tpu.memory_space<vmem>>
        %gather3A_1452 = tpu.vector_load_idx %gather3A_1451[%add3A_5, %add3A_1441] : memref<128x64xf32, #tpu.memory_space<vmem>>[vector<16xi32>, vector<16xi32>], vector<16xf32>,
        %mul3A_1453 = arith.constant 8.000000e+00 : f32
        %mul3A_1454 = vector.broadcast %mul3A_1453 : f32 to vector<16xf32>
        %mul3A_1455 = arith.mulf %gather3A_1452, %mul3A_1454 : vector<16xf32>
        %scatter3A_1456 = arith.constant 0 : i32
        %scatter3A_1457 = arith.constant 0 : i32
        %scatter3A_1458 = arith.constant 0 : i32
        %scatter3A_1459 = tpu.memref_slice %arg8[%and3A_242, %scatter3A_1456, %scatter3A_1457, %scatter3A_1458] : memref<4x8x8x128xf32, #tpu.memory_space<vmem>> -> memref<1x8x8x128xf32, #tpu.memory_space<vmem>>
        %scatter3A_1460 = tpu.memref_squeeze %scatter3A_1459 : memref<1x8x8x128xf32, #tpu.memory_space<vmem>> -> memref<8x8x128xf32, #tpu.memory_space<vmem>>
        tpu.vector_store_idx %scatter3A_1460[%shift_right_logical3A_1444, %and3A_1447, %add3A_5], %mul3A_1455 : memref<8x8x128xf32, #tpu.memory_space<vmem>>[vector<16xi32>, vector<16xi32>, vector<16xi32>], vector<16xf32>,
        %gather3A_1461 = arith.constant 0 : i32
        %gather3A_1462 = arith.constant 0 : i32
        %gather3A_1463 = tpu.memref_slice %arg7[%and3A_242, %gather3A_1461, %gather3A_1462] : memref<4x128x64xf32, #tpu.memory_space<vmem>> -> memref<1x128x64xf32, #tpu.memory_space<vmem>>
        %gather3A_1464 = tpu.memref_squeeze %gather3A_1463 : memref<1x128x64xf32, #tpu.memory_space<vmem>> -> memref<128x64xf32, #tpu.memory_space<vmem>>
        %gather3A_1465 = tpu.vector_load_idx %gather3A_1464[%add3A_8, %add3A_1441] : memref<128x64xf32, #tpu.memory_space<vmem>>[vector<16xi32>, vector<16xi32>], vector<16xf32>,
        %mul3A_1466 = arith.constant 8.000000e+00 : f32
        %mul3A_1467 = vector.broadcast %mul3A_1466 : f32 to vector<16xf32>
        %mul3A_1468 = arith.mulf %gather3A_1465, %mul3A_1467 : vector<16xf32>
        %scatter3A_1469 = arith.constant 0 : i32
        %scatter3A_1470 = arith.constant 0 : i32
        %scatter3A_1471 = arith.constant 0 : i32
        %scatter3A_1472 = tpu.memref_slice %arg8[%and3A_242, %scatter3A_1469, %scatter3A_1470, %scatter3A_1471] : memref<4x8x8x128xf32, #tpu.memory_space<vmem>> -> memref<1x8x8x128xf32, #tpu.memory_space<vmem>>
        %scatter3A_1473 = tpu.memref_squeeze %scatter3A_1472 : memref<1x8x8x128xf32, #tpu.memory_space<vmem>> -> memref<8x8x128xf32, #tpu.memory_space<vmem>>
        tpu.vector_store_idx %scatter3A_1473[%shift_right_logical3A_1444, %and3A_1447, %add3A_8], %mul3A_1468 : memref<8x8x128xf32, #tpu.memory_space<vmem>>[vector<16xi32>, vector<16xi32>, vector<16xi32>], vector<16xf32>,
        %gather3A_1474 = arith.constant 0 : i32
        %gather3A_1475 = arith.constant 0 : i32
        %gather3A_1476 = tpu.memref_slice %arg7[%and3A_242, %gather3A_1474, %gather3A_1475] : memref<4x128x64xf32, #tpu.memory_space<vmem>> -> memref<1x128x64xf32, #tpu.memory_space<vmem>>
        %gather3A_1477 = tpu.memref_squeeze %gather3A_1476 : memref<1x128x64xf32, #tpu.memory_space<vmem>> -> memref<128x64xf32, #tpu.memory_space<vmem>>
        %gather3A_1478 = tpu.vector_load_idx %gather3A_1477[%add3A_11, %add3A_1441] : memref<128x64xf32, #tpu.memory_space<vmem>>[vector<16xi32>, vector<16xi32>], vector<16xf32>,
        %mul3A_1479 = arith.constant 8.000000e+00 : f32
        %mul3A_1480 = vector.broadcast %mul3A_1479 : f32 to vector<16xf32>
        %mul3A_1481 = arith.mulf %gather3A_1478, %mul3A_1480 : vector<16xf32>
        %scatter3A_1482 = arith.constant 0 : i32
        %scatter3A_1483 = arith.constant 0 : i32
        %scatter3A_1484 = arith.constant 0 : i32
        %scatter3A_1485 = tpu.memref_slice %arg8[%and3A_242, %scatter3A_1482, %scatter3A_1483, %scatter3A_1484] : memref<4x8x8x128xf32, #tpu.memory_space<vmem>> -> memref<1x8x8x128xf32, #tpu.memory_space<vmem>>
        %scatter3A_1486 = tpu.memref_squeeze %scatter3A_1485 : memref<1x8x8x128xf32, #tpu.memory_space<vmem>> -> memref<8x8x128xf32, #tpu.memory_space<vmem>>
        tpu.vector_store_idx %scatter3A_1486[%shift_right_logical3A_1444, %and3A_1447, %add3A_11], %mul3A_1481 : memref<8x8x128xf32, #tpu.memory_space<vmem>>[vector<16xi32>, vector<16xi32>, vector<16xi32>], vector<16xf32>,
        %gather3A_1487 = arith.constant 0 : i32
        %gather3A_1488 = arith.constant 0 : i32
        %gather3A_1489 = tpu.memref_slice %arg7[%and3A_242, %gather3A_1487, %gather3A_1488] : memref<4x128x64xf32, #tpu.memory_space<vmem>> -> memref<1x128x64xf32, #tpu.memory_space<vmem>>
        %gather3A_1490 = tpu.memref_squeeze %gather3A_1489 : memref<1x128x64xf32, #tpu.memory_space<vmem>> -> memref<128x64xf32, #tpu.memory_space<vmem>>
        %gather3A_1491 = tpu.vector_load_idx %gather3A_1490[%add3A_14, %add3A_1441] : memref<128x64xf32, #tpu.memory_space<vmem>>[vector<16xi32>, vector<16xi32>], vector<16xf32>,
        %mul3A_1492 = arith.constant 8.000000e+00 : f32
        %mul3A_1493 = vector.broadcast %mul3A_1492 : f32 to vector<16xf32>
        %mul3A_1494 = arith.mulf %gather3A_1491, %mul3A_1493 : vector<16xf32>
        %scatter3A_1495 = arith.constant 0 : i32
        %scatter3A_1496 = arith.constant 0 : i32
        %scatter3A_1497 = arith.constant 0 : i32
        %scatter3A_1498 = tpu.memref_slice %arg8[%and3A_242, %scatter3A_1495, %scatter3A_1496, %scatter3A_1497] : memref<4x8x8x128xf32, #tpu.memory_space<vmem>> -> memref<1x8x8x128xf32, #tpu.memory_space<vmem>>
        %scatter3A_1499 = tpu.memref_squeeze %scatter3A_1498 : memref<1x8x8x128xf32, #tpu.memory_space<vmem>> -> memref<8x8x128xf32, #tpu.memory_space<vmem>>
        tpu.vector_store_idx %scatter3A_1499[%shift_right_logical3A_1444, %and3A_1447, %add3A_14], %mul3A_1494 : memref<8x8x128xf32, #tpu.memory_space<vmem>>[vector<16xi32>, vector<16xi32>, vector<16xi32>], vector<16xf32>,
        %gather3A_1500 = arith.constant 0 : i32
        %gather3A_1501 = arith.constant 0 : i32
        %gather3A_1502 = tpu.memref_slice %arg7[%and3A_242, %gather3A_1500, %gather3A_1501] : memref<4x128x64xf32, #tpu.memory_space<vmem>> -> memref<1x128x64xf32, #tpu.memory_space<vmem>>
        %gather3A_1503 = tpu.memref_squeeze %gather3A_1502 : memref<1x128x64xf32, #tpu.memory_space<vmem>> -> memref<128x64xf32, #tpu.memory_space<vmem>>
        %gather3A_1504 = tpu.vector_load_idx %gather3A_1503[%add3A_17, %add3A_1441] : memref<128x64xf32, #tpu.memory_space<vmem>>[vector<16xi32>, vector<16xi32>], vector<16xf32>,
        %mul3A_1505 = arith.constant 8.000000e+00 : f32
        %mul3A_1506 = vector.broadcast %mul3A_1505 : f32 to vector<16xf32>
        %mul3A_1507 = arith.mulf %gather3A_1504, %mul3A_1506 : vector<16xf32>
        %scatter3A_1508 = arith.constant 0 : i32
        %scatter3A_1509 = arith.constant 0 : i32
        %scatter3A_1510 = arith.constant 0 : i32
        %scatter3A_1511 = tpu.memref_slice %arg8[%and3A_242, %scatter3A_1508, %scatter3A_1509, %scatter3A_1510] : memref<4x8x8x128xf32, #tpu.memory_space<vmem>> -> memref<1x8x8x128xf32, #tpu.memory_space<vmem>>
        %scatter3A_1512 = tpu.memref_squeeze %scatter3A_1511 : memref<1x8x8x128xf32, #tpu.memory_space<vmem>> -> memref<8x8x128xf32, #tpu.memory_space<vmem>>
        tpu.vector_store_idx %scatter3A_1512[%shift_right_logical3A_1444, %and3A_1447, %add3A_17], %mul3A_1507 : memref<8x8x128xf32, #tpu.memory_space<vmem>>[vector<16xi32>, vector<16xi32>, vector<16xi32>], vector<16xf32>,
        %gather3A_1513 = arith.constant 0 : i32
        %gather3A_1514 = arith.constant 0 : i32
        %gather3A_1515 = tpu.memref_slice %arg7[%and3A_242, %gather3A_1513, %gather3A_1514] : memref<4x128x64xf32, #tpu.memory_space<vmem>> -> memref<1x128x64xf32, #tpu.memory_space<vmem>>
        %gather3A_1516 = tpu.memref_squeeze %gather3A_1515 : memref<1x128x64xf32, #tpu.memory_space<vmem>> -> memref<128x64xf32, #tpu.memory_space<vmem>>
        %gather3A_1517 = tpu.vector_load_idx %gather3A_1516[%add3A_20, %add3A_1441] : memref<128x64xf32, #tpu.memory_space<vmem>>[vector<16xi32>, vector<16xi32>], vector<16xf32>,
        %mul3A_1518 = arith.constant 8.000000e+00 : f32
        %mul3A_1519 = vector.broadcast %mul3A_1518 : f32 to vector<16xf32>
        %mul3A_1520 = arith.mulf %gather3A_1517, %mul3A_1519 : vector<16xf32>
        %scatter3A_1521 = arith.constant 0 : i32
        %scatter3A_1522 = arith.constant 0 : i32
        %scatter3A_1523 = arith.constant 0 : i32
        %scatter3A_1524 = tpu.memref_slice %arg8[%and3A_242, %scatter3A_1521, %scatter3A_1522, %scatter3A_1523] : memref<4x8x8x128xf32, #tpu.memory_space<vmem>> -> memref<1x8x8x128xf32, #tpu.memory_space<vmem>>
        %scatter3A_1525 = tpu.memref_squeeze %scatter3A_1524 : memref<1x8x8x128xf32, #tpu.memory_space<vmem>> -> memref<8x8x128xf32, #tpu.memory_space<vmem>>
        tpu.vector_store_idx %scatter3A_1525[%shift_right_logical3A_1444, %and3A_1447, %add3A_20], %mul3A_1520 : memref<8x8x128xf32, #tpu.memory_space<vmem>>[vector<16xi32>, vector<16xi32>, vector<16xi32>], vector<16xf32>,
        %gather3A_1526 = arith.constant 0 : i32
        %gather3A_1527 = arith.constant 0 : i32
        %gather3A_1528 = tpu.memref_slice %arg7[%and3A_242, %gather3A_1526, %gather3A_1527] : memref<4x128x64xf32, #tpu.memory_space<vmem>> -> memref<1x128x64xf32, #tpu.memory_space<vmem>>
        %gather3A_1529 = tpu.memref_squeeze %gather3A_1528 : memref<1x128x64xf32, #tpu.memory_space<vmem>> -> memref<128x64xf32, #tpu.memory_space<vmem>>
        %gather3A_1530 = tpu.vector_load_idx %gather3A_1529[%add3A_23, %add3A_1441] : memref<128x64xf32, #tpu.memory_space<vmem>>[vector<16xi32>, vector<16xi32>], vector<16xf32>,
        %mul3A_1531 = arith.constant 8.000000e+00 : f32
        %mul3A_1532 = vector.broadcast %mul3A_1531 : f32 to vector<16xf32>
        %mul3A_1533 = arith.mulf %gather3A_1530, %mul3A_1532 : vector<16xf32>
        %scatter3A_1534 = arith.constant 0 : i32
        %scatter3A_1535 = arith.constant 0 : i32
        %scatter3A_1536 = arith.constant 0 : i32
        %scatter3A_1537 = tpu.memref_slice %arg8[%and3A_242, %scatter3A_1534, %scatter3A_1535, %scatter3A_1536] : memref<4x8x8x128xf32, #tpu.memory_space<vmem>> -> memref<1x8x8x128xf32, #tpu.memory_space<vmem>>
        %scatter3A_1538 = tpu.memref_squeeze %scatter3A_1537 : memref<1x8x8x128xf32, #tpu.memory_space<vmem>> -> memref<8x8x128xf32, #tpu.memory_space<vmem>>
        tpu.vector_store_idx %scatter3A_1538[%shift_right_logical3A_1444, %and3A_1447, %add3A_23], %mul3A_1533 : memref<8x8x128xf32, #tpu.memory_space<vmem>>[vector<16xi32>, vector<16xi32>, vector<16xi32>], vector<16xf32>,
        %gather3A_1539 = arith.constant 0 : i32
        %gather3A_1540 = arith.constant 0 : i32
        %gather3A_1541 = tpu.memref_slice %arg7[%and3A_242, %gather3A_1539, %gather3A_1540] : memref<4x128x64xf32, #tpu.memory_space<vmem>> -> memref<1x128x64xf32, #tpu.memory_space<vmem>>
        %gather3A_1542 = tpu.memref_squeeze %gather3A_1541 : memref<1x128x64xf32, #tpu.memory_space<vmem>> -> memref<128x64xf32, #tpu.memory_space<vmem>>
        %gather3A_1543 = tpu.vector_load_idx %gather3A_1542[%add3A_26, %add3A_1441] : memref<128x64xf32, #tpu.memory_space<vmem>>[vector<16xi32>, vector<16xi32>], vector<16xf32>,
        %mul3A_1544 = arith.constant 8.000000e+00 : f32
        %mul3A_1545 = vector.broadcast %mul3A_1544 : f32 to vector<16xf32>
        %mul3A_1546 = arith.mulf %gather3A_1543, %mul3A_1545 : vector<16xf32>
        %scatter3A_1547 = arith.constant 0 : i32
        %scatter3A_1548 = arith.constant 0 : i32
        %scatter3A_1549 = arith.constant 0 : i32
        %scatter3A_1550 = tpu.memref_slice %arg8[%and3A_242, %scatter3A_1547, %scatter3A_1548, %scatter3A_1549] : memref<4x8x8x128xf32, #tpu.memory_space<vmem>> -> memref<1x8x8x128xf32, #tpu.memory_space<vmem>>
        %scatter3A_1551 = tpu.memref_squeeze %scatter3A_1550 : memref<1x8x8x128xf32, #tpu.memory_space<vmem>> -> memref<8x8x128xf32, #tpu.memory_space<vmem>>
        tpu.vector_store_idx %scatter3A_1551[%shift_right_logical3A_1444, %and3A_1447, %add3A_26], %mul3A_1546 : memref<8x8x128xf32, #tpu.memory_space<vmem>>[vector<16xi32>, vector<16xi32>, vector<16xi32>], vector<16xf32>,
        %add3A_1552 = arith.constant 48 : i32
        %add3A_1553 = vector.broadcast %add3A_1552 : i32 to vector<16xi32>
        %add3A_1554 = arith.addi %and3A_1212, %add3A_1553 : vector<16xi32>
        %shift_right_logical3A_1555 = arith.constant 3 : i32
        %shift_right_logical3A_1556 = vector.broadcast %shift_right_logical3A_1555 : i32 to vector<16xi32>
        %shift_right_logical3A_1557 = arith.shrui %add3A_1554, %shift_right_logical3A_1556 : vector<16xi32>
        %and3A_1558 = arith.constant 7 : i32
        %and3A_1559 = vector.broadcast %and3A_1558 : i32 to vector<16xi32>
        %and3A_1560 = arith.andi %add3A_1554, %and3A_1559 : vector<16xi32>
        %gather3A_1561 = arith.constant 0 : i32
        %gather3A_1562 = arith.constant 0 : i32
        %gather3A_1563 = tpu.memref_slice %arg7[%and3A_242, %gather3A_1561, %gather3A_1562] : memref<4x128x64xf32, #tpu.memory_space<vmem>> -> memref<1x128x64xf32, #tpu.memory_space<vmem>>
        %gather3A_1564 = tpu.memref_squeeze %gather3A_1563 : memref<1x128x64xf32, #tpu.memory_space<vmem>> -> memref<128x64xf32, #tpu.memory_space<vmem>>
        %gather3A_1565 = tpu.vector_load_idx %gather3A_1564[%add3A_5, %add3A_1554] : memref<128x64xf32, #tpu.memory_space<vmem>>[vector<16xi32>, vector<16xi32>], vector<16xf32>,
        %mul3A_1566 = arith.constant 8.000000e+00 : f32
        %mul3A_1567 = vector.broadcast %mul3A_1566 : f32 to vector<16xf32>
        %mul3A_1568 = arith.mulf %gather3A_1565, %mul3A_1567 : vector<16xf32>
        %scatter3A_1569 = arith.constant 0 : i32
        %scatter3A_1570 = arith.constant 0 : i32
        %scatter3A_1571 = arith.constant 0 : i32
        %scatter3A_1572 = tpu.memref_slice %arg8[%and3A_242, %scatter3A_1569, %scatter3A_1570, %scatter3A_1571] : memref<4x8x8x128xf32, #tpu.memory_space<vmem>> -> memref<1x8x8x128xf32, #tpu.memory_space<vmem>>
        %scatter3A_1573 = tpu.memref_squeeze %scatter3A_1572 : memref<1x8x8x128xf32, #tpu.memory_space<vmem>> -> memref<8x8x128xf32, #tpu.memory_space<vmem>>
        tpu.vector_store_idx %scatter3A_1573[%shift_right_logical3A_1557, %and3A_1560, %add3A_5], %mul3A_1568 : memref<8x8x128xf32, #tpu.memory_space<vmem>>[vector<16xi32>, vector<16xi32>, vector<16xi32>], vector<16xf32>,
        %gather3A_1574 = arith.constant 0 : i32
        %gather3A_1575 = arith.constant 0 : i32
        %gather3A_1576 = tpu.memref_slice %arg7[%and3A_242, %gather3A_1574, %gather3A_1575] : memref<4x128x64xf32, #tpu.memory_space<vmem>> -> memref<1x128x64xf32, #tpu.memory_space<vmem>>
        %gather3A_1577 = tpu.memref_squeeze %gather3A_1576 : memref<1x128x64xf32, #tpu.memory_space<vmem>> -> memref<128x64xf32, #tpu.memory_space<vmem>>
        %gather3A_1578 = tpu.vector_load_idx %gather3A_1577[%add3A_8, %add3A_1554] : memref<128x64xf32, #tpu.memory_space<vmem>>[vector<16xi32>, vector<16xi32>], vector<16xf32>,
        %mul3A_1579 = arith.constant 8.000000e+00 : f32
        %mul3A_1580 = vector.broadcast %mul3A_1579 : f32 to vector<16xf32>
        %mul3A_1581 = arith.mulf %gather3A_1578, %mul3A_1580 : vector<16xf32>
        %scatter3A_1582 = arith.constant 0 : i32
        %scatter3A_1583 = arith.constant 0 : i32
        %scatter3A_1584 = arith.constant 0 : i32
        %scatter3A_1585 = tpu.memref_slice %arg8[%and3A_242, %scatter3A_1582, %scatter3A_1583, %scatter3A_1584] : memref<4x8x8x128xf32, #tpu.memory_space<vmem>> -> memref<1x8x8x128xf32, #tpu.memory_space<vmem>>
        %scatter3A_1586 = tpu.memref_squeeze %scatter3A_1585 : memref<1x8x8x128xf32, #tpu.memory_space<vmem>> -> memref<8x8x128xf32, #tpu.memory_space<vmem>>
        tpu.vector_store_idx %scatter3A_1586[%shift_right_logical3A_1557, %and3A_1560, %add3A_8], %mul3A_1581 : memref<8x8x128xf32, #tpu.memory_space<vmem>>[vector<16xi32>, vector<16xi32>, vector<16xi32>], vector<16xf32>,
        %gather3A_1587 = arith.constant 0 : i32
        %gather3A_1588 = arith.constant 0 : i32
        %gather3A_1589 = tpu.memref_slice %arg7[%and3A_242, %gather3A_1587, %gather3A_1588] : memref<4x128x64xf32, #tpu.memory_space<vmem>> -> memref<1x128x64xf32, #tpu.memory_space<vmem>>
        %gather3A_1590 = tpu.memref_squeeze %gather3A_1589 : memref<1x128x64xf32, #tpu.memory_space<vmem>> -> memref<128x64xf32, #tpu.memory_space<vmem>>
        %gather3A_1591 = tpu.vector_load_idx %gather3A_1590[%add3A_11, %add3A_1554] : memref<128x64xf32, #tpu.memory_space<vmem>>[vector<16xi32>, vector<16xi32>], vector<16xf32>,
        %mul3A_1592 = arith.constant 8.000000e+00 : f32
        %mul3A_1593 = vector.broadcast %mul3A_1592 : f32 to vector<16xf32>
        %mul3A_1594 = arith.mulf %gather3A_1591, %mul3A_1593 : vector<16xf32>
        %scatter3A_1595 = arith.constant 0 : i32
        %scatter3A_1596 = arith.constant 0 : i32
        %scatter3A_1597 = arith.constant 0 : i32
        %scatter3A_1598 = tpu.memref_slice %arg8[%and3A_242, %scatter3A_1595, %scatter3A_1596, %scatter3A_1597] : memref<4x8x8x128xf32, #tpu.memory_space<vmem>> -> memref<1x8x8x128xf32, #tpu.memory_space<vmem>>
        %scatter3A_1599 = tpu.memref_squeeze %scatter3A_1598 : memref<1x8x8x128xf32, #tpu.memory_space<vmem>> -> memref<8x8x128xf32, #tpu.memory_space<vmem>>
        tpu.vector_store_idx %scatter3A_1599[%shift_right_logical3A_1557, %and3A_1560, %add3A_11], %mul3A_1594 : memref<8x8x128xf32, #tpu.memory_space<vmem>>[vector<16xi32>, vector<16xi32>, vector<16xi32>], vector<16xf32>,
        %gather3A_1600 = arith.constant 0 : i32
        %gather3A_1601 = arith.constant 0 : i32
        %gather3A_1602 = tpu.memref_slice %arg7[%and3A_242, %gather3A_1600, %gather3A_1601] : memref<4x128x64xf32, #tpu.memory_space<vmem>> -> memref<1x128x64xf32, #tpu.memory_space<vmem>>
        %gather3A_1603 = tpu.memref_squeeze %gather3A_1602 : memref<1x128x64xf32, #tpu.memory_space<vmem>> -> memref<128x64xf32, #tpu.memory_space<vmem>>
        %gather3A_1604 = tpu.vector_load_idx %gather3A_1603[%add3A_14, %add3A_1554] : memref<128x64xf32, #tpu.memory_space<vmem>>[vector<16xi32>, vector<16xi32>], vector<16xf32>,
        %mul3A_1605 = arith.constant 8.000000e+00 : f32
        %mul3A_1606 = vector.broadcast %mul3A_1605 : f32 to vector<16xf32>
        %mul3A_1607 = arith.mulf %gather3A_1604, %mul3A_1606 : vector<16xf32>
        %scatter3A_1608 = arith.constant 0 : i32
        %scatter3A_1609 = arith.constant 0 : i32
        %scatter3A_1610 = arith.constant 0 : i32
        %scatter3A_1611 = tpu.memref_slice %arg8[%and3A_242, %scatter3A_1608, %scatter3A_1609, %scatter3A_1610] : memref<4x8x8x128xf32, #tpu.memory_space<vmem>> -> memref<1x8x8x128xf32, #tpu.memory_space<vmem>>
        %scatter3A_1612 = tpu.memref_squeeze %scatter3A_1611 : memref<1x8x8x128xf32, #tpu.memory_space<vmem>> -> memref<8x8x128xf32, #tpu.memory_space<vmem>>
        tpu.vector_store_idx %scatter3A_1612[%shift_right_logical3A_1557, %and3A_1560, %add3A_14], %mul3A_1607 : memref<8x8x128xf32, #tpu.memory_space<vmem>>[vector<16xi32>, vector<16xi32>, vector<16xi32>], vector<16xf32>,
        %gather3A_1613 = arith.constant 0 : i32
        %gather3A_1614 = arith.constant 0 : i32
        %gather3A_1615 = tpu.memref_slice %arg7[%and3A_242, %gather3A_1613, %gather3A_1614] : memref<4x128x64xf32, #tpu.memory_space<vmem>> -> memref<1x128x64xf32, #tpu.memory_space<vmem>>
        %gather3A_1616 = tpu.memref_squeeze %gather3A_1615 : memref<1x128x64xf32, #tpu.memory_space<vmem>> -> memref<128x64xf32, #tpu.memory_space<vmem>>
        %gather3A_1617 = tpu.vector_load_idx %gather3A_1616[%add3A_17, %add3A_1554] : memref<128x64xf32, #tpu.memory_space<vmem>>[vector<16xi32>, vector<16xi32>], vector<16xf32>,
        %mul3A_1618 = arith.constant 8.000000e+00 : f32
        %mul3A_1619 = vector.broadcast %mul3A_1618 : f32 to vector<16xf32>
        %mul3A_1620 = arith.mulf %gather3A_1617, %mul3A_1619 : vector<16xf32>
        %scatter3A_1621 = arith.constant 0 : i32
        %scatter3A_1622 = arith.constant 0 : i32
        %scatter3A_1623 = arith.constant 0 : i32
        %scatter3A_1624 = tpu.memref_slice %arg8[%and3A_242, %scatter3A_1621, %scatter3A_1622, %scatter3A_1623] : memref<4x8x8x128xf32, #tpu.memory_space<vmem>> -> memref<1x8x8x128xf32, #tpu.memory_space<vmem>>
        %scatter3A_1625 = tpu.memref_squeeze %scatter3A_1624 : memref<1x8x8x128xf32, #tpu.memory_space<vmem>> -> memref<8x8x128xf32, #tpu.memory_space<vmem>>
        tpu.vector_store_idx %scatter3A_1625[%shift_right_logical3A_1557, %and3A_1560, %add3A_17], %mul3A_1620 : memref<8x8x128xf32, #tpu.memory_space<vmem>>[vector<16xi32>, vector<16xi32>, vector<16xi32>], vector<16xf32>,
        %gather3A_1626 = arith.constant 0 : i32
        %gather3A_1627 = arith.constant 0 : i32
        %gather3A_1628 = tpu.memref_slice %arg7[%and3A_242, %gather3A_1626, %gather3A_1627] : memref<4x128x64xf32, #tpu.memory_space<vmem>> -> memref<1x128x64xf32, #tpu.memory_space<vmem>>
        %gather3A_1629 = tpu.memref_squeeze %gather3A_1628 : memref<1x128x64xf32, #tpu.memory_space<vmem>> -> memref<128x64xf32, #tpu.memory_space<vmem>>
        %gather3A_1630 = tpu.vector_load_idx %gather3A_1629[%add3A_20, %add3A_1554] : memref<128x64xf32, #tpu.memory_space<vmem>>[vector<16xi32>, vector<16xi32>], vector<16xf32>,
        %mul3A_1631 = arith.constant 8.000000e+00 : f32
        %mul3A_1632 = vector.broadcast %mul3A_1631 : f32 to vector<16xf32>
        %mul3A_1633 = arith.mulf %gather3A_1630, %mul3A_1632 : vector<16xf32>
        %scatter3A_1634 = arith.constant 0 : i32
        %scatter3A_1635 = arith.constant 0 : i32
        %scatter3A_1636 = arith.constant 0 : i32
        %scatter3A_1637 = tpu.memref_slice %arg8[%and3A_242, %scatter3A_1634, %scatter3A_1635, %scatter3A_1636] : memref<4x8x8x128xf32, #tpu.memory_space<vmem>> -> memref<1x8x8x128xf32, #tpu.memory_space<vmem>>
        %scatter3A_1638 = tpu.memref_squeeze %scatter3A_1637 : memref<1x8x8x128xf32, #tpu.memory_space<vmem>> -> memref<8x8x128xf32, #tpu.memory_space<vmem>>
        tpu.vector_store_idx %scatter3A_1638[%shift_right_logical3A_1557, %and3A_1560, %add3A_20], %mul3A_1633 : memref<8x8x128xf32, #tpu.memory_space<vmem>>[vector<16xi32>, vector<16xi32>, vector<16xi32>], vector<16xf32>,
        %gather3A_1639 = arith.constant 0 : i32
        %gather3A_1640 = arith.constant 0 : i32
        %gather3A_1641 = tpu.memref_slice %arg7[%and3A_242, %gather3A_1639, %gather3A_1640] : memref<4x128x64xf32, #tpu.memory_space<vmem>> -> memref<1x128x64xf32, #tpu.memory_space<vmem>>
        %gather3A_1642 = tpu.memref_squeeze %gather3A_1641 : memref<1x128x64xf32, #tpu.memory_space<vmem>> -> memref<128x64xf32, #tpu.memory_space<vmem>>
        %gather3A_1643 = tpu.vector_load_idx %gather3A_1642[%add3A_23, %add3A_1554] : memref<128x64xf32, #tpu.memory_space<vmem>>[vector<16xi32>, vector<16xi32>], vector<16xf32>,
        %mul3A_1644 = arith.constant 8.000000e+00 : f32
        %mul3A_1645 = vector.broadcast %mul3A_1644 : f32 to vector<16xf32>
        %mul3A_1646 = arith.mulf %gather3A_1643, %mul3A_1645 : vector<16xf32>
        %scatter3A_1647 = arith.constant 0 : i32
        %scatter3A_1648 = arith.constant 0 : i32
        %scatter3A_1649 = arith.constant 0 : i32
        %scatter3A_1650 = tpu.memref_slice %arg8[%and3A_242, %scatter3A_1647, %scatter3A_1648, %scatter3A_1649] : memref<4x8x8x128xf32, #tpu.memory_space<vmem>> -> memref<1x8x8x128xf32, #tpu.memory_space<vmem>>
        %scatter3A_1651 = tpu.memref_squeeze %scatter3A_1650 : memref<1x8x8x128xf32, #tpu.memory_space<vmem>> -> memref<8x8x128xf32, #tpu.memory_space<vmem>>
        tpu.vector_store_idx %scatter3A_1651[%shift_right_logical3A_1557, %and3A_1560, %add3A_23], %mul3A_1646 : memref<8x8x128xf32, #tpu.memory_space<vmem>>[vector<16xi32>, vector<16xi32>, vector<16xi32>], vector<16xf32>,
        %gather3A_1652 = arith.constant 0 : i32
        %gather3A_1653 = arith.constant 0 : i32
        %gather3A_1654 = tpu.memref_slice %arg7[%and3A_242, %gather3A_1652, %gather3A_1653] : memref<4x128x64xf32, #tpu.memory_space<vmem>> -> memref<1x128x64xf32, #tpu.memory_space<vmem>>
        %gather3A_1655 = tpu.memref_squeeze %gather3A_1654 : memref<1x128x64xf32, #tpu.memory_space<vmem>> -> memref<128x64xf32, #tpu.memory_space<vmem>>
        %gather3A_1656 = tpu.vector_load_idx %gather3A_1655[%add3A_26, %add3A_1554] : memref<128x64xf32, #tpu.memory_space<vmem>>[vector<16xi32>, vector<16xi32>], vector<16xf32>,
        %mul3A_1657 = arith.constant 8.000000e+00 : f32
        %mul3A_1658 = vector.broadcast %mul3A_1657 : f32 to vector<16xf32>
        %mul3A_1659 = arith.mulf %gather3A_1656, %mul3A_1658 : vector<16xf32>
        %scatter3A_1660 = arith.constant 0 : i32
        %scatter3A_1661 = arith.constant 0 : i32
        %scatter3A_1662 = arith.constant 0 : i32
        %scatter3A_1663 = tpu.memref_slice %arg8[%and3A_242, %scatter3A_1660, %scatter3A_1661, %scatter3A_1662] : memref<4x8x8x128xf32, #tpu.memory_space<vmem>> -> memref<1x8x8x128xf32, #tpu.memory_space<vmem>>
        %scatter3A_1664 = tpu.memref_squeeze %scatter3A_1663 : memref<1x8x8x128xf32, #tpu.memory_space<vmem>> -> memref<8x8x128xf32, #tpu.memory_space<vmem>>
        tpu.vector_store_idx %scatter3A_1664[%shift_right_logical3A_1557, %and3A_1560, %add3A_26], %mul3A_1659 : memref<8x8x128xf32, #tpu.memory_space<vmem>>[vector<16xi32>, vector<16xi32>, vector<16xi32>], vector<16xf32>,
        %scan3A_1665 = arith.constant 3 : i32
        %scan3A_1666 = arith.addi %scan3A_291, %scan3A_1665 : i32
        %add3A_1667 = vector.broadcast %scan3A_1666 : i32 to vector<16xi32>
        %add3A_1668 = arith.addi %iota3A, %add3A_1667 : vector<16xi32>
        %and3A_1669 = arith.constant 15 : i32
        %and3A_1670 = vector.broadcast %and3A_1669 : i32 to vector<16xi32>
        %and3A_1671 = arith.andi %add3A_1668, %and3A_1670 : vector<16xi32>
        %add3A_1672 = arith.constant 0 : i32
        %add3A_1673 = vector.broadcast %add3A_1672 : i32 to vector<16xi32>
        %add3A_1674 = arith.addi %and3A_1671, %add3A_1673 : vector<16xi32>
        %shift_right_logical3A_1675 = arith.constant 3 : i32
        %shift_right_logical3A_1676 = vector.broadcast %shift_right_logical3A_1675 : i32 to vector<16xi32>
        %shift_right_logical3A_1677 = arith.shrui %add3A_1674, %shift_right_logical3A_1676 : vector<16xi32>
        %and3A_1678 = arith.constant 7 : i32
        %and3A_1679 = vector.broadcast %and3A_1678 : i32 to vector<16xi32>
        %and3A_1680 = arith.andi %add3A_1674, %and3A_1679 : vector<16xi32>
        %gather3A_1681 = arith.constant 0 : i32
        %gather3A_1682 = arith.constant 0 : i32
        %gather3A_1683 = tpu.memref_slice %arg7[%and3A_242, %gather3A_1681, %gather3A_1682] : memref<4x128x64xf32, #tpu.memory_space<vmem>> -> memref<1x128x64xf32, #tpu.memory_space<vmem>>
        %gather3A_1684 = tpu.memref_squeeze %gather3A_1683 : memref<1x128x64xf32, #tpu.memory_space<vmem>> -> memref<128x64xf32, #tpu.memory_space<vmem>>
        %gather3A_1685 = tpu.vector_load_idx %gather3A_1684[%add3A_5, %add3A_1674] : memref<128x64xf32, #tpu.memory_space<vmem>>[vector<16xi32>, vector<16xi32>], vector<16xf32>,
        %mul3A_1686 = arith.constant 8.000000e+00 : f32
        %mul3A_1687 = vector.broadcast %mul3A_1686 : f32 to vector<16xf32>
        %mul3A_1688 = arith.mulf %gather3A_1685, %mul3A_1687 : vector<16xf32>
        %scatter3A_1689 = arith.constant 0 : i32
        %scatter3A_1690 = arith.constant 0 : i32
        %scatter3A_1691 = arith.constant 0 : i32
        %scatter3A_1692 = tpu.memref_slice %arg8[%and3A_242, %scatter3A_1689, %scatter3A_1690, %scatter3A_1691] : memref<4x8x8x128xf32, #tpu.memory_space<vmem>> -> memref<1x8x8x128xf32, #tpu.memory_space<vmem>>
        %scatter3A_1693 = tpu.memref_squeeze %scatter3A_1692 : memref<1x8x8x128xf32, #tpu.memory_space<vmem>> -> memref<8x8x128xf32, #tpu.memory_space<vmem>>
        tpu.vector_store_idx %scatter3A_1693[%shift_right_logical3A_1677, %and3A_1680, %add3A_5], %mul3A_1688 : memref<8x8x128xf32, #tpu.memory_space<vmem>>[vector<16xi32>, vector<16xi32>, vector<16xi32>], vector<16xf32>,
        %gather3A_1694 = arith.constant 0 : i32
        %gather3A_1695 = arith.constant 0 : i32
        %gather3A_1696 = tpu.memref_slice %arg7[%and3A_242, %gather3A_1694, %gather3A_1695] : memref<4x128x64xf32, #tpu.memory_space<vmem>> -> memref<1x128x64xf32, #tpu.memory_space<vmem>>
        %gather3A_1697 = tpu.memref_squeeze %gather3A_1696 : memref<1x128x64xf32, #tpu.memory_space<vmem>> -> memref<128x64xf32, #tpu.memory_space<vmem>>
        %gather3A_1698 = tpu.vector_load_idx %gather3A_1697[%add3A_8, %add3A_1674] : memref<128x64xf32, #tpu.memory_space<vmem>>[vector<16xi32>, vector<16xi32>], vector<16xf32>,
        %mul3A_1699 = arith.constant 8.000000e+00 : f32
        %mul3A_1700 = vector.broadcast %mul3A_1699 : f32 to vector<16xf32>
        %mul3A_1701 = arith.mulf %gather3A_1698, %mul3A_1700 : vector<16xf32>
        %scatter3A_1702 = arith.constant 0 : i32
        %scatter3A_1703 = arith.constant 0 : i32
        %scatter3A_1704 = arith.constant 0 : i32
        %scatter3A_1705 = tpu.memref_slice %arg8[%and3A_242, %scatter3A_1702, %scatter3A_1703, %scatter3A_1704] : memref<4x8x8x128xf32, #tpu.memory_space<vmem>> -> memref<1x8x8x128xf32, #tpu.memory_space<vmem>>
        %scatter3A_1706 = tpu.memref_squeeze %scatter3A_1705 : memref<1x8x8x128xf32, #tpu.memory_space<vmem>> -> memref<8x8x128xf32, #tpu.memory_space<vmem>>
        tpu.vector_store_idx %scatter3A_1706[%shift_right_logical3A_1677, %and3A_1680, %add3A_8], %mul3A_1701 : memref<8x8x128xf32, #tpu.memory_space<vmem>>[vector<16xi32>, vector<16xi32>, vector<16xi32>], vector<16xf32>,
        %gather3A_1707 = arith.constant 0 : i32
        %gather3A_1708 = arith.constant 0 : i32
        %gather3A_1709 = tpu.memref_slice %arg7[%and3A_242, %gather3A_1707, %gather3A_1708] : memref<4x128x64xf32, #tpu.memory_space<vmem>> -> memref<1x128x64xf32, #tpu.memory_space<vmem>>
        %gather3A_1710 = tpu.memref_squeeze %gather3A_1709 : memref<1x128x64xf32, #tpu.memory_space<vmem>> -> memref<128x64xf32, #tpu.memory_space<vmem>>
        %gather3A_1711 = tpu.vector_load_idx %gather3A_1710[%add3A_11, %add3A_1674] : memref<128x64xf32, #tpu.memory_space<vmem>>[vector<16xi32>, vector<16xi32>], vector<16xf32>,
        %mul3A_1712 = arith.constant 8.000000e+00 : f32
        %mul3A_1713 = vector.broadcast %mul3A_1712 : f32 to vector<16xf32>
        %mul3A_1714 = arith.mulf %gather3A_1711, %mul3A_1713 : vector<16xf32>
        %scatter3A_1715 = arith.constant 0 : i32
        %scatter3A_1716 = arith.constant 0 : i32
        %scatter3A_1717 = arith.constant 0 : i32
        %scatter3A_1718 = tpu.memref_slice %arg8[%and3A_242, %scatter3A_1715, %scatter3A_1716, %scatter3A_1717] : memref<4x8x8x128xf32, #tpu.memory_space<vmem>> -> memref<1x8x8x128xf32, #tpu.memory_space<vmem>>
        %scatter3A_1719 = tpu.memref_squeeze %scatter3A_1718 : memref<1x8x8x128xf32, #tpu.memory_space<vmem>> -> memref<8x8x128xf32, #tpu.memory_space<vmem>>
        tpu.vector_store_idx %scatter3A_1719[%shift_right_logical3A_1677, %and3A_1680, %add3A_11], %mul3A_1714 : memref<8x8x128xf32, #tpu.memory_space<vmem>>[vector<16xi32>, vector<16xi32>, vector<16xi32>], vector<16xf32>,
        %gather3A_1720 = arith.constant 0 : i32
        %gather3A_1721 = arith.constant 0 : i32
        %gather3A_1722 = tpu.memref_slice %arg7[%and3A_242, %gather3A_1720, %gather3A_1721] : memref<4x128x64xf32, #tpu.memory_space<vmem>> -> memref<1x128x64xf32, #tpu.memory_space<vmem>>
        %gather3A_1723 = tpu.memref_squeeze %gather3A_1722 : memref<1x128x64xf32, #tpu.memory_space<vmem>> -> memref<128x64xf32, #tpu.memory_space<vmem>>
        %gather3A_1724 = tpu.vector_load_idx %gather3A_1723[%add3A_14, %add3A_1674] : memref<128x64xf32, #tpu.memory_space<vmem>>[vector<16xi32>, vector<16xi32>], vector<16xf32>,
        %mul3A_1725 = arith.constant 8.000000e+00 : f32
        %mul3A_1726 = vector.broadcast %mul3A_1725 : f32 to vector<16xf32>
        %mul3A_1727 = arith.mulf %gather3A_1724, %mul3A_1726 : vector<16xf32>
        %scatter3A_1728 = arith.constant 0 : i32
        %scatter3A_1729 = arith.constant 0 : i32
        %scatter3A_1730 = arith.constant 0 : i32
        %scatter3A_1731 = tpu.memref_slice %arg8[%and3A_242, %scatter3A_1728, %scatter3A_1729, %scatter3A_1730] : memref<4x8x8x128xf32, #tpu.memory_space<vmem>> -> memref<1x8x8x128xf32, #tpu.memory_space<vmem>>
        %scatter3A_1732 = tpu.memref_squeeze %scatter3A_1731 : memref<1x8x8x128xf32, #tpu.memory_space<vmem>> -> memref<8x8x128xf32, #tpu.memory_space<vmem>>
        tpu.vector_store_idx %scatter3A_1732[%shift_right_logical3A_1677, %and3A_1680, %add3A_14], %mul3A_1727 : memref<8x8x128xf32, #tpu.memory_space<vmem>>[vector<16xi32>, vector<16xi32>, vector<16xi32>], vector<16xf32>,
        %gather3A_1733 = arith.constant 0 : i32
        %gather3A_1734 = arith.constant 0 : i32
        %gather3A_1735 = tpu.memref_slice %arg7[%and3A_242, %gather3A_1733, %gather3A_1734] : memref<4x128x64xf32, #tpu.memory_space<vmem>> -> memref<1x128x64xf32, #tpu.memory_space<vmem>>
        %gather3A_1736 = tpu.memref_squeeze %gather3A_1735 : memref<1x128x64xf32, #tpu.memory_space<vmem>> -> memref<128x64xf32, #tpu.memory_space<vmem>>
        %gather3A_1737 = tpu.vector_load_idx %gather3A_1736[%add3A_17, %add3A_1674] : memref<128x64xf32, #tpu.memory_space<vmem>>[vector<16xi32>, vector<16xi32>], vector<16xf32>,
        %mul3A_1738 = arith.constant 8.000000e+00 : f32
        %mul3A_1739 = vector.broadcast %mul3A_1738 : f32 to vector<16xf32>
        %mul3A_1740 = arith.mulf %gather3A_1737, %mul3A_1739 : vector<16xf32>
        %scatter3A_1741 = arith.constant 0 : i32
        %scatter3A_1742 = arith.constant 0 : i32
        %scatter3A_1743 = arith.constant 0 : i32
        %scatter3A_1744 = tpu.memref_slice %arg8[%and3A_242, %scatter3A_1741, %scatter3A_1742, %scatter3A_1743] : memref<4x8x8x128xf32, #tpu.memory_space<vmem>> -> memref<1x8x8x128xf32, #tpu.memory_space<vmem>>
        %scatter3A_1745 = tpu.memref_squeeze %scatter3A_1744 : memref<1x8x8x128xf32, #tpu.memory_space<vmem>> -> memref<8x8x128xf32, #tpu.memory_space<vmem>>
        tpu.vector_store_idx %scatter3A_1745[%shift_right_logical3A_1677, %and3A_1680, %add3A_17], %mul3A_1740 : memref<8x8x128xf32, #tpu.memory_space<vmem>>[vector<16xi32>, vector<16xi32>, vector<16xi32>], vector<16xf32>,
        %gather3A_1746 = arith.constant 0 : i32
        %gather3A_1747 = arith.constant 0 : i32
        %gather3A_1748 = tpu.memref_slice %arg7[%and3A_242, %gather3A_1746, %gather3A_1747] : memref<4x128x64xf32, #tpu.memory_space<vmem>> -> memref<1x128x64xf32, #tpu.memory_space<vmem>>
        %gather3A_1749 = tpu.memref_squeeze %gather3A_1748 : memref<1x128x64xf32, #tpu.memory_space<vmem>> -> memref<128x64xf32, #tpu.memory_space<vmem>>
        %gather3A_1750 = tpu.vector_load_idx %gather3A_1749[%add3A_20, %add3A_1674] : memref<128x64xf32, #tpu.memory_space<vmem>>[vector<16xi32>, vector<16xi32>], vector<16xf32>,
        %mul3A_1751 = arith.constant 8.000000e+00 : f32
        %mul3A_1752 = vector.broadcast %mul3A_1751 : f32 to vector<16xf32>
        %mul3A_1753 = arith.mulf %gather3A_1750, %mul3A_1752 : vector<16xf32>
        %scatter3A_1754 = arith.constant 0 : i32
        %scatter3A_1755 = arith.constant 0 : i32
        %scatter3A_1756 = arith.constant 0 : i32
        %scatter3A_1757 = tpu.memref_slice %arg8[%and3A_242, %scatter3A_1754, %scatter3A_1755, %scatter3A_1756] : memref<4x8x8x128xf32, #tpu.memory_space<vmem>> -> memref<1x8x8x128xf32, #tpu.memory_space<vmem>>
        %scatter3A_1758 = tpu.memref_squeeze %scatter3A_1757 : memref<1x8x8x128xf32, #tpu.memory_space<vmem>> -> memref<8x8x128xf32, #tpu.memory_space<vmem>>
        tpu.vector_store_idx %scatter3A_1758[%shift_right_logical3A_1677, %and3A_1680, %add3A_20], %mul3A_1753 : memref<8x8x128xf32, #tpu.memory_space<vmem>>[vector<16xi32>, vector<16xi32>, vector<16xi32>], vector<16xf32>,
        %gather3A_1759 = arith.constant 0 : i32
        %gather3A_1760 = arith.constant 0 : i32
        %gather3A_1761 = tpu.memref_slice %arg7[%and3A_242, %gather3A_1759, %gather3A_1760] : memref<4x128x64xf32, #tpu.memory_space<vmem>> -> memref<1x128x64xf32, #tpu.memory_space<vmem>>
        %gather3A_1762 = tpu.memref_squeeze %gather3A_1761 : memref<1x128x64xf32, #tpu.memory_space<vmem>> -> memref<128x64xf32, #tpu.memory_space<vmem>>
        %gather3A_1763 = tpu.vector_load_idx %gather3A_1762[%add3A_23, %add3A_1674] : memref<128x64xf32, #tpu.memory_space<vmem>>[vector<16xi32>, vector<16xi32>], vector<16xf32>,
        %mul3A_1764 = arith.constant 8.000000e+00 : f32
        %mul3A_1765 = vector.broadcast %mul3A_1764 : f32 to vector<16xf32>
        %mul3A_1766 = arith.mulf %gather3A_1763, %mul3A_1765 : vector<16xf32>
        %scatter3A_1767 = arith.constant 0 : i32
        %scatter3A_1768 = arith.constant 0 : i32
        %scatter3A_1769 = arith.constant 0 : i32
        %scatter3A_1770 = tpu.memref_slice %arg8[%and3A_242, %scatter3A_1767, %scatter3A_1768, %scatter3A_1769] : memref<4x8x8x128xf32, #tpu.memory_space<vmem>> -> memref<1x8x8x128xf32, #tpu.memory_space<vmem>>
        %scatter3A_1771 = tpu.memref_squeeze %scatter3A_1770 : memref<1x8x8x128xf32, #tpu.memory_space<vmem>> -> memref<8x8x128xf32, #tpu.memory_space<vmem>>
        tpu.vector_store_idx %scatter3A_1771[%shift_right_logical3A_1677, %and3A_1680, %add3A_23], %mul3A_1766 : memref<8x8x128xf32, #tpu.memory_space<vmem>>[vector<16xi32>, vector<16xi32>, vector<16xi32>], vector<16xf32>,
        %gather3A_1772 = arith.constant 0 : i32
        %gather3A_1773 = arith.constant 0 : i32
        %gather3A_1774 = tpu.memref_slice %arg7[%and3A_242, %gather3A_1772, %gather3A_1773] : memref<4x128x64xf32, #tpu.memory_space<vmem>> -> memref<1x128x64xf32, #tpu.memory_space<vmem>>
        %gather3A_1775 = tpu.memref_squeeze %gather3A_1774 : memref<1x128x64xf32, #tpu.memory_space<vmem>> -> memref<128x64xf32, #tpu.memory_space<vmem>>
        %gather3A_1776 = tpu.vector_load_idx %gather3A_1775[%add3A_26, %add3A_1674] : memref<128x64xf32, #tpu.memory_space<vmem>>[vector<16xi32>, vector<16xi32>], vector<16xf32>,
        %mul3A_1777 = arith.constant 8.000000e+00 : f32
        %mul3A_1778 = vector.broadcast %mul3A_1777 : f32 to vector<16xf32>
        %mul3A_1779 = arith.mulf %gather3A_1776, %mul3A_1778 : vector<16xf32>
        %scatter3A_1780 = arith.constant 0 : i32
        %scatter3A_1781 = arith.constant 0 : i32
        %scatter3A_1782 = arith.constant 0 : i32
        %scatter3A_1783 = tpu.memref_slice %arg8[%and3A_242, %scatter3A_1780, %scatter3A_1781, %scatter3A_1782] : memref<4x8x8x128xf32, #tpu.memory_space<vmem>> -> memref<1x8x8x128xf32, #tpu.memory_space<vmem>>
        %scatter3A_1784 = tpu.memref_squeeze %scatter3A_1783 : memref<1x8x8x128xf32, #tpu.memory_space<vmem>> -> memref<8x8x128xf32, #tpu.memory_space<vmem>>
        tpu.vector_store_idx %scatter3A_1784[%shift_right_logical3A_1677, %and3A_1680, %add3A_26], %mul3A_1779 : memref<8x8x128xf32, #tpu.memory_space<vmem>>[vector<16xi32>, vector<16xi32>, vector<16xi32>], vector<16xf32>,
        %add3A_1785 = arith.constant 16 : i32
        %add3A_1786 = vector.broadcast %add3A_1785 : i32 to vector<16xi32>
        %add3A_1787 = arith.addi %and3A_1671, %add3A_1786 : vector<16xi32>
        %shift_right_logical3A_1788 = arith.constant 3 : i32
        %shift_right_logical3A_1789 = vector.broadcast %shift_right_logical3A_1788 : i32 to vector<16xi32>
        %shift_right_logical3A_1790 = arith.shrui %add3A_1787, %shift_right_logical3A_1789 : vector<16xi32>
        %and3A_1791 = arith.constant 7 : i32
        %and3A_1792 = vector.broadcast %and3A_1791 : i32 to vector<16xi32>
        %and3A_1793 = arith.andi %add3A_1787, %and3A_1792 : vector<16xi32>
        %gather3A_1794 = arith.constant 0 : i32
        %gather3A_1795 = arith.constant 0 : i32
        %gather3A_1796 = tpu.memref_slice %arg7[%and3A_242, %gather3A_1794, %gather3A_1795] : memref<4x128x64xf32, #tpu.memory_space<vmem>> -> memref<1x128x64xf32, #tpu.memory_space<vmem>>
        %gather3A_1797 = tpu.memref_squeeze %gather3A_1796 : memref<1x128x64xf32, #tpu.memory_space<vmem>> -> memref<128x64xf32, #tpu.memory_space<vmem>>
        %gather3A_1798 = tpu.vector_load_idx %gather3A_1797[%add3A_5, %add3A_1787] : memref<128x64xf32, #tpu.memory_space<vmem>>[vector<16xi32>, vector<16xi32>], vector<16xf32>,
        %mul3A_1799 = arith.constant 8.000000e+00 : f32
        %mul3A_1800 = vector.broadcast %mul3A_1799 : f32 to vector<16xf32>
        %mul3A_1801 = arith.mulf %gather3A_1798, %mul3A_1800 : vector<16xf32>
        %scatter3A_1802 = arith.constant 0 : i32
        %scatter3A_1803 = arith.constant 0 : i32
        %scatter3A_1804 = arith.constant 0 : i32
        %scatter3A_1805 = tpu.memref_slice %arg8[%and3A_242, %scatter3A_1802, %scatter3A_1803, %scatter3A_1804] : memref<4x8x8x128xf32, #tpu.memory_space<vmem>> -> memref<1x8x8x128xf32, #tpu.memory_space<vmem>>
        %scatter3A_1806 = tpu.memref_squeeze %scatter3A_1805 : memref<1x8x8x128xf32, #tpu.memory_space<vmem>> -> memref<8x8x128xf32, #tpu.memory_space<vmem>>
        tpu.vector_store_idx %scatter3A_1806[%shift_right_logical3A_1790, %and3A_1793, %add3A_5], %mul3A_1801 : memref<8x8x128xf32, #tpu.memory_space<vmem>>[vector<16xi32>, vector<16xi32>, vector<16xi32>], vector<16xf32>,
        %gather3A_1807 = arith.constant 0 : i32
        %gather3A_1808 = arith.constant 0 : i32
        %gather3A_1809 = tpu.memref_slice %arg7[%and3A_242, %gather3A_1807, %gather3A_1808] : memref<4x128x64xf32, #tpu.memory_space<vmem>> -> memref<1x128x64xf32, #tpu.memory_space<vmem>>
        %gather3A_1810 = tpu.memref_squeeze %gather3A_1809 : memref<1x128x64xf32, #tpu.memory_space<vmem>> -> memref<128x64xf32, #tpu.memory_space<vmem>>
        %gather3A_1811 = tpu.vector_load_idx %gather3A_1810[%add3A_8, %add3A_1787] : memref<128x64xf32, #tpu.memory_space<vmem>>[vector<16xi32>, vector<16xi32>], vector<16xf32>,
        %mul3A_1812 = arith.constant 8.000000e+00 : f32
        %mul3A_1813 = vector.broadcast %mul3A_1812 : f32 to vector<16xf32>
        %mul3A_1814 = arith.mulf %gather3A_1811, %mul3A_1813 : vector<16xf32>
        %scatter3A_1815 = arith.constant 0 : i32
        %scatter3A_1816 = arith.constant 0 : i32
        %scatter3A_1817 = arith.constant 0 : i32
        %scatter3A_1818 = tpu.memref_slice %arg8[%and3A_242, %scatter3A_1815, %scatter3A_1816, %scatter3A_1817] : memref<4x8x8x128xf32, #tpu.memory_space<vmem>> -> memref<1x8x8x128xf32, #tpu.memory_space<vmem>>
        %scatter3A_1819 = tpu.memref_squeeze %scatter3A_1818 : memref<1x8x8x128xf32, #tpu.memory_space<vmem>> -> memref<8x8x128xf32, #tpu.memory_space<vmem>>
        tpu.vector_store_idx %scatter3A_1819[%shift_right_logical3A_1790, %and3A_1793, %add3A_8], %mul3A_1814 : memref<8x8x128xf32, #tpu.memory_space<vmem>>[vector<16xi32>, vector<16xi32>, vector<16xi32>], vector<16xf32>,
        %gather3A_1820 = arith.constant 0 : i32
        %gather3A_1821 = arith.constant 0 : i32
        %gather3A_1822 = tpu.memref_slice %arg7[%and3A_242, %gather3A_1820, %gather3A_1821] : memref<4x128x64xf32, #tpu.memory_space<vmem>> -> memref<1x128x64xf32, #tpu.memory_space<vmem>>
        %gather3A_1823 = tpu.memref_squeeze %gather3A_1822 : memref<1x128x64xf32, #tpu.memory_space<vmem>> -> memref<128x64xf32, #tpu.memory_space<vmem>>
        %gather3A_1824 = tpu.vector_load_idx %gather3A_1823[%add3A_11, %add3A_1787] : memref<128x64xf32, #tpu.memory_space<vmem>>[vector<16xi32>, vector<16xi32>], vector<16xf32>,
        %mul3A_1825 = arith.constant 8.000000e+00 : f32
        %mul3A_1826 = vector.broadcast %mul3A_1825 : f32 to vector<16xf32>
        %mul3A_1827 = arith.mulf %gather3A_1824, %mul3A_1826 : vector<16xf32>
        %scatter3A_1828 = arith.constant 0 : i32
        %scatter3A_1829 = arith.constant 0 : i32
        %scatter3A_1830 = arith.constant 0 : i32
        %scatter3A_1831 = tpu.memref_slice %arg8[%and3A_242, %scatter3A_1828, %scatter3A_1829, %scatter3A_1830] : memref<4x8x8x128xf32, #tpu.memory_space<vmem>> -> memref<1x8x8x128xf32, #tpu.memory_space<vmem>>
        %scatter3A_1832 = tpu.memref_squeeze %scatter3A_1831 : memref<1x8x8x128xf32, #tpu.memory_space<vmem>> -> memref<8x8x128xf32, #tpu.memory_space<vmem>>
        tpu.vector_store_idx %scatter3A_1832[%shift_right_logical3A_1790, %and3A_1793, %add3A_11], %mul3A_1827 : memref<8x8x128xf32, #tpu.memory_space<vmem>>[vector<16xi32>, vector<16xi32>, vector<16xi32>], vector<16xf32>,
        %gather3A_1833 = arith.constant 0 : i32
        %gather3A_1834 = arith.constant 0 : i32
        %gather3A_1835 = tpu.memref_slice %arg7[%and3A_242, %gather3A_1833, %gather3A_1834] : memref<4x128x64xf32, #tpu.memory_space<vmem>> -> memref<1x128x64xf32, #tpu.memory_space<vmem>>
        %gather3A_1836 = tpu.memref_squeeze %gather3A_1835 : memref<1x128x64xf32, #tpu.memory_space<vmem>> -> memref<128x64xf32, #tpu.memory_space<vmem>>
        %gather3A_1837 = tpu.vector_load_idx %gather3A_1836[%add3A_14, %add3A_1787] : memref<128x64xf32, #tpu.memory_space<vmem>>[vector<16xi32>, vector<16xi32>], vector<16xf32>,
        %mul3A_1838 = arith.constant 8.000000e+00 : f32
        %mul3A_1839 = vector.broadcast %mul3A_1838 : f32 to vector<16xf32>
        %mul3A_1840 = arith.mulf %gather3A_1837, %mul3A_1839 : vector<16xf32>
        %scatter3A_1841 = arith.constant 0 : i32
        %scatter3A_1842 = arith.constant 0 : i32
        %scatter3A_1843 = arith.constant 0 : i32
        %scatter3A_1844 = tpu.memref_slice %arg8[%and3A_242, %scatter3A_1841, %scatter3A_1842, %scatter3A_1843] : memref<4x8x8x128xf32, #tpu.memory_space<vmem>> -> memref<1x8x8x128xf32, #tpu.memory_space<vmem>>
        %scatter3A_1845 = tpu.memref_squeeze %scatter3A_1844 : memref<1x8x8x128xf32, #tpu.memory_space<vmem>> -> memref<8x8x128xf32, #tpu.memory_space<vmem>>
        tpu.vector_store_idx %scatter3A_1845[%shift_right_logical3A_1790, %and3A_1793, %add3A_14], %mul3A_1840 : memref<8x8x128xf32, #tpu.memory_space<vmem>>[vector<16xi32>, vector<16xi32>, vector<16xi32>], vector<16xf32>,
        %gather3A_1846 = arith.constant 0 : i32
        %gather3A_1847 = arith.constant 0 : i32
        %gather3A_1848 = tpu.memref_slice %arg7[%and3A_242, %gather3A_1846, %gather3A_1847] : memref<4x128x64xf32, #tpu.memory_space<vmem>> -> memref<1x128x64xf32, #tpu.memory_space<vmem>>
        %gather3A_1849 = tpu.memref_squeeze %gather3A_1848 : memref<1x128x64xf32, #tpu.memory_space<vmem>> -> memref<128x64xf32, #tpu.memory_space<vmem>>
        %gather3A_1850 = tpu.vector_load_idx %gather3A_1849[%add3A_17, %add3A_1787] : memref<128x64xf32, #tpu.memory_space<vmem>>[vector<16xi32>, vector<16xi32>], vector<16xf32>,
        %mul3A_1851 = arith.constant 8.000000e+00 : f32
        %mul3A_1852 = vector.broadcast %mul3A_1851 : f32 to vector<16xf32>
        %mul3A_1853 = arith.mulf %gather3A_1850, %mul3A_1852 : vector<16xf32>
        %scatter3A_1854 = arith.constant 0 : i32
        %scatter3A_1855 = arith.constant 0 : i32
        %scatter3A_1856 = arith.constant 0 : i32
        %scatter3A_1857 = tpu.memref_slice %arg8[%and3A_242, %scatter3A_1854, %scatter3A_1855, %scatter3A_1856] : memref<4x8x8x128xf32, #tpu.memory_space<vmem>> -> memref<1x8x8x128xf32, #tpu.memory_space<vmem>>
        %scatter3A_1858 = tpu.memref_squeeze %scatter3A_1857 : memref<1x8x8x128xf32, #tpu.memory_space<vmem>> -> memref<8x8x128xf32, #tpu.memory_space<vmem>>
        tpu.vector_store_idx %scatter3A_1858[%shift_right_logical3A_1790, %and3A_1793, %add3A_17], %mul3A_1853 : memref<8x8x128xf32, #tpu.memory_space<vmem>>[vector<16xi32>, vector<16xi32>, vector<16xi32>], vector<16xf32>,
        %gather3A_1859 = arith.constant 0 : i32
        %gather3A_1860 = arith.constant 0 : i32
        %gather3A_1861 = tpu.memref_slice %arg7[%and3A_242, %gather3A_1859, %gather3A_1860] : memref<4x128x64xf32, #tpu.memory_space<vmem>> -> memref<1x128x64xf32, #tpu.memory_space<vmem>>
        %gather3A_1862 = tpu.memref_squeeze %gather3A_1861 : memref<1x128x64xf32, #tpu.memory_space<vmem>> -> memref<128x64xf32, #tpu.memory_space<vmem>>
        %gather3A_1863 = tpu.vector_load_idx %gather3A_1862[%add3A_20, %add3A_1787] : memref<128x64xf32, #tpu.memory_space<vmem>>[vector<16xi32>, vector<16xi32>], vector<16xf32>,
        %mul3A_1864 = arith.constant 8.000000e+00 : f32
        %mul3A_1865 = vector.broadcast %mul3A_1864 : f32 to vector<16xf32>
        %mul3A_1866 = arith.mulf %gather3A_1863, %mul3A_1865 : vector<16xf32>
        %scatter3A_1867 = arith.constant 0 : i32
        %scatter3A_1868 = arith.constant 0 : i32
        %scatter3A_1869 = arith.constant 0 : i32
        %scatter3A_1870 = tpu.memref_slice %arg8[%and3A_242, %scatter3A_1867, %scatter3A_1868, %scatter3A_1869] : memref<4x8x8x128xf32, #tpu.memory_space<vmem>> -> memref<1x8x8x128xf32, #tpu.memory_space<vmem>>
        %scatter3A_1871 = tpu.memref_squeeze %scatter3A_1870 : memref<1x8x8x128xf32, #tpu.memory_space<vmem>> -> memref<8x8x128xf32, #tpu.memory_space<vmem>>
        tpu.vector_store_idx %scatter3A_1871[%shift_right_logical3A_1790, %and3A_1793, %add3A_20], %mul3A_1866 : memref<8x8x128xf32, #tpu.memory_space<vmem>>[vector<16xi32>, vector<16xi32>, vector<16xi32>], vector<16xf32>,
        %gather3A_1872 = arith.constant 0 : i32
        %gather3A_1873 = arith.constant 0 : i32
        %gather3A_1874 = tpu.memref_slice %arg7[%and3A_242, %gather3A_1872, %gather3A_1873] : memref<4x128x64xf32, #tpu.memory_space<vmem>> -> memref<1x128x64xf32, #tpu.memory_space<vmem>>
        %gather3A_1875 = tpu.memref_squeeze %gather3A_1874 : memref<1x128x64xf32, #tpu.memory_space<vmem>> -> memref<128x64xf32, #tpu.memory_space<vmem>>
        %gather3A_1876 = tpu.vector_load_idx %gather3A_1875[%add3A_23, %add3A_1787] : memref<128x64xf32, #tpu.memory_space<vmem>>[vector<16xi32>, vector<16xi32>], vector<16xf32>,
        %mul3A_1877 = arith.constant 8.000000e+00 : f32
        %mul3A_1878 = vector.broadcast %mul3A_1877 : f32 to vector<16xf32>
        %mul3A_1879 = arith.mulf %gather3A_1876, %mul3A_1878 : vector<16xf32>
        %scatter3A_1880 = arith.constant 0 : i32
        %scatter3A_1881 = arith.constant 0 : i32
        %scatter3A_1882 = arith.constant 0 : i32
        %scatter3A_1883 = tpu.memref_slice %arg8[%and3A_242, %scatter3A_1880, %scatter3A_1881, %scatter3A_1882] : memref<4x8x8x128xf32, #tpu.memory_space<vmem>> -> memref<1x8x8x128xf32, #tpu.memory_space<vmem>>
        %scatter3A_1884 = tpu.memref_squeeze %scatter3A_1883 : memref<1x8x8x128xf32, #tpu.memory_space<vmem>> -> memref<8x8x128xf32, #tpu.memory_space<vmem>>
        tpu.vector_store_idx %scatter3A_1884[%shift_right_logical3A_1790, %and3A_1793, %add3A_23], %mul3A_1879 : memref<8x8x128xf32, #tpu.memory_space<vmem>>[vector<16xi32>, vector<16xi32>, vector<16xi32>], vector<16xf32>,
        %gather3A_1885 = arith.constant 0 : i32
        %gather3A_1886 = arith.constant 0 : i32
        %gather3A_1887 = tpu.memref_slice %arg7[%and3A_242, %gather3A_1885, %gather3A_1886] : memref<4x128x64xf32, #tpu.memory_space<vmem>> -> memref<1x128x64xf32, #tpu.memory_space<vmem>>
        %gather3A_1888 = tpu.memref_squeeze %gather3A_1887 : memref<1x128x64xf32, #tpu.memory_space<vmem>> -> memref<128x64xf32, #tpu.memory_space<vmem>>
        %gather3A_1889 = tpu.vector_load_idx %gather3A_1888[%add3A_26, %add3A_1787] : memref<128x64xf32, #tpu.memory_space<vmem>>[vector<16xi32>, vector<16xi32>], vector<16xf32>,
        %mul3A_1890 = arith.constant 8.000000e+00 : f32
        %mul3A_1891 = vector.broadcast %mul3A_1890 : f32 to vector<16xf32>
        %mul3A_1892 = arith.mulf %gather3A_1889, %mul3A_1891 : vector<16xf32>
        %scatter3A_1893 = arith.constant 0 : i32
        %scatter3A_1894 = arith.constant 0 : i32
        %scatter3A_1895 = arith.constant 0 : i32
        %scatter3A_1896 = tpu.memref_slice %arg8[%and3A_242, %scatter3A_1893, %scatter3A_1894, %scatter3A_1895] : memref<4x8x8x128xf32, #tpu.memory_space<vmem>> -> memref<1x8x8x128xf32, #tpu.memory_space<vmem>>
        %scatter3A_1897 = tpu.memref_squeeze %scatter3A_1896 : memref<1x8x8x128xf32, #tpu.memory_space<vmem>> -> memref<8x8x128xf32, #tpu.memory_space<vmem>>
        tpu.vector_store_idx %scatter3A_1897[%shift_right_logical3A_1790, %and3A_1793, %add3A_26], %mul3A_1892 : memref<8x8x128xf32, #tpu.memory_space<vmem>>[vector<16xi32>, vector<16xi32>, vector<16xi32>], vector<16xf32>,
        %add3A_1898 = arith.constant 32 : i32
        %add3A_1899 = vector.broadcast %add3A_1898 : i32 to vector<16xi32>
        %add3A_1900 = arith.addi %and3A_1671, %add3A_1899 : vector<16xi32>
        %shift_right_logical3A_1901 = arith.constant 3 : i32
        %shift_right_logical3A_1902 = vector.broadcast %shift_right_logical3A_1901 : i32 to vector<16xi32>
        %shift_right_logical3A_1903 = arith.shrui %add3A_1900, %shift_right_logical3A_1902 : vector<16xi32>
        %and3A_1904 = arith.constant 7 : i32
        %and3A_1905 = vector.broadcast %and3A_1904 : i32 to vector<16xi32>
        %and3A_1906 = arith.andi %add3A_1900, %and3A_1905 : vector<16xi32>
        %gather3A_1907 = arith.constant 0 : i32
        %gather3A_1908 = arith.constant 0 : i32
        %gather3A_1909 = tpu.memref_slice %arg7[%and3A_242, %gather3A_1907, %gather3A_1908] : memref<4x128x64xf32, #tpu.memory_space<vmem>> -> memref<1x128x64xf32, #tpu.memory_space<vmem>>
        %gather3A_1910 = tpu.memref_squeeze %gather3A_1909 : memref<1x128x64xf32, #tpu.memory_space<vmem>> -> memref<128x64xf32, #tpu.memory_space<vmem>>
        %gather3A_1911 = tpu.vector_load_idx %gather3A_1910[%add3A_5, %add3A_1900] : memref<128x64xf32, #tpu.memory_space<vmem>>[vector<16xi32>, vector<16xi32>], vector<16xf32>,
        %mul3A_1912 = arith.constant 8.000000e+00 : f32
        %mul3A_1913 = vector.broadcast %mul3A_1912 : f32 to vector<16xf32>
        %mul3A_1914 = arith.mulf %gather3A_1911, %mul3A_1913 : vector<16xf32>
        %scatter3A_1915 = arith.constant 0 : i32
        %scatter3A_1916 = arith.constant 0 : i32
        %scatter3A_1917 = arith.constant 0 : i32
        %scatter3A_1918 = tpu.memref_slice %arg8[%and3A_242, %scatter3A_1915, %scatter3A_1916, %scatter3A_1917] : memref<4x8x8x128xf32, #tpu.memory_space<vmem>> -> memref<1x8x8x128xf32, #tpu.memory_space<vmem>>
        %scatter3A_1919 = tpu.memref_squeeze %scatter3A_1918 : memref<1x8x8x128xf32, #tpu.memory_space<vmem>> -> memref<8x8x128xf32, #tpu.memory_space<vmem>>
        tpu.vector_store_idx %scatter3A_1919[%shift_right_logical3A_1903, %and3A_1906, %add3A_5], %mul3A_1914 : memref<8x8x128xf32, #tpu.memory_space<vmem>>[vector<16xi32>, vector<16xi32>, vector<16xi32>], vector<16xf32>,
        %gather3A_1920 = arith.constant 0 : i32
        %gather3A_1921 = arith.constant 0 : i32
        %gather3A_1922 = tpu.memref_slice %arg7[%and3A_242, %gather3A_1920, %gather3A_1921] : memref<4x128x64xf32, #tpu.memory_space<vmem>> -> memref<1x128x64xf32, #tpu.memory_space<vmem>>
        %gather3A_1923 = tpu.memref_squeeze %gather3A_1922 : memref<1x128x64xf32, #tpu.memory_space<vmem>> -> memref<128x64xf32, #tpu.memory_space<vmem>>
        %gather3A_1924 = tpu.vector_load_idx %gather3A_1923[%add3A_8, %add3A_1900] : memref<128x64xf32, #tpu.memory_space<vmem>>[vector<16xi32>, vector<16xi32>], vector<16xf32>,
        %mul3A_1925 = arith.constant 8.000000e+00 : f32
        %mul3A_1926 = vector.broadcast %mul3A_1925 : f32 to vector<16xf32>
        %mul3A_1927 = arith.mulf %gather3A_1924, %mul3A_1926 : vector<16xf32>
        %scatter3A_1928 = arith.constant 0 : i32
        %scatter3A_1929 = arith.constant 0 : i32
        %scatter3A_1930 = arith.constant 0 : i32
        %scatter3A_1931 = tpu.memref_slice %arg8[%and3A_242, %scatter3A_1928, %scatter3A_1929, %scatter3A_1930] : memref<4x8x8x128xf32, #tpu.memory_space<vmem>> -> memref<1x8x8x128xf32, #tpu.memory_space<vmem>>
        %scatter3A_1932 = tpu.memref_squeeze %scatter3A_1931 : memref<1x8x8x128xf32, #tpu.memory_space<vmem>> -> memref<8x8x128xf32, #tpu.memory_space<vmem>>
        tpu.vector_store_idx %scatter3A_1932[%shift_right_logical3A_1903, %and3A_1906, %add3A_8], %mul3A_1927 : memref<8x8x128xf32, #tpu.memory_space<vmem>>[vector<16xi32>, vector<16xi32>, vector<16xi32>], vector<16xf32>,
        %gather3A_1933 = arith.constant 0 : i32
        %gather3A_1934 = arith.constant 0 : i32
        %gather3A_1935 = tpu.memref_slice %arg7[%and3A_242, %gather3A_1933, %gather3A_1934] : memref<4x128x64xf32, #tpu.memory_space<vmem>> -> memref<1x128x64xf32, #tpu.memory_space<vmem>>
        %gather3A_1936 = tpu.memref_squeeze %gather3A_1935 : memref<1x128x64xf32, #tpu.memory_space<vmem>> -> memref<128x64xf32, #tpu.memory_space<vmem>>
        %gather3A_1937 = tpu.vector_load_idx %gather3A_1936[%add3A_11, %add3A_1900] : memref<128x64xf32, #tpu.memory_space<vmem>>[vector<16xi32>, vector<16xi32>], vector<16xf32>,
        %mul3A_1938 = arith.constant 8.000000e+00 : f32
        %mul3A_1939 = vector.broadcast %mul3A_1938 : f32 to vector<16xf32>
        %mul3A_1940 = arith.mulf %gather3A_1937, %mul3A_1939 : vector<16xf32>
        %scatter3A_1941 = arith.constant 0 : i32
        %scatter3A_1942 = arith.constant 0 : i32
        %scatter3A_1943 = arith.constant 0 : i32
        %scatter3A_1944 = tpu.memref_slice %arg8[%and3A_242, %scatter3A_1941, %scatter3A_1942, %scatter3A_1943] : memref<4x8x8x128xf32, #tpu.memory_space<vmem>> -> memref<1x8x8x128xf32, #tpu.memory_space<vmem>>
        %scatter3A_1945 = tpu.memref_squeeze %scatter3A_1944 : memref<1x8x8x128xf32, #tpu.memory_space<vmem>> -> memref<8x8x128xf32, #tpu.memory_space<vmem>>
        tpu.vector_store_idx %scatter3A_1945[%shift_right_logical3A_1903, %and3A_1906, %add3A_11], %mul3A_1940 : memref<8x8x128xf32, #tpu.memory_space<vmem>>[vector<16xi32>, vector<16xi32>, vector<16xi32>], vector<16xf32>,
        %gather3A_1946 = arith.constant 0 : i32
        %gather3A_1947 = arith.constant 0 : i32
        %gather3A_1948 = tpu.memref_slice %arg7[%and3A_242, %gather3A_1946, %gather3A_1947] : memref<4x128x64xf32, #tpu.memory_space<vmem>> -> memref<1x128x64xf32, #tpu.memory_space<vmem>>
        %gather3A_1949 = tpu.memref_squeeze %gather3A_1948 : memref<1x128x64xf32, #tpu.memory_space<vmem>> -> memref<128x64xf32, #tpu.memory_space<vmem>>
        %gather3A_1950 = tpu.vector_load_idx %gather3A_1949[%add3A_14, %add3A_1900] : memref<128x64xf32, #tpu.memory_space<vmem>>[vector<16xi32>, vector<16xi32>], vector<16xf32>,
        %mul3A_1951 = arith.constant 8.000000e+00 : f32
        %mul3A_1952 = vector.broadcast %mul3A_1951 : f32 to vector<16xf32>
        %mul3A_1953 = arith.mulf %gather3A_1950, %mul3A_1952 : vector<16xf32>
        %scatter3A_1954 = arith.constant 0 : i32
        %scatter3A_1955 = arith.constant 0 : i32
        %scatter3A_1956 = arith.constant 0 : i32
        %scatter3A_1957 = tpu.memref_slice %arg8[%and3A_242, %scatter3A_1954, %scatter3A_1955, %scatter3A_1956] : memref<4x8x8x128xf32, #tpu.memory_space<vmem>> -> memref<1x8x8x128xf32, #tpu.memory_space<vmem>>
        %scatter3A_1958 = tpu.memref_squeeze %scatter3A_1957 : memref<1x8x8x128xf32, #tpu.memory_space<vmem>> -> memref<8x8x128xf32, #tpu.memory_space<vmem>>
        tpu.vector_store_idx %scatter3A_1958[%shift_right_logical3A_1903, %and3A_1906, %add3A_14], %mul3A_1953 : memref<8x8x128xf32, #tpu.memory_space<vmem>>[vector<16xi32>, vector<16xi32>, vector<16xi32>], vector<16xf32>,
        %gather3A_1959 = arith.constant 0 : i32
        %gather3A_1960 = arith.constant 0 : i32
        %gather3A_1961 = tpu.memref_slice %arg7[%and3A_242, %gather3A_1959, %gather3A_1960] : memref<4x128x64xf32, #tpu.memory_space<vmem>> -> memref<1x128x64xf32, #tpu.memory_space<vmem>>
        %gather3A_1962 = tpu.memref_squeeze %gather3A_1961 : memref<1x128x64xf32, #tpu.memory_space<vmem>> -> memref<128x64xf32, #tpu.memory_space<vmem>>
        %gather3A_1963 = tpu.vector_load_idx %gather3A_1962[%add3A_17, %add3A_1900] : memref<128x64xf32, #tpu.memory_space<vmem>>[vector<16xi32>, vector<16xi32>], vector<16xf32>,
        %mul3A_1964 = arith.constant 8.000000e+00 : f32
        %mul3A_1965 = vector.broadcast %mul3A_1964 : f32 to vector<16xf32>
        %mul3A_1966 = arith.mulf %gather3A_1963, %mul3A_1965 : vector<16xf32>
        %scatter3A_1967 = arith.constant 0 : i32
        %scatter3A_1968 = arith.constant 0 : i32
        %scatter3A_1969 = arith.constant 0 : i32
        %scatter3A_1970 = tpu.memref_slice %arg8[%and3A_242, %scatter3A_1967, %scatter3A_1968, %scatter3A_1969] : memref<4x8x8x128xf32, #tpu.memory_space<vmem>> -> memref<1x8x8x128xf32, #tpu.memory_space<vmem>>
        %scatter3A_1971 = tpu.memref_squeeze %scatter3A_1970 : memref<1x8x8x128xf32, #tpu.memory_space<vmem>> -> memref<8x8x128xf32, #tpu.memory_space<vmem>>
        tpu.vector_store_idx %scatter3A_1971[%shift_right_logical3A_1903, %and3A_1906, %add3A_17], %mul3A_1966 : memref<8x8x128xf32, #tpu.memory_space<vmem>>[vector<16xi32>, vector<16xi32>, vector<16xi32>], vector<16xf32>,
        %gather3A_1972 = arith.constant 0 : i32
        %gather3A_1973 = arith.constant 0 : i32
        %gather3A_1974 = tpu.memref_slice %arg7[%and3A_242, %gather3A_1972, %gather3A_1973] : memref<4x128x64xf32, #tpu.memory_space<vmem>> -> memref<1x128x64xf32, #tpu.memory_space<vmem>>
        %gather3A_1975 = tpu.memref_squeeze %gather3A_1974 : memref<1x128x64xf32, #tpu.memory_space<vmem>> -> memref<128x64xf32, #tpu.memory_space<vmem>>
        %gather3A_1976 = tpu.vector_load_idx %gather3A_1975[%add3A_20, %add3A_1900] : memref<128x64xf32, #tpu.memory_space<vmem>>[vector<16xi32>, vector<16xi32>], vector<16xf32>,
        %mul3A_1977 = arith.constant 8.000000e+00 : f32
        %mul3A_1978 = vector.broadcast %mul3A_1977 : f32 to vector<16xf32>
        %mul3A_1979 = arith.mulf %gather3A_1976, %mul3A_1978 : vector<16xf32>
        %scatter3A_1980 = arith.constant 0 : i32
        %scatter3A_1981 = arith.constant 0 : i32
        %scatter3A_1982 = arith.constant 0 : i32
        %scatter3A_1983 = tpu.memref_slice %arg8[%and3A_242, %scatter3A_1980, %scatter3A_1981, %scatter3A_1982] : memref<4x8x8x128xf32, #tpu.memory_space<vmem>> -> memref<1x8x8x128xf32, #tpu.memory_space<vmem>>
        %scatter3A_1984 = tpu.memref_squeeze %scatter3A_1983 : memref<1x8x8x128xf32, #tpu.memory_space<vmem>> -> memref<8x8x128xf32, #tpu.memory_space<vmem>>
        tpu.vector_store_idx %scatter3A_1984[%shift_right_logical3A_1903, %and3A_1906, %add3A_20], %mul3A_1979 : memref<8x8x128xf32, #tpu.memory_space<vmem>>[vector<16xi32>, vector<16xi32>, vector<16xi32>], vector<16xf32>,
        %gather3A_1985 = arith.constant 0 : i32
        %gather3A_1986 = arith.constant 0 : i32
        %gather3A_1987 = tpu.memref_slice %arg7[%and3A_242, %gather3A_1985, %gather3A_1986] : memref<4x128x64xf32, #tpu.memory_space<vmem>> -> memref<1x128x64xf32, #tpu.memory_space<vmem>>
        %gather3A_1988 = tpu.memref_squeeze %gather3A_1987 : memref<1x128x64xf32, #tpu.memory_space<vmem>> -> memref<128x64xf32, #tpu.memory_space<vmem>>
        %gather3A_1989 = tpu.vector_load_idx %gather3A_1988[%add3A_23, %add3A_1900] : memref<128x64xf32, #tpu.memory_space<vmem>>[vector<16xi32>, vector<16xi32>], vector<16xf32>,
        %mul3A_1990 = arith.constant 8.000000e+00 : f32
        %mul3A_1991 = vector.broadcast %mul3A_1990 : f32 to vector<16xf32>
        %mul3A_1992 = arith.mulf %gather3A_1989, %mul3A_1991 : vector<16xf32>
        %scatter3A_1993 = arith.constant 0 : i32
        %scatter3A_1994 = arith.constant 0 : i32
        %scatter3A_1995 = arith.constant 0 : i32
        %scatter3A_1996 = tpu.memref_slice %arg8[%and3A_242, %scatter3A_1993, %scatter3A_1994, %scatter3A_1995] : memref<4x8x8x128xf32, #tpu.memory_space<vmem>> -> memref<1x8x8x128xf32, #tpu.memory_space<vmem>>
        %scatter3A_1997 = tpu.memref_squeeze %scatter3A_1996 : memref<1x8x8x128xf32, #tpu.memory_space<vmem>> -> memref<8x8x128xf32, #tpu.memory_space<vmem>>
        tpu.vector_store_idx %scatter3A_1997[%shift_right_logical3A_1903, %and3A_1906, %add3A_23], %mul3A_1992 : memref<8x8x128xf32, #tpu.memory_space<vmem>>[vector<16xi32>, vector<16xi32>, vector<16xi32>], vector<16xf32>,
        %gather3A_1998 = arith.constant 0 : i32
        %gather3A_1999 = arith.constant 0 : i32
        %gather3A_2000 = tpu.memref_slice %arg7[%and3A_242, %gather3A_1998, %gather3A_1999] : memref<4x128x64xf32, #tpu.memory_space<vmem>> -> memref<1x128x64xf32, #tpu.memory_space<vmem>>
        %gather3A_2001 = tpu.memref_squeeze %gather3A_2000 : memref<1x128x64xf32, #tpu.memory_space<vmem>> -> memref<128x64xf32, #tpu.memory_space<vmem>>
        %gather3A_2002 = tpu.vector_load_idx %gather3A_2001[%add3A_26, %add3A_1900] : memref<128x64xf32, #tpu.memory_space<vmem>>[vector<16xi32>, vector<16xi32>], vector<16xf32>,
        %mul3A_2003 = arith.constant 8.000000e+00 : f32
        %mul3A_2004 = vector.broadcast %mul3A_2003 : f32 to vector<16xf32>
        %mul3A_2005 = arith.mulf %gather3A_2002, %mul3A_2004 : vector<16xf32>
        %scatter3A_2006 = arith.constant 0 : i32
        %scatter3A_2007 = arith.constant 0 : i32
        %scatter3A_2008 = arith.constant 0 : i32
        %scatter3A_2009 = tpu.memref_slice %arg8[%and3A_242, %scatter3A_2006, %scatter3A_2007, %scatter3A_2008] : memref<4x8x8x128xf32, #tpu.memory_space<vmem>> -> memref<1x8x8x128xf32, #tpu.memory_space<vmem>>
        %scatter3A_2010 = tpu.memref_squeeze %scatter3A_2009 : memref<1x8x8x128xf32, #tpu.memory_space<vmem>> -> memref<8x8x128xf32, #tpu.memory_space<vmem>>
        tpu.vector_store_idx %scatter3A_2010[%shift_right_logical3A_1903, %and3A_1906, %add3A_26], %mul3A_2005 : memref<8x8x128xf32, #tpu.memory_space<vmem>>[vector<16xi32>, vector<16xi32>, vector<16xi32>], vector<16xf32>,
        %add3A_2011 = arith.constant 48 : i32
        %add3A_2012 = vector.broadcast %add3A_2011 : i32 to vector<16xi32>
        %add3A_2013 = arith.addi %and3A_1671, %add3A_2012 : vector<16xi32>
        %shift_right_logical3A_2014 = arith.constant 3 : i32
        %shift_right_logical3A_2015 = vector.broadcast %shift_right_logical3A_2014 : i32 to vector<16xi32>
        %shift_right_logical3A_2016 = arith.shrui %add3A_2013, %shift_right_logical3A_2015 : vector<16xi32>
        %and3A_2017 = arith.constant 7 : i32
        %and3A_2018 = vector.broadcast %and3A_2017 : i32 to vector<16xi32>
        %and3A_2019 = arith.andi %add3A_2013, %and3A_2018 : vector<16xi32>
        %gather3A_2020 = arith.constant 0 : i32
        %gather3A_2021 = arith.constant 0 : i32
        %gather3A_2022 = tpu.memref_slice %arg7[%and3A_242, %gather3A_2020, %gather3A_2021] : memref<4x128x64xf32, #tpu.memory_space<vmem>> -> memref<1x128x64xf32, #tpu.memory_space<vmem>>
        %gather3A_2023 = tpu.memref_squeeze %gather3A_2022 : memref<1x128x64xf32, #tpu.memory_space<vmem>> -> memref<128x64xf32, #tpu.memory_space<vmem>>
        %gather3A_2024 = tpu.vector_load_idx %gather3A_2023[%add3A_5, %add3A_2013] : memref<128x64xf32, #tpu.memory_space<vmem>>[vector<16xi32>, vector<16xi32>], vector<16xf32>,
        %mul3A_2025 = arith.constant 8.000000e+00 : f32
        %mul3A_2026 = vector.broadcast %mul3A_2025 : f32 to vector<16xf32>
        %mul3A_2027 = arith.mulf %gather3A_2024, %mul3A_2026 : vector<16xf32>
        %scatter3A_2028 = arith.constant 0 : i32
        %scatter3A_2029 = arith.constant 0 : i32
        %scatter3A_2030 = arith.constant 0 : i32
        %scatter3A_2031 = tpu.memref_slice %arg8[%and3A_242, %scatter3A_2028, %scatter3A_2029, %scatter3A_2030] : memref<4x8x8x128xf32, #tpu.memory_space<vmem>> -> memref<1x8x8x128xf32, #tpu.memory_space<vmem>>
        %scatter3A_2032 = tpu.memref_squeeze %scatter3A_2031 : memref<1x8x8x128xf32, #tpu.memory_space<vmem>> -> memref<8x8x128xf32, #tpu.memory_space<vmem>>
        tpu.vector_store_idx %scatter3A_2032[%shift_right_logical3A_2016, %and3A_2019, %add3A_5], %mul3A_2027 : memref<8x8x128xf32, #tpu.memory_space<vmem>>[vector<16xi32>, vector<16xi32>, vector<16xi32>], vector<16xf32>,
        %gather3A_2033 = arith.constant 0 : i32
        %gather3A_2034 = arith.constant 0 : i32
        %gather3A_2035 = tpu.memref_slice %arg7[%and3A_242, %gather3A_2033, %gather3A_2034] : memref<4x128x64xf32, #tpu.memory_space<vmem>> -> memref<1x128x64xf32, #tpu.memory_space<vmem>>
        %gather3A_2036 = tpu.memref_squeeze %gather3A_2035 : memref<1x128x64xf32, #tpu.memory_space<vmem>> -> memref<128x64xf32, #tpu.memory_space<vmem>>
        %gather3A_2037 = tpu.vector_load_idx %gather3A_2036[%add3A_8, %add3A_2013] : memref<128x64xf32, #tpu.memory_space<vmem>>[vector<16xi32>, vector<16xi32>], vector<16xf32>,
        %mul3A_2038 = arith.constant 8.000000e+00 : f32
        %mul3A_2039 = vector.broadcast %mul3A_2038 : f32 to vector<16xf32>
        %mul3A_2040 = arith.mulf %gather3A_2037, %mul3A_2039 : vector<16xf32>
        %scatter3A_2041 = arith.constant 0 : i32
        %scatter3A_2042 = arith.constant 0 : i32
        %scatter3A_2043 = arith.constant 0 : i32
        %scatter3A_2044 = tpu.memref_slice %arg8[%and3A_242, %scatter3A_2041, %scatter3A_2042, %scatter3A_2043] : memref<4x8x8x128xf32, #tpu.memory_space<vmem>> -> memref<1x8x8x128xf32, #tpu.memory_space<vmem>>
        %scatter3A_2045 = tpu.memref_squeeze %scatter3A_2044 : memref<1x8x8x128xf32, #tpu.memory_space<vmem>> -> memref<8x8x128xf32, #tpu.memory_space<vmem>>
        tpu.vector_store_idx %scatter3A_2045[%shift_right_logical3A_2016, %and3A_2019, %add3A_8], %mul3A_2040 : memref<8x8x128xf32, #tpu.memory_space<vmem>>[vector<16xi32>, vector<16xi32>, vector<16xi32>], vector<16xf32>,
        %gather3A_2046 = arith.constant 0 : i32
        %gather3A_2047 = arith.constant 0 : i32
        %gather3A_2048 = tpu.memref_slice %arg7[%and3A_242, %gather3A_2046, %gather3A_2047] : memref<4x128x64xf32, #tpu.memory_space<vmem>> -> memref<1x128x64xf32, #tpu.memory_space<vmem>>
        %gather3A_2049 = tpu.memref_squeeze %gather3A_2048 : memref<1x128x64xf32, #tpu.memory_space<vmem>> -> memref<128x64xf32, #tpu.memory_space<vmem>>
        %gather3A_2050 = tpu.vector_load_idx %gather3A_2049[%add3A_11, %add3A_2013] : memref<128x64xf32, #tpu.memory_space<vmem>>[vector<16xi32>, vector<16xi32>], vector<16xf32>,
        %mul3A_2051 = arith.constant 8.000000e+00 : f32
        %mul3A_2052 = vector.broadcast %mul3A_2051 : f32 to vector<16xf32>
        %mul3A_2053 = arith.mulf %gather3A_2050, %mul3A_2052 : vector<16xf32>
        %scatter3A_2054 = arith.constant 0 : i32
        %scatter3A_2055 = arith.constant 0 : i32
        %scatter3A_2056 = arith.constant 0 : i32
        %scatter3A_2057 = tpu.memref_slice %arg8[%and3A_242, %scatter3A_2054, %scatter3A_2055, %scatter3A_2056] : memref<4x8x8x128xf32, #tpu.memory_space<vmem>> -> memref<1x8x8x128xf32, #tpu.memory_space<vmem>>
        %scatter3A_2058 = tpu.memref_squeeze %scatter3A_2057 : memref<1x8x8x128xf32, #tpu.memory_space<vmem>> -> memref<8x8x128xf32, #tpu.memory_space<vmem>>
        tpu.vector_store_idx %scatter3A_2058[%shift_right_logical3A_2016, %and3A_2019, %add3A_11], %mul3A_2053 : memref<8x8x128xf32, #tpu.memory_space<vmem>>[vector<16xi32>, vector<16xi32>, vector<16xi32>], vector<16xf32>,
        %gather3A_2059 = arith.constant 0 : i32
        %gather3A_2060 = arith.constant 0 : i32
        %gather3A_2061 = tpu.memref_slice %arg7[%and3A_242, %gather3A_2059, %gather3A_2060] : memref<4x128x64xf32, #tpu.memory_space<vmem>> -> memref<1x128x64xf32, #tpu.memory_space<vmem>>
        %gather3A_2062 = tpu.memref_squeeze %gather3A_2061 : memref<1x128x64xf32, #tpu.memory_space<vmem>> -> memref<128x64xf32, #tpu.memory_space<vmem>>
        %gather3A_2063 = tpu.vector_load_idx %gather3A_2062[%add3A_14, %add3A_2013] : memref<128x64xf32, #tpu.memory_space<vmem>>[vector<16xi32>, vector<16xi32>], vector<16xf32>,
        %mul3A_2064 = arith.constant 8.000000e+00 : f32
        %mul3A_2065 = vector.broadcast %mul3A_2064 : f32 to vector<16xf32>
        %mul3A_2066 = arith.mulf %gather3A_2063, %mul3A_2065 : vector<16xf32>
        %scatter3A_2067 = arith.constant 0 : i32
        %scatter3A_2068 = arith.constant 0 : i32
        %scatter3A_2069 = arith.constant 0 : i32
        %scatter3A_2070 = tpu.memref_slice %arg8[%and3A_242, %scatter3A_2067, %scatter3A_2068, %scatter3A_2069] : memref<4x8x8x128xf32, #tpu.memory_space<vmem>> -> memref<1x8x8x128xf32, #tpu.memory_space<vmem>>
        %scatter3A_2071 = tpu.memref_squeeze %scatter3A_2070 : memref<1x8x8x128xf32, #tpu.memory_space<vmem>> -> memref<8x8x128xf32, #tpu.memory_space<vmem>>
        tpu.vector_store_idx %scatter3A_2071[%shift_right_logical3A_2016, %and3A_2019, %add3A_14], %mul3A_2066 : memref<8x8x128xf32, #tpu.memory_space<vmem>>[vector<16xi32>, vector<16xi32>, vector<16xi32>], vector<16xf32>,
        %gather3A_2072 = arith.constant 0 : i32
        %gather3A_2073 = arith.constant 0 : i32
        %gather3A_2074 = tpu.memref_slice %arg7[%and3A_242, %gather3A_2072, %gather3A_2073] : memref<4x128x64xf32, #tpu.memory_space<vmem>> -> memref<1x128x64xf32, #tpu.memory_space<vmem>>
        %gather3A_2075 = tpu.memref_squeeze %gather3A_2074 : memref<1x128x64xf32, #tpu.memory_space<vmem>> -> memref<128x64xf32, #tpu.memory_space<vmem>>
        %gather3A_2076 = tpu.vector_load_idx %gather3A_2075[%add3A_17, %add3A_2013] : memref<128x64xf32, #tpu.memory_space<vmem>>[vector<16xi32>, vector<16xi32>], vector<16xf32>,
        %mul3A_2077 = arith.constant 8.000000e+00 : f32
        %mul3A_2078 = vector.broadcast %mul3A_2077 : f32 to vector<16xf32>
        %mul3A_2079 = arith.mulf %gather3A_2076, %mul3A_2078 : vector<16xf32>
        %scatter3A_2080 = arith.constant 0 : i32
        %scatter3A_2081 = arith.constant 0 : i32
        %scatter3A_2082 = arith.constant 0 : i32
        %scatter3A_2083 = tpu.memref_slice %arg8[%and3A_242, %scatter3A_2080, %scatter3A_2081, %scatter3A_2082] : memref<4x8x8x128xf32, #tpu.memory_space<vmem>> -> memref<1x8x8x128xf32, #tpu.memory_space<vmem>>
        %scatter3A_2084 = tpu.memref_squeeze %scatter3A_2083 : memref<1x8x8x128xf32, #tpu.memory_space<vmem>> -> memref<8x8x128xf32, #tpu.memory_space<vmem>>
        tpu.vector_store_idx %scatter3A_2084[%shift_right_logical3A_2016, %and3A_2019, %add3A_17], %mul3A_2079 : memref<8x8x128xf32, #tpu.memory_space<vmem>>[vector<16xi32>, vector<16xi32>, vector<16xi32>], vector<16xf32>,
        %gather3A_2085 = arith.constant 0 : i32
        %gather3A_2086 = arith.constant 0 : i32
        %gather3A_2087 = tpu.memref_slice %arg7[%and3A_242, %gather3A_2085, %gather3A_2086] : memref<4x128x64xf32, #tpu.memory_space<vmem>> -> memref<1x128x64xf32, #tpu.memory_space<vmem>>
        %gather3A_2088 = tpu.memref_squeeze %gather3A_2087 : memref<1x128x64xf32, #tpu.memory_space<vmem>> -> memref<128x64xf32, #tpu.memory_space<vmem>>
        %gather3A_2089 = tpu.vector_load_idx %gather3A_2088[%add3A_20, %add3A_2013] : memref<128x64xf32, #tpu.memory_space<vmem>>[vector<16xi32>, vector<16xi32>], vector<16xf32>,
        %mul3A_2090 = arith.constant 8.000000e+00 : f32
        %mul3A_2091 = vector.broadcast %mul3A_2090 : f32 to vector<16xf32>
        %mul3A_2092 = arith.mulf %gather3A_2089, %mul3A_2091 : vector<16xf32>
        %scatter3A_2093 = arith.constant 0 : i32
        %scatter3A_2094 = arith.constant 0 : i32
        %scatter3A_2095 = arith.constant 0 : i32
        %scatter3A_2096 = tpu.memref_slice %arg8[%and3A_242, %scatter3A_2093, %scatter3A_2094, %scatter3A_2095] : memref<4x8x8x128xf32, #tpu.memory_space<vmem>> -> memref<1x8x8x128xf32, #tpu.memory_space<vmem>>
        %scatter3A_2097 = tpu.memref_squeeze %scatter3A_2096 : memref<1x8x8x128xf32, #tpu.memory_space<vmem>> -> memref<8x8x128xf32, #tpu.memory_space<vmem>>
        tpu.vector_store_idx %scatter3A_2097[%shift_right_logical3A_2016, %and3A_2019, %add3A_20], %mul3A_2092 : memref<8x8x128xf32, #tpu.memory_space<vmem>>[vector<16xi32>, vector<16xi32>, vector<16xi32>], vector<16xf32>,
        %gather3A_2098 = arith.constant 0 : i32
        %gather3A_2099 = arith.constant 0 : i32
        %gather3A_2100 = tpu.memref_slice %arg7[%and3A_242, %gather3A_2098, %gather3A_2099] : memref<4x128x64xf32, #tpu.memory_space<vmem>> -> memref<1x128x64xf32, #tpu.memory_space<vmem>>
        %gather3A_2101 = tpu.memref_squeeze %gather3A_2100 : memref<1x128x64xf32, #tpu.memory_space<vmem>> -> memref<128x64xf32, #tpu.memory_space<vmem>>
        %gather3A_2102 = tpu.vector_load_idx %gather3A_2101[%add3A_23, %add3A_2013] : memref<128x64xf32, #tpu.memory_space<vmem>>[vector<16xi32>, vector<16xi32>], vector<16xf32>,
        %mul3A_2103 = arith.constant 8.000000e+00 : f32
        %mul3A_2104 = vector.broadcast %mul3A_2103 : f32 to vector<16xf32>
        %mul3A_2105 = arith.mulf %gather3A_2102, %mul3A_2104 : vector<16xf32>
        %scatter3A_2106 = arith.constant 0 : i32
        %scatter3A_2107 = arith.constant 0 : i32
        %scatter3A_2108 = arith.constant 0 : i32
        %scatter3A_2109 = tpu.memref_slice %arg8[%and3A_242, %scatter3A_2106, %scatter3A_2107, %scatter3A_2108] : memref<4x8x8x128xf32, #tpu.memory_space<vmem>> -> memref<1x8x8x128xf32, #tpu.memory_space<vmem>>
        %scatter3A_2110 = tpu.memref_squeeze %scatter3A_2109 : memref<1x8x8x128xf32, #tpu.memory_space<vmem>> -> memref<8x8x128xf32, #tpu.memory_space<vmem>>
        tpu.vector_store_idx %scatter3A_2110[%shift_right_logical3A_2016, %and3A_2019, %add3A_23], %mul3A_2105 : memref<8x8x128xf32, #tpu.memory_space<vmem>>[vector<16xi32>, vector<16xi32>, vector<16xi32>], vector<16xf32>,
        %gather3A_2111 = arith.constant 0 : i32
        %gather3A_2112 = arith.constant 0 : i32
        %gather3A_2113 = tpu.memref_slice %arg7[%and3A_242, %gather3A_2111, %gather3A_2112] : memref<4x128x64xf32, #tpu.memory_space<vmem>> -> memref<1x128x64xf32, #tpu.memory_space<vmem>>
        %gather3A_2114 = tpu.memref_squeeze %gather3A_2113 : memref<1x128x64xf32, #tpu.memory_space<vmem>> -> memref<128x64xf32, #tpu.memory_space<vmem>>
        %gather3A_2115 = tpu.vector_load_idx %gather3A_2114[%add3A_26, %add3A_2013] : memref<128x64xf32, #tpu.memory_space<vmem>>[vector<16xi32>, vector<16xi32>], vector<16xf32>,
        %mul3A_2116 = arith.constant 8.000000e+00 : f32
        %mul3A_2117 = vector.broadcast %mul3A_2116 : f32 to vector<16xf32>
        %mul3A_2118 = arith.mulf %gather3A_2115, %mul3A_2117 : vector<16xf32>
        %scatter3A_2119 = arith.constant 0 : i32
        %scatter3A_2120 = arith.constant 0 : i32
        %scatter3A_2121 = arith.constant 0 : i32
        %scatter3A_2122 = tpu.memref_slice %arg8[%and3A_242, %scatter3A_2119, %scatter3A_2120, %scatter3A_2121] : memref<4x8x8x128xf32, #tpu.memory_space<vmem>> -> memref<1x8x8x128xf32, #tpu.memory_space<vmem>>
        %scatter3A_2123 = tpu.memref_squeeze %scatter3A_2122 : memref<1x8x8x128xf32, #tpu.memory_space<vmem>> -> memref<8x8x128xf32, #tpu.memory_space<vmem>>
        tpu.vector_store_idx %scatter3A_2123[%shift_right_logical3A_2016, %and3A_2019, %add3A_26], %mul3A_2118 : memref<8x8x128xf32, #tpu.memory_space<vmem>>[vector<16xi32>, vector<16xi32>, vector<16xi32>], vector<16xf32>,
      }
      %scan3A_262 = arith.constant 16 : i32
      %dma_start3A_263 = arith.constant 0 : i32
      %dma_start3A_264 = arith.constant 0 : i32
      %dma_start3A_265 = arith.constant 0 : i32
      %dma_start3A_266 = tpu.memref_slice %arg8[%and3A_242, %dma_start3A_263, %dma_start3A_264, %dma_start3A_265] : memref<4x8x8x128xf32, #tpu.memory_space<vmem>> -> memref<1x8x8x128xf32, #tpu.memory_space<vmem>>
      %dma_start3A_267 = tpu.memref_squeeze %dma_start3A_266 : memref<1x8x8x128xf32, #tpu.memory_space<vmem>> -> memref<8x8x128xf32, #tpu.memory_space<vmem>>
      %dma_start3A_268 = arith.constant 0 : i32
      %dma_start3A_269 = arith.constant 0 : i32
      %dma_start3A_270 = arith.constant 0 : i32
      %dma_start3A_271 = tpu.memref_slice %arg4[%scan3A_241, %dma_start3A_268, %add3A, %dma_start3A_269, %dma_start3A_270] : memref<200x8x32x8x128xf32, #tpu.memory_space<hbm>> -> memref<1x8x1x8x128xf32, #tpu.memory_space<hbm>>
      %dma_start3A_272 = tpu.memref_squeeze %dma_start3A_271 : memref<1x8x1x8x128xf32, #tpu.memory_space<hbm>> -> memref<8x8x128xf32, #tpu.memory_space<hbm>>
      %dma_start3A_273 = tpu.memref_slice %arg10[%and3A_242] : memref<4x!tpu.dma_semaphore, #tpu.memory_space<semaphore_mem>> -> memref<1x!tpu.dma_semaphore, #tpu.memory_space<semaphore_mem>>
      %dma_start3A_274 = tpu.memref_squeeze %dma_start3A_273 : memref<1x!tpu.dma_semaphore, #tpu.memory_space<semaphore_mem>> -> memref<!tpu.dma_semaphore, #tpu.memory_space<semaphore_mem>>
      %dma_start3A_275 = arith.constant 0 : i32
      %dma_start3A_276 = arith.constant 0 : i32
      %dma_start3A_277 = arith.constant 0 : i32
      %dma_start3A_278 = tpu.memref_slice %arg4[%scan3A_241, %dma_start3A_275, %add3A, %dma_start3A_276, %dma_start3A_277] : memref<200x8x32x8x128xf32, #tpu.memory_space<hbm>> -> memref<1x8x1x8x128xf32, #tpu.memory_space<hbm>>
      %dma_start3A_279 = tpu.memref_squeeze %dma_start3A_278 : memref<1x8x1x8x128xf32, #tpu.memory_space<hbm>> -> memref<8x8x128xf32, #tpu.memory_space<hbm>>
      %dma_start3A_280 = arith.constant 0 : i32
      %dma_start3A_281 = arith.constant 0 : i32
      %dma_start3A_282 = arith.constant 0 : i32
      %dma_start3A_283 = tpu.memref_slice %arg8[%and3A_242, %dma_start3A_280, %dma_start3A_281, %dma_start3A_282] : memref<4x8x8x128xf32, #tpu.memory_space<vmem>> -> memref<1x8x8x128xf32, #tpu.memory_space<vmem>>
      %dma_start3A_284 = tpu.memref_squeeze %dma_start3A_283 : memref<1x8x8x128xf32, #tpu.memory_space<vmem>> -> memref<8x8x128xf32, #tpu.memory_space<vmem>>
      tpu.enqueue_dma source(%dma_start3A_284 : memref<8x8x128xf32, #tpu.memory_space<vmem>>) target(%dma_start3A_279 : memref<8x8x128xf32, #tpu.memory_space<hbm>>) target_semaphore(%dma_start3A_274 : memref<!tpu.dma_semaphore, #tpu.memory_space<semaphore_mem>>)
      %add3A_285 = arith.constant 2 : i32
      %add3A_286 = arith.addi %scan3A_241, %add3A_285 : i32
      %lt3A = arith.constant 200 : i32
      %lt3A_287 = arith.cmpi slt, %add3A_286, %lt3A : i32
      %convert_element_type3A_288 = arith.extui %lt3A_287 : i1 to i32
      %cond3A_289 = arith.constant 0 : i32
      %cond3A_290 = arith.cmpi ne, %convert_element_type3A_288, %cond3A_289 : i32
      scf.if %cond3A_290 {
        %add3A_291 = arith.constant 2 : i32
        %add3A_292 = arith.addi %scan3A_241, %add3A_291 : i32
        %and3A_293 = arith.constant 3 : i32
        %and3A_294 = arith.andi %add3A_292, %and3A_293 : i32
        %add3A_295 = arith.constant 2 : i32
        %add3A_296 = arith.addi %scan3A_241, %add3A_295 : i32
        %broadcast_in_dim3A_297 = vector.broadcast %add3A_296 : i32 to vector<16xi32>
        %gather3A_298 = tpu.vector_load_idx %arg5[%add3A_5, %broadcast_in_dim3A_297] : memref<128x200xi32, #tpu.memory_space<vmem>>[vector<16xi32>, vector<16xi32>], vector<16xi32>,
        %swap3A_299 = arith.index_cast %and3A_294 : i32 to index
        %swap3A_300 = arith.constant 0 : index
        %swap3A_301 = tpu.vector_load %arg6[%swap3A_299, %swap3A_300] {strides = array<i32>} : memref<4x128xi32, #tpu.memory_space<vmem>>, vector<16xi32>,
        tpu.vector_store %arg6[%swap3A_299, %swap3A_300], %gather3A_298 {strides = array<i32>} : memref<4x128xi32, #tpu.memory_space<vmem>>, vector<16xi32>,
        %gather3A_302 = tpu.vector_load_idx %arg5[%add3A_8, %broadcast_in_dim3A_297] : memref<128x200xi32, #tpu.memory_space<vmem>>[vector<16xi32>, vector<16xi32>], vector<16xi32>,
        %swap3A_303 = arith.index_cast %and3A_294 : i32 to index
        %swap3A_304 = arith.constant 16 : index
        %swap3A_305 = tpu.vector_load %arg6[%swap3A_303, %swap3A_304] {strides = array<i32>} : memref<4x128xi32, #tpu.memory_space<vmem>>, vector<16xi32>,
        tpu.vector_store %arg6[%swap3A_303, %swap3A_304], %gather3A_302 {strides = array<i32>} : memref<4x128xi32, #tpu.memory_space<vmem>>, vector<16xi32>,
        %gather3A_306 = tpu.vector_load_idx %arg5[%add3A_11, %broadcast_in_dim3A_297] : memref<128x200xi32, #tpu.memory_space<vmem>>[vector<16xi32>, vector<16xi32>], vector<16xi32>,
        %swap3A_307 = arith.index_cast %and3A_294 : i32 to index
        %swap3A_308 = arith.constant 32 : index
        %swap3A_309 = tpu.vector_load %arg6[%swap3A_307, %swap3A_308] {strides = array<i32>} : memref<4x128xi32, #tpu.memory_space<vmem>>, vector<16xi32>,
        tpu.vector_store %arg6[%swap3A_307, %swap3A_308], %gather3A_306 {strides = array<i32>} : memref<4x128xi32, #tpu.memory_space<vmem>>, vector<16xi32>,
        %gather3A_310 = tpu.vector_load_idx %arg5[%add3A_14, %broadcast_in_dim3A_297] : memref<128x200xi32, #tpu.memory_space<vmem>>[vector<16xi32>, vector<16xi32>], vector<16xi32>,
        %swap3A_311 = arith.index_cast %and3A_294 : i32 to index
        %swap3A_312 = arith.constant 48 : index
        %swap3A_313 = tpu.vector_load %arg6[%swap3A_311, %swap3A_312] {strides = array<i32>} : memref<4x128xi32, #tpu.memory_space<vmem>>, vector<16xi32>,
        tpu.vector_store %arg6[%swap3A_311, %swap3A_312], %gather3A_310 {strides = array<i32>} : memref<4x128xi32, #tpu.memory_space<vmem>>, vector<16xi32>,
        %gather3A_314 = tpu.vector_load_idx %arg5[%add3A_17, %broadcast_in_dim3A_297] : memref<128x200xi32, #tpu.memory_space<vmem>>[vector<16xi32>, vector<16xi32>], vector<16xi32>,
        %swap3A_315 = arith.index_cast %and3A_294 : i32 to index
        %swap3A_316 = arith.constant 64 : index
        %swap3A_317 = tpu.vector_load %arg6[%swap3A_315, %swap3A_316] {strides = array<i32>} : memref<4x128xi32, #tpu.memory_space<vmem>>, vector<16xi32>,
        tpu.vector_store %arg6[%swap3A_315, %swap3A_316], %gather3A_314 {strides = array<i32>} : memref<4x128xi32, #tpu.memory_space<vmem>>, vector<16xi32>,
        %gather3A_318 = tpu.vector_load_idx %arg5[%add3A_20, %broadcast_in_dim3A_297] : memref<128x200xi32, #tpu.memory_space<vmem>>[vector<16xi32>, vector<16xi32>], vector<16xi32>,
        %swap3A_319 = arith.index_cast %and3A_294 : i32 to index
        %swap3A_320 = arith.constant 80 : index
        %swap3A_321 = tpu.vector_load %arg6[%swap3A_319, %swap3A_320] {strides = array<i32>} : memref<4x128xi32, #tpu.memory_space<vmem>>, vector<16xi32>,
        tpu.vector_store %arg6[%swap3A_319, %swap3A_320], %gather3A_318 {strides = array<i32>} : memref<4x128xi32, #tpu.memory_space<vmem>>, vector<16xi32>,
        %gather3A_322 = tpu.vector_load_idx %arg5[%add3A_23, %broadcast_in_dim3A_297] : memref<128x200xi32, #tpu.memory_space<vmem>>[vector<16xi32>, vector<16xi32>], vector<16xi32>,
        %swap3A_323 = arith.index_cast %and3A_294 : i32 to index
        %swap3A_324 = arith.constant 96 : index
        %swap3A_325 = tpu.vector_load %arg6[%swap3A_323, %swap3A_324] {strides = array<i32>} : memref<4x128xi32, #tpu.memory_space<vmem>>, vector<16xi32>,
        tpu.vector_store %arg6[%swap3A_323, %swap3A_324], %gather3A_322 {strides = array<i32>} : memref<4x128xi32, #tpu.memory_space<vmem>>, vector<16xi32>,
        %gather3A_326 = tpu.vector_load_idx %arg5[%add3A_26, %broadcast_in_dim3A_297] : memref<128x200xi32, #tpu.memory_space<vmem>>[vector<16xi32>, vector<16xi32>], vector<16xi32>,
        %swap3A_327 = arith.index_cast %and3A_294 : i32 to index
        %swap3A_328 = arith.constant 112 : index
        %swap3A_329 = tpu.vector_load %arg6[%swap3A_327, %swap3A_328] {strides = array<i32>} : memref<4x128xi32, #tpu.memory_space<vmem>>, vector<16xi32>,
        tpu.vector_store %arg6[%swap3A_327, %swap3A_328], %gather3A_326 {strides = array<i32>} : memref<4x128xi32, #tpu.memory_space<vmem>>, vector<16xi32>,
        %dma_start3A_330 = arith.constant 0 : i32
        %dma_start3A_331 = arith.constant 0 : i32
        %dma_start3A_332 = tpu.memref_slice %arg7[%and3A_294, %dma_start3A_330, %dma_start3A_331] : memref<4x128x64xf32, #tpu.memory_space<vmem>> -> memref<1x128x64xf32, #tpu.memory_space<vmem>>
        %dma_start3A_333 = tpu.memref_squeeze %dma_start3A_332 : memref<1x128x64xf32, #tpu.memory_space<vmem>> -> memref<128x64xf32, #tpu.memory_space<vmem>>
        %dma_start3A_334 = arith.constant 0 : i32
        %dma_start3A_335 = tpu.memref_slice %arg6[%and3A_294, %dma_start3A_334] : memref<4x128xi32, #tpu.memory_space<vmem>> -> memref<1x128xi32, #tpu.memory_space<vmem>>
        %dma_start3A_336 = tpu.memref_squeeze %dma_start3A_335 : memref<1x128xi32, #tpu.memory_space<vmem>> -> memref<128xi32, #tpu.memory_space<vmem>>
        %dma_start3A_337 = arith.constant 0 : i32
        %dma_start3A_338 = arith.constant 0 : i32
        %dma_start3A_339 = tpu.memref_slice %arg3[%dma_start3A_337, %dma_start3A_338] : memref<1000000x64xf32, #tpu.memory_space<hbm>> -> memref<1000000x64xf32, #tpu.memory_space<hbm>>
        %dma_start3A_340 = tpu.memref_slice %arg9[%and3A_294] : memref<4x!tpu.dma_semaphore, #tpu.memory_space<semaphore_mem>> -> memref<1x!tpu.dma_semaphore, #tpu.memory_space<semaphore_mem>>
        %dma_start3A_341 = tpu.memref_squeeze %dma_start3A_340 : memref<1x!tpu.dma_semaphore, #tpu.memory_space<semaphore_mem>> -> memref<!tpu.dma_semaphore, #tpu.memory_space<semaphore_mem>>
        tpu.enqueue_indirect_dma source(%dma_start3A_339 : memref<1000000x64xf32, #tpu.memory_space<hbm>>) target(%dma_start3A_333 : memref<128x64xf32, #tpu.memory_space<vmem>>) offsets(%dma_start3A_336 : memref<128xi32, #tpu.memory_space<vmem>>) semaphore(%dma_start3A_341 : memref<!tpu.dma_semaphore, #tpu.memory_space<semaphore_mem>>)
      } else {
      }
    }
    %scan3A_141 = arith.constant 200 : i32
    %dma_wait3A = arith.constant 0 : i32
    %dma_wait3A_142 = arith.constant 196 : i32
    %dma_wait3A_143 = arith.constant 0 : i32
    %dma_wait3A_144 = arith.constant 0 : i32
    %dma_wait3A_145 = arith.constant 0 : i32
    %dma_wait3A_146 = arith.constant 0 : i32
    %dma_wait3A_147 = tpu.memref_slice %arg8[%dma_wait3A, %dma_wait3A_144, %dma_wait3A_145, %dma_wait3A_146] : memref<4x8x8x128xf32, #tpu.memory_space<vmem>> -> memref<1x8x8x128xf32, #tpu.memory_space<vmem>>
    %dma_wait3A_148 = tpu.memref_squeeze %dma_wait3A_147 : memref<1x8x8x128xf32, #tpu.memory_space<vmem>> -> memref<8x8x128xf32, #tpu.memory_space<vmem>>
    %dma_wait3A_149 = arith.constant 0 : i32
    %dma_wait3A_150 = arith.constant 0 : i32
    %dma_wait3A_151 = arith.constant 0 : i32
    %dma_wait3A_152 = tpu.memref_slice %arg4[%dma_wait3A_142, %dma_wait3A_149, %add3A, %dma_wait3A_150, %dma_wait3A_151] : memref<200x8x32x8x128xf32, #tpu.memory_space<hbm>> -> memref<1x8x1x8x128xf32, #tpu.memory_space<hbm>>
    %dma_wait3A_153 = tpu.memref_squeeze %dma_wait3A_152 : memref<1x8x1x8x128xf32, #tpu.memory_space<hbm>> -> memref<8x8x128xf32, #tpu.memory_space<hbm>>
    %dma_wait3A_154 = tpu.memref_slice %arg10[%dma_wait3A_143] : memref<4x!tpu.dma_semaphore, #tpu.memory_space<semaphore_mem>> -> memref<1x!tpu.dma_semaphore, #tpu.memory_space<semaphore_mem>>
    %dma_wait3A_155 = tpu.memref_squeeze %dma_wait3A_154 : memref<1x!tpu.dma_semaphore, #tpu.memory_space<semaphore_mem>> -> memref<!tpu.dma_semaphore, #tpu.memory_space<semaphore_mem>>
    %dma_wait3A_156 = arith.constant 0 : i32
    %dma_wait3A_157 = arith.constant 0 : i32
    %dma_wait3A_158 = arith.constant 0 : i32
    %dma_wait3A_159 = tpu.memref_slice %arg4[%dma_wait3A_142, %dma_wait3A_156, %add3A, %dma_wait3A_157, %dma_wait3A_158] : memref<200x8x32x8x128xf32, #tpu.memory_space<hbm>> -> memref<1x8x1x8x128xf32, #tpu.memory_space<hbm>>
    %dma_wait3A_160 = tpu.memref_squeeze %dma_wait3A_159 : memref<1x8x1x8x128xf32, #tpu.memory_space<hbm>> -> memref<8x8x128xf32, #tpu.memory_space<hbm>>
    %dma_wait3A_161 = arith.constant 0 : i32
    %dma_wait3A_162 = arith.constant 0 : i32
    %dma_wait3A_163 = arith.constant 0 : i32
    %dma_wait3A_164 = tpu.memref_slice %arg8[%dma_wait3A, %dma_wait3A_161, %dma_wait3A_162, %dma_wait3A_163] : memref<4x8x8x128xf32, #tpu.memory_space<vmem>> -> memref<1x8x8x128xf32, #tpu.memory_space<vmem>>
    %dma_wait3A_165 = tpu.memref_squeeze %dma_wait3A_164 : memref<1x8x8x128xf32, #tpu.memory_space<vmem>> -> memref<8x8x128xf32, #tpu.memory_space<vmem>>
    tpu.wait_dma2 semaphore(%dma_wait3A_155 : memref<!tpu.dma_semaphore, #tpu.memory_space<semaphore_mem>>) src(%dma_wait3A_165 : memref<8x8x128xf32, #tpu.memory_space<vmem>>) dst(%dma_wait3A_160 : memref<8x8x128xf32, #tpu.memory_space<hbm>>)
    %dma_wait3A_166 = arith.constant 1 : i32
    %dma_wait3A_167 = arith.constant 197 : i32
    %dma_wait3A_168 = arith.constant 1 : i32
    %dma_wait3A_169 = arith.constant 0 : i32
    %dma_wait3A_170 = arith.constant 0 : i32
    %dma_wait3A_171 = arith.constant 0 : i32
    %dma_wait3A_172 = tpu.memref_slice %arg8[%dma_wait3A_166, %dma_wait3A_169, %dma_wait3A_170, %dma_wait3A_171] : memref<4x8x8x128xf32, #tpu.memory_space<vmem>> -> memref<1x8x8x128xf32, #tpu.memory_space<vmem>>
    %dma_wait3A_173 = tpu.memref_squeeze %dma_wait3A_172 : memref<1x8x8x128xf32, #tpu.memory_space<vmem>> -> memref<8x8x128xf32, #tpu.memory_space<vmem>>
    %dma_wait3A_174 = arith.constant 0 : i32
    %dma_wait3A_175 = arith.constant 0 : i32
    %dma_wait3A_176 = arith.constant 0 : i32
    %dma_wait3A_177 = tpu.memref_slice %arg4[%dma_wait3A_167, %dma_wait3A_174, %add3A, %dma_wait3A_175, %dma_wait3A_176] : memref<200x8x32x8x128xf32, #tpu.memory_space<hbm>> -> memref<1x8x1x8x128xf32, #tpu.memory_space<hbm>>
    %dma_wait3A_178 = tpu.memref_squeeze %dma_wait3A_177 : memref<1x8x1x8x128xf32, #tpu.memory_space<hbm>> -> memref<8x8x128xf32, #tpu.memory_space<hbm>>
    %dma_wait3A_179 = tpu.memref_slice %arg10[%dma_wait3A_168] : memref<4x!tpu.dma_semaphore, #tpu.memory_space<semaphore_mem>> -> memref<1x!tpu.dma_semaphore, #tpu.memory_space<semaphore_mem>>
    %dma_wait3A_180 = tpu.memref_squeeze %dma_wait3A_179 : memref<1x!tpu.dma_semaphore, #tpu.memory_space<semaphore_mem>> -> memref<!tpu.dma_semaphore, #tpu.memory_space<semaphore_mem>>
    %dma_wait3A_181 = arith.constant 0 : i32
    %dma_wait3A_182 = arith.constant 0 : i32
    %dma_wait3A_183 = arith.constant 0 : i32
    %dma_wait3A_184 = tpu.memref_slice %arg4[%dma_wait3A_167, %dma_wait3A_181, %add3A, %dma_wait3A_182, %dma_wait3A_183] : memref<200x8x32x8x128xf32, #tpu.memory_space<hbm>> -> memref<1x8x1x8x128xf32, #tpu.memory_space<hbm>>
    %dma_wait3A_185 = tpu.memref_squeeze %dma_wait3A_184 : memref<1x8x1x8x128xf32, #tpu.memory_space<hbm>> -> memref<8x8x128xf32, #tpu.memory_space<hbm>>
    %dma_wait3A_186 = arith.constant 0 : i32
    %dma_wait3A_187 = arith.constant 0 : i32
    %dma_wait3A_188 = arith.constant 0 : i32
    %dma_wait3A_189 = tpu.memref_slice %arg8[%dma_wait3A_166, %dma_wait3A_186, %dma_wait3A_187, %dma_wait3A_188] : memref<4x8x8x128xf32, #tpu.memory_space<vmem>> -> memref<1x8x8x128xf32, #tpu.memory_space<vmem>>
    %dma_wait3A_190 = tpu.memref_squeeze %dma_wait3A_189 : memref<1x8x8x128xf32, #tpu.memory_space<vmem>> -> memref<8x8x128xf32, #tpu.memory_space<vmem>>
    tpu.wait_dma2 semaphore(%dma_wait3A_180 : memref<!tpu.dma_semaphore, #tpu.memory_space<semaphore_mem>>) src(%dma_wait3A_190 : memref<8x8x128xf32, #tpu.memory_space<vmem>>) dst(%dma_wait3A_185 : memref<8x8x128xf32, #tpu.memory_space<hbm>>)
    %dma_wait3A_191 = arith.constant 2 : i32
    %dma_wait3A_192 = arith.constant 198 : i32
    %dma_wait3A_193 = arith.constant 2 : i32
    %dma_wait3A_194 = arith.constant 0 : i32
    %dma_wait3A_195 = arith.constant 0 : i32
    %dma_wait3A_196 = arith.constant 0 : i32
    %dma_wait3A_197 = tpu.memref_slice %arg8[%dma_wait3A_191, %dma_wait3A_194, %dma_wait3A_195, %dma_wait3A_196] : memref<4x8x8x128xf32, #tpu.memory_space<vmem>> -> memref<1x8x8x128xf32, #tpu.memory_space<vmem>>
    %dma_wait3A_198 = tpu.memref_squeeze %dma_wait3A_197 : memref<1x8x8x128xf32, #tpu.memory_space<vmem>> -> memref<8x8x128xf32, #tpu.memory_space<vmem>>
    %dma_wait3A_199 = arith.constant 0 : i32
    %dma_wait3A_200 = arith.constant 0 : i32
    %dma_wait3A_201 = arith.constant 0 : i32
    %dma_wait3A_202 = tpu.memref_slice %arg4[%dma_wait3A_192, %dma_wait3A_199, %add3A, %dma_wait3A_200, %dma_wait3A_201] : memref<200x8x32x8x128xf32, #tpu.memory_space<hbm>> -> memref<1x8x1x8x128xf32, #tpu.memory_space<hbm>>
    %dma_wait3A_203 = tpu.memref_squeeze %dma_wait3A_202 : memref<1x8x1x8x128xf32, #tpu.memory_space<hbm>> -> memref<8x8x128xf32, #tpu.memory_space<hbm>>
    %dma_wait3A_204 = tpu.memref_slice %arg10[%dma_wait3A_193] : memref<4x!tpu.dma_semaphore, #tpu.memory_space<semaphore_mem>> -> memref<1x!tpu.dma_semaphore, #tpu.memory_space<semaphore_mem>>
    %dma_wait3A_205 = tpu.memref_squeeze %dma_wait3A_204 : memref<1x!tpu.dma_semaphore, #tpu.memory_space<semaphore_mem>> -> memref<!tpu.dma_semaphore, #tpu.memory_space<semaphore_mem>>
    %dma_wait3A_206 = arith.constant 0 : i32
    %dma_wait3A_207 = arith.constant 0 : i32
    %dma_wait3A_208 = arith.constant 0 : i32
    %dma_wait3A_209 = tpu.memref_slice %arg4[%dma_wait3A_192, %dma_wait3A_206, %add3A, %dma_wait3A_207, %dma_wait3A_208] : memref<200x8x32x8x128xf32, #tpu.memory_space<hbm>> -> memref<1x8x1x8x128xf32, #tpu.memory_space<hbm>>
    %dma_wait3A_210 = tpu.memref_squeeze %dma_wait3A_209 : memref<1x8x1x8x128xf32, #tpu.memory_space<hbm>> -> memref<8x8x128xf32, #tpu.memory_space<hbm>>
    %dma_wait3A_211 = arith.constant 0 : i32
    %dma_wait3A_212 = arith.constant 0 : i32
    %dma_wait3A_213 = arith.constant 0 : i32
    %dma_wait3A_214 = tpu.memref_slice %arg8[%dma_wait3A_191, %dma_wait3A_211, %dma_wait3A_212, %dma_wait3A_213] : memref<4x8x8x128xf32, #tpu.memory_space<vmem>> -> memref<1x8x8x128xf32, #tpu.memory_space<vmem>>
    %dma_wait3A_215 = tpu.memref_squeeze %dma_wait3A_214 : memref<1x8x8x128xf32, #tpu.memory_space<vmem>> -> memref<8x8x128xf32, #tpu.memory_space<vmem>>
    tpu.wait_dma2 semaphore(%dma_wait3A_205 : memref<!tpu.dma_semaphore, #tpu.memory_space<semaphore_mem>>) src(%dma_wait3A_215 : memref<8x8x128xf32, #tpu.memory_space<vmem>>) dst(%dma_wait3A_210 : memref<8x8x128xf32, #tpu.memory_space<hbm>>)
    %dma_wait3A_216 = arith.constant 3 : i32
    %dma_wait3A_217 = arith.constant 199 : i32
    %dma_wait3A_218 = arith.constant 3 : i32
    %dma_wait3A_219 = arith.constant 0 : i32
    %dma_wait3A_220 = arith.constant 0 : i32
    %dma_wait3A_221 = arith.constant 0 : i32
    %dma_wait3A_222 = tpu.memref_slice %arg8[%dma_wait3A_216, %dma_wait3A_219, %dma_wait3A_220, %dma_wait3A_221] : memref<4x8x8x128xf32, #tpu.memory_space<vmem>> -> memref<1x8x8x128xf32, #tpu.memory_space<vmem>>
    %dma_wait3A_223 = tpu.memref_squeeze %dma_wait3A_222 : memref<1x8x8x128xf32, #tpu.memory_space<vmem>> -> memref<8x8x128xf32, #tpu.memory_space<vmem>>
    %dma_wait3A_224 = arith.constant 0 : i32
    %dma_wait3A_225 = arith.constant 0 : i32
    %dma_wait3A_226 = arith.constant 0 : i32
    %dma_wait3A_227 = tpu.memref_slice %arg4[%dma_wait3A_217, %dma_wait3A_224, %add3A, %dma_wait3A_225, %dma_wait3A_226] : memref<200x8x32x8x128xf32, #tpu.memory_space<hbm>> -> memref<1x8x1x8x128xf32, #tpu.memory_space<hbm>>
    %dma_wait3A_228 = tpu.memref_squeeze %dma_wait3A_227 : memref<1x8x1x8x128xf32, #tpu.memory_space<hbm>> -> memref<8x8x128xf32, #tpu.memory_space<hbm>>
    %dma_wait3A_229 = tpu.memref_slice %arg10[%dma_wait3A_218] : memref<4x!tpu.dma_semaphore, #tpu.memory_space<semaphore_mem>> -> memref<1x!tpu.dma_semaphore, #tpu.memory_space<semaphore_mem>>
    %dma_wait3A_230 = tpu.memref_squeeze %dma_wait3A_229 : memref<1x!tpu.dma_semaphore, #tpu.memory_space<semaphore_mem>> -> memref<!tpu.dma_semaphore, #tpu.memory_space<semaphore_mem>>
    %dma_wait3A_231 = arith.constant 0 : i32
    %dma_wait3A_232 = arith.constant 0 : i32
    %dma_wait3A_233 = arith.constant 0 : i32
    %dma_wait3A_234 = tpu.memref_slice %arg4[%dma_wait3A_217, %dma_wait3A_231, %add3A, %dma_wait3A_232, %dma_wait3A_233] : memref<200x8x32x8x128xf32, #tpu.memory_space<hbm>> -> memref<1x8x1x8x128xf32, #tpu.memory_space<hbm>>
    %dma_wait3A_235 = tpu.memref_squeeze %dma_wait3A_234 : memref<1x8x1x8x128xf32, #tpu.memory_space<hbm>> -> memref<8x8x128xf32, #tpu.memory_space<hbm>>
    %dma_wait3A_236 = arith.constant 0 : i32
    %dma_wait3A_237 = arith.constant 0 : i32
    %dma_wait3A_238 = arith.constant 0 : i32
    %dma_wait3A_239 = tpu.memref_slice %arg8[%dma_wait3A_216, %dma_wait3A_236, %dma_wait3A_237, %dma_wait3A_238] : memref<4x8x8x128xf32, #tpu.memory_space<vmem>> -> memref<1x8x8x128xf32, #tpu.memory_space<vmem>>
    %dma_wait3A_240 = tpu.memref_squeeze %dma_wait3A_239 : memref<1x8x8x128xf32, #tpu.memory_space<vmem>> -> memref<8x8x128xf32, #tpu.memory_space<vmem>>
    tpu.wait_dma2 semaphore(%dma_wait3A_230 : memref<!tpu.dma_semaphore, #tpu.memory_space<semaphore_mem>>) src(%dma_wait3A_240 : memref<8x8x128xf32, #tpu.memory_space<vmem>>) dst(%dma_wait3A_235 : memref<8x8x128xf32, #tpu.memory_space<hbm>>)
    return
  }
}

</mosaic_0001>

<sc_bundles>
// kernel: _kernel_impl.3.cloned.1.call-start
scs
__scs_entry_jumppad:
0x0: {  	(pc) =	sbr.rel $0x88, $3  }
0x1: {  	(tag) =	ssettag $0x0;
	lr =	simm.s32 $0x1  }
0x2: {  	[smem:$0x3F9F] =	sst lr;
	_ =	strace $0xD0000000  }
0x3: {  	_ = 	snop  }
0x4: {  	_ = 	snop  }
0x5: {  	_ = 	snop  }
0x6: {  	_ = 	snop  }
0x7: {  	_ = 	snop  }
__scs_overlays_trampoline_lowered:
0x8: {  	[smem:$0x3FAE] =	sst s0  }
0x9: {  	[smem:$0x3FAF] =	sst s1  }
0xa: {  	[smem:$0x3FB0] =	sst s2  }
0xb: {  	[smem:$0x3FB1] =	sst s3  }
0xc: {  	[smem:$0x3FB2] =	sst s4  }
0xd: {  	[smem:$0x3FB3] =	sst s5  }
0xe: {  	[smem:$0x3FB4] =	sst s6  }
0xf: {  	[smem:$0x3FB5] =	sst s7  }
0x10: {  	[smem:$0x3FB6] =	sst s8  }
0x11: {  	[smem:$0x3FB7] =	sst s9;
	s0 =	simm.s32 @!p0 $0x0  }
0x12: {  	s1 =	sld [smem:$0x3F9D];
	s0 =	simm.s32 @p0 $0x1  }
0x13: {  	[smem:$0x3FB8] =	sst s0;
	s0 =	simm.s32 @!p1 $0x0  }
0x14: {  	s2 =	sld [smem:$0x3F9C];
	s0 =	simm.s32 @p1 $0x1  }
0x15: {  	[smem:$0x3FB9] =	sst s0;
	s0 =	simm.s32 @!p2 $0x0  }
0x16: {  	s3 =	sld [smem:$0x3FDB];
	s0 =	simm.s32 @p2 $0x1  }
0x17: {  	s4 =	simm.s32 $0x1BF5;
	[smem:$0x3FBB] =	sst s0  }
0x18: {  	s0 =	sld [smem:$0x3F9E];
	_ =	swait.ge [sflag:s4], $0x0  }
0x19: {  	s7 =	sld [smem:$0x3F9F]  }
0x1a: {  	s8 =	sadd.s32 $0xFFFFE003, lr  }
0x1b: {  	s9 =	sadd.s32 $0xFFFFFEF7, lr;
	s5 =	simm.s32 $0xFFFFFFFF;
	p2 =	slt.u32 s8, $0xFFFFF086  }
0x1c: {  	p1 =	slt.u32 s9, $0xF7A;
	s5 =	simm.s32 @!p2 $0x0  }
0x1d: {  	s5 =	simm.s32 @p1 $0x1;
	p0 =	seq.s32 s7, s2  }
0x1e: {  	s7 =	smul.u32 @!p0 $0xF7A, s2;
	p2 =	seq.s32 @!p0 s5, $0x0  }
0x1f: {  	s9 =	smul.u32 $0xF7A, s1;
	s8 =	simm.s32 @!p0 $0x1BF5;
	p2 =	por !p2, p0  }
0x20: {  	[sflag:s8] =	ssyncset.s32 @!p0 $0xFFFFF086;
	s6 =	sadd.s32 @!p0 s3, s7;
	s7 =	simm.s32 @!p0 $0x108  }
0x21: {  	s3 =	sadd.s32 s3, s9;
	s6 =	sadd.s32 @!p0 $0x88, s6;
	s7 =	simm.s32 @p2 $0x1082  }
0x22: {  	[simem:s7], [sflag:s8] =	dma.local @!p0 [hbm:s6], $0xF7A  }
0x23: {  	s9 =	sor.u32 $0xD0000000, s2;
	s6 =	simm.s32 $0x108;
	_ =	swait.ge @!p0 [sflag:s8], $0x0  }
0x24: {  	s3 =	sadd.s32 $0x88, s3;
	s6 =	simm.s32 @!p1 $0x1082;
	[sflag:s4] =	ssyncset.s32 $0xFFFFF086  }
0x25: {  	[simem:s6], [sflag:s4] =	dma.local [hbm:s3], $0xF7A  }
0x26: {  	[smem:$0x3F9F] =	sst s1;
	(tag) =	ssettag s2;
	_ =	strace s9  }
0x27: {  	s1 =	sld [smem:$0x3FAF]  }
0x28: {  	s2 =	sld [smem:$0x3FB0]  }
0x29: {  	s4 =	sld [smem:$0x3FB2]  }
0x2a: {  	p0 =	seq.s32 s5, $0x0;
	s5 =	sld [smem:$0x3FB3]  }
0x2b: {  	s6 =	sld [smem:$0x3FB4]  }
0x2c: {  	s7 =	sld [smem:$0x3FB5]  }
0x2d: {  	s3 =	simm.s32 $0x108;
	s8 =	sld [smem:$0x3FB6]  }
0x2e: {  	s3 =	simm.s32 @!p0 $0x1082;
	s9 =	sld [smem:$0x3FB7]  }
0x2f: {  	lr =	sadd.s32 s0, s3;
	s0 =	sld [smem:$0x3FAE]  }
0x30: {  	s3 =	sld [smem:$0x3FB1]  }
0x31: {  	[smem:$0x3FBA] =	sst s10  }
0x32: {  	s10 =	sld [smem:$0x3FB8];
	_ =	sdelay $0x3  }
0x33: {  	p0 =	seq.s32 s10, $0x1;
	s10 =	sld [smem:$0x3FBA];
	_ =	sdelay $0x3  }
0x34: {  	[smem:$0x3FBA] =	sst s10  }
0x35: {  	s10 =	sld [smem:$0x3FB9];
	_ =	sdelay $0x3  }
0x36: {  	p1 =	seq.s32 s10, $0x1;
	s10 =	sld [smem:$0x3FBA];
	_ =	sdelay $0x3  }
0x37: {  	[smem:$0x3FBA] =	sst s10  }
0x38: {  	s10 =	sld [smem:$0x3FBB]  }
0x39: {  	_ = 	snop;
	(pc) =	sbr.ind lr, $3  }
0x3a: {  	_ = 	snop  }
0x3b: {  	_ = 	snop  }
0x3c: {  	p2 =	seq.s32 s10, $0x1;
	s10 =	sld [smem:$0x3FBA]  }
0x3d: {  	_ =	shalt  }
0x3e: {  	_ =	shalt  }
0x3f: {  	_ =	shalt  }
0x40: {  	_ =	shalt  }
0x41: {  	_ =	shalt  }
0x42: {  	_ =	shalt  }
0x43: {  	_ =	shalt  }
0x44: {  	_ =	shalt  }
0x45: {  	_ =	shalt  }
0x46: {  	_ =	shalt  }
0x47: {  	_ =	shalt  }
0x48: {  	_ =	shalt  }
0x49: {  	_ =	shalt  }
0x4a: {  	_ =	shalt  }
0x4b: {  	_ =	shalt  }
0x4c: {  	_ =	shalt  }
0x4d: {  	_ =	shalt  }
0x4e: {  	_ =	shalt  }
0x4f: {  	_ =	shalt  }
0x50: {  	_ =	shalt  }
0x51: {  	_ =	shalt  }
0x52: {  	_ =	shalt  }
0x53: {  	_ =	shalt  }
0x54: {  	_ =	shalt  }
0x55: {  	_ =	shalt  }
0x56: {  	_ =	shalt  }
0x57: {  	_ =	shalt  }
0x58: {  	_ =	shalt  }
0x59: {  	_ =	shalt  }
0x5a: {  	_ =	shalt  }
0x5b: {  	_ =	shalt  }
0x5c: {  	_ =	shalt  }
0x5d: {  	_ =	shalt  }
0x5e: {  	_ =	shalt  }
0x5f: {  	_ =	shalt  }
0x60: {  	_ =	shalt  }
0x61: {  	_ =	shalt  }
0x62: {  	_ =	shalt  }
0x63: {  	_ =	shalt  }
0x64: {  	_ =	shalt  }
0x65: {  	_ =	shalt  }
0x66: {  	_ =	shalt  }
0x67: {  	_ =	shalt  }
0x68: {  	_ =	shalt  }
0x69: {  	_ =	shalt  }
0x6a: {  	_ =	shalt  }
0x6b: {  	_ =	shalt  }
0x6c: {  	_ =	shalt  }
0x6d: {  	_ =	shalt  }
0x6e: {  	_ =	shalt  }
0x6f: {  	_ =	shalt  }
0x70: {  	_ =	shalt  }
0x71: {  	_ =	shalt  }
0x72: {  	_ =	shalt  }
0x73: {  	_ =	shalt  }
0x74: {  	_ =	shalt  }
0x75: {  	_ =	shalt  }
0x76: {  	_ =	shalt  }
0x77: {  	_ =	shalt  }
0x78: {  	_ =	shalt  }
0x79: {  	_ =	shalt  }
0x7a: {  	_ =	shalt  }
0x7b: {  	_ =	shalt  }
0x7c: {  	_ =	shalt  }
0x7d: {  	_ =	shalt  }
0x7e: {  	_ =	shalt  }
0x7f: {  	_ =	shalt  }
0x80: {  	_ =	shalt  }
0x81: {  	_ =	shalt  }
0x82: {  	_ =	shalt  }
0x83: {  	_ =	shalt  }
0x84: {  	_ =	shalt  }
0x85: {  	_ =	shalt  }
0x86: {  	_ =	shalt  }
0x87: {  	_ =	shalt  }
.Lfunc_end0:
.L_simem_size_0:
called_computation_lowered:
.L_overlay_start_0:
0x88: {  	s2 =	sld [smem:$0x3FD9]  }
0x89: {  	s3 =	sld [smem:$0x3FFE];
	_ =	sdelay $0x1  }
0x8a: {  	s1 =	srdreg.scid  }
0x8b: {  	s0 =	sand.u32 $0x1, s1  }
0x8c: {  	s17 =	sshll.u32 s0, $0xA;
	s2 =	sadd.s32 s3, s2  }
0x8d: {  	s2 =	sadd.s32 s2, s17  }
0x8e: {  	[smem:$0x3FC6] =	sst s2  }
0x8f: {  	_ = 	snop  }
0x90: {  	s2 =	sld [smem:$0x3FD0];
	(tm) =	ssettm $0x1  }
0x91: {  	s18 =	sld [smem:$0x3FFB];
	_ =	sdelay $0x3  }
0x92: {  	_ =	strace s18  }
0x93: {  	s3 =	sld [smem:$0x3FFC];
	_ =	sdelay $0x3  }
0x94: {  	_ =	strace s3  }
0x95: {  	s3 =	sld [smem:$0x3FFD];
	_ =	sdelay $0x3  }
0x96: {  	_ =	strace s3  }
0x97: {  	_ =	strace $0x8FFFFFFF  }
0x98: {  	s19 =	sld [smem:$0x3FDB];
	_ =	sdelay $0x1  }
0x99: {  	s4 =	simm.s32 $_scs_section_size  }
0x9a: {  	s5 =	simm.s32 $_size__tile_overlayer_lowered;
	s6 =	simm.s32 $_tile_overlayer_lowered  }
0x9b: {  	s22 =	simm.s32 $0x1BFF;
	s21 =	sshll.u32 s6, $0x1;
	s3 =	sadd.s32 s4, s19  }
0x9c: {  	s7 =	simm.s32 $0x0;
	s20 =	sshll.u32 s5, $0x1;
	s5 =	sadd.s32 s21, s3  }
0x9d: {  	[timem:s7], [sflag:s22] =	dma.local [hbm:s5], s20  }
0x9e: {  	_ =	swait.ge [sflag:s22], s20  }
0x9f: {  	s4 =	ssub.s32 $0x0, s20;
	[sflag:s22] =	ssyncset.done $0x0  }
0xa0: {  	[sflag:s22] =	ssyncadd.s32 s4;
	_ =	sdelay $0x1  }
0xa1: {  	s23 =	simm.s32 $0x1B8B  }
0xa2: {  	_ =	swait.ge [sflag:s23], $0x1  }
0xa3: {  	[sflag:s23] =	ssyncset.done $0x0  }
0xa4: {  	s25 =	simm.s32 $0x1B8E;
	s24 =	sld [smem:$0x3FFE];
	[sflag:s23] =	ssyncadd.s32 $0xFFFFFFFF  }
0xa5: {  	s26 =	simm.s32 $execute0_lowered;
	[smem:$0x3FD2] =	sst s25  }
0xa6: {  	s5 =	sshll.u32 s26, $0x1;
	_ =	strace $0x80000046;
	[dreg:$0x1] =	wrdreg $0xFFFFFFFF  }
0xa7: {  	s28 =	simm.s32 $_size_execute0_lowered;
	s3 =	sadd.s32 s3, s5;
	[dreg:$0x0] =	wrdreg $0x0  }
0xa8: {  	s5 =	sshll.u32 s28, $0x1;
	[dreg:$0x2] =	wrdreg s3  }
0xa9: {  	[dreg:$0x3] =	wrdreg s5  }
0xaa: {  	[dreg:$0x4] =	wrdreg $0xC0  }
0xab: {  	_ =	task [dreg:s7], $0x5FFFF  }
0xac: {  	[dreg:$0x1] =	wrdreg $0xFFFFFFFF  }
0xad: {  	[dreg:$0x0] =	wrdreg $0x60  }
0xae: {  	[dreg:$0x2] =	wrdreg s24  }
0xaf: {  	[dreg:$0x3] =	wrdreg s2  }
0xb0: {  	[dreg:$0x4] =	wrdreg $0x9  }
0xb1: {  	_ =	task.clear_ibuf [dreg:s7], $0x5FFFF;
	_ =	strace $0x90000046  }
0xb2: {  	s29 =	simm.s32 $0x9;
	_ =	strace $0x80000048  }
0xb3: {  	_ =	swait.ge [sflag:s29], $0x1  }
0xb4: {  	[sflag:s29] =	ssyncadd.s32 $0xFFFFFFFF  }
0xb5: {  	_ =	strace $0x90000048  }
0xb6: {  	_ =	sfence  }
0xb7: {  	s30 =	sld [smem:$0x0];
	_ =	sdelay $0x2  }
0xb8: {  	s31 =	sshll.u32 s1, $0xD;
	s1 =	sshrl.u32 s1, $0x2  }
0xb9: {  	s3 =	sand.u32 $0x4000, s31;
	s1 =	sadd.s32 s1, s30  }
0xba: {  	s0 =	sor.u32 s3, s0;
	s1 =	sshll.u32 s1, $0x11  }
0xbb: {  	s0 =	sor.u32 s1, s0  }
0xbc: {  	s0 =	sadd.s32 $0x8F2B, s0  }
0xbd: {  	[sflag:s0] =	ssyncadd.remote.s32 $0x1  }
0xbe: {  	_ =	sfence.sel $0xFFFF  }
0xbf: {  	[dreg:$0x0] =	wrdreg $0xFFFFFFFF;
	(pc) =	sbr.abs _section_cstart, $3  }
0xc0: {  	[dreg:$0x1] =	wrdreg $0xFFFFFFFF  }
0xc1: {  	_ =	task.clear_ibuf [dreg:s7], $0x2FFFF;
	_ =	strace $0x9FFFFFFF  }
0xc2: {  	(tm) =	ssettm $0x7FFFFFFF  }
0xc3: {  	_ =	shalt  }
tec
execute0_lowered:
.L_overlay_start_1:
0x0: {  	(tag) =	ssettag $0x1  }
0x1: {  	s3 =	rddreg [dreg:$0x0];
	v0 =	vlaneseq.u32;
	s1 =	srdreg.scid  }
0x2: {  	s0 =	stileid.u32;
	s5 =	rddreg [dreg:$0x1];
	v1 =	vmul.u32 $0xC8, v0  }
0x3: {  	s2 =	simm.s32 $0x0;
	s9 =	simm.s32 $0x6400;
	s10 =	simm.s32 $0x6600;
	v13 =	vmul.u32 $0x40, v0;
	v19 =	vor.u32 $0x10, v0;
	v21 =	vor.u32 $0x20, v0  }
0x4: {  	s11 =	simm.s32 $0x6480;
	s12 =	simm.s32 $0x8600;
	s13 =	simm.s32 $0x400;
	v23 =	vor.u32 $0x30, v0;
	v25 =	vor.u32 $0x40, v0;
	v27 =	vor.u32 $0x50, v0  }
0x5: {  	s14 =	simm.s32 $0x8000;
	s15 =	simm.s32 $0x5;
	s16 =	simm.s32 $0x6;
	v29 =	vor.u32 $0x60, v0;
	v31 =	vor.u32 $0x70, v0;
	v2 =	vadd.s32 $0xC80, v1  }
0x6: {  	s17 =	simm.s32 $0x7;
	s18 =	simm.s32 $0x8;
	s19 =	simm.s32 $0x0;
	v3 =	vadd.s32 $0x1900, v1;
	v4 =	vadd.s32 $0x2580, v1;
	v5 =	vadd.s32 $0x3200, v1  }
0x7: {  	s4 =	sand.u32 $0x1, s1;
	s6 =	sshll.u32 s0, $0x1;
	s1 =	rddreg [dreg:$0x2];
	v6 =	vadd.s32 $0x3E80, v1;
	v7 =	vadd.s32 $0x4B00, v1;
	v8 =	vadd.s32 $0x5780, v1  }
0x8: {  	[smem:$0x7FF] =	sst s2;
	s6 =	sor.u32 s4, s6;
	s4 =	ssub.s32 $0x2, s4;
	v9 =	vor.u32 $0x1, v1;
	v10 =	vadd.s32 $0xC81, v1;
	v11 =	vadd.s32 $0x1901, v1  }
0x9: {  	s7 =	smul.u32 $0xC80, s6;
	s8 =	sshrl.u32 s4, $0x1;
	v12 =	vadd.s32 $0x2581, v1;
	s6 =	sshll.u32 s6, $0x7;
	v14 =	vadd.s32 $0x3201, v1;
	v15 =	vadd.s32 $0x3E81, v1  }
0xa: {  	_ =	strace $0x80000047;
	v16 =	vadd.s32 $0x4B01, v1;
	v17 =	vadd.s32 $0x5781, v1;
	v18 =	vor.u32 $0x400, v13;
	s8 =	ssub.s32 s4, s8;
	s5 =	sadd.s32 s5, s6  }
0xb: {  	v20 =	vor.u32 $0x800, v13;
	v22 =	vor.u32 $0xC00, v13;
	v24 =	vor.u32 $0x1000, v13;
	s7 =	sadd.s32 s7, s3;
	s3 =	sadd.s32 $0xF42A00, s3;
	s6 =	smax.u32 s8, $0x1  }
0xc: {  	v26 =	vor.u32 $0x1400, v13;
	v28 =	vor.u32 $0x1800, v13;
	v30 =	vor.u32 $0x1C00, v13;
	s8 =	simm.s32 $0x80;
	s4 =	sadd.s32 $0x600, s7;
	s7 =	simm.s32 $0x9  }
.LBB2_1:
0xd: {  	[tilespmem:s2], [sflag:$0x9] =	stream.linear.gather [hbm4b:s4+s2], $0x6400, $0x38;
	[tilespmem:$0x16600] =	vst v63  }
0xe: {  	_ =	swait.ge [sflag:s7], $0x6400  }
0xf: {  	[sflag:s7] =	ssyncset.done $0x0  }
0x10: {  	[sflag:s7] =	ssyncadd.s32 $0xFFFF9C00  }
0x11: {  	v32 =	vld.idx.msk [tilespmem:v1+s2+$0x0], $0xffff;
	_ =	sdelay $0x4  }
0x12: {  	[tilespmem:$0x6400] =	vst v32  }
0x13: {  	v32 =	vld.idx.msk [tilespmem:v2+s2+$0x0], $0xffff;
	_ =	sdelay $0x4  }
0x14: {  	[tilespmem:$0x6410] =	vst v32  }
0x15: {  	v32 =	vld.idx.msk [tilespmem:v3+s2+$0x0], $0xffff;
	_ =	sdelay $0x4  }
0x16: {  	[tilespmem:$0x6420] =	vst v32  }
0x17: {  	v32 =	vld.idx.msk [tilespmem:v4+s2+$0x0], $0xffff;
	_ =	sdelay $0x4  }
0x18: {  	[tilespmem:$0x6430] =	vst v32  }
0x19: {  	v32 =	vld.idx.msk [tilespmem:v5+s2+$0x0], $0xffff;
	_ =	sdelay $0x4  }
0x1a: {  	[tilespmem:$0x6440] =	vst v32  }
0x1b: {  	v32 =	vld.idx.msk [tilespmem:v6+s2+$0x0], $0xffff;
	_ =	sdelay $0x4  }
0x1c: {  	[tilespmem:$0x6450] =	vst v32  }
0x1d: {  	v32 =	vld.idx.msk [tilespmem:v7+s2+$0x0], $0xffff;
	_ =	sdelay $0x4  }
0x1e: {  	[tilespmem:$0x6460] =	vst v32  }
0x1f: {  	v32 =	vld.idx.msk [tilespmem:v8+s2+$0x0], $0xffff;
	_ =	sdelay $0x4  }
0x20: {  	[tilespmem:$0x6470] =	vst v32  }
0x21: {  	[tilespmem:s10], [sflag:$0x1] =	stream.indirect.gather [hbm4b:s3+s8], $0x40, s9, s8, $0xb8;
	[tilespmem:$0x16600] =	vst v63  }
0x22: {  	v32 =	vld.idx.msk [tilespmem:v9+s2+$0x0], $0xffff;
	_ =	sdelay $0x4  }
0x23: {  	[tilespmem:$0x6480] =	vst v32  }
0x24: {  	v32 =	vld.idx.msk [tilespmem:v10+s2+$0x0], $0xffff;
	_ =	sdelay $0x4  }
0x25: {  	[tilespmem:$0x6490] =	vst v32  }
0x26: {  	v32 =	vld.idx.msk [tilespmem:v11+s2+$0x0], $0xffff;
	_ =	sdelay $0x4  }
0x27: {  	[tilespmem:$0x64A0] =	vst v32  }
0x28: {  	v32 =	vld.idx.msk [tilespmem:v12+s2+$0x0], $0xffff;
	_ =	sdelay $0x4  }
0x29: {  	[tilespmem:$0x64B0] =	vst v32  }
0x2a: {  	v32 =	vld.idx.msk [tilespmem:v14+s2+$0x0], $0xffff;
	_ =	sdelay $0x4  }
0x2b: {  	[tilespmem:$0x64C0] =	vst v32  }
0x2c: {  	v32 =	vld.idx.msk [tilespmem:v15+s2+$0x0], $0xffff;
	_ =	sdelay $0x4  }
0x2d: {  	[tilespmem:$0x64D0] =	vst v32  }
0x2e: {  	v32 =	vld.idx.msk [tilespmem:v16+s2+$0x0], $0xffff;
	_ =	sdelay $0x4  }
0x2f: {  	[tilespmem:$0x64E0] =	vst v32  }
0x30: {  	v32 =	vld.idx.msk [tilespmem:v17+s2+$0x0], $0xffff;
	_ =	sdelay $0x4  }
0x31: {  	s20 =	simm.s32 $0x0;
	[tilespmem:$0x64F0] =	vst v32  }
0x32: {  	[tilespmem:s12], [sflag:$0x2] =	stream.indirect.gather [hbm4b:s3+s8], $0x40, s11, s8, $0xb8;
	[tilespmem:$0x16600] =	vst v63  }
.LBB2_2:
0x33: {  	s21 =	sand.u32 $0x3, s20  }
0x34: {  	s22 =	sadd.s32 $0x1, s21  }
0x35: {  	_ =	swait.ge [sflag:s22], $0x2000  }
0x36: {  	p0 =	slt.u32 s20, $0x4;
	[sflag:s22] =	ssyncset.done $0x0  }
0x37: {  	[sflag:s22] =	ssyncadd.s32 $0xFFFFE000;
	s22 =	sadd.s32 @!p0 $0x5, s21  }
0x38: {  	_ =	swait.ge @!p0 [sflag:s22], $0x2000  }
0x39: {  	s24 =	simm.s32 $0x0;
	s31 =	sshll.u32 s21, $0xD;
	[sflag:s22] =	ssyncset.done @!p0 $0x0  }
0x3a: {  	s23 =	sadd.s32 $0x6600, s31;
	[sflag:s22] =	ssyncadd.s32 @!p0 $0xFFFFE000;
	s22 =	sadd.s32 $0xE600, s31  }
.LBB2_3:
0x3b: {  	v32 =	vadd.s32 s24, v0  }
0x3c: {  	v33 =	vand.u32 $0xF, v32  }
0x3d: {  	v34 =	vor.u32 v13, v33;
	_ =	sdelay $0x4  }
0x3e: {  	v35 =	vshll.u32 v32, $0x7;
	v34 =	vld.idx.msk [tilespmem:v34+s23+$0x0], $0xffff  }
0x3f: {  	v36 =	vand.u32 $0x780, v35  }
0x40: {  	v37 =	vor.u32 v0, v36  }
0x41: {  	v38 =	vor.u32 v18, v33;
	_ =	sdelay $0x1  }
0x42: {  	v34 =	vmul.f32 $8.000000000e+00, v34;
	_ =	sdelay $0x1  }
0x43: {  	[tilespmem:v37+s22+$0x0] =	vst.idx.msk $0xffff, v34  }
0x44: {  	v34 =	vld.idx.msk [tilespmem:v38+s23+$0x0], $0xffff;
	_ =	sdelay $0x1  }
0x45: {  	v44 =	vor.u32 v19, v36  }
0x46: {  	v45 =	vor.u32 v20, v33;
	_ =	sdelay $0x1  }
0x47: {  	v34 =	vmul.f32 $8.000000000e+00, v34;
	_ =	sdelay $0x1  }
0x48: {  	[tilespmem:v44+s22+$0x0] =	vst.idx.msk $0xffff, v34  }
0x49: {  	v34 =	vld.idx.msk [tilespmem:v45+s23+$0x0], $0xffff;
	_ =	sdelay $0x1  }
0x4a: {  	v46 =	vor.u32 v21, v36  }
0x4b: {  	v47 =	vor.u32 v22, v33;
	_ =	sdelay $0x1  }
0x4c: {  	v34 =	vmul.f32 $8.000000000e+00, v34;
	_ =	sdelay $0x1  }
0x4d: {  	[tilespmem:v46+s22+$0x0] =	vst.idx.msk $0xffff, v34  }
0x4e: {  	v34 =	vld.idx.msk [tilespmem:v47+s23+$0x0], $0xffff;
	_ =	sdelay $0x1  }
0x4f: {  	v48 =	vor.u32 v23, v36  }
0x50: {  	v49 =	vor.u32 v24, v33;
	_ =	sdelay $0x1  }
0x51: {  	v34 =	vmul.f32 $8.000000000e+00, v34;
	_ =	sdelay $0x1  }
0x52: {  	[tilespmem:v48+s22+$0x0] =	vst.idx.msk $0xffff, v34  }
0x53: {  	v34 =	vld.idx.msk [tilespmem:v49+s23+$0x0], $0xffff;
	_ =	sdelay $0x1  }
0x54: {  	v50 =	vor.u32 v25, v36  }
0x55: {  	v51 =	vor.u32 v26, v33;
	_ =	sdelay $0x1  }
0x56: {  	v34 =	vmul.f32 $8.000000000e+00, v34;
	_ =	sdelay $0x1  }
0x57: {  	[tilespmem:v50+s22+$0x0] =	vst.idx.msk $0xffff, v34  }
0x58: {  	v34 =	vld.idx.msk [tilespmem:v51+s23+$0x0], $0xffff;
	_ =	sdelay $0x1  }
0x59: {  	v52 =	vor.u32 v27, v36  }
0x5a: {  	v53 =	vor.u32 v28, v33;
	_ =	sdelay $0x1  }
0x5b: {  	v34 =	vmul.f32 $8.000000000e+00, v34;
	_ =	sdelay $0x1  }
0x5c: {  	[tilespmem:v52+s22+$0x0] =	vst.idx.msk $0xffff, v34  }
0x5d: {  	v34 =	vld.idx.msk [tilespmem:v53+s23+$0x0], $0xffff;
	_ =	sdelay $0x1  }
0x5e: {  	v54 =	vor.u32 v29, v36  }
0x5f: {  	v55 =	vor.u32 v30, v33;
	_ =	sdelay $0x1  }
0x60: {  	v34 =	vmul.f32 $8.000000000e+00, v34;
	_ =	sdelay $0x1  }
0x61: {  	[tilespmem:v54+s22+$0x0] =	vst.idx.msk $0xffff, v34  }
0x62: {  	v34 =	vld.idx.msk [tilespmem:v55+s23+$0x0], $0xffff  }
0x63: {  	v56 =	vor.u32 $0x10, v32  }
0x64: {  	v57 =	vand.u32 $0x1F, v56;
	v36 =	vor.u32 v31, v36  }
0x65: {  	v39 =	vor.u32 v13, v57;
	_ =	sdelay $0x1  }
0x66: {  	v34 =	vmul.f32 $8.000000000e+00, v34;
	_ =	sdelay $0x1  }
0x67: {  	v58 =	vshll.u32 v56, $0x7;
	[tilespmem:v36+s22+$0x0] =	vst.idx.msk $0xffff, v34  }
0x68: {  	v35 =	vand.u32 $0x380, v35;
	v34 =	vand.u32 $0xC00, v58;
	v36 =	vld.idx.msk [tilespmem:v39+s23+$0x0], $0xffff  }
0x69: {  	v34 =	vor.u32 v35, v34  }
0x6a: {  	v59 =	vor.u32 v0, v34  }
0x6b: {  	v60 =	vor.u32 v18, v57;
	_ =	sdelay $0x1  }
0x6c: {  	v36 =	vmul.f32 $8.000000000e+00, v36;
	_ =	sdelay $0x1  }
0x6d: {  	[tilespmem:v59+s22+$0x0] =	vst.idx.msk $0xffff, v36  }
0x6e: {  	v36 =	vld.idx.msk [tilespmem:v60+s23+$0x0], $0xffff;
	_ =	sdelay $0x1  }
0x6f: {  	v61 =	vor.u32 v19, v34  }
0x70: {  	v62 =	vor.u32 v20, v57;
	_ =	sdelay $0x1  }
0x71: {  	v36 =	vmul.f32 $8.000000000e+00, v36;
	_ =	sdelay $0x1  }
0x72: {  	[tilespmem:v61+s22+$0x0] =	vst.idx.msk $0xffff, v36  }
0x73: {  	v36 =	vld.idx.msk [tilespmem:v62+s23+$0x0], $0xffff;
	_ =	sdelay $0x1  }
0x74: {  	v63 =	vor.u32 v21, v34  }
0x75: {  	v42 =	vor.u32 v22, v57;
	_ =	sdelay $0x1  }
0x76: {  	v36 =	vmul.f32 $8.000000000e+00, v36;
	_ =	sdelay $0x1  }
0x77: {  	[tilespmem:v63+s22+$0x0] =	vst.idx.msk $0xffff, v36  }
0x78: {  	v36 =	vld.idx.msk [tilespmem:v42+s23+$0x0], $0xffff;
	_ =	sdelay $0x1  }
0x79: {  	v43 =	vor.u32 v23, v34  }
0x7a: {  	v44 =	vor.u32 v24, v57;
	_ =	sdelay $0x1  }
0x7b: {  	v36 =	vmul.f32 $8.000000000e+00, v36;
	_ =	sdelay $0x1  }
0x7c: {  	[tilespmem:v43+s22+$0x0] =	vst.idx.msk $0xffff, v36  }
0x7d: {  	v36 =	vld.idx.msk [tilespmem:v44+s23+$0x0], $0xffff;
	_ =	sdelay $0x1  }
0x7e: {  	v45 =	vor.u32 v25, v34  }
0x7f: {  	v46 =	vor.u32 v26, v57;
	_ =	sdelay $0x1  }
0x80: {  	v36 =	vmul.f32 $8.000000000e+00, v36;
	_ =	sdelay $0x1  }
0x81: {  	[tilespmem:v45+s22+$0x0] =	vst.idx.msk $0xffff, v36  }
0x82: {  	v36 =	vld.idx.msk [tilespmem:v46+s23+$0x0], $0xffff;
	_ =	sdelay $0x1  }
0x83: {  	v47 =	vor.u32 v27, v34  }
0x84: {  	v48 =	vor.u32 v28, v57;
	_ =	sdelay $0x1  }
0x85: {  	v36 =	vmul.f32 $8.000000000e+00, v36;
	_ =	sdelay $0x1  }
0x86: {  	[tilespmem:v47+s22+$0x0] =	vst.idx.msk $0xffff, v36  }
0x87: {  	v36 =	vld.idx.msk [tilespmem:v48+s23+$0x0], $0xffff;
	_ =	sdelay $0x1  }
0x88: {  	v49 =	vor.u32 v29, v34  }
0x89: {  	v38 =	vor.u32 v30, v57;
	_ =	sdelay $0x1  }
0x8a: {  	v36 =	vmul.f32 $8.000000000e+00, v36;
	_ =	sdelay $0x1  }
0x8b: {  	[tilespmem:v49+s22+$0x0] =	vst.idx.msk $0xffff, v36  }
0x8c: {  	v33 =	vor.u32 $0x20, v33;
	v36 =	vld.idx.msk [tilespmem:v38+s23+$0x0], $0xffff  }
0x8d: {  	v50 =	vand.u32 $0x7, v32;
	v51 =	vand.u32 $0x28, v33  }
0x8e: {  	v37 =	vor.u32 v50, v51;
	v34 =	vor.u32 v31, v34  }
0x8f: {  	v38 =	vor.u32 v13, v37;
	_ =	sdelay $0x1  }
0x90: {  	v36 =	vmul.f32 $8.000000000e+00, v36;
	_ =	sdelay $0x1  }
0x91: {  	v33 =	vshll.u32 v33, $0x7;
	[tilespmem:v34+s22+$0x0] =	vst.idx.msk $0xffff, v36  }
0x92: {  	v33 =	vand.u32 $0x1400, v33;
	v34 =	vld.idx.msk [tilespmem:v38+s23+$0x0], $0xffff  }
0x93: {  	v33 =	vor.u32 v35, v33  }
0x94: {  	v52 =	vor.u32 v0, v33  }
0x95: {  	v53 =	vor.u32 v18, v37;
	_ =	sdelay $0x1  }
0x96: {  	v34 =	vmul.f32 $8.000000000e+00, v34;
	_ =	sdelay $0x1  }
0x97: {  	[tilespmem:v52+s22+$0x0] =	vst.idx.msk $0xffff, v34  }
0x98: {  	v34 =	vld.idx.msk [tilespmem:v53+s23+$0x0], $0xffff;
	_ =	sdelay $0x1  }
0x99: {  	v54 =	vor.u32 v19, v33  }
0x9a: {  	v55 =	vor.u32 v20, v37;
	_ =	sdelay $0x1  }
0x9b: {  	v34 =	vmul.f32 $8.000000000e+00, v34;
	_ =	sdelay $0x1  }
0x9c: {  	[tilespmem:v54+s22+$0x0] =	vst.idx.msk $0xffff, v34  }
0x9d: {  	v34 =	vld.idx.msk [tilespmem:v55+s23+$0x0], $0xffff;
	_ =	sdelay $0x1  }
0x9e: {  	v56 =	vor.u32 v21, v33  }
0x9f: {  	v57 =	vor.u32 v22, v37;
	_ =	sdelay $0x1  }
0xa0: {  	v34 =	vmul.f32 $8.000000000e+00, v34;
	_ =	sdelay $0x1  }
0xa1: {  	[tilespmem:v56+s22+$0x0] =	vst.idx.msk $0xffff, v34  }
0xa2: {  	v34 =	vld.idx.msk [tilespmem:v57+s23+$0x0], $0xffff;
	_ =	sdelay $0x1  }
0xa3: {  	v58 =	vor.u32 v23, v33  }
0xa4: {  	v59 =	vor.u32 v24, v37;
	_ =	sdelay $0x1  }
0xa5: {  	v34 =	vmul.f32 $8.000000000e+00, v34;
	_ =	sdelay $0x1  }
0xa6: {  	[tilespmem:v58+s22+$0x0] =	vst.idx.msk $0xffff, v34  }
0xa7: {  	v34 =	vld.idx.msk [tilespmem:v59+s23+$0x0], $0xffff;
	_ =	sdelay $0x1  }
0xa8: {  	v60 =	vor.u32 v25, v33  }
0xa9: {  	v61 =	vor.u32 v26, v37;
	_ =	sdelay $0x1  }
0xaa: {  	v34 =	vmul.f32 $8.000000000e+00, v34;
	_ =	sdelay $0x1  }
0xab: {  	[tilespmem:v60+s22+$0x0] =	vst.idx.msk $0xffff, v34  }
0xac: {  	v34 =	vld.idx.msk [tilespmem:v61+s23+$0x0], $0xffff;
	_ =	sdelay $0x1  }
0xad: {  	v62 =	vor.u32 v27, v33  }
0xae: {  	v63 =	vor.u32 v28, v37;
	_ =	sdelay $0x1  }
0xaf: {  	v34 =	vmul.f32 $8.000000000e+00, v34;
	_ =	sdelay $0x1  }
0xb0: {  	[tilespmem:v62+s22+$0x0] =	vst.idx.msk $0xffff, v34  }
0xb1: {  	v34 =	vld.idx.msk [tilespmem:v63+s23+$0x0], $0xffff;
	_ =	sdelay $0x1  }
0xb2: {  	v40 =	vor.u32 v29, v33  }
0xb3: {  	v37 =	vor.u32 v30, v37;
	_ =	sdelay $0x1  }
0xb4: {  	v34 =	vmul.f32 $8.000000000e+00, v34;
	_ =	sdelay $0x1  }
0xb5: {  	[tilespmem:v40+s22+$0x0] =	vst.idx.msk $0xffff, v34  }
0xb6: {  	v34 =	vld.idx.msk [tilespmem:v37+s23+$0x0], $0xffff  }
0xb7: {  	v32 =	vor.u32 $0x30, v32  }
0xb8: {  	v41 =	vand.u32 $0x3F, v32;
	v33 =	vor.u32 v31, v33  }
0xb9: {  	v42 =	vor.u32 v13, v41;
	_ =	sdelay $0x1  }
0xba: {  	v34 =	vmul.f32 $8.000000000e+00, v34;
	_ =	sdelay $0x1  }
0xbb: {  	v32 =	vshll.u32 v32, $0x7;
	[tilespmem:v33+s22+$0x0] =	vst.idx.msk $0xffff, v34  }
0xbc: {  	v32 =	vand.u32 $0x1C00, v32;
	v33 =	vld.idx.msk [tilespmem:v42+s23+$0x0], $0xffff  }
0xbd: {  	v43 =	vor.u32 v35, v32  }
0xbe: {  	v32 =	vor.u32 v0, v43  }
0xbf: {  	v44 =	vor.u32 v18, v41;
	_ =	sdelay $0x1  }
0xc0: {  	v33 =	vmul.f32 $8.000000000e+00, v33;
	_ =	sdelay $0x1  }
0xc1: {  	[tilespmem:v32+s22+$0x0] =	vst.idx.msk $0xffff, v33  }
0xc2: {  	v32 =	vld.idx.msk [tilespmem:v44+s23+$0x0], $0xffff;
	_ =	sdelay $0x1  }
0xc3: {  	v45 =	vor.u32 v19, v43  }
0xc4: {  	v46 =	vor.u32 v20, v41;
	_ =	sdelay $0x1  }
0xc5: {  	v32 =	vmul.f32 $8.000000000e+00, v32;
	_ =	sdelay $0x1  }
0xc6: {  	[tilespmem:v45+s22+$0x0] =	vst.idx.msk $0xffff, v32  }
0xc7: {  	v32 =	vld.idx.msk [tilespmem:v46+s23+$0x0], $0xffff;
	_ =	sdelay $0x1  }
0xc8: {  	v47 =	vor.u32 v21, v43  }
0xc9: {  	v48 =	vor.u32 v22, v41;
	_ =	sdelay $0x1  }
0xca: {  	v32 =	vmul.f32 $8.000000000e+00, v32;
	_ =	sdelay $0x1  }
0xcb: {  	[tilespmem:v47+s22+$0x0] =	vst.idx.msk $0xffff, v32  }
0xcc: {  	v32 =	vld.idx.msk [tilespmem:v48+s23+$0x0], $0xffff;
	_ =	sdelay $0x1  }
0xcd: {  	v49 =	vor.u32 v23, v43  }
0xce: {  	v50 =	vor.u32 v24, v41;
	_ =	sdelay $0x1  }
0xcf: {  	v32 =	vmul.f32 $8.000000000e+00, v32;
	_ =	sdelay $0x1  }
0xd0: {  	[tilespmem:v49+s22+$0x0] =	vst.idx.msk $0xffff, v32  }
0xd1: {  	v32 =	vld.idx.msk [tilespmem:v50+s23+$0x0], $0xffff;
	_ =	sdelay $0x1  }
0xd2: {  	v51 =	vor.u32 v25, v43  }
0xd3: {  	v52 =	vor.u32 v26, v41;
	_ =	sdelay $0x1  }
0xd4: {  	v32 =	vmul.f32 $8.000000000e+00, v32;
	_ =	sdelay $0x1  }
0xd5: {  	[tilespmem:v51+s22+$0x0] =	vst.idx.msk $0xffff, v32  }
0xd6: {  	v32 =	vld.idx.msk [tilespmem:v52+s23+$0x0], $0xffff;
	_ =	sdelay $0x1  }
0xd7: {  	v53 =	vor.u32 v27, v43  }
0xd8: {  	v54 =	vor.u32 v28, v41;
	_ =	sdelay $0x1  }
0xd9: {  	v32 =	vmul.f32 $8.000000000e+00, v32;
	_ =	sdelay $0x1  }
0xda: {  	[tilespmem:v53+s22+$0x0] =	vst.idx.msk $0xffff, v32  }
0xdb: {  	v32 =	vld.idx.msk [tilespmem:v54+s23+$0x0], $0xffff;
	_ =	sdelay $0x1  }
0xdc: {  	v55 =	vor.u32 v29, v43  }
0xdd: {  	v56 =	vor.u32 v30, v41;
	_ =	sdelay $0x1  }
0xde: {  	v32 =	vmul.f32 $8.000000000e+00, v32;
	_ =	sdelay $0x1  }
0xdf: {  	[tilespmem:v55+s22+$0x0] =	vst.idx.msk $0xffff, v32  }
0xe0: {  	s25 =	sadd.s32 $0x1, s24;
	v33 =	vld.idx.msk [tilespmem:v56+s23+$0x0], $0xffff  }
0xe1: {  	v32 =	vadd.s32 s25, v0  }
0xe2: {  	v34 =	vor.u32 v31, v43;
	v35 =	vand.u32 $0xF, v32  }
0xe3: {  	v57 =	vor.u32 v13, v35;
	_ =	sdelay $0x1  }
0xe4: {  	v33 =	vmul.f32 $8.000000000e+00, v33;
	_ =	sdelay $0x1  }
0xe5: {  	[tilespmem:v34+s22+$0x0] =	vst.idx.msk $0xffff, v33  }
0xe6: {  	v58 =	vshll.u32 v32, $0x7;
	v33 =	vld.idx.msk [tilespmem:v57+s23+$0x0], $0xffff  }
0xe7: {  	v59 =	vand.u32 $0x780, v58  }
0xe8: {  	v60 =	vor.u32 v0, v59  }
0xe9: {  	v61 =	vor.u32 v18, v35;
	_ =	sdelay $0x1  }
0xea: {  	v33 =	vmul.f32 $8.000000000e+00, v33;
	_ =	sdelay $0x1  }
0xeb: {  	[tilespmem:v60+s22+$0x0] =	vst.idx.msk $0xffff, v33  }
0xec: {  	v33 =	vld.idx.msk [tilespmem:v61+s23+$0x0], $0xffff;
	_ =	sdelay $0x1  }
0xed: {  	v62 =	vor.u32 v19, v59  }
0xee: {  	v63 =	vor.u32 v20, v35;
	_ =	sdelay $0x1  }
0xef: {  	v33 =	vmul.f32 $8.000000000e+00, v33;
	_ =	sdelay $0x1  }
0xf0: {  	[tilespmem:v62+s22+$0x0] =	vst.idx.msk $0xffff, v33  }
0xf1: {  	v33 =	vld.idx.msk [tilespmem:v63+s23+$0x0], $0xffff;
	_ =	sdelay $0x1  }
0xf2: {  	v40 =	vor.u32 v21, v59  }
0xf3: {  	v41 =	vor.u32 v22, v35;
	_ =	sdelay $0x1  }
0xf4: {  	v33 =	vmul.f32 $8.000000000e+00, v33;
	_ =	sdelay $0x1  }
0xf5: {  	[tilespmem:v40+s22+$0x0] =	vst.idx.msk $0xffff, v33  }
0xf6: {  	v33 =	vld.idx.msk [tilespmem:v41+s23+$0x0], $0xffff;
	_ =	sdelay $0x1  }
0xf7: {  	v42 =	vor.u32 v23, v59  }
0xf8: {  	v43 =	vor.u32 v24, v35;
	_ =	sdelay $0x1  }
0xf9: {  	v33 =	vmul.f32 $8.000000000e+00, v33;
	_ =	sdelay $0x1  }
0xfa: {  	[tilespmem:v42+s22+$0x0] =	vst.idx.msk $0xffff, v33  }
0xfb: {  	v33 =	vld.idx.msk [tilespmem:v43+s23+$0x0], $0xffff;
	_ =	sdelay $0x1  }
0xfc: {  	v44 =	vor.u32 v25, v59  }
0xfd: {  	v45 =	vor.u32 v26, v35;
	_ =	sdelay $0x1  }
0xfe: {  	v33 =	vmul.f32 $8.000000000e+00, v33;
	_ =	sdelay $0x1  }
0xff: {  	[tilespmem:v44+s22+$0x0] =	vst.idx.msk $0xffff, v33  }
0x100: {  	v33 =	vld.idx.msk [tilespmem:v45+s23+$0x0], $0xffff;
	_ =	sdelay $0x1  }
0x101: {  	v46 =	vor.u32 v27, v59  }
0x102: {  	v47 =	vor.u32 v28, v35;
	_ =	sdelay $0x1  }
0x103: {  	v33 =	vmul.f32 $8.000000000e+00, v33;
	_ =	sdelay $0x1  }
0x104: {  	[tilespmem:v46+s22+$0x0] =	vst.idx.msk $0xffff, v33  }
0x105: {  	v33 =	vld.idx.msk [tilespmem:v47+s23+$0x0], $0xffff;
	_ =	sdelay $0x1  }
0x106: {  	v48 =	vor.u32 v29, v59  }
0x107: {  	v49 =	vor.u32 v30, v35;
	_ =	sdelay $0x1  }
0x108: {  	v33 =	vmul.f32 $8.000000000e+00, v33;
	_ =	sdelay $0x1  }
0x109: {  	[tilespmem:v48+s22+$0x0] =	vst.idx.msk $0xffff, v33  }
0x10a: {  	v33 =	vld.idx.msk [tilespmem:v49+s23+$0x0], $0xffff  }
0x10b: {  	v50 =	vor.u32 $0x10, v32  }
0x10c: {  	v51 =	vand.u32 $0x1F, v50;
	v36 =	vor.u32 v31, v59  }
0x10d: {  	v52 =	vor.u32 v13, v51;
	_ =	sdelay $0x1  }
0x10e: {  	v33 =	vmul.f32 $8.000000000e+00, v33;
	_ =	sdelay $0x1  }
0x10f: {  	v53 =	vshll.u32 v50, $0x7;
	[tilespmem:v36+s22+$0x0] =	vst.idx.msk $0xffff, v33  }
0x110: {  	v34 =	vand.u32 $0x380, v58;
	v33 =	vand.u32 $0xC00, v53;
	v36 =	vld.idx.msk [tilespmem:v52+s23+$0x0], $0xffff  }
0x111: {  	v33 =	vor.u32 v34, v33  }
0x112: {  	v54 =	vor.u32 v0, v33  }
0x113: {  	v55 =	vor.u32 v18, v51;
	_ =	sdelay $0x1  }
0x114: {  	v36 =	vmul.f32 $8.000000000e+00, v36;
	_ =	sdelay $0x1  }
0x115: {  	[tilespmem:v54+s22+$0x0] =	vst.idx.msk $0xffff, v36  }
0x116: {  	v36 =	vld.idx.msk [tilespmem:v55+s23+$0x0], $0xffff;
	_ =	sdelay $0x1  }
0x117: {  	v56 =	vor.u32 v19, v33  }
0x118: {  	v57 =	vor.u32 v20, v51;
	_ =	sdelay $0x1  }
0x119: {  	v36 =	vmul.f32 $8.000000000e+00, v36;
	_ =	sdelay $0x1  }
0x11a: {  	[tilespmem:v56+s22+$0x0] =	vst.idx.msk $0xffff, v36  }
0x11b: {  	v36 =	vld.idx.msk [tilespmem:v57+s23+$0x0], $0xffff;
	_ =	sdelay $0x1  }
0x11c: {  	v58 =	vor.u32 v21, v33  }
0x11d: {  	v59 =	vor.u32 v22, v51;
	_ =	sdelay $0x1  }
0x11e: {  	v36 =	vmul.f32 $8.000000000e+00, v36;
	_ =	sdelay $0x1  }
0x11f: {  	[tilespmem:v58+s22+$0x0] =	vst.idx.msk $0xffff, v36  }
0x120: {  	v36 =	vld.idx.msk [tilespmem:v59+s23+$0x0], $0xffff;
	_ =	sdelay $0x1  }
0x121: {  	v60 =	vor.u32 v23, v33  }
0x122: {  	v61 =	vor.u32 v24, v51;
	_ =	sdelay $0x1  }
0x123: {  	v36 =	vmul.f32 $8.000000000e+00, v36;
	_ =	sdelay $0x1  }
0x124: {  	[tilespmem:v60+s22+$0x0] =	vst.idx.msk $0xffff, v36  }
0x125: {  	v36 =	vld.idx.msk [tilespmem:v61+s23+$0x0], $0xffff;
	_ =	sdelay $0x1  }
0x126: {  	v62 =	vor.u32 v25, v33  }
0x127: {  	v63 =	vor.u32 v26, v51;
	_ =	sdelay $0x1  }
0x128: {  	v36 =	vmul.f32 $8.000000000e+00, v36;
	_ =	sdelay $0x1  }
0x129: {  	[tilespmem:v62+s22+$0x0] =	vst.idx.msk $0xffff, v36  }
0x12a: {  	v36 =	vld.idx.msk [tilespmem:v63+s23+$0x0], $0xffff;
	_ =	sdelay $0x1  }
0x12b: {  	v42 =	vor.u32 v27, v33  }
0x12c: {  	v43 =	vor.u32 v28, v51;
	_ =	sdelay $0x1  }
0x12d: {  	v36 =	vmul.f32 $8.000000000e+00, v36;
	_ =	sdelay $0x1  }
0x12e: {  	[tilespmem:v42+s22+$0x0] =	vst.idx.msk $0xffff, v36  }
0x12f: {  	v36 =	vld.idx.msk [tilespmem:v43+s23+$0x0], $0xffff;
	_ =	sdelay $0x1  }
0x130: {  	v44 =	vor.u32 v29, v33  }
0x131: {  	v38 =	vor.u32 v30, v51;
	_ =	sdelay $0x1  }
0x132: {  	v36 =	vmul.f32 $8.000000000e+00, v36;
	_ =	sdelay $0x1  }
0x133: {  	[tilespmem:v44+s22+$0x0] =	vst.idx.msk $0xffff, v36  }
0x134: {  	v35 =	vor.u32 $0x20, v35;
	v36 =	vld.idx.msk [tilespmem:v38+s23+$0x0], $0xffff  }
0x135: {  	v45 =	vand.u32 $0x7, v32;
	v46 =	vand.u32 $0x28, v35  }
0x136: {  	v37 =	vor.u32 v45, v46;
	v33 =	vor.u32 v31, v33  }
0x137: {  	v38 =	vor.u32 v13, v37;
	_ =	sdelay $0x1  }
0x138: {  	v36 =	vmul.f32 $8.000000000e+00, v36;
	_ =	sdelay $0x1  }
0x139: {  	v47 =	vshll.u32 v35, $0x7;
	[tilespmem:v33+s22+$0x0] =	vst.idx.msk $0xffff, v36  }
0x13a: {  	v33 =	vand.u32 $0x1400, v47;
	v48 =	vld.idx.msk [tilespmem:v38+s23+$0x0], $0xffff  }
0x13b: {  	v33 =	vor.u32 v34, v33  }
0x13c: {  	v49 =	vor.u32 v0, v33  }
0x13d: {  	v50 =	vor.u32 v18, v37;
	_ =	sdelay $0x1  }
0x13e: {  	v35 =	vmul.f32 $8.000000000e+00, v48;
	_ =	sdelay $0x1  }
0x13f: {  	[tilespmem:v49+s22+$0x0] =	vst.idx.msk $0xffff, v35  }
0x140: {  	v35 =	vld.idx.msk [tilespmem:v50+s23+$0x0], $0xffff;
	_ =	sdelay $0x1  }
0x141: {  	v51 =	vor.u32 v19, v33  }
0x142: {  	v52 =	vor.u32 v20, v37;
	_ =	sdelay $0x1  }
0x143: {  	v35 =	vmul.f32 $8.000000000e+00, v35;
	_ =	sdelay $0x1  }
0x144: {  	[tilespmem:v51+s22+$0x0] =	vst.idx.msk $0xffff, v35  }
0x145: {  	v35 =	vld.idx.msk [tilespmem:v52+s23+$0x0], $0xffff;
	_ =	sdelay $0x1  }
0x146: {  	v53 =	vor.u32 v21, v33  }
0x147: {  	v54 =	vor.u32 v22, v37;
	_ =	sdelay $0x1  }
0x148: {  	v35 =	vmul.f32 $8.000000000e+00, v35;
	_ =	sdelay $0x1  }
0x149: {  	[tilespmem:v53+s22+$0x0] =	vst.idx.msk $0xffff, v35  }
0x14a: {  	v35 =	vld.idx.msk [tilespmem:v54+s23+$0x0], $0xffff;
	_ =	sdelay $0x1  }
0x14b: {  	v55 =	vor.u32 v23, v33  }
0x14c: {  	v56 =	vor.u32 v24, v37;
	_ =	sdelay $0x1  }
0x14d: {  	v35 =	vmul.f32 $8.000000000e+00, v35;
	_ =	sdelay $0x1  }
0x14e: {  	[tilespmem:v55+s22+$0x0] =	vst.idx.msk $0xffff, v35  }
0x14f: {  	v35 =	vld.idx.msk [tilespmem:v56+s23+$0x0], $0xffff;
	_ =	sdelay $0x1  }
0x150: {  	v57 =	vor.u32 v25, v33  }
0x151: {  	v58 =	vor.u32 v26, v37;
	_ =	sdelay $0x1  }
0x152: {  	v35 =	vmul.f32 $8.000000000e+00, v35;
	_ =	sdelay $0x1  }
0x153: {  	[tilespmem:v57+s22+$0x0] =	vst.idx.msk $0xffff, v35  }
0x154: {  	v35 =	vld.idx.msk [tilespmem:v58+s23+$0x0], $0xffff;
	_ =	sdelay $0x1  }
0x155: {  	v59 =	vor.u32 v27, v33  }
0x156: {  	v60 =	vor.u32 v28, v37;
	_ =	sdelay $0x1  }
0x157: {  	v35 =	vmul.f32 $8.000000000e+00, v35;
	_ =	sdelay $0x1  }
0x158: {  	[tilespmem:v59+s22+$0x0] =	vst.idx.msk $0xffff, v35  }
0x159: {  	v35 =	vld.idx.msk [tilespmem:v60+s23+$0x0], $0xffff;
	_ =	sdelay $0x1  }
0x15a: {  	v61 =	vor.u32 v29, v33  }
0x15b: {  	v37 =	vor.u32 v30, v37;
	_ =	sdelay $0x1  }
0x15c: {  	v35 =	vmul.f32 $8.000000000e+00, v35;
	_ =	sdelay $0x1  }
0x15d: {  	[tilespmem:v61+s22+$0x0] =	vst.idx.msk $0xffff, v35  }
0x15e: {  	v35 =	vld.idx.msk [tilespmem:v37+s23+$0x0], $0xffff  }
0x15f: {  	v32 =	vor.u32 $0x30, v32  }
0x160: {  	v62 =	vand.u32 $0x3F, v32;
	v33 =	vor.u32 v31, v33  }
0x161: {  	v63 =	vor.u32 v13, v62;
	_ =	sdelay $0x1  }
0x162: {  	v35 =	vmul.f32 $8.000000000e+00, v35;
	_ =	sdelay $0x1  }
0x163: {  	v32 =	vshll.u32 v32, $0x7;
	[tilespmem:v33+s22+$0x0] =	vst.idx.msk $0xffff, v35  }
0x164: {  	v32 =	vand.u32 $0x1C00, v32;
	v33 =	vld.idx.msk [tilespmem:v63+s23+$0x0], $0xffff  }
0x165: {  	v34 =	vor.u32 v34, v32  }
0x166: {  	v32 =	vor.u32 v0, v34  }
0x167: {  	v40 =	vor.u32 v18, v62;
	_ =	sdelay $0x1  }
0x168: {  	v33 =	vmul.f32 $8.000000000e+00, v33;
	_ =	sdelay $0x1  }
0x169: {  	[tilespmem:v32+s22+$0x0] =	vst.idx.msk $0xffff, v33  }
0x16a: {  	v32 =	vld.idx.msk [tilespmem:v40+s23+$0x0], $0xffff;
	_ =	sdelay $0x1  }
0x16b: {  	v41 =	vor.u32 v19, v34  }
0x16c: {  	v42 =	vor.u32 v20, v62;
	_ =	sdelay $0x1  }
0x16d: {  	v32 =	vmul.f32 $8.000000000e+00, v32;
	_ =	sdelay $0x1  }
0x16e: {  	[tilespmem:v41+s22+$0x0] =	vst.idx.msk $0xffff, v32  }
0x16f: {  	v32 =	vld.idx.msk [tilespmem:v42+s23+$0x0], $0xffff;
	_ =	sdelay $0x1  }
0x170: {  	v43 =	vor.u32 v21, v34  }
0x171: {  	v44 =	vor.u32 v22, v62;
	_ =	sdelay $0x1  }
0x172: {  	v32 =	vmul.f32 $8.000000000e+00, v32;
	_ =	sdelay $0x1  }
0x173: {  	[tilespmem:v43+s22+$0x0] =	vst.idx.msk $0xffff, v32  }
0x174: {  	v32 =	vld.idx.msk [tilespmem:v44+s23+$0x0], $0xffff;
	_ =	sdelay $0x1  }
0x175: {  	v45 =	vor.u32 v23, v34  }
0x176: {  	v46 =	vor.u32 v24, v62;
	_ =	sdelay $0x1  }
0x177: {  	v32 =	vmul.f32 $8.000000000e+00, v32;
	_ =	sdelay $0x1  }
0x178: {  	[tilespmem:v45+s22+$0x0] =	vst.idx.msk $0xffff, v32  }
0x179: {  	v32 =	vld.idx.msk [tilespmem:v46+s23+$0x0], $0xffff;
	_ =	sdelay $0x1  }
0x17a: {  	v47 =	vor.u32 v25, v34  }
0x17b: {  	v48 =	vor.u32 v26, v62;
	_ =	sdelay $0x1  }
0x17c: {  	v32 =	vmul.f32 $8.000000000e+00, v32;
	_ =	sdelay $0x1  }
0x17d: {  	[tilespmem:v47+s22+$0x0] =	vst.idx.msk $0xffff, v32  }
0x17e: {  	v32 =	vld.idx.msk [tilespmem:v48+s23+$0x0], $0xffff;
	_ =	sdelay $0x1  }
0x17f: {  	v49 =	vor.u32 v27, v34  }
0x180: {  	v50 =	vor.u32 v28, v62;
	_ =	sdelay $0x1  }
0x181: {  	v32 =	vmul.f32 $8.000000000e+00, v32;
	_ =	sdelay $0x1  }
0x182: {  	[tilespmem:v49+s22+$0x0] =	vst.idx.msk $0xffff, v32  }
0x183: {  	v32 =	vld.idx.msk [tilespmem:v50+s23+$0x0], $0xffff;
	_ =	sdelay $0x1  }
0x184: {  	v51 =	vor.u32 v29, v34  }
0x185: {  	v52 =	vor.u32 v30, v62;
	_ =	sdelay $0x1  }
0x186: {  	v32 =	vmul.f32 $8.000000000e+00, v32;
	_ =	sdelay $0x1  }
0x187: {  	[tilespmem:v51+s22+$0x0] =	vst.idx.msk $0xffff, v32  }
0x188: {  	s30 =	sadd.s32 $0x2, s24;
	v33 =	vld.idx.msk [tilespmem:v52+s23+$0x0], $0xffff  }
0x189: {  	v32 =	vadd.s32 s30, v0  }
0x18a: {  	v34 =	vor.u32 v31, v34;
	v35 =	vand.u32 $0xF, v32  }
0x18b: {  	v53 =	vor.u32 v13, v35;
	_ =	sdelay $0x1  }
0x18c: {  	v33 =	vmul.f32 $8.000000000e+00, v33;
	_ =	sdelay $0x1  }
0x18d: {  	[tilespmem:v34+s22+$0x0] =	vst.idx.msk $0xffff, v33  }
0x18e: {  	v54 =	vshll.u32 v32, $0x7;
	v33 =	vld.idx.msk [tilespmem:v53+s23+$0x0], $0xffff  }
0x18f: {  	v55 =	vand.u32 $0x780, v54  }
0x190: {  	v56 =	vor.u32 v0, v55  }
0x191: {  	v57 =	vor.u32 v18, v35;
	_ =	sdelay $0x1  }
0x192: {  	v33 =	vmul.f32 $8.000000000e+00, v33;
	_ =	sdelay $0x1  }
0x193: {  	[tilespmem:v56+s22+$0x0] =	vst.idx.msk $0xffff, v33  }
0x194: {  	v33 =	vld.idx.msk [tilespmem:v57+s23+$0x0], $0xffff;
	_ =	sdelay $0x1  }
0x195: {  	v58 =	vor.u32 v19, v55  }
0x196: {  	v59 =	vor.u32 v20, v35;
	_ =	sdelay $0x1  }
0x197: {  	v33 =	vmul.f32 $8.000000000e+00, v33;
	_ =	sdelay $0x1  }
0x198: {  	[tilespmem:v58+s22+$0x0] =	vst.idx.msk $0xffff, v33  }
0x199: {  	v33 =	vld.idx.msk [tilespmem:v59+s23+$0x0], $0xffff;
	_ =	sdelay $0x1  }
0x19a: {  	v60 =	vor.u32 v21, v55  }
0x19b: {  	v61 =	vor.u32 v22, v35;
	_ =	sdelay $0x1  }
0x19c: {  	v33 =	vmul.f32 $8.000000000e+00, v33;
	_ =	sdelay $0x1  }
0x19d: {  	[tilespmem:v60+s22+$0x0] =	vst.idx.msk $0xffff, v33  }
0x19e: {  	v33 =	vld.idx.msk [tilespmem:v61+s23+$0x0], $0xffff;
	_ =	sdelay $0x1  }
0x19f: {  	v62 =	vor.u32 v23, v55  }
0x1a0: {  	v63 =	vor.u32 v24, v35;
	_ =	sdelay $0x1  }
0x1a1: {  	v33 =	vmul.f32 $8.000000000e+00, v33;
	_ =	sdelay $0x1  }
0x1a2: {  	[tilespmem:v62+s22+$0x0] =	vst.idx.msk $0xffff, v33  }
0x1a3: {  	v33 =	vld.idx.msk [tilespmem:v63+s23+$0x0], $0xffff;
	_ =	sdelay $0x1  }
0x1a4: {  	v40 =	vor.u32 v25, v55  }
0x1a5: {  	v41 =	vor.u32 v26, v35;
	_ =	sdelay $0x1  }
0x1a6: {  	v33 =	vmul.f32 $8.000000000e+00, v33;
	_ =	sdelay $0x1  }
0x1a7: {  	[tilespmem:v40+s22+$0x0] =	vst.idx.msk $0xffff, v33  }
0x1a8: {  	v33 =	vld.idx.msk [tilespmem:v41+s23+$0x0], $0xffff;
	_ =	sdelay $0x1  }
0x1a9: {  	v42 =	vor.u32 v27, v55  }
0x1aa: {  	v43 =	vor.u32 v28, v35;
	_ =	sdelay $0x1  }
0x1ab: {  	v33 =	vmul.f32 $8.000000000e+00, v33;
	_ =	sdelay $0x1  }
0x1ac: {  	[tilespmem:v42+s22+$0x0] =	vst.idx.msk $0xffff, v33  }
0x1ad: {  	v33 =	vld.idx.msk [tilespmem:v43+s23+$0x0], $0xffff;
	_ =	sdelay $0x1  }
0x1ae: {  	v44 =	vor.u32 v29, v55  }
0x1af: {  	v45 =	vor.u32 v30, v35;
	_ =	sdelay $0x1  }
0x1b0: {  	v33 =	vmul.f32 $8.000000000e+00, v33;
	_ =	sdelay $0x1  }
0x1b1: {  	[tilespmem:v44+s22+$0x0] =	vst.idx.msk $0xffff, v33  }
0x1b2: {  	v33 =	vld.idx.msk [tilespmem:v45+s23+$0x0], $0xffff  }
0x1b3: {  	v46 =	vor.u32 $0x10, v32  }
0x1b4: {  	v47 =	vand.u32 $0x1F, v46;
	v36 =	vor.u32 v31, v55  }
0x1b5: {  	v48 =	vor.u32 v13, v47;
	_ =	sdelay $0x1  }
0x1b6: {  	v33 =	vmul.f32 $8.000000000e+00, v33;
	_ =	sdelay $0x1  }
0x1b7: {  	v49 =	vshll.u32 v46, $0x7;
	[tilespmem:v36+s22+$0x0] =	vst.idx.msk $0xffff, v33  }
0x1b8: {  	v34 =	vand.u32 $0x380, v54;
	v33 =	vand.u32 $0xC00, v49;
	v36 =	vld.idx.msk [tilespmem:v48+s23+$0x0], $0xffff  }
0x1b9: {  	v33 =	vor.u32 v34, v33  }
0x1ba: {  	v50 =	vor.u32 v0, v33  }
0x1bb: {  	v51 =	vor.u32 v18, v47;
	_ =	sdelay $0x1  }
0x1bc: {  	v36 =	vmul.f32 $8.000000000e+00, v36;
	_ =	sdelay $0x1  }
0x1bd: {  	[tilespmem:v50+s22+$0x0] =	vst.idx.msk $0xffff, v36  }
0x1be: {  	v36 =	vld.idx.msk [tilespmem:v51+s23+$0x0], $0xffff;
	_ =	sdelay $0x1  }
0x1bf: {  	v52 =	vor.u32 v19, v33  }
0x1c0: {  	v53 =	vor.u32 v20, v47;
	_ =	sdelay $0x1  }
0x1c1: {  	v36 =	vmul.f32 $8.000000000e+00, v36;
	_ =	sdelay $0x1  }
0x1c2: {  	[tilespmem:v52+s22+$0x0] =	vst.idx.msk $0xffff, v36  }
0x1c3: {  	v36 =	vld.idx.msk [tilespmem:v53+s23+$0x0], $0xffff;
	_ =	sdelay $0x1  }
0x1c4: {  	v54 =	vor.u32 v21, v33  }
0x1c5: {  	v55 =	vor.u32 v22, v47;
	_ =	sdelay $0x1  }
0x1c6: {  	v36 =	vmul.f32 $8.000000000e+00, v36;
	_ =	sdelay $0x1  }
0x1c7: {  	[tilespmem:v54+s22+$0x0] =	vst.idx.msk $0xffff, v36  }
0x1c8: {  	v36 =	vld.idx.msk [tilespmem:v55+s23+$0x0], $0xffff;
	_ =	sdelay $0x1  }
0x1c9: {  	v56 =	vor.u32 v23, v33  }
0x1ca: {  	v57 =	vor.u32 v24, v47;
	_ =	sdelay $0x1  }
0x1cb: {  	v36 =	vmul.f32 $8.000000000e+00, v36;
	_ =	sdelay $0x1  }
0x1cc: {  	[tilespmem:v56+s22+$0x0] =	vst.idx.msk $0xffff, v36  }
0x1cd: {  	v36 =	vld.idx.msk [tilespmem:v57+s23+$0x0], $0xffff;
	_ =	sdelay $0x1  }
0x1ce: {  	v58 =	vor.u32 v25, v33  }
0x1cf: {  	v59 =	vor.u32 v26, v47;
	_ =	sdelay $0x1  }
0x1d0: {  	v36 =	vmul.f32 $8.000000000e+00, v36;
	_ =	sdelay $0x1  }
0x1d1: {  	[tilespmem:v58+s22+$0x0] =	vst.idx.msk $0xffff, v36  }
0x1d2: {  	v36 =	vld.idx.msk [tilespmem:v59+s23+$0x0], $0xffff;
	_ =	sdelay $0x1  }
0x1d3: {  	v60 =	vor.u32 v27, v33  }
0x1d4: {  	v61 =	vor.u32 v28, v47;
	_ =	sdelay $0x1  }
0x1d5: {  	v36 =	vmul.f32 $8.000000000e+00, v36;
	_ =	sdelay $0x1  }
0x1d6: {  	[tilespmem:v60+s22+$0x0] =	vst.idx.msk $0xffff, v36  }
0x1d7: {  	v36 =	vld.idx.msk [tilespmem:v61+s23+$0x0], $0xffff;
	_ =	sdelay $0x1  }
0x1d8: {  	v62 =	vor.u32 v29, v33  }
0x1d9: {  	v38 =	vor.u32 v30, v47;
	_ =	sdelay $0x1  }
0x1da: {  	v36 =	vmul.f32 $8.000000000e+00, v36;
	_ =	sdelay $0x1  }
0x1db: {  	[tilespmem:v62+s22+$0x0] =	vst.idx.msk $0xffff, v36  }
0x1dc: {  	v35 =	vor.u32 $0x20, v35;
	v36 =	vld.idx.msk [tilespmem:v38+s23+$0x0], $0xffff  }
0x1dd: {  	v63 =	vand.u32 $0x7, v32;
	v40 =	vand.u32 $0x28, v35  }
0x1de: {  	v37 =	vor.u32 v63, v40;
	v33 =	vor.u32 v31, v33  }
0x1df: {  	v38 =	vor.u32 v13, v37;
	_ =	sdelay $0x1  }
0x1e0: {  	v36 =	vmul.f32 $8.000000000e+00, v36;
	_ =	sdelay $0x1  }
0x1e1: {  	v41 =	vshll.u32 v35, $0x7;
	[tilespmem:v33+s22+$0x0] =	vst.idx.msk $0xffff, v36  }
0x1e2: {  	v33 =	vand.u32 $0x1400, v41;
	v42 =	vld.idx.msk [tilespmem:v38+s23+$0x0], $0xffff  }
0x1e3: {  	v33 =	vor.u32 v34, v33  }
0x1e4: {  	v43 =	vor.u32 v0, v33  }
0x1e5: {  	v44 =	vor.u32 v18, v37;
	_ =	sdelay $0x1  }
0x1e6: {  	v35 =	vmul.f32 $8.000000000e+00, v42;
	_ =	sdelay $0x1  }
0x1e7: {  	[tilespmem:v43+s22+$0x0] =	vst.idx.msk $0xffff, v35  }
0x1e8: {  	v35 =	vld.idx.msk [tilespmem:v44+s23+$0x0], $0xffff;
	_ =	sdelay $0x1  }
0x1e9: {  	v45 =	vor.u32 v19, v33  }
0x1ea: {  	v46 =	vor.u32 v20, v37;
	_ =	sdelay $0x1  }
0x1eb: {  	v35 =	vmul.f32 $8.000000000e+00, v35;
	_ =	sdelay $0x1  }
0x1ec: {  	[tilespmem:v45+s22+$0x0] =	vst.idx.msk $0xffff, v35  }
0x1ed: {  	v35 =	vld.idx.msk [tilespmem:v46+s23+$0x0], $0xffff;
	_ =	sdelay $0x1  }
0x1ee: {  	v47 =	vor.u32 v21, v33  }
0x1ef: {  	v48 =	vor.u32 v22, v37;
	_ =	sdelay $0x1  }
0x1f0: {  	v35 =	vmul.f32 $8.000000000e+00, v35;
	_ =	sdelay $0x1  }
0x1f1: {  	[tilespmem:v47+s22+$0x0] =	vst.idx.msk $0xffff, v35  }
0x1f2: {  	v35 =	vld.idx.msk [tilespmem:v48+s23+$0x0], $0xffff;
	_ =	sdelay $0x1  }
0x1f3: {  	v49 =	vor.u32 v23, v33  }
0x1f4: {  	v50 =	vor.u32 v24, v37;
	_ =	sdelay $0x1  }
0x1f5: {  	v35 =	vmul.f32 $8.000000000e+00, v35;
	_ =	sdelay $0x1  }
0x1f6: {  	[tilespmem:v49+s22+$0x0] =	vst.idx.msk $0xffff, v35  }
0x1f7: {  	v35 =	vld.idx.msk [tilespmem:v50+s23+$0x0], $0xffff;
	_ =	sdelay $0x1  }
0x1f8: {  	v51 =	vor.u32 v25, v33  }
0x1f9: {  	v52 =	vor.u32 v26, v37;
	_ =	sdelay $0x1  }
0x1fa: {  	v35 =	vmul.f32 $8.000000000e+00, v35;
	_ =	sdelay $0x1  }
0x1fb: {  	[tilespmem:v51+s22+$0x0] =	vst.idx.msk $0xffff, v35  }
0x1fc: {  	v35 =	vld.idx.msk [tilespmem:v52+s23+$0x0], $0xffff;
	_ =	sdelay $0x1  }
0x1fd: {  	v53 =	vor.u32 v27, v33  }
0x1fe: {  	v54 =	vor.u32 v28, v37;
	_ =	sdelay $0x1  }
0x1ff: {  	v35 =	vmul.f32 $8.000000000e+00, v35;
	_ =	sdelay $0x1  }
0x200: {  	[tilespmem:v53+s22+$0x0] =	vst.idx.msk $0xffff, v35  }
0x201: {  	v35 =	vld.idx.msk [tilespmem:v54+s23+$0x0], $0xffff;
	_ =	sdelay $0x1  }
0x202: {  	v55 =	vor.u32 v29, v33  }
0x203: {  	v37 =	vor.u32 v30, v37;
	_ =	sdelay $0x1  }
0x204: {  	v35 =	vmul.f32 $8.000000000e+00, v35;
	_ =	sdelay $0x1  }
0x205: {  	[tilespmem:v55+s22+$0x0] =	vst.idx.msk $0xffff, v35  }
0x206: {  	v35 =	vld.idx.msk [tilespmem:v37+s23+$0x0], $0xffff  }
0x207: {  	v32 =	vor.u32 $0x30, v32  }
0x208: {  	v56 =	vand.u32 $0x3F, v32;
	v33 =	vor.u32 v31, v33  }
0x209: {  	v57 =	vor.u32 v13, v56;
	_ =	sdelay $0x1  }
0x20a: {  	v35 =	vmul.f32 $8.000000000e+00, v35;
	_ =	sdelay $0x1  }
0x20b: {  	v32 =	vshll.u32 v32, $0x7;
	[tilespmem:v33+s22+$0x0] =	vst.idx.msk $0xffff, v35  }
0x20c: {  	v32 =	vand.u32 $0x1C00, v32;
	v33 =	vld.idx.msk [tilespmem:v57+s23+$0x0], $0xffff  }
0x20d: {  	v34 =	vor.u32 v34, v32  }
0x20e: {  	v32 =	vor.u32 v0, v34  }
0x20f: {  	v58 =	vor.u32 v18, v56;
	_ =	sdelay $0x1  }
0x210: {  	v33 =	vmul.f32 $8.000000000e+00, v33;
	_ =	sdelay $0x1  }
0x211: {  	[tilespmem:v32+s22+$0x0] =	vst.idx.msk $0xffff, v33  }
0x212: {  	v32 =	vld.idx.msk [tilespmem:v58+s23+$0x0], $0xffff;
	_ =	sdelay $0x1  }
0x213: {  	v59 =	vor.u32 v19, v34  }
0x214: {  	v60 =	vor.u32 v20, v56;
	_ =	sdelay $0x1  }
0x215: {  	v32 =	vmul.f32 $8.000000000e+00, v32;
	_ =	sdelay $0x1  }
0x216: {  	[tilespmem:v59+s22+$0x0] =	vst.idx.msk $0xffff, v32  }
0x217: {  	v32 =	vld.idx.msk [tilespmem:v60+s23+$0x0], $0xffff;
	_ =	sdelay $0x1  }
0x218: {  	v61 =	vor.u32 v21, v34  }
0x219: {  	v62 =	vor.u32 v22, v56;
	_ =	sdelay $0x1  }
0x21a: {  	v32 =	vmul.f32 $8.000000000e+00, v32;
	_ =	sdelay $0x1  }
0x21b: {  	[tilespmem:v61+s22+$0x0] =	vst.idx.msk $0xffff, v32  }
0x21c: {  	v32 =	vld.idx.msk [tilespmem:v62+s23+$0x0], $0xffff;
	_ =	sdelay $0x1  }
0x21d: {  	v63 =	vor.u32 v23, v34  }
0x21e: {  	v37 =	vor.u32 v24, v56;
	_ =	sdelay $0x1  }
0x21f: {  	v32 =	vmul.f32 $8.000000000e+00, v32;
	_ =	sdelay $0x1  }
0x220: {  	[tilespmem:v63+s22+$0x0] =	vst.idx.msk $0xffff, v32  }
0x221: {  	v32 =	vld.idx.msk [tilespmem:v37+s23+$0x0], $0xffff;
	_ =	sdelay $0x1  }
0x222: {  	v38 =	vor.u32 v25, v34  }
0x223: {  	v39 =	vor.u32 v26, v56;
	_ =	sdelay $0x1  }
0x224: {  	v32 =	vmul.f32 $8.000000000e+00, v32;
	_ =	sdelay $0x1  }
0x225: {  	[tilespmem:v38+s22+$0x0] =	vst.idx.msk $0xffff, v32  }
0x226: {  	v32 =	vld.idx.msk [tilespmem:v39+s23+$0x0], $0xffff;
	_ =	sdelay $0x1  }
0x227: {  	v40 =	vor.u32 v27, v34  }
0x228: {  	v41 =	vor.u32 v28, v56;
	_ =	sdelay $0x1  }
0x229: {  	v32 =	vmul.f32 $8.000000000e+00, v32;
	_ =	sdelay $0x1  }
0x22a: {  	[tilespmem:v40+s22+$0x0] =	vst.idx.msk $0xffff, v32  }
0x22b: {  	v32 =	vld.idx.msk [tilespmem:v41+s23+$0x0], $0xffff;
	_ =	sdelay $0x1  }
0x22c: {  	v42 =	vor.u32 v29, v34  }
0x22d: {  	v43 =	vor.u32 v30, v56;
	_ =	sdelay $0x1  }
0x22e: {  	v32 =	vmul.f32 $8.000000000e+00, v32;
	_ =	sdelay $0x1  }
0x22f: {  	[tilespmem:v42+s22+$0x0] =	vst.idx.msk $0xffff, v32  }
0x230: {  	s31 =	sadd.s32 $0x3, s24;
	v33 =	vld.idx.msk [tilespmem:v43+s23+$0x0], $0xffff  }
0x231: {  	v32 =	vadd.s32 s31, v0  }
0x232: {  	v34 =	vor.u32 v31, v34;
	v35 =	vand.u32 $0xF, v32  }
0x233: {  	v44 =	vor.u32 v13, v35;
	_ =	sdelay $0x1  }
0x234: {  	v33 =	vmul.f32 $8.000000000e+00, v33;
	_ =	sdelay $0x1  }
0x235: {  	[tilespmem:v34+s22+$0x0] =	vst.idx.msk $0xffff, v33  }
0x236: {  	v45 =	vshll.u32 v32, $0x7;
	v33 =	vld.idx.msk [tilespmem:v44+s23+$0x0], $0xffff  }
0x237: {  	v46 =	vand.u32 $0x780, v45  }
0x238: {  	v47 =	vor.u32 v0, v46  }
0x239: {  	v48 =	vor.u32 v18, v35;
	_ =	sdelay $0x1  }
0x23a: {  	v33 =	vmul.f32 $8.000000000e+00, v33;
	_ =	sdelay $0x1  }
0x23b: {  	[tilespmem:v47+s22+$0x0] =	vst.idx.msk $0xffff, v33  }
0x23c: {  	v33 =	vld.idx.msk [tilespmem:v48+s23+$0x0], $0xffff;
	_ =	sdelay $0x1  }
0x23d: {  	v49 =	vor.u32 v19, v46  }
0x23e: {  	v50 =	vor.u32 v20, v35;
	_ =	sdelay $0x1  }
0x23f: {  	v33 =	vmul.f32 $8.000000000e+00, v33;
	_ =	sdelay $0x1  }
0x240: {  	[tilespmem:v49+s22+$0x0] =	vst.idx.msk $0xffff, v33  }
0x241: {  	v33 =	vld.idx.msk [tilespmem:v50+s23+$0x0], $0xffff;
	_ =	sdelay $0x1  }
0x242: {  	v51 =	vor.u32 v21, v46  }
0x243: {  	v52 =	vor.u32 v22, v35;
	_ =	sdelay $0x1  }
0x244: {  	v33 =	vmul.f32 $8.000000000e+00, v33;
	_ =	sdelay $0x1  }
0x245: {  	[tilespmem:v51+s22+$0x0] =	vst.idx.msk $0xffff, v33  }
0x246: {  	v33 =	vld.idx.msk [tilespmem:v52+s23+$0x0], $0xffff;
	_ =	sdelay $0x1  }
0x247: {  	v53 =	vor.u32 v23, v46  }
0x248: {  	v54 =	vor.u32 v24, v35;
	_ =	sdelay $0x1  }
0x249: {  	v33 =	vmul.f32 $8.000000000e+00, v33;
	_ =	sdelay $0x1  }
0x24a: {  	[tilespmem:v53+s22+$0x0] =	vst.idx.msk $0xffff, v33  }
0x24b: {  	v33 =	vld.idx.msk [tilespmem:v54+s23+$0x0], $0xffff;
	_ =	sdelay $0x1  }
0x24c: {  	v55 =	vor.u32 v25, v46  }
0x24d: {  	v56 =	vor.u32 v26, v35;
	_ =	sdelay $0x1  }
0x24e: {  	v33 =	vmul.f32 $8.000000000e+00, v33;
	_ =	sdelay $0x1  }
0x24f: {  	[tilespmem:v55+s22+$0x0] =	vst.idx.msk $0xffff, v33  }
0x250: {  	v33 =	vld.idx.msk [tilespmem:v56+s23+$0x0], $0xffff;
	_ =	sdelay $0x1  }
0x251: {  	v57 =	vor.u32 v27, v46  }
0x252: {  	v58 =	vor.u32 v28, v35;
	_ =	sdelay $0x1  }
0x253: {  	v33 =	vmul.f32 $8.000000000e+00, v33;
	_ =	sdelay $0x1  }
0x254: {  	[tilespmem:v57+s22+$0x0] =	vst.idx.msk $0xffff, v33  }
0x255: {  	v33 =	vld.idx.msk [tilespmem:v58+s23+$0x0], $0xffff;
	_ =	sdelay $0x1  }
0x256: {  	v59 =	vor.u32 v29, v46  }
0x257: {  	v60 =	vor.u32 v30, v35;
	_ =	sdelay $0x1  }
0x258: {  	v33 =	vmul.f32 $8.000000000e+00, v33;
	_ =	sdelay $0x1  }
0x259: {  	[tilespmem:v59+s22+$0x0] =	vst.idx.msk $0xffff, v33  }
0x25a: {  	v33 =	vld.idx.msk [tilespmem:v60+s23+$0x0], $0xffff  }
0x25b: {  	v61 =	vor.u32 $0x10, v32  }
0x25c: {  	v62 =	vand.u32 $0x1F, v61;
	v36 =	vor.u32 v31, v46  }
0x25d: {  	v63 =	vor.u32 v13, v62;
	_ =	sdelay $0x1  }
0x25e: {  	v33 =	vmul.f32 $8.000000000e+00, v33;
	_ =	sdelay $0x1  }
0x25f: {  	v42 =	vshll.u32 v61, $0x7;
	[tilespmem:v36+s22+$0x0] =	vst.idx.msk $0xffff, v33  }
0x260: {  	v34 =	vand.u32 $0x380, v45;
	v33 =	vand.u32 $0xC00, v42;
	v36 =	vld.idx.msk [tilespmem:v63+s23+$0x0], $0xffff  }
0x261: {  	v33 =	vor.u32 v34, v33  }
0x262: {  	v43 =	vor.u32 v0, v33  }
0x263: {  	v44 =	vor.u32 v18, v62;
	_ =	sdelay $0x1  }
0x264: {  	v36 =	vmul.f32 $8.000000000e+00, v36;
	_ =	sdelay $0x1  }
0x265: {  	[tilespmem:v43+s22+$0x0] =	vst.idx.msk $0xffff, v36  }
0x266: {  	v36 =	vld.idx.msk [tilespmem:v44+s23+$0x0], $0xffff;
	_ =	sdelay $0x1  }
0x267: {  	v45 =	vor.u32 v19, v33  }
0x268: {  	v46 =	vor.u32 v20, v62;
	_ =	sdelay $0x1  }
0x269: {  	v36 =	vmul.f32 $8.000000000e+00, v36;
	_ =	sdelay $0x1  }
0x26a: {  	[tilespmem:v45+s22+$0x0] =	vst.idx.msk $0xffff, v36  }
0x26b: {  	v36 =	vld.idx.msk [tilespmem:v46+s23+$0x0], $0xffff;
	_ =	sdelay $0x1  }
0x26c: {  	v47 =	vor.u32 v21, v33  }
0x26d: {  	v48 =	vor.u32 v22, v62;
	_ =	sdelay $0x1  }
0x26e: {  	v36 =	vmul.f32 $8.000000000e+00, v36;
	_ =	sdelay $0x1  }
0x26f: {  	[tilespmem:v47+s22+$0x0] =	vst.idx.msk $0xffff, v36  }
0x270: {  	v36 =	vld.idx.msk [tilespmem:v48+s23+$0x0], $0xffff;
	_ =	sdelay $0x1  }
0x271: {  	v49 =	vor.u32 v23, v33  }
0x272: {  	v50 =	vor.u32 v24, v62;
	_ =	sdelay $0x1  }
0x273: {  	v36 =	vmul.f32 $8.000000000e+00, v36;
	_ =	sdelay $0x1  }
0x274: {  	[tilespmem:v49+s22+$0x0] =	vst.idx.msk $0xffff, v36  }
0x275: {  	v36 =	vld.idx.msk [tilespmem:v50+s23+$0x0], $0xffff;
	_ =	sdelay $0x1  }
0x276: {  	v51 =	vor.u32 v25, v33  }
0x277: {  	v52 =	vor.u32 v26, v62;
	_ =	sdelay $0x1  }
0x278: {  	v36 =	vmul.f32 $8.000000000e+00, v36;
	_ =	sdelay $0x1  }
0x279: {  	[tilespmem:v51+s22+$0x0] =	vst.idx.msk $0xffff, v36  }
0x27a: {  	v36 =	vld.idx.msk [tilespmem:v52+s23+$0x0], $0xffff;
	_ =	sdelay $0x1  }
0x27b: {  	v53 =	vor.u32 v27, v33  }
0x27c: {  	v54 =	vor.u32 v28, v62;
	_ =	sdelay $0x1  }
0x27d: {  	v36 =	vmul.f32 $8.000000000e+00, v36;
	_ =	sdelay $0x1  }
0x27e: {  	[tilespmem:v53+s22+$0x0] =	vst.idx.msk $0xffff, v36  }
0x27f: {  	v36 =	vld.idx.msk [tilespmem:v54+s23+$0x0], $0xffff;
	_ =	sdelay $0x1  }
0x280: {  	v55 =	vor.u32 v29, v33  }
0x281: {  	v38 =	vor.u32 v30, v62;
	_ =	sdelay $0x1  }
0x282: {  	v36 =	vmul.f32 $8.000000000e+00, v36;
	_ =	sdelay $0x1  }
0x283: {  	[tilespmem:v55+s22+$0x0] =	vst.idx.msk $0xffff, v36  }
0x284: {  	v35 =	vor.u32 $0x20, v35;
	v36 =	vld.idx.msk [tilespmem:v38+s23+$0x0], $0xffff  }
0x285: {  	v56 =	vand.u32 $0x7, v32;
	v57 =	vand.u32 $0x28, v35  }
0x286: {  	v37 =	vor.u32 v56, v57;
	v33 =	vor.u32 v31, v33  }
0x287: {  	v38 =	vor.u32 v13, v37;
	_ =	sdelay $0x1  }
0x288: {  	v36 =	vmul.f32 $8.000000000e+00, v36;
	_ =	sdelay $0x1  }
0x289: {  	v58 =	vshll.u32 v35, $0x7;
	[tilespmem:v33+s22+$0x0] =	vst.idx.msk $0xffff, v36  }
0x28a: {  	v33 =	vand.u32 $0x1400, v58;
	v59 =	vld.idx.msk [tilespmem:v38+s23+$0x0], $0xffff  }
0x28b: {  	v33 =	vor.u32 v34, v33  }
0x28c: {  	v60 =	vor.u32 v0, v33  }
0x28d: {  	v61 =	vor.u32 v18, v37;
	_ =	sdelay $0x1  }
0x28e: {  	v35 =	vmul.f32 $8.000000000e+00, v59;
	_ =	sdelay $0x1  }
0x28f: {  	[tilespmem:v60+s22+$0x0] =	vst.idx.msk $0xffff, v35  }
0x290: {  	v35 =	vld.idx.msk [tilespmem:v61+s23+$0x0], $0xffff;
	_ =	sdelay $0x1  }
0x291: {  	v62 =	vor.u32 v19, v33  }
0x292: {  	v63 =	vor.u32 v20, v37;
	_ =	sdelay $0x1  }
0x293: {  	v35 =	vmul.f32 $8.000000000e+00, v35;
	_ =	sdelay $0x1  }
0x294: {  	[tilespmem:v62+s22+$0x0] =	vst.idx.msk $0xffff, v35  }
0x295: {  	v35 =	vld.idx.msk [tilespmem:v63+s23+$0x0], $0xffff;
	_ =	sdelay $0x1  }
0x296: {  	v40 =	vor.u32 v21, v33  }
0x297: {  	v41 =	vor.u32 v22, v37;
	_ =	sdelay $0x1  }
0x298: {  	v35 =	vmul.f32 $8.000000000e+00, v35;
	_ =	sdelay $0x1  }
0x299: {  	[tilespmem:v40+s22+$0x0] =	vst.idx.msk $0xffff, v35  }
0x29a: {  	v35 =	vld.idx.msk [tilespmem:v41+s23+$0x0], $0xffff;
	_ =	sdelay $0x1  }
0x29b: {  	v42 =	vor.u32 v23, v33  }
0x29c: {  	v43 =	vor.u32 v24, v37;
	_ =	sdelay $0x1  }
0x29d: {  	v35 =	vmul.f32 $8.000000000e+00, v35;
	_ =	sdelay $0x1  }
0x29e: {  	[tilespmem:v42+s22+$0x0] =	vst.idx.msk $0xffff, v35  }
0x29f: {  	v35 =	vld.idx.msk [tilespmem:v43+s23+$0x0], $0xffff;
	_ =	sdelay $0x1  }
0x2a0: {  	v44 =	vor.u32 v25, v33  }
0x2a1: {  	v45 =	vor.u32 v26, v37;
	_ =	sdelay $0x1  }
0x2a2: {  	v35 =	vmul.f32 $8.000000000e+00, v35;
	_ =	sdelay $0x1  }
0x2a3: {  	[tilespmem:v44+s22+$0x0] =	vst.idx.msk $0xffff, v35  }
0x2a4: {  	v35 =	vld.idx.msk [tilespmem:v45+s23+$0x0], $0xffff;
	_ =	sdelay $0x1  }
0x2a5: {  	v46 =	vor.u32 v27, v33  }
0x2a6: {  	v47 =	vor.u32 v28, v37;
	_ =	sdelay $0x1  }
0x2a7: {  	v35 =	vmul.f32 $8.000000000e+00, v35;
	_ =	sdelay $0x1  }
0x2a8: {  	[tilespmem:v46+s22+$0x0] =	vst.idx.msk $0xffff, v35  }
0x2a9: {  	v35 =	vld.idx.msk [tilespmem:v47+s23+$0x0], $0xffff;
	_ =	sdelay $0x1  }
0x2aa: {  	v48 =	vor.u32 v29, v33  }
0x2ab: {  	v37 =	vor.u32 v30, v37;
	_ =	sdelay $0x1  }
0x2ac: {  	v35 =	vmul.f32 $8.000000000e+00, v35;
	_ =	sdelay $0x1  }
0x2ad: {  	[tilespmem:v48+s22+$0x0] =	vst.idx.msk $0xffff, v35  }
0x2ae: {  	v35 =	vld.idx.msk [tilespmem:v37+s23+$0x0], $0xffff  }
0x2af: {  	v32 =	vor.u32 $0x30, v32  }
0x2b0: {  	v49 =	vand.u32 $0x3F, v32;
	v33 =	vor.u32 v31, v33  }
0x2b1: {  	v50 =	vor.u32 v13, v49;
	_ =	sdelay $0x1  }
0x2b2: {  	v35 =	vmul.f32 $8.000000000e+00, v35;
	_ =	sdelay $0x1  }
0x2b3: {  	v32 =	vshll.u32 v32, $0x7;
	[tilespmem:v33+s22+$0x0] =	vst.idx.msk $0xffff, v35  }
0x2b4: {  	v32 =	vand.u32 $0x1C00, v32;
	v33 =	vld.idx.msk [tilespmem:v50+s23+$0x0], $0xffff  }
0x2b5: {  	v32 =	vor.u32 v34, v32  }
0x2b6: {  	v34 =	vor.u32 v0, v32  }
0x2b7: {  	v51 =	vor.u32 v18, v49;
	_ =	sdelay $0x1  }
0x2b8: {  	v33 =	vmul.f32 $8.000000000e+00, v33;
	_ =	sdelay $0x1  }
0x2b9: {  	[tilespmem:v34+s22+$0x0] =	vst.idx.msk $0xffff, v33  }
0x2ba: {  	v33 =	vld.idx.msk [tilespmem:v51+s23+$0x0], $0xffff;
	_ =	sdelay $0x1  }
0x2bb: {  	v52 =	vor.u32 v19, v32  }
0x2bc: {  	v53 =	vor.u32 v20, v49;
	_ =	sdelay $0x1  }
0x2bd: {  	v33 =	vmul.f32 $8.000000000e+00, v33;
	_ =	sdelay $0x1  }
0x2be: {  	[tilespmem:v52+s22+$0x0] =	vst.idx.msk $0xffff, v33  }
0x2bf: {  	v33 =	vld.idx.msk [tilespmem:v53+s23+$0x0], $0xffff;
	_ =	sdelay $0x1  }
0x2c0: {  	v54 =	vor.u32 v21, v32  }
0x2c1: {  	v55 =	vor.u32 v22, v49;
	_ =	sdelay $0x1  }
0x2c2: {  	v33 =	vmul.f32 $8.000000000e+00, v33;
	_ =	sdelay $0x1  }
0x2c3: {  	[tilespmem:v54+s22+$0x0] =	vst.idx.msk $0xffff, v33  }
0x2c4: {  	v33 =	vld.idx.msk [tilespmem:v55+s23+$0x0], $0xffff;
	_ =	sdelay $0x1  }
0x2c5: {  	v56 =	vor.u32 v23, v32  }
0x2c6: {  	v57 =	vor.u32 v24, v49;
	_ =	sdelay $0x1  }
0x2c7: {  	v33 =	vmul.f32 $8.000000000e+00, v33;
	_ =	sdelay $0x1  }
0x2c8: {  	[tilespmem:v56+s22+$0x0] =	vst.idx.msk $0xffff, v33  }
0x2c9: {  	v33 =	vld.idx.msk [tilespmem:v57+s23+$0x0], $0xffff;
	_ =	sdelay $0x1  }
0x2ca: {  	v58 =	vor.u32 v25, v32  }
0x2cb: {  	v59 =	vor.u32 v26, v49;
	_ =	sdelay $0x1  }
0x2cc: {  	v33 =	vmul.f32 $8.000000000e+00, v33;
	_ =	sdelay $0x1  }
0x2cd: {  	[tilespmem:v58+s22+$0x0] =	vst.idx.msk $0xffff, v33  }
0x2ce: {  	v33 =	vld.idx.msk [tilespmem:v59+s23+$0x0], $0xffff;
	_ =	sdelay $0x1  }
0x2cf: {  	v60 =	vor.u32 v27, v32  }
0x2d0: {  	v61 =	vor.u32 v28, v49;
	_ =	sdelay $0x1  }
0x2d1: {  	v33 =	vmul.f32 $8.000000000e+00, v33;
	_ =	sdelay $0x1  }
0x2d2: {  	[tilespmem:v60+s22+$0x0] =	vst.idx.msk $0xffff, v33  }
0x2d3: {  	v33 =	vld.idx.msk [tilespmem:v61+s23+$0x0], $0xffff;
	_ =	sdelay $0x1  }
0x2d4: {  	v62 =	vor.u32 v29, v32  }
0x2d5: {  	v63 =	vor.u32 v30, v49;
	_ =	sdelay $0x1  }
0x2d6: {  	v33 =	vmul.f32 $8.000000000e+00, v33;
	_ =	sdelay $0x1  }
0x2d7: {  	[tilespmem:v62+s22+$0x0] =	vst.idx.msk $0xffff, v33  }
0x2d8: {  	v33 =	vld.idx.msk [tilespmem:v63+s23+$0x0], $0xffff;
	_ =	sdelay $0x1  }
0x2d9: {  	p0 =	slt.u32 s24, $0xC;
	v32 =	vor.u32 v31, v32  }
.Ltmp0:
0x2da: {  	_ = 	snop;
	(pc) =	sbr.rel @p0 .LBB2_3-.Ltmp0, $3  }
0x2db: {  	_ = 	snop  }
0x2dc: {  	v33 =	vmul.f32 $8.000000000e+00, v33;
	_ =	sdelay $0x1  }
0x2dd: {  	s24 =	sadd.s32 $0x4, s24;
	[tilespmem:v32+s22+$0x0] =	vst.idx.msk $0xffff, v33  }
0x2de: {  	p0 =	sgt.u32 s20, $0xC5  }
0x2df: {  	s23 =	sadd.s32 @!p0 $0x2, s20;
	v32 =	vlaneseq.u32 @!p0  }
0x2e0: {  	v33 =	vmov @!p0 s23;
	v32 =	vmul.u32 @!p0 $0xC8, v32  }
0x2e1: {  	v33 =	vand.u32 @!p0 $0x1FF, v33  }
0x2e2: {  	v34 =	vadd.s32 @!p0 v32, v33  }
0x2e3: {  	s24 =	sshll.u32 s20, $0xF  }
0x2e4: {  	s21 =	sadd.s32 $0x5, s21;
	s24 =	sadd.s32 s24, s5  }
0x2e5: {  	[hbm4b:s24+s13] =	stream.strided.scatter [tilespmem:s22], [sflag:s21], $0x2000, s14, s13, $0x38;
	[tilespmem:$0x16600] =	vst v63  }
0x2e6: {  	s21 =	simm.s32 @!p0 $0x0  }
0x2e7: {  	v35 =	vadd.s32 @!p0 $0xC80, v32;
	v34 =	vld.idx.msk @!p0 [tilespmem:v34+s21+$0x0], $0xffff  }
0x2e8: {  	v35 =	vadd.s32 @!p0 v35, v33;
	_ =	sdelay $0x1  }
0x2e9: {  	s22 =	sand.u32 @!p0 $0x3, s23  }
0x2ea: {  	s23 =	sshll.u32 @!p0 s22, $0x7  }
0x2eb: {  	[tilespmem:s23+$0x6400] =	vst @!p0 v34  }
0x2ec: {  	v34 =	vld.idx.msk @!p0 [tilespmem:v35+s21+$0x0], $0xffff;
	v35 =	vadd.s32 @!p0 $0x1900, v32  }
0x2ed: {  	v35 =	vadd.s32 @!p0 v35, v33;
	_ =	sdelay $0x3  }
0x2ee: {  	[tilespmem:s23+$0x6410] =	vst @!p0 v34  }
0x2ef: {  	v34 =	vld.idx.msk @!p0 [tilespmem:v35+s21+$0x0], $0xffff;
	v35 =	vadd.s32 @!p0 $0x2580, v32  }
0x2f0: {  	v35 =	vadd.s32 @!p0 v35, v33;
	_ =	sdelay $0x3  }
0x2f1: {  	[tilespmem:s23+$0x6420] =	vst @!p0 v34  }
0x2f2: {  	v34 =	vld.idx.msk @!p0 [tilespmem:v35+s21+$0x0], $0xffff;
	v35 =	vadd.s32 @!p0 $0x3200, v32  }
0x2f3: {  	v35 =	vadd.s32 @!p0 v35, v33;
	_ =	sdelay $0x3  }
0x2f4: {  	[tilespmem:s23+$0x6430] =	vst @!p0 v34  }
0x2f5: {  	v34 =	vld.idx.msk @!p0 [tilespmem:v35+s21+$0x0], $0xffff;
	v35 =	vadd.s32 @!p0 $0x3E80, v32  }
0x2f6: {  	v35 =	vadd.s32 @!p0 v35, v33;
	_ =	sdelay $0x3  }
0x2f7: {  	[tilespmem:s23+$0x6440] =	vst @!p0 v34  }
0x2f8: {  	v34 =	vld.idx.msk @!p0 [tilespmem:v35+s21+$0x0], $0xffff;
	v35 =	vadd.s32 @!p0 $0x4B00, v32  }
0x2f9: {  	v35 =	vadd.s32 @!p0 v35, v33;
	_ =	sdelay $0x3  }
0x2fa: {  	[tilespmem:s23+$0x6450] =	vst @!p0 v34  }
0x2fb: {  	v32 =	vadd.s32 @!p0 $0x5780, v32;
	v34 =	vld.idx.msk @!p0 [tilespmem:v35+s21+$0x0], $0xffff  }
0x2fc: {  	v32 =	vadd.s32 @!p0 v32, v33;
	_ =	sdelay $0x3  }
0x2fd: {  	[tilespmem:s23+$0x6460] =	vst @!p0 v34  }
0x2fe: {  	v32 =	vld.idx.msk @!p0 [tilespmem:v32+s21+$0x0], $0xffff;
	_ =	sdelay $0x3  }
0x2ff: {  	s20 =	sadd.s32 $0x1, s20;
	s24 =	sshll.u32 @!p0 s22, $0xD;
	s22 =	sadd.s32 @!p0 $0x1, s22  }
0x300: {  	s21 =	sor.u32 @!p0 $0x6400, s23;
	[tilespmem:s23+$0x6470] =	vst @!p0 v32;
	s23 =	sadd.s32 @!p0 $0x6600, s24;
	s24 =	simm.s32 @!p0 $0x80  }
0x301: {  	[tilespmem:s23], [sflag:s22] =	stream.indirect.gather @!p0 [hbm4b:s3+s24], $0x40, s21, s24, $0xb8;
	[tilespmem:$0x16600] =	vst v63  }
0x302: {  	p0 =	sne.s32 s20, $0xC8  }
.Ltmp1:
0x303: {  	_ = 	snop;
	(pc) =	sbr.rel @p0 .LBB2_2-.Ltmp1, $1  }
0x304: {  	_ =	sdelay $0x3  }
0x305: {  	_ =	swait.ge [sflag:s15], $0x2000  }
0x306: {  	[sflag:s15] =	ssyncset.done $0x0  }
0x307: {  	[sflag:s15] =	ssyncadd.s32 $0xFFFFE000  }
0x308: {  	_ =	swait.ge [sflag:s16], $0x2000  }
0x309: {  	[sflag:s16] =	ssyncset.done $0x0  }
0x30a: {  	s19 =	sadd.s32 $0x1, s19;
	[sflag:s16] =	ssyncadd.s32 $0xFFFFE000  }
0x30b: {  	p0 =	sne.s32 s19, s6;
	_ =	swait.ge [sflag:s17], $0x2000  }
.Ltmp2:
0x30c: {  	[sflag:s17] =	ssyncset.done $0x0;
	(pc) =	sbr.rel @p0 .LBB2_1-.Ltmp2, $4  }
0x30d: {  	[sflag:s17] =	ssyncadd.s32 $0xFFFFE000  }
0x30e: {  	_ =	swait.ge [sflag:s18], $0x2000  }
0x30f: {  	[sflag:s18] =	ssyncset.done $0x0  }
0x310: {  	[sflag:s18] =	ssyncadd.s32 $0xFFFFE000  }
0x311: {  	_ =	sfence.sel $0x180000  }
0x312: {  	[bflag:$0x0] =	sbarrier.arrive $0xFFFF  }
0x313: {  	p0 =	sne.s32 s0, $0x0;
	_ =	strace $0x90000047  }
0x314: {  	s0 =	sadd.s32 @!p0 $0x100000, s1;
	[bflag:$0x2] =	sbarrier.arrive $0xFFFF  }
0x315: {  	[sflag:s0] =	ssyncadd.tile.s32 @!p0 $0x1;
	_ =	shalt  }
.Lfunc_end2:
_tile_overlayer_lowered:
.L_overlay_start_2:
0x316: {  	(tag) =	ssettag $0x2  }
0x317: {  	s0 =	rddreg [dreg:$0x0];
	s2 =	stileid.u32  }
0x318: {  	s1 =	rddreg [dreg:$0x1];
	p0 =	sne.s32 s2, $0x0  }
0x319: {  	s3 =	rddreg [dreg:$0x2];
	[bflag:$0x3] =	sbarrier.arrive $0xFFFF;
	s2 =	simm.s32 @!p0 $0x1C09  }
0x31a: {  	[timem:s3], [sflag:s2] =	dma.local @!p0 [hbm:s0], s1  }
0x31b: {  	s0 =	simm.s32 @!p0 $0x9  }
0x31c: {  	_ =	swait.ge @!p0 [sflag:s0], s1  }
0x31d: {  	s1 =	ssub.s32 @!p0 $0x0, s1;
	[sflag:s0] =	ssyncset.done @!p0 $0x0  }
0x31e: {  	[sflag:s0] =	ssyncadd.s32 @!p0 s1  }
0x31f: {  	[bflag:$0x3] =	sbarrier.arrive $0xFFFF  }
0x320: {  	_ =	shalt  }

</sc_bundles>
